<compile_context>
chip_gen: v7x
topology: tpu7x:2x2x1
jax: 0.10.2.dev20260603
libtpu: 0.0.44.dev20260713+nightly
codegen_flags: <defaults>
</compile_context>

<pallas_src>
import jax
import jax.numpy as jnp
from jax import lax
from jax.experimental import pallas as pl
from jax.experimental.pallas import tpu as pltpu
from jax.experimental.pallas import tpu_sc as plsc

N = 8192
E = 131072
D = 256
ATOM_DIMS = [119, 4, 12, 12, 10, 6, 6, 2, 2]
BOND_DIMS = [5, 6, 2]
AV = 256
BV = 64
BN_NODES = 512
NB = N // BN_NODES
EB = 64
F32 = jnp.float32


def _prep_body(ei_ref, ea_ref, b00, b01, b02, b10, b11, b12, sc_ref, bc_ref):
    src = ei_ref[0]
    dst = ei_ref[1]
    cid = ea_ref[0] * (BOND_DIMS[1] * BOND_DIMS[2]) + ea_ref[1] * BOND_DIMS[2] + ea_ref[2]
    sc_ref[...] = src | (cid << 13) | (dst << 19)

    j64 = lax.broadcasted_iota(jnp.int32, (BV, 1), 0)
    hp = lax.Precision.HIGHEST
    for l, (t0, t1, t2) in enumerate(((b00, b01, b02), (b10, b11, b12))):
        oh0 = (j64 // 12 == lax.broadcasted_iota(jnp.int32, (BV, 5), 1)).astype(F32)
        oh1 = ((j64 // 2) % 6 == lax.broadcasted_iota(jnp.int32, (BV, 6), 1)).astype(F32)
        oh2 = (j64 % 2 == lax.broadcasted_iota(jnp.int32, (BV, 2), 1)).astype(F32)
        bc = (jnp.dot(oh0, t0[...], preferred_element_type=F32, precision=hp)
              + jnp.dot(oh1, t1[...], preferred_element_type=F32, precision=hp)
              + jnp.dot(oh2, t2[...], preferred_element_type=F32, precision=hp))
        bc_ref[l, 0:BV] = bc[:, 0:128]
        bc_ref[l, BV:2 * BV] = bc[:, 128:256]


def _prep(edge_index, edge_attr, bonds):
    ei = edge_index.reshape(2, E // 128, 128)
    ea = edge_attr.T.reshape(3, E // 128, 128)
    scomb, bondc_all = pl.pallas_call(
        _prep_body,
        out_shape=(
            jax.ShapeDtypeStruct((E // 128, 128), jnp.int32),
            jax.ShapeDtypeStruct((2, 2 * BV, 128), F32),
        ),
    )(ei, ea, bonds[0][0], bonds[0][1], bonds[0][2],
      bonds[1][0], bonds[1][1], bonds[1][2])
    return scomb, bondc_all


def _encode_body(x_ref, tab_ref, out_ref):
    ids = x_ref[...]
    iota = lax.broadcasted_iota(jnp.int32, (BN_NODES, AV), 1)
    oh = jnp.zeros((BN_NODES, AV), F32)
    off = 0
    for f, dim in enumerate(ATOM_DIMS):
        idf = ids[:, f : f + 1] + off
        oh = oh + (iota == idf).astype(F32)
        off += dim
    out_ref[...] = jnp.dot(oh, tab_ref[...], preferred_element_type=F32,
                           precision=lax.Precision.HIGHEST)


def _encode(x_pad, atomc):
    return pl.pallas_call(
        _encode_body,
        grid=(NB, 2),
        in_specs=[
            pl.BlockSpec((BN_NODES, 16), lambda i, j: (i, 0)),
            pl.BlockSpec((AV, 128), lambda i, j: (0, j)),
        ],
        out_specs=pl.BlockSpec((BN_NODES, 128), lambda i, j: (j * NB + i, 0)),
        out_shape=jax.ShapeDtypeStruct((2 * N, 128), F32),
    )(x_pad, atomc)


def _sc_gine_body(hp, bc, scomb, out,
                  scv,
                  m0, m1, m2, m3, e0, e1,
                  i0, i1, i2, i3, c0, c1, c2, c3, d0, d1, d2, d3,
                  aggs, bcs,
                  semh0, semh1, semb0, semb1,
                  sems0, sems1, sems2, sems3):
    c = lax.axis_index("c")
    s = lax.axis_index("s")
    msg = (m0, m1, m2, m3)
    emb = (e0, e1)
    idxg = (i0, i1, i2, i3)
    cidg = (c0, c1, c2, c3)
    dstg = (d0, d1, d2, d3)
    semh = (semh0, semh1)
    semb = (semb0, semb1)
    sems = (sems0, sems1, sems2, sems3)
    nb = (E // 16) // EB
    coff = c * N
    boff = 0

    pltpu.sync_copy(scomb.at[pl.ds(s * (nb // 2), nb // 2)], scv)

    @pl.when(s == 0)
    def _():
        pltpu.sync_copy(bc.at[pl.ds(c * BV, BV)], bcs)

    def _zrow(i, carry):
        for g in range(8):
            m0[i, pl.ds(g * 16, 16)] = jnp.zeros((16,), F32)
        return carry

    lax.fori_loop(0, EB, _zrow, None)
    rows_per_sub = N // 16
    for r in range(rows_per_sub // EB):
        pltpu.sync_copy(m0, aggs.at[pl.ds(s * rows_per_sub + r * EB, EB)])
    plsc.subcore_barrier()

    def _issue(t, b4, b2):
        r = t // 2
        half = (t % 2) * EB
        for w in range(EB // 16):
            sl = pl.ds(w * 16, 16)
            word = scv[r, pl.ds(half + w * 16, 16)]
            idxg[b4][sl] = (word & 0x1FFF) + coff
            cidg[b4][sl] = (lax.shift_right_logical(word, 13) & 0x3F) + boff
            dstg[b4][sl] = lax.shift_right_logical(word, 19)
        pltpu.async_copy(hp.at[idxg[b4]], msg[b4], semh[b2])
        pltpu.async_copy(bcs.at[cidg[b4]], emb[b2], semb[b2])

    def _wait_gather(b4, b2):
        pltpu.make_async_copy(hp.at[idxg[b4]], msg[b4], semh[b2]).wait()
        pltpu.make_async_copy(bcs.at[cidg[b4]], emb[b2], semb[b2]).wait()

    def _wait_scatter(b4):
        pltpu.make_async_copy(msg[b4], aggs.at[dstg[b4]], sems[b4]).wait()

    _issue(0, 0, 0)

    def _step(i, carry):
        for u in range(4):
            t = 4 * i + u
            @pl.when(t >= 3)
            def _():
                _wait_scatter((u + 1) % 4)

            @pl.when(t + 1 < nb)
            def _():
                _issue(t + 1, (u + 1) % 4, (u + 1) % 2)

            _wait_gather(u, u % 2)

            mb = msg[u]
            eb_ = emb[u % 2]

            def _row(e, cc):
                for g in range(8):
                    sl = pl.ds(g * 16, 16)
                    mb[e, sl] = jnp.maximum(mb[e, sl] + eb_[e, sl], 0.0)
                return cc

            lax.fori_loop(0, EB, _row, None)
            pltpu.async_copy(mb, aggs.at[dstg[u]], sems[u], add=True)
        return carry

    lax.fori_loop(0, nb // 4, _step, None)
    _wait_scatter(1)
    _wait_scatter(2)
    _wait_scatter(3)
    plsc.subcore_barrier()
    pltpu.sync_copy(
        aggs.at[pl.ds(s * rows_per_sub, rows_per_sub)],
        out.at[pl.ds(c * N + s * rows_per_sub, rows_per_sub)],
    )


def _sc_gine(h_packed, bondc, scomb):
    mesh = plsc.VectorSubcoreMesh(core_axis_name="c", subcore_axis_name="s")
    nb = (E // 16) // EB
    idx_t = pltpu.VMEM((EB,), jnp.int32)
    buf_t = pltpu.VMEM((EB, 128), F32)
    return pl.kernel(
        _sc_gine_body,
        out_type=jax.ShapeDtypeStruct((2 * N, 128), F32),
        mesh=mesh,
        scratch_types=[
            pltpu.VMEM((nb // 2, 2 * EB), jnp.int32),
            buf_t, buf_t, buf_t, buf_t,
            buf_t, buf_t,
            idx_t, idx_t, idx_t, idx_t,
            idx_t, idx_t, idx_t, idx_t,
            idx_t, idx_t, idx_t, idx_t,
            pltpu.VMEM_SHARED((N, 128), F32),
            pltpu.VMEM_SHARED((BV, 128), F32),
            pltpu.SemaphoreType.DMA,
            pltpu.SemaphoreType.DMA,
            pltpu.SemaphoreType.DMA,
            pltpu.SemaphoreType.DMA,
            pltpu.SemaphoreType.DMA,
            pltpu.SemaphoreType.DMA,
            pltpu.SemaphoreType.DMA,
            pltpu.SemaphoreType.DMA,
        ],
    )(h_packed, bondc, scomb)


def _upA_body(hlo, hhi, alo, ahi, w1, eps_ref, h1_ref, st_ref):
    i = pl.program_id(0)
    scale = 1.0 + eps_ref[0, 0]
    hh = jnp.concatenate([hlo[...], hhi[...]], axis=1) * scale
    hh = hh + jnp.concatenate([alo[...], ahi[...]], axis=1)
    h1 = jnp.dot(hh.astype(jnp.bfloat16), w1[...].astype(jnp.bfloat16),
                 preferred_element_type=F32)
    h1_ref[...] = h1
    s1 = jnp.sum(h1, axis=0, keepdims=True)
    s2 = jnp.sum(h1 * h1, axis=0, keepdims=True)
    acc = jnp.concatenate([s1, s2, jnp.zeros((6, h1.shape[1]), F32)], axis=0)

    @pl.when(i == 0)
    def _():
        st_ref[...] = acc

    @pl.when(i > 0)
    def _():
        st_ref[...] = st_ref[...] + acc


def _upA(h_packed, agg_packed, w1, eps):
    return pl.pallas_call(
        _upA_body,
        grid=(NB,),
        in_specs=[
            pl.BlockSpec((BN_NODES, 128), lambda i: (i, 0)),
            pl.BlockSpec((BN_NODES, 128), lambda i: (NB + i, 0)),
            pl.BlockSpec((BN_NODES, 128), lambda i: (i, 0)),
            pl.BlockSpec((BN_NODES, 128), lambda i: (NB + i, 0)),
            pl.BlockSpec((D, 2 * D), lambda i: (0, 0)),
            pl.BlockSpec(memory_space=pltpu.SMEM),
        ],
        out_specs=(
            pl.BlockSpec((BN_NODES, 2 * D), lambda i: (i, 0)),
            pl.BlockSpec((8, 2 * D), lambda i: (0, 0)),
        ),
        out_shape=(
            jax.ShapeDtypeStruct((N, 2 * D), F32),
            jax.ShapeDtypeStruct((8, 2 * D), F32),
        ),
    )(h_packed, h_packed, agg_packed, agg_packed, w1, eps)


def _upB_body(h1_ref, st_ref, g1_ref, bt1_ref, w2, m_ref, st2_ref):
    i = pl.program_id(0)
    mu = st_ref[0:1, :] * (1.0 / N)
    var = st_ref[1:2, :] * (1.0 / N) - mu * mu
    rstd = lax.rsqrt(var + 1e-5)
    h1n = (h1_ref[...] - mu) * (g1_ref[...] * rstd) + bt1_ref[...]
    h1n = jnp.maximum(h1n, 0.0)
    m = jnp.dot(h1n.astype(jnp.bfloat16), w2[...].astype(jnp.bfloat16),
                preferred_element_type=F32)
    m_ref[...] = m
    s1 = jnp.sum(m, axis=0, keepdims=True)
    s2 = jnp.sum(m * m, axis=0, keepdims=True)
    acc = jnp.concatenate([s1, s2, jnp.zeros((6, m.shape[1]), F32)], axis=0)

    @pl.when(i == 0)
    def _():
        st2_ref[...] = acc

    @pl.when(i > 0)
    def _():
        st2_ref[...] = st2_ref[...] + acc


def _upB(h1, st1, g1, bt1, w2):
    return pl.pallas_call(
        _upB_body,
        grid=(NB,),
        in_specs=[
            pl.BlockSpec((BN_NODES, 2 * D), lambda i: (i, 0)),
            pl.BlockSpec((8, 2 * D), lambda i: (0, 0)),
            pl.BlockSpec((1, 2 * D), lambda i: (0, 0)),
            pl.BlockSpec((1, 2 * D), lambda i: (0, 0)),
            pl.BlockSpec((2 * D, D), lambda i: (0, 0)),
        ],
        out_specs=(
            pl.BlockSpec((BN_NODES, D), lambda i: (i, 0)),
            pl.BlockSpec((8, D), lambda i: (0, 0)),
        ),
        out_shape=(
            jax.ShapeDtypeStruct((N, D), F32),
            jax.ShapeDtypeStruct((8, D), F32),
        ),
    )(h1, st1, g1, bt1, w2)


def _upC_body(m_ref, st_ref, g_ref, b_ref, out_ref, outp_ref):
    mu = st_ref[0:1, :] * (1.0 / N)
    var = st_ref[1:2, :] * (1.0 / N) - mu * mu
    rstd = lax.rsqrt(var + 1e-5)
    hn = (m_ref[...] - mu) * (g_ref[...] * rstd) + b_ref[...]
    hn = jnp.maximum(hn, 0.0)
    out_ref[...] = hn
    outp_ref[...] = hn


def _upC(m, st2, bn_g, bn_b):
    return pl.pallas_call(
        _upC_body,
        grid=(NB, 2),
        in_specs=[
            pl.BlockSpec((BN_NODES, 128), lambda i, j: (i, j)),
            pl.BlockSpec((8, 128), lambda i, j: (0, j)),
            pl.BlockSpec((1, 128), lambda i, j: (0, j)),
            pl.BlockSpec((1, 128), lambda i, j: (0, j)),
        ],
        out_specs=(
            pl.BlockSpec((BN_NODES, 128), lambda i, j: (i, j)),
            pl.BlockSpec((BN_NODES, 128), lambda i, j: (j * NB + i, 0)),
        ),
        out_shape=(
            jax.ShapeDtypeStruct((N, D), F32),
            jax.ShapeDtypeStruct((2 * N, 128), F32),
        ),
    )(m, st2, bn_g, bn_b)


def kernel(x, edge_index, edge_attr, ptr, k_vcc_edges, edge_weight, params):
    del ptr, k_vcc_edges, edge_weight

    atomc = jnp.pad(jnp.concatenate(params['atom'], axis=0),
                    ((0, AV - sum(ATOM_DIMS)), (0, 0)))
    x_pad = jnp.pad(x, ((0, 0), (0, 16 - x.shape[1])))

    scomb, bondc_all = _prep(edge_index, edge_attr,
                             [pm['gine']['bond'] for pm in params['layers']])
    h_packed = _encode(x_pad, atomc)

    h = None
    for l, pm in enumerate(params['layers']):
        gp = pm['gine']
        eps = gp['eps'].reshape(1, 1)
        agg_packed = _sc_gine(h_packed, bondc_all[l], scomb)
        h1, st1 = _upA(h_packed, agg_packed, gp['W1'], eps)
        m, st2 = _upB(h1, st1, gp['g1'].reshape(1, 2 * D),
                      gp['bt1'].reshape(1, 2 * D), gp['W2'])
        h, h_packed = _upC(m, st2, pm['bn_g'].reshape(1, D),
                           pm['bn_b'].reshape(1, D))
    return h

# --- scband reference (transcript-rebuilt; emitter-appended) ---
"""Pipeline reference for scband-gnn-node-17351667876239 (READ-ONLY COPY).

The authoritative reference and input builder live on the scoring server;
editing this copy changes nothing except your own understanding.
"""

import jax, jax.numpy as jnp
import numpy as np

ATOM_DIMS = [119, 4, 12, 12, 10, 6, 6, 2, 2]
BOND_DIMS = [5, 6, 2]
N = 8192
B = 128
NP = 64
E = 131072
D = 256
K = 3
L = 2
M = B * NP * NP


def _mlp_params(key, d):
    ks = jax.random.split(key, 2)
    return {
        'W1': jax.random.normal(ks[0], (d, 2 * d), jnp.float32) * 0.02,
        'b1': jnp.zeros((2 * d,), jnp.float32),
        'g1': jnp.ones((2 * d,), jnp.float32),
        'bt1': jnp.zeros((2 * d,), jnp.float32),
        'W2': jax.random.normal(ks[1], (2 * d, d), jnp.float32) * 0.02,
        'b2': jnp.zeros((d,), jnp.float32),
        'eps': jnp.zeros((), jnp.float32),
    }


def make_params(key):
    keys = jax.random.split(key, L + 1)
    atom_tables = [jax.random.normal(jax.random.fold_in(keys[-1], i), (dim, D), jnp.float32) * 0.02
                   for i, dim in enumerate(ATOM_DIMS)]
    layers = []
    for l in range(L):
        kl = jax.random.split(keys[l], 3)
        bond_tables = [jax.random.normal(jax.random.fold_in(kl[2], i), (dim, D), jnp.float32) * 0.02
                       for i, dim in enumerate(BOND_DIMS)]
        gine = _mlp_params(kl[1], D)
        gine['bond'] = bond_tables
        layers.append({
            'gin': _mlp_params(kl[0], D),
            'gine': gine,
            'alpha': jnp.zeros((K,), jnp.float32),
            'bn_g': jnp.ones((D,), jnp.float32),
            'bn_b': jnp.zeros((D,), jnp.float32),
        })
    return {'atom': atom_tables, 'layers': layers}


def setup_inputs(seed: int = 0):
    key = jax.random.key(seed)
    ks = jax.random.split(key, 8)
    x = jnp.stack([jax.random.randint(jax.random.fold_in(ks[0], i), (N,), 0, dim, dtype=jnp.int32)
                   for i, dim in enumerate(ATOM_DIMS)], axis=1)
    edge_index = jax.random.randint(ks[1], (2, E), 0, N, dtype=jnp.int32)
    edge_attr = jnp.stack([jax.random.randint(jax.random.fold_in(ks[2], i), (E,), 0, dim, dtype=jnp.int32)
                           for i, dim in enumerate(BOND_DIMS)], axis=1)
    ptr = jnp.arange(B + 1, dtype=jnp.int32) * NP
    k_vcc_edges = jax.random.randint(ks[3], (M, 2, K), 0, NP, dtype=jnp.int32)
    edge_weight = jax.random.uniform(ks[4], (M, K), jnp.float32)
    params = make_params(ks[5])
    return {'x': x, 'edge_index': edge_index, 'edge_attr': edge_attr, 'ptr': ptr,
            'k_vcc_edges': k_vcc_edges, 'edge_weight': edge_weight, 'params': params}


def _bn(h, g, b, eps=1e-5):
    mu = jnp.mean(h, axis=0)
    var = jnp.var(h, axis=0)
    return g * (h - mu) / jnp.sqrt(var + eps) + b


def _gin_conv(x, ei, ew, p):
    src, dst = ei[0], ei[1]
    msg = ew[:, None] * x[src]
    agg = jnp.zeros_like(x).at[dst].add(msg)
    h = (1.0 + p['eps']) * x + agg
    h = h @ p['W1'] + p['b1']
    h = _bn(h, p['g1'], p['bt1'])
    h = jax.nn.relu(h)
    return h @ p['W2'] + p['b2']


def _gine_conv(x, ei, ea, p):
    emb = p['bond'][0][ea[:, 0]]
    for i in range(1, len(p['bond'])):
        emb = emb + p['bond'][i][ea[:, i]]
    src, dst = ei[0], ei[1]
    msg = jax.nn.relu(x[src] + emb)
    agg = jnp.zeros_like(x).at[dst].add(msg)
    h = (1.0 + p['eps']) * x + agg
    h = h @ p['W1'] + p['b1']
    h = _bn(h, p['g1'], p['bt1'])
    h = jax.nn.relu(h)
    return h @ p['W2'] + p['b2']


def _offset_edges(k_vcc_edges, ptr):
    # [M, 2, K] -> [K, 2, M], then add per-graph node offsets block-wise
    edges = jnp.transpose(k_vcc_edges, (2, 1, 0))
    sizes = ptr[1:] - ptr[:-1]
    cum = jnp.cumsum(sizes * sizes)
    idx = jnp.searchsorted(cum, jnp.arange(edges.shape[-1], dtype=jnp.int32), side='right')
    off = ptr[idx].astype(jnp.int32)
    return edges + off[None, None, :]


def reference(x, edge_index, edge_attr, ptr, k_vcc_edges, edge_weight, params):
    edges_K2M = _offset_edges(k_vcc_edges, ptr)
    weights_KM = edge_weight.T
    branch_gine = [jnp.any(edges_K2M[k][0] != 0) for k in range(K)]
    # AtomEncoder: sum of per-feature embedding lookups
    h = params['atom'][0][x[:, 0]]
    for i in range(1, len(params['atom'])):
        h = h + params['atom'][i][x[:, i]]
    for l in range(L):
        pl = params['layers'][l]
        msgs = []
        for k in range(K):
            m_gine = _gine_conv(h, edge_index, edge_attr, pl['gine'])
            m_gin = _gin_conv(h, edges_K2M[k], weights_KM[k], pl['gin'])
            msgs.append(jnp.where(branch_gine[k], m_gine, m_gin))
        alpha = jax.nn.softmax(pl['alpha'])
        m = jnp.stack(msgs, axis=-1)  # [N, D, K]
        h = jnp.sum(m * alpha, axis=-1)
        h = _bn(h, pl['bn_g'], pl['bn_b'])
        h = jax.nn.relu(h)  # dropout omitted (deterministic eval)
    return h  # JK == 'last'

if __name__ == "__main__":
    import jax
    _d = setup_inputs()
    print(jax.jit(kernel)(*tuple(_d.values())))

</pallas_src>

<mosaic_0001>
#map = affine_map<(d0, d1) -> (0, 0)>
module attributes {stable_mosaic.version = 14 : i64} {
  func.func @_sc_gine_body(%arg0: i32, %arg1: i32, %arg2: memref<16384x128xf32, #tpu.memory_space<hbm>>, %arg3: memref<128x128xf32, #tpu.memory_space<hbm>>, %arg4: memref<1024x128xi32, #tpu.memory_space<hbm>>, %arg5: memref<16384x128xf32, #tpu.memory_space<hbm>>, %arg6: memref<64x128xi32, #tpu.memory_space<vmem>>, %arg7: memref<64x128xf32, #tpu.memory_space<vmem>>, %arg8: memref<64x128xf32, #tpu.memory_space<vmem>>, %arg9: memref<64x128xf32, #tpu.memory_space<vmem>>, %arg10: memref<64x128xf32, #tpu.memory_space<vmem>>, %arg11: memref<64x128xf32, #tpu.memory_space<vmem>>, %arg12: memref<64x128xf32, #tpu.memory_space<vmem>>, %arg13: memref<64xi32, #tpu.memory_space<vmem>>, %arg14: memref<64xi32, #tpu.memory_space<vmem>>, %arg15: memref<64xi32, #tpu.memory_space<vmem>>, %arg16: memref<64xi32, #tpu.memory_space<vmem>>, %arg17: memref<64xi32, #tpu.memory_space<vmem>>, %arg18: memref<64xi32, #tpu.memory_space<vmem>>, %arg19: memref<64xi32, #tpu.memory_space<vmem>>, %arg20: memref<64xi32, #tpu.memory_space<vmem>>, %arg21: memref<64xi32, #tpu.memory_space<vmem>>, %arg22: memref<64xi32, #tpu.memory_space<vmem>>, %arg23: memref<64xi32, #tpu.memory_space<vmem>>, %arg24: memref<64xi32, #tpu.memory_space<vmem>>, %arg25: memref<8192x128xf32, #tpu.memory_space<vmem_shared>>, %arg26: memref<64x128xf32, #tpu.memory_space<vmem_shared>>, %arg27: memref<!tpu.dma_semaphore, #tpu.memory_space<semaphore_mem>>, %arg28: memref<!tpu.dma_semaphore, #tpu.memory_space<semaphore_mem>>, %arg29: memref<!tpu.dma_semaphore, #tpu.memory_space<semaphore_mem>>, %arg30: memref<!tpu.dma_semaphore, #tpu.memory_space<semaphore_mem>>, %arg31: memref<!tpu.dma_semaphore, #tpu.memory_space<semaphore_mem>>, %arg32: memref<!tpu.dma_semaphore, #tpu.memory_space<semaphore_mem>>, %arg33: memref<!tpu.dma_semaphore, #tpu.memory_space<semaphore_mem>>, %arg34: memref<!tpu.dma_semaphore, #tpu.memory_space<semaphore_mem>>) attributes {dimension_semantics = [#tpu.dimension_semantics<core_parallel>, #tpu.dimension_semantics<subcore_parallel>], iteration_bounds = array<i64: 2, 16>, scalar_prefetch = 0 : i64, scratch_operands = 29 : i64, tpu.core_type = #tpu.core_type<sc_vector_subcore>, window_params = [{transform_indices = #map}, {transform_indices = #map}, {transform_indices = #map}, {transform_indices = #map}]} {
    %mul3A = arith.constant 8192 : i32
    %mul3A_0 = arith.muli %arg0, %mul3A : i32
    %mul3A_1 = arith.constant 64 : i32
    %mul3A_2 = arith.muli %arg1, %mul3A_1 : i32
    "tpu.region"() ({
      %run_scoped3A = tpu.sem_alloc : memref<!tpu.dma_semaphore, #tpu.memory_space<semaphore_mem>>
      %dma_start3A_198 = arith.constant 0 : i32
      %dma_start3A_199 = tpu.memref_slice %arg4[%mul3A_2, %dma_start3A_198] : memref<1024x128xi32, #tpu.memory_space<hbm>> -> memref<64x128xi32, #tpu.memory_space<hbm>>
      %dma_start3A_200 = arith.constant 0 : i32
      %dma_start3A_201 = tpu.memref_slice %arg4[%mul3A_2, %dma_start3A_200] : memref<1024x128xi32, #tpu.memory_space<hbm>> -> memref<64x128xi32, #tpu.memory_space<hbm>>
      tpu.enqueue_dma source(%dma_start3A_201 : memref<64x128xi32, #tpu.memory_space<hbm>>) target(%arg6 : memref<64x128xi32, #tpu.memory_space<vmem>>) target_semaphore(%run_scoped3A : memref<!tpu.dma_semaphore, #tpu.memory_space<semaphore_mem>>)
      %dma_wait3A_202 = arith.constant 0 : i32
      %dma_wait3A_203 = tpu.memref_slice %arg4[%mul3A_2, %dma_wait3A_202] : memref<1024x128xi32, #tpu.memory_space<hbm>> -> memref<64x128xi32, #tpu.memory_space<hbm>>
      %dma_wait3A_204 = arith.constant 0 : i32
      %dma_wait3A_205 = tpu.memref_slice %arg4[%mul3A_2, %dma_wait3A_204] : memref<1024x128xi32, #tpu.memory_space<hbm>> -> memref<64x128xi32, #tpu.memory_space<hbm>>
      tpu.wait_dma2 semaphore(%run_scoped3A : memref<!tpu.dma_semaphore, #tpu.memory_space<semaphore_mem>>) src(%dma_wait3A_205 : memref<64x128xi32, #tpu.memory_space<hbm>>) dst(%arg6 : memref<64x128xi32, #tpu.memory_space<vmem>>)
      tpu.yield
    }) : () -> ()
    %eq3A = arith.constant 0 : i32
    %eq3A_3 = arith.cmpi eq, %arg1, %eq3A : i32
    %convert_element_type3A = arith.extui %eq3A_3 : i1 to i32
    %cond3A = arith.constant 0 : i32
    %cond3A_4 = arith.cmpi ne, %convert_element_type3A, %cond3A : i32
    scf.if %cond3A_4 {
      %mul3A_198 = arith.constant 64 : i32
      %mul3A_199 = arith.muli %arg0, %mul3A_198 : i32
      "tpu.region"() ({
        %run_scoped3A = tpu.sem_alloc : memref<!tpu.dma_semaphore, #tpu.memory_space<semaphore_mem>>
        %dma_start3A_200 = arith.constant 0 : i32
        %dma_start3A_201 = tpu.memref_slice %arg3[%mul3A_199, %dma_start3A_200] : memref<128x128xf32, #tpu.memory_space<hbm>> -> memref<64x128xf32, #tpu.memory_space<hbm>>
        tpu.enqueue_dma source(%dma_start3A_201 : memref<64x128xf32, #tpu.memory_space<hbm>>) target(%arg26 : memref<64x128xf32, #tpu.memory_space<vmem_shared>>) target_semaphore(%run_scoped3A : memref<!tpu.dma_semaphore, #tpu.memory_space<semaphore_mem>>)
        %dma_wait3A_202 = arith.constant 0 : i32
        %dma_wait3A_203 = tpu.memref_slice %arg3[%mul3A_199, %dma_wait3A_202] : memref<128x128xf32, #tpu.memory_space<hbm>> -> memref<64x128xf32, #tpu.memory_space<hbm>>
        tpu.wait_dma2 semaphore(%run_scoped3A : memref<!tpu.dma_semaphore, #tpu.memory_space<semaphore_mem>>) src(%dma_wait3A_203 : memref<64x128xf32, #tpu.memory_space<hbm>>) dst(%arg26 : memref<64x128xf32, #tpu.memory_space<vmem_shared>>)
        tpu.yield
      }) : () -> ()
    } else {
    }
    %scan3A = arith.constant 0 : i32
    %scan3A_5 = arith.constant 64 : i32
    %scan3A_6 = arith.addi %scan3A, %scan3A_5 : i32
    %scan3A_7 = arith.constant 1 : i32
    scf.for %scan3A_198 = %scan3A to %scan3A_6 step %scan3A_7  : i32 {
      %broadcast_in_dim3A = arith.constant 0.000000e+00 : f32
      %broadcast_in_dim3A_199 = vector.broadcast %broadcast_in_dim3A : f32 to vector<16xf32>
      %swap3A_200 = arith.index_cast %scan3A_198 : i32 to index
      %swap3A_201 = arith.constant 0 : index
      %swap3A_202 = tpu.vector_load %arg7[%swap3A_200, %swap3A_201] {strides = array<i32>} : memref<64x128xf32, #tpu.memory_space<vmem>>, vector<1x16xf32>,
      %swap3A_203 = vector.shape_cast %swap3A_202 : vector<1x16xf32> to vector<16xf32>
      %swap3A_204 = vector.shape_cast %broadcast_in_dim3A_199 : vector<16xf32> to vector<1x16xf32>
      tpu.vector_store %arg7[%swap3A_200, %swap3A_201], %swap3A_204 {strides = array<i32>} : memref<64x128xf32, #tpu.memory_space<vmem>>, vector<1x16xf32>,
      %broadcast_in_dim3A_205 = arith.constant 0.000000e+00 : f32
      %broadcast_in_dim3A_206 = vector.broadcast %broadcast_in_dim3A_205 : f32 to vector<16xf32>
      %swap3A_207 = arith.index_cast %scan3A_198 : i32 to index
      %swap3A_208 = arith.constant 16 : index
      %swap3A_209 = tpu.vector_load %arg7[%swap3A_207, %swap3A_208] {strides = array<i32>} : memref<64x128xf32, #tpu.memory_space<vmem>>, vector<1x16xf32>,
      %swap3A_210 = vector.shape_cast %swap3A_209 : vector<1x16xf32> to vector<16xf32>
      %swap3A_211 = vector.shape_cast %broadcast_in_dim3A_206 : vector<16xf32> to vector<1x16xf32>
      tpu.vector_store %arg7[%swap3A_207, %swap3A_208], %swap3A_211 {strides = array<i32>} : memref<64x128xf32, #tpu.memory_space<vmem>>, vector<1x16xf32>,
      %broadcast_in_dim3A_212 = arith.constant 0.000000e+00 : f32
      %broadcast_in_dim3A_213 = vector.broadcast %broadcast_in_dim3A_212 : f32 to vector<16xf32>
      %swap3A_214 = arith.index_cast %scan3A_198 : i32 to index
      %swap3A_215 = arith.constant 32 : index
      %swap3A_216 = tpu.vector_load %arg7[%swap3A_214, %swap3A_215] {strides = array<i32>} : memref<64x128xf32, #tpu.memory_space<vmem>>, vector<1x16xf32>,
      %swap3A_217 = vector.shape_cast %swap3A_216 : vector<1x16xf32> to vector<16xf32>
      %swap3A_218 = vector.shape_cast %broadcast_in_dim3A_213 : vector<16xf32> to vector<1x16xf32>
      tpu.vector_store %arg7[%swap3A_214, %swap3A_215], %swap3A_218 {strides = array<i32>} : memref<64x128xf32, #tpu.memory_space<vmem>>, vector<1x16xf32>,
      %broadcast_in_dim3A_219 = arith.constant 0.000000e+00 : f32
      %broadcast_in_dim3A_220 = vector.broadcast %broadcast_in_dim3A_219 : f32 to vector<16xf32>
      %swap3A_221 = arith.index_cast %scan3A_198 : i32 to index
      %swap3A_222 = arith.constant 48 : index
      %swap3A_223 = tpu.vector_load %arg7[%swap3A_221, %swap3A_222] {strides = array<i32>} : memref<64x128xf32, #tpu.memory_space<vmem>>, vector<1x16xf32>,
      %swap3A_224 = vector.shape_cast %swap3A_223 : vector<1x16xf32> to vector<16xf32>
      %swap3A_225 = vector.shape_cast %broadcast_in_dim3A_220 : vector<16xf32> to vector<1x16xf32>
      tpu.vector_store %arg7[%swap3A_221, %swap3A_222], %swap3A_225 {strides = array<i32>} : memref<64x128xf32, #tpu.memory_space<vmem>>, vector<1x16xf32>,
      %broadcast_in_dim3A_226 = arith.constant 0.000000e+00 : f32
      %broadcast_in_dim3A_227 = vector.broadcast %broadcast_in_dim3A_226 : f32 to vector<16xf32>
      %swap3A_228 = arith.index_cast %scan3A_198 : i32 to index
      %swap3A_229 = arith.constant 64 : index
      %swap3A_230 = tpu.vector_load %arg7[%swap3A_228, %swap3A_229] {strides = array<i32>} : memref<64x128xf32, #tpu.memory_space<vmem>>, vector<1x16xf32>,
      %swap3A_231 = vector.shape_cast %swap3A_230 : vector<1x16xf32> to vector<16xf32>
      %swap3A_232 = vector.shape_cast %broadcast_in_dim3A_227 : vector<16xf32> to vector<1x16xf32>
      tpu.vector_store %arg7[%swap3A_228, %swap3A_229], %swap3A_232 {strides = array<i32>} : memref<64x128xf32, #tpu.memory_space<vmem>>, vector<1x16xf32>,
      %broadcast_in_dim3A_233 = arith.constant 0.000000e+00 : f32
      %broadcast_in_dim3A_234 = vector.broadcast %broadcast_in_dim3A_233 : f32 to vector<16xf32>
      %swap3A_235 = arith.index_cast %scan3A_198 : i32 to index
      %swap3A_236 = arith.constant 80 : index
      %swap3A_237 = tpu.vector_load %arg7[%swap3A_235, %swap3A_236] {strides = array<i32>} : memref<64x128xf32, #tpu.memory_space<vmem>>, vector<1x16xf32>,
      %swap3A_238 = vector.shape_cast %swap3A_237 : vector<1x16xf32> to vector<16xf32>
      %swap3A_239 = vector.shape_cast %broadcast_in_dim3A_234 : vector<16xf32> to vector<1x16xf32>
      tpu.vector_store %arg7[%swap3A_235, %swap3A_236], %swap3A_239 {strides = array<i32>} : memref<64x128xf32, #tpu.memory_space<vmem>>, vector<1x16xf32>,
      %broadcast_in_dim3A_240 = arith.constant 0.000000e+00 : f32
      %broadcast_in_dim3A_241 = vector.broadcast %broadcast_in_dim3A_240 : f32 to vector<16xf32>
      %swap3A_242 = arith.index_cast %scan3A_198 : i32 to index
      %swap3A_243 = arith.constant 96 : index
      %swap3A_244 = tpu.vector_load %arg7[%swap3A_242, %swap3A_243] {strides = array<i32>} : memref<64x128xf32, #tpu.memory_space<vmem>>, vector<1x16xf32>,
      %swap3A_245 = vector.shape_cast %swap3A_244 : vector<1x16xf32> to vector<16xf32>
      %swap3A_246 = vector.shape_cast %broadcast_in_dim3A_241 : vector<16xf32> to vector<1x16xf32>
      tpu.vector_store %arg7[%swap3A_242, %swap3A_243], %swap3A_246 {strides = array<i32>} : memref<64x128xf32, #tpu.memory_space<vmem>>, vector<1x16xf32>,
      %broadcast_in_dim3A_247 = arith.constant 0.000000e+00 : f32
      %broadcast_in_dim3A_248 = vector.broadcast %broadcast_in_dim3A_247 : f32 to vector<16xf32>
      %swap3A_249 = arith.index_cast %scan3A_198 : i32 to index
      %swap3A_250 = arith.constant 112 : index
      %swap3A_251 = tpu.vector_load %arg7[%swap3A_249, %swap3A_250] {strides = array<i32>} : memref<64x128xf32, #tpu.memory_space<vmem>>, vector<1x16xf32>,
      %swap3A_252 = vector.shape_cast %swap3A_251 : vector<1x16xf32> to vector<16xf32>
      %swap3A_253 = vector.shape_cast %broadcast_in_dim3A_248 : vector<16xf32> to vector<1x16xf32>
      tpu.vector_store %arg7[%swap3A_249, %swap3A_250], %swap3A_253 {strides = array<i32>} : memref<64x128xf32, #tpu.memory_space<vmem>>, vector<1x16xf32>,
    }
    %scan3A_8 = arith.constant 64 : i32
    %mul3A_9 = arith.constant 512 : i32
    %mul3A_10 = arith.muli %arg1, %mul3A_9 : i32
    %add3A = arith.constant 0 : i32
    %add3A_11 = arith.addi %mul3A_10, %add3A : i32
    "tpu.region"() ({
      %run_scoped3A = tpu.sem_alloc : memref<!tpu.dma_semaphore, #tpu.memory_space<semaphore_mem>>
      %dma_start3A_198 = arith.constant 0 : i32
      %dma_start3A_199 = tpu.memref_slice %arg25[%add3A_11, %dma_start3A_198] : memref<8192x128xf32, #tpu.memory_space<vmem_shared>> -> memref<64x128xf32, #tpu.memory_space<vmem_shared>>
      %dma_start3A_200 = arith.constant 0 : i32
      %dma_start3A_201 = tpu.memref_slice %arg25[%add3A_11, %dma_start3A_200] : memref<8192x128xf32, #tpu.memory_space<vmem_shared>> -> memref<64x128xf32, #tpu.memory_space<vmem_shared>>
      tpu.enqueue_dma source(%arg7 : memref<64x128xf32, #tpu.memory_space<vmem>>) target(%dma_start3A_201 : memref<64x128xf32, #tpu.memory_space<vmem_shared>>) target_semaphore(%run_scoped3A : memref<!tpu.dma_semaphore, #tpu.memory_space<semaphore_mem>>)
      %dma_wait3A_202 = arith.constant 0 : i32
      %dma_wait3A_203 = tpu.memref_slice %arg25[%add3A_11, %dma_wait3A_202] : memref<8192x128xf32, #tpu.memory_space<vmem_shared>> -> memref<64x128xf32, #tpu.memory_space<vmem_shared>>
      %dma_wait3A_204 = arith.constant 0 : i32
      %dma_wait3A_205 = tpu.memref_slice %arg25[%add3A_11, %dma_wait3A_204] : memref<8192x128xf32, #tpu.memory_space<vmem_shared>> -> memref<64x128xf32, #tpu.memory_space<vmem_shared>>
      tpu.wait_dma2 semaphore(%run_scoped3A : memref<!tpu.dma_semaphore, #tpu.memory_space<semaphore_mem>>) src(%arg7 : memref<64x128xf32, #tpu.memory_space<vmem>>) dst(%dma_wait3A_205 : memref<64x128xf32, #tpu.memory_space<vmem_shared>>)
      tpu.yield
    }) : () -> ()
    %mul3A_12 = arith.constant 512 : i32
    %mul3A_13 = arith.muli %arg1, %mul3A_12 : i32
    %add3A_14 = arith.constant 64 : i32
    %add3A_15 = arith.addi %mul3A_13, %add3A_14 : i32
    "tpu.region"() ({
      %run_scoped3A = tpu.sem_alloc : memref<!tpu.dma_semaphore, #tpu.memory_space<semaphore_mem>>
      %dma_start3A_198 = arith.constant 0 : i32
      %dma_start3A_199 = tpu.memref_slice %arg25[%add3A_15, %dma_start3A_198] : memref<8192x128xf32, #tpu.memory_space<vmem_shared>> -> memref<64x128xf32, #tpu.memory_space<vmem_shared>>
      %dma_start3A_200 = arith.constant 0 : i32
      %dma_start3A_201 = tpu.memref_slice %arg25[%add3A_15, %dma_start3A_200] : memref<8192x128xf32, #tpu.memory_space<vmem_shared>> -> memref<64x128xf32, #tpu.memory_space<vmem_shared>>
      tpu.enqueue_dma source(%arg7 : memref<64x128xf32, #tpu.memory_space<vmem>>) target(%dma_start3A_201 : memref<64x128xf32, #tpu.memory_space<vmem_shared>>) target_semaphore(%run_scoped3A : memref<!tpu.dma_semaphore, #tpu.memory_space<semaphore_mem>>)
      %dma_wait3A_202 = arith.constant 0 : i32
      %dma_wait3A_203 = tpu.memref_slice %arg25[%add3A_15, %dma_wait3A_202] : memref<8192x128xf32, #tpu.memory_space<vmem_shared>> -> memref<64x128xf32, #tpu.memory_space<vmem_shared>>
      %dma_wait3A_204 = arith.constant 0 : i32
      %dma_wait3A_205 = tpu.memref_slice %arg25[%add3A_15, %dma_wait3A_204] : memref<8192x128xf32, #tpu.memory_space<vmem_shared>> -> memref<64x128xf32, #tpu.memory_space<vmem_shared>>
      tpu.wait_dma2 semaphore(%run_scoped3A : memref<!tpu.dma_semaphore, #tpu.memory_space<semaphore_mem>>) src(%arg7 : memref<64x128xf32, #tpu.memory_space<vmem>>) dst(%dma_wait3A_205 : memref<64x128xf32, #tpu.memory_space<vmem_shared>>)
      tpu.yield
    }) : () -> ()
    %mul3A_16 = arith.constant 512 : i32
    %mul3A_17 = arith.muli %arg1, %mul3A_16 : i32
    %add3A_18 = arith.constant 128 : i32
    %add3A_19 = arith.addi %mul3A_17, %add3A_18 : i32
    "tpu.region"() ({
      %run_scoped3A = tpu.sem_alloc : memref<!tpu.dma_semaphore, #tpu.memory_space<semaphore_mem>>
      %dma_start3A_198 = arith.constant 0 : i32
      %dma_start3A_199 = tpu.memref_slice %arg25[%add3A_19, %dma_start3A_198] : memref<8192x128xf32, #tpu.memory_space<vmem_shared>> -> memref<64x128xf32, #tpu.memory_space<vmem_shared>>
      %dma_start3A_200 = arith.constant 0 : i32
      %dma_start3A_201 = tpu.memref_slice %arg25[%add3A_19, %dma_start3A_200] : memref<8192x128xf32, #tpu.memory_space<vmem_shared>> -> memref<64x128xf32, #tpu.memory_space<vmem_shared>>
      tpu.enqueue_dma source(%arg7 : memref<64x128xf32, #tpu.memory_space<vmem>>) target(%dma_start3A_201 : memref<64x128xf32, #tpu.memory_space<vmem_shared>>) target_semaphore(%run_scoped3A : memref<!tpu.dma_semaphore, #tpu.memory_space<semaphore_mem>>)
      %dma_wait3A_202 = arith.constant 0 : i32
      %dma_wait3A_203 = tpu.memref_slice %arg25[%add3A_19, %dma_wait3A_202] : memref<8192x128xf32, #tpu.memory_space<vmem_shared>> -> memref<64x128xf32, #tpu.memory_space<vmem_shared>>
      %dma_wait3A_204 = arith.constant 0 : i32
      %dma_wait3A_205 = tpu.memref_slice %arg25[%add3A_19, %dma_wait3A_204] : memref<8192x128xf32, #tpu.memory_space<vmem_shared>> -> memref<64x128xf32, #tpu.memory_space<vmem_shared>>
      tpu.wait_dma2 semaphore(%run_scoped3A : memref<!tpu.dma_semaphore, #tpu.memory_space<semaphore_mem>>) src(%arg7 : memref<64x128xf32, #tpu.memory_space<vmem>>) dst(%dma_wait3A_205 : memref<64x128xf32, #tpu.memory_space<vmem_shared>>)
      tpu.yield
    }) : () -> ()
    %mul3A_20 = arith.constant 512 : i32
    %mul3A_21 = arith.muli %arg1, %mul3A_20 : i32
    %add3A_22 = arith.constant 192 : i32
    %add3A_23 = arith.addi %mul3A_21, %add3A_22 : i32
    "tpu.region"() ({
      %run_scoped3A = tpu.sem_alloc : memref<!tpu.dma_semaphore, #tpu.memory_space<semaphore_mem>>
      %dma_start3A_198 = arith.constant 0 : i32
      %dma_start3A_199 = tpu.memref_slice %arg25[%add3A_23, %dma_start3A_198] : memref<8192x128xf32, #tpu.memory_space<vmem_shared>> -> memref<64x128xf32, #tpu.memory_space<vmem_shared>>
      %dma_start3A_200 = arith.constant 0 : i32
      %dma_start3A_201 = tpu.memref_slice %arg25[%add3A_23, %dma_start3A_200] : memref<8192x128xf32, #tpu.memory_space<vmem_shared>> -> memref<64x128xf32, #tpu.memory_space<vmem_shared>>
      tpu.enqueue_dma source(%arg7 : memref<64x128xf32, #tpu.memory_space<vmem>>) target(%dma_start3A_201 : memref<64x128xf32, #tpu.memory_space<vmem_shared>>) target_semaphore(%run_scoped3A : memref<!tpu.dma_semaphore, #tpu.memory_space<semaphore_mem>>)
      %dma_wait3A_202 = arith.constant 0 : i32
      %dma_wait3A_203 = tpu.memref_slice %arg25[%add3A_23, %dma_wait3A_202] : memref<8192x128xf32, #tpu.memory_space<vmem_shared>> -> memref<64x128xf32, #tpu.memory_space<vmem_shared>>
      %dma_wait3A_204 = arith.constant 0 : i32
      %dma_wait3A_205 = tpu.memref_slice %arg25[%add3A_23, %dma_wait3A_204] : memref<8192x128xf32, #tpu.memory_space<vmem_shared>> -> memref<64x128xf32, #tpu.memory_space<vmem_shared>>
      tpu.wait_dma2 semaphore(%run_scoped3A : memref<!tpu.dma_semaphore, #tpu.memory_space<semaphore_mem>>) src(%arg7 : memref<64x128xf32, #tpu.memory_space<vmem>>) dst(%dma_wait3A_205 : memref<64x128xf32, #tpu.memory_space<vmem_shared>>)
      tpu.yield
    }) : () -> ()
    %mul3A_24 = arith.constant 512 : i32
    %mul3A_25 = arith.muli %arg1, %mul3A_24 : i32
    %add3A_26 = arith.constant 256 : i32
    %add3A_27 = arith.addi %mul3A_25, %add3A_26 : i32
    "tpu.region"() ({
      %run_scoped3A = tpu.sem_alloc : memref<!tpu.dma_semaphore, #tpu.memory_space<semaphore_mem>>
      %dma_start3A_198 = arith.constant 0 : i32
      %dma_start3A_199 = tpu.memref_slice %arg25[%add3A_27, %dma_start3A_198] : memref<8192x128xf32, #tpu.memory_space<vmem_shared>> -> memref<64x128xf32, #tpu.memory_space<vmem_shared>>
      %dma_start3A_200 = arith.constant 0 : i32
      %dma_start3A_201 = tpu.memref_slice %arg25[%add3A_27, %dma_start3A_200] : memref<8192x128xf32, #tpu.memory_space<vmem_shared>> -> memref<64x128xf32, #tpu.memory_space<vmem_shared>>
      tpu.enqueue_dma source(%arg7 : memref<64x128xf32, #tpu.memory_space<vmem>>) target(%dma_start3A_201 : memref<64x128xf32, #tpu.memory_space<vmem_shared>>) target_semaphore(%run_scoped3A : memref<!tpu.dma_semaphore, #tpu.memory_space<semaphore_mem>>)
      %dma_wait3A_202 = arith.constant 0 : i32
      %dma_wait3A_203 = tpu.memref_slice %arg25[%add3A_27, %dma_wait3A_202] : memref<8192x128xf32, #tpu.memory_space<vmem_shared>> -> memref<64x128xf32, #tpu.memory_space<vmem_shared>>
      %dma_wait3A_204 = arith.constant 0 : i32
      %dma_wait3A_205 = tpu.memref_slice %arg25[%add3A_27, %dma_wait3A_204] : memref<8192x128xf32, #tpu.memory_space<vmem_shared>> -> memref<64x128xf32, #tpu.memory_space<vmem_shared>>
      tpu.wait_dma2 semaphore(%run_scoped3A : memref<!tpu.dma_semaphore, #tpu.memory_space<semaphore_mem>>) src(%arg7 : memref<64x128xf32, #tpu.memory_space<vmem>>) dst(%dma_wait3A_205 : memref<64x128xf32, #tpu.memory_space<vmem_shared>>)
      tpu.yield
    }) : () -> ()
    %mul3A_28 = arith.constant 512 : i32
    %mul3A_29 = arith.muli %arg1, %mul3A_28 : i32
    %add3A_30 = arith.constant 320 : i32
    %add3A_31 = arith.addi %mul3A_29, %add3A_30 : i32
    "tpu.region"() ({
      %run_scoped3A = tpu.sem_alloc : memref<!tpu.dma_semaphore, #tpu.memory_space<semaphore_mem>>
      %dma_start3A_198 = arith.constant 0 : i32
      %dma_start3A_199 = tpu.memref_slice %arg25[%add3A_31, %dma_start3A_198] : memref<8192x128xf32, #tpu.memory_space<vmem_shared>> -> memref<64x128xf32, #tpu.memory_space<vmem_shared>>
      %dma_start3A_200 = arith.constant 0 : i32
      %dma_start3A_201 = tpu.memref_slice %arg25[%add3A_31, %dma_start3A_200] : memref<8192x128xf32, #tpu.memory_space<vmem_shared>> -> memref<64x128xf32, #tpu.memory_space<vmem_shared>>
      tpu.enqueue_dma source(%arg7 : memref<64x128xf32, #tpu.memory_space<vmem>>) target(%dma_start3A_201 : memref<64x128xf32, #tpu.memory_space<vmem_shared>>) target_semaphore(%run_scoped3A : memref<!tpu.dma_semaphore, #tpu.memory_space<semaphore_mem>>)
      %dma_wait3A_202 = arith.constant 0 : i32
      %dma_wait3A_203 = tpu.memref_slice %arg25[%add3A_31, %dma_wait3A_202] : memref<8192x128xf32, #tpu.memory_space<vmem_shared>> -> memref<64x128xf32, #tpu.memory_space<vmem_shared>>
      %dma_wait3A_204 = arith.constant 0 : i32
      %dma_wait3A_205 = tpu.memref_slice %arg25[%add3A_31, %dma_wait3A_204] : memref<8192x128xf32, #tpu.memory_space<vmem_shared>> -> memref<64x128xf32, #tpu.memory_space<vmem_shared>>
      tpu.wait_dma2 semaphore(%run_scoped3A : memref<!tpu.dma_semaphore, #tpu.memory_space<semaphore_mem>>) src(%arg7 : memref<64x128xf32, #tpu.memory_space<vmem>>) dst(%dma_wait3A_205 : memref<64x128xf32, #tpu.memory_space<vmem_shared>>)
      tpu.yield
    }) : () -> ()
    %mul3A_32 = arith.constant 512 : i32
    %mul3A_33 = arith.muli %arg1, %mul3A_32 : i32
    %add3A_34 = arith.constant 384 : i32
    %add3A_35 = arith.addi %mul3A_33, %add3A_34 : i32
    "tpu.region"() ({
      %run_scoped3A = tpu.sem_alloc : memref<!tpu.dma_semaphore, #tpu.memory_space<semaphore_mem>>
      %dma_start3A_198 = arith.constant 0 : i32
      %dma_start3A_199 = tpu.memref_slice %arg25[%add3A_35, %dma_start3A_198] : memref<8192x128xf32, #tpu.memory_space<vmem_shared>> -> memref<64x128xf32, #tpu.memory_space<vmem_shared>>
      %dma_start3A_200 = arith.constant 0 : i32
      %dma_start3A_201 = tpu.memref_slice %arg25[%add3A_35, %dma_start3A_200] : memref<8192x128xf32, #tpu.memory_space<vmem_shared>> -> memref<64x128xf32, #tpu.memory_space<vmem_shared>>
      tpu.enqueue_dma source(%arg7 : memref<64x128xf32, #tpu.memory_space<vmem>>) target(%dma_start3A_201 : memref<64x128xf32, #tpu.memory_space<vmem_shared>>) target_semaphore(%run_scoped3A : memref<!tpu.dma_semaphore, #tpu.memory_space<semaphore_mem>>)
      %dma_wait3A_202 = arith.constant 0 : i32
      %dma_wait3A_203 = tpu.memref_slice %arg25[%add3A_35, %dma_wait3A_202] : memref<8192x128xf32, #tpu.memory_space<vmem_shared>> -> memref<64x128xf32, #tpu.memory_space<vmem_shared>>
      %dma_wait3A_204 = arith.constant 0 : i32
      %dma_wait3A_205 = tpu.memref_slice %arg25[%add3A_35, %dma_wait3A_204] : memref<8192x128xf32, #tpu.memory_space<vmem_shared>> -> memref<64x128xf32, #tpu.memory_space<vmem_shared>>
      tpu.wait_dma2 semaphore(%run_scoped3A : memref<!tpu.dma_semaphore, #tpu.memory_space<semaphore_mem>>) src(%arg7 : memref<64x128xf32, #tpu.memory_space<vmem>>) dst(%dma_wait3A_205 : memref<64x128xf32, #tpu.memory_space<vmem_shared>>)
      tpu.yield
    }) : () -> ()
    %mul3A_36 = arith.constant 512 : i32
    %mul3A_37 = arith.muli %arg1, %mul3A_36 : i32
    %add3A_38 = arith.constant 448 : i32
    %add3A_39 = arith.addi %mul3A_37, %add3A_38 : i32
    "tpu.region"() ({
      %run_scoped3A = tpu.sem_alloc : memref<!tpu.dma_semaphore, #tpu.memory_space<semaphore_mem>>
      %dma_start3A_198 = arith.constant 0 : i32
      %dma_start3A_199 = tpu.memref_slice %arg25[%add3A_39, %dma_start3A_198] : memref<8192x128xf32, #tpu.memory_space<vmem_shared>> -> memref<64x128xf32, #tpu.memory_space<vmem_shared>>
      %dma_start3A_200 = arith.constant 0 : i32
      %dma_start3A_201 = tpu.memref_slice %arg25[%add3A_39, %dma_start3A_200] : memref<8192x128xf32, #tpu.memory_space<vmem_shared>> -> memref<64x128xf32, #tpu.memory_space<vmem_shared>>
      tpu.enqueue_dma source(%arg7 : memref<64x128xf32, #tpu.memory_space<vmem>>) target(%dma_start3A_201 : memref<64x128xf32, #tpu.memory_space<vmem_shared>>) target_semaphore(%run_scoped3A : memref<!tpu.dma_semaphore, #tpu.memory_space<semaphore_mem>>)
      %dma_wait3A_202 = arith.constant 0 : i32
      %dma_wait3A_203 = tpu.memref_slice %arg25[%add3A_39, %dma_wait3A_202] : memref<8192x128xf32, #tpu.memory_space<vmem_shared>> -> memref<64x128xf32, #tpu.memory_space<vmem_shared>>
      %dma_wait3A_204 = arith.constant 0 : i32
      %dma_wait3A_205 = tpu.memref_slice %arg25[%add3A_39, %dma_wait3A_204] : memref<8192x128xf32, #tpu.memory_space<vmem_shared>> -> memref<64x128xf32, #tpu.memory_space<vmem_shared>>
      tpu.wait_dma2 semaphore(%run_scoped3A : memref<!tpu.dma_semaphore, #tpu.memory_space<semaphore_mem>>) src(%arg7 : memref<64x128xf32, #tpu.memory_space<vmem>>) dst(%dma_wait3A_205 : memref<64x128xf32, #tpu.memory_space<vmem_shared>>)
      tpu.yield
    }) : () -> ()
    %barrier3A = arith.constant 0 : index
    tpu.barrier barrier_id(%barrier3A)
    %get3A = arith.constant 0 : i32
    %get3A_40 = arith.index_cast %get3A : i32 to index
    %get3A_41 = arith.constant 0 : index
    %get3A_42 = tpu.vector_load %arg6[%get3A_40, %get3A_41] {strides = array<i32>} : memref<64x128xi32, #tpu.memory_space<vmem>>, vector<1x16xi32>,
    %get3A_43 = vector.shape_cast %get3A_42 : vector<1x16xi32> to vector<16xi32>
    %and3A = arith.constant 8191 : i32
    %and3A_44 = vector.broadcast %and3A : i32 to vector<16xi32>
    %and3A_45 = arith.andi %get3A_43, %and3A_44 : vector<16xi32>
    %add3A_46 = vector.broadcast %mul3A_0 : i32 to vector<16xi32>
    %add3A_47 = arith.addi %and3A_45, %add3A_46 : vector<16xi32>
    %swap3A = arith.constant 0 : index
    %swap3A_48 = tpu.vector_load %arg13[%swap3A] {strides = array<i32>} : memref<64xi32, #tpu.memory_space<vmem>>, vector<16xi32>,
    %swap3A_49 = vector.shape_cast %swap3A_48 : vector<16xi32> to vector<16xi32>
    %swap3A_50 = vector.shape_cast %add3A_47 : vector<16xi32> to vector<16xi32>
    tpu.vector_store %arg13[%swap3A], %swap3A_50 {strides = array<i32>} : memref<64xi32, #tpu.memory_space<vmem>>, vector<16xi32>,
    %shift_right_logical3A = arith.constant 13 : i32
    %shift_right_logical3A_51 = vector.broadcast %shift_right_logical3A : i32 to vector<16xi32>
    %shift_right_logical3A_52 = arith.shrui %get3A_43, %shift_right_logical3A_51 : vector<16xi32>
    %and3A_53 = arith.constant 63 : i32
    %and3A_54 = vector.broadcast %and3A_53 : i32 to vector<16xi32>
    %and3A_55 = arith.andi %shift_right_logical3A_52, %and3A_54 : vector<16xi32>
    %add3A_56 = arith.constant 0 : i32
    %add3A_57 = vector.broadcast %add3A_56 : i32 to vector<16xi32>
    %add3A_58 = arith.addi %and3A_55, %add3A_57 : vector<16xi32>
    %swap3A_59 = arith.constant 0 : index
    %swap3A_60 = tpu.vector_load %arg17[%swap3A_59] {strides = array<i32>} : memref<64xi32, #tpu.memory_space<vmem>>, vector<16xi32>,
    %swap3A_61 = vector.shape_cast %swap3A_60 : vector<16xi32> to vector<16xi32>
    %swap3A_62 = vector.shape_cast %add3A_58 : vector<16xi32> to vector<16xi32>
    tpu.vector_store %arg17[%swap3A_59], %swap3A_62 {strides = array<i32>} : memref<64xi32, #tpu.memory_space<vmem>>, vector<16xi32>,
    %shift_right_logical3A_63 = arith.constant 19 : i32
    %shift_right_logical3A_64 = vector.broadcast %shift_right_logical3A_63 : i32 to vector<16xi32>
    %shift_right_logical3A_65 = arith.shrui %get3A_43, %shift_right_logical3A_64 : vector<16xi32>
    %swap3A_66 = arith.constant 0 : index
    %swap3A_67 = tpu.vector_load %arg21[%swap3A_66] {strides = array<i32>} : memref<64xi32, #tpu.memory_space<vmem>>, vector<16xi32>,
    %swap3A_68 = vector.shape_cast %swap3A_67 : vector<16xi32> to vector<16xi32>
    %swap3A_69 = vector.shape_cast %shift_right_logical3A_65 : vector<16xi32> to vector<16xi32>
    tpu.vector_store %arg21[%swap3A_66], %swap3A_69 {strides = array<i32>} : memref<64xi32, #tpu.memory_space<vmem>>, vector<16xi32>,
    %get3A_70 = arith.constant 0 : i32
    %get3A_71 = arith.index_cast %get3A_70 : i32 to index
    %get3A_72 = arith.constant 16 : index
    %get3A_73 = tpu.vector_load %arg6[%get3A_71, %get3A_72] {strides = array<i32>} : memref<64x128xi32, #tpu.memory_space<vmem>>, vector<1x16xi32>,
    %get3A_74 = vector.shape_cast %get3A_73 : vector<1x16xi32> to vector<16xi32>
    %and3A_75 = arith.constant 8191 : i32
    %and3A_76 = vector.broadcast %and3A_75 : i32 to vector<16xi32>
    %and3A_77 = arith.andi %get3A_74, %and3A_76 : vector<16xi32>
    %add3A_78 = vector.broadcast %mul3A_0 : i32 to vector<16xi32>
    %add3A_79 = arith.addi %and3A_77, %add3A_78 : vector<16xi32>
    %swap3A_80 = arith.constant 16 : index
    %swap3A_81 = tpu.vector_load %arg13[%swap3A_80] {strides = array<i32>} : memref<64xi32, #tpu.memory_space<vmem>>, vector<16xi32>,
    %swap3A_82 = vector.shape_cast %swap3A_81 : vector<16xi32> to vector<16xi32>
    %swap3A_83 = vector.shape_cast %add3A_79 : vector<16xi32> to vector<16xi32>
    tpu.vector_store %arg13[%swap3A_80], %swap3A_83 {strides = array<i32>} : memref<64xi32, #tpu.memory_space<vmem>>, vector<16xi32>,
    %shift_right_logical3A_84 = arith.constant 13 : i32
    %shift_right_logical3A_85 = vector.broadcast %shift_right_logical3A_84 : i32 to vector<16xi32>
    %shift_right_logical3A_86 = arith.shrui %get3A_74, %shift_right_logical3A_85 : vector<16xi32>
    %and3A_87 = arith.constant 63 : i32
    %and3A_88 = vector.broadcast %and3A_87 : i32 to vector<16xi32>
    %and3A_89 = arith.andi %shift_right_logical3A_86, %and3A_88 : vector<16xi32>
    %add3A_90 = arith.constant 0 : i32
    %add3A_91 = vector.broadcast %add3A_90 : i32 to vector<16xi32>
    %add3A_92 = arith.addi %and3A_89, %add3A_91 : vector<16xi32>
    %swap3A_93 = arith.constant 16 : index
    %swap3A_94 = tpu.vector_load %arg17[%swap3A_93] {strides = array<i32>} : memref<64xi32, #tpu.memory_space<vmem>>, vector<16xi32>,
    %swap3A_95 = vector.shape_cast %swap3A_94 : vector<16xi32> to vector<16xi32>
    %swap3A_96 = vector.shape_cast %add3A_92 : vector<16xi32> to vector<16xi32>
    tpu.vector_store %arg17[%swap3A_93], %swap3A_96 {strides = array<i32>} : memref<64xi32, #tpu.memory_space<vmem>>, vector<16xi32>,
    %shift_right_logical3A_97 = arith.constant 19 : i32
    %shift_right_logical3A_98 = vector.broadcast %shift_right_logical3A_97 : i32 to vector<16xi32>
    %shift_right_logical3A_99 = arith.shrui %get3A_74, %shift_right_logical3A_98 : vector<16xi32>
    %swap3A_100 = arith.constant 16 : index
    %swap3A_101 = tpu.vector_load %arg21[%swap3A_100] {strides = array<i32>} : memref<64xi32, #tpu.memory_space<vmem>>, vector<16xi32>,
    %swap3A_102 = vector.shape_cast %swap3A_101 : vector<16xi32> to vector<16xi32>
    %swap3A_103 = vector.shape_cast %shift_right_logical3A_99 : vector<16xi32> to vector<16xi32>
    tpu.vector_store %arg21[%swap3A_100], %swap3A_103 {strides = array<i32>} : memref<64xi32, #tpu.memory_space<vmem>>, vector<16xi32>,
    %get3A_104 = arith.constant 0 : i32
    %get3A_105 = arith.index_cast %get3A_104 : i32 to index
    %get3A_106 = arith.constant 32 : index
    %get3A_107 = tpu.vector_load %arg6[%get3A_105, %get3A_106] {strides = array<i32>} : memref<64x128xi32, #tpu.memory_space<vmem>>, vector<1x16xi32>,
    %get3A_108 = vector.shape_cast %get3A_107 : vector<1x16xi32> to vector<16xi32>
    %and3A_109 = arith.constant 8191 : i32
    %and3A_110 = vector.broadcast %and3A_109 : i32 to vector<16xi32>
    %and3A_111 = arith.andi %get3A_108, %and3A_110 : vector<16xi32>
    %add3A_112 = vector.broadcast %mul3A_0 : i32 to vector<16xi32>
    %add3A_113 = arith.addi %and3A_111, %add3A_112 : vector<16xi32>
    %swap3A_114 = arith.constant 32 : index
    %swap3A_115 = tpu.vector_load %arg13[%swap3A_114] {strides = array<i32>} : memref<64xi32, #tpu.memory_space<vmem>>, vector<16xi32>,
    %swap3A_116 = vector.shape_cast %swap3A_115 : vector<16xi32> to vector<16xi32>
    %swap3A_117 = vector.shape_cast %add3A_113 : vector<16xi32> to vector<16xi32>
    tpu.vector_store %arg13[%swap3A_114], %swap3A_117 {strides = array<i32>} : memref<64xi32, #tpu.memory_space<vmem>>, vector<16xi32>,
    %shift_right_logical3A_118 = arith.constant 13 : i32
    %shift_right_logical3A_119 = vector.broadcast %shift_right_logical3A_118 : i32 to vector<16xi32>
    %shift_right_logical3A_120 = arith.shrui %get3A_108, %shift_right_logical3A_119 : vector<16xi32>
    %and3A_121 = arith.constant 63 : i32
    %and3A_122 = vector.broadcast %and3A_121 : i32 to vector<16xi32>
    %and3A_123 = arith.andi %shift_right_logical3A_120, %and3A_122 : vector<16xi32>
    %add3A_124 = arith.constant 0 : i32
    %add3A_125 = vector.broadcast %add3A_124 : i32 to vector<16xi32>
    %add3A_126 = arith.addi %and3A_123, %add3A_125 : vector<16xi32>
    %swap3A_127 = arith.constant 32 : index
    %swap3A_128 = tpu.vector_load %arg17[%swap3A_127] {strides = array<i32>} : memref<64xi32, #tpu.memory_space<vmem>>, vector<16xi32>,
    %swap3A_129 = vector.shape_cast %swap3A_128 : vector<16xi32> to vector<16xi32>
    %swap3A_130 = vector.shape_cast %add3A_126 : vector<16xi32> to vector<16xi32>
    tpu.vector_store %arg17[%swap3A_127], %swap3A_130 {strides = array<i32>} : memref<64xi32, #tpu.memory_space<vmem>>, vector<16xi32>,
    %shift_right_logical3A_131 = arith.constant 19 : i32
    %shift_right_logical3A_132 = vector.broadcast %shift_right_logical3A_131 : i32 to vector<16xi32>
    %shift_right_logical3A_133 = arith.shrui %get3A_108, %shift_right_logical3A_132 : vector<16xi32>
    %swap3A_134 = arith.constant 32 : index
    %swap3A_135 = tpu.vector_load %arg21[%swap3A_134] {strides = array<i32>} : memref<64xi32, #tpu.memory_space<vmem>>, vector<16xi32>,
    %swap3A_136 = vector.shape_cast %swap3A_135 : vector<16xi32> to vector<16xi32>
    %swap3A_137 = vector.shape_cast %shift_right_logical3A_133 : vector<16xi32> to vector<16xi32>
    tpu.vector_store %arg21[%swap3A_134], %swap3A_137 {strides = array<i32>} : memref<64xi32, #tpu.memory_space<vmem>>, vector<16xi32>,
    %get3A_138 = arith.constant 0 : i32
    %get3A_139 = arith.index_cast %get3A_138 : i32 to index
    %get3A_140 = arith.constant 48 : index
    %get3A_141 = tpu.vector_load %arg6[%get3A_139, %get3A_140] {strides = array<i32>} : memref<64x128xi32, #tpu.memory_space<vmem>>, vector<1x16xi32>,
    %get3A_142 = vector.shape_cast %get3A_141 : vector<1x16xi32> to vector<16xi32>
    %and3A_143 = arith.constant 8191 : i32
    %and3A_144 = vector.broadcast %and3A_143 : i32 to vector<16xi32>
    %and3A_145 = arith.andi %get3A_142, %and3A_144 : vector<16xi32>
    %add3A_146 = vector.broadcast %mul3A_0 : i32 to vector<16xi32>
    %add3A_147 = arith.addi %and3A_145, %add3A_146 : vector<16xi32>
    %swap3A_148 = arith.constant 48 : index
    %swap3A_149 = tpu.vector_load %arg13[%swap3A_148] {strides = array<i32>} : memref<64xi32, #tpu.memory_space<vmem>>, vector<16xi32>,
    %swap3A_150 = vector.shape_cast %swap3A_149 : vector<16xi32> to vector<16xi32>
    %swap3A_151 = vector.shape_cast %add3A_147 : vector<16xi32> to vector<16xi32>
    tpu.vector_store %arg13[%swap3A_148], %swap3A_151 {strides = array<i32>} : memref<64xi32, #tpu.memory_space<vmem>>, vector<16xi32>,
    %shift_right_logical3A_152 = arith.constant 13 : i32
    %shift_right_logical3A_153 = vector.broadcast %shift_right_logical3A_152 : i32 to vector<16xi32>
    %shift_right_logical3A_154 = arith.shrui %get3A_142, %shift_right_logical3A_153 : vector<16xi32>
    %and3A_155 = arith.constant 63 : i32
    %and3A_156 = vector.broadcast %and3A_155 : i32 to vector<16xi32>
    %and3A_157 = arith.andi %shift_right_logical3A_154, %and3A_156 : vector<16xi32>
    %add3A_158 = arith.constant 0 : i32
    %add3A_159 = vector.broadcast %add3A_158 : i32 to vector<16xi32>
    %add3A_160 = arith.addi %and3A_157, %add3A_159 : vector<16xi32>
    %swap3A_161 = arith.constant 48 : index
    %swap3A_162 = tpu.vector_load %arg17[%swap3A_161] {strides = array<i32>} : memref<64xi32, #tpu.memory_space<vmem>>, vector<16xi32>,
    %swap3A_163 = vector.shape_cast %swap3A_162 : vector<16xi32> to vector<16xi32>
    %swap3A_164 = vector.shape_cast %add3A_160 : vector<16xi32> to vector<16xi32>
    tpu.vector_store %arg17[%swap3A_161], %swap3A_164 {strides = array<i32>} : memref<64xi32, #tpu.memory_space<vmem>>, vector<16xi32>,
    %shift_right_logical3A_165 = arith.constant 19 : i32
    %shift_right_logical3A_166 = vector.broadcast %shift_right_logical3A_165 : i32 to vector<16xi32>
    %shift_right_logical3A_167 = arith.shrui %get3A_142, %shift_right_logical3A_166 : vector<16xi32>
    %swap3A_168 = arith.constant 48 : index
    %swap3A_169 = tpu.vector_load %arg21[%swap3A_168] {strides = array<i32>} : memref<64xi32, #tpu.memory_space<vmem>>, vector<16xi32>,
    %swap3A_170 = vector.shape_cast %swap3A_169 : vector<16xi32> to vector<16xi32>
    %swap3A_171 = vector.shape_cast %shift_right_logical3A_167 : vector<16xi32> to vector<16xi32>
    tpu.vector_store %arg21[%swap3A_168], %swap3A_171 {strides = array<i32>} : memref<64xi32, #tpu.memory_space<vmem>>, vector<16xi32>,
    %dma_start3A = arith.constant 0 : i32
    %dma_start3A_172 = arith.constant 0 : i32
    %dma_start3A_173 = tpu.memref_slice %arg2[%dma_start3A, %dma_start3A_172] : memref<16384x128xf32, #tpu.memory_space<hbm>> -> memref<16384x128xf32, #tpu.memory_space<hbm>>
    tpu.enqueue_indirect_dma source(%dma_start3A_173 : memref<16384x128xf32, #tpu.memory_space<hbm>>) target(%arg7 : memref<64x128xf32, #tpu.memory_space<vmem>>) offsets(%arg13 : memref<64xi32, #tpu.memory_space<vmem>>) semaphore(%arg27 : memref<!tpu.dma_semaphore, #tpu.memory_space<semaphore_mem>>)
    %dma_start3A_174 = arith.constant 0 : i32
    %dma_start3A_175 = arith.constant 0 : i32
    %dma_start3A_176 = tpu.memref_slice %arg26[%dma_start3A_174, %dma_start3A_175] : memref<64x128xf32, #tpu.memory_space<vmem_shared>> -> memref<64x128xf32, #tpu.memory_space<vmem_shared>>
    tpu.enqueue_indirect_dma source(%dma_start3A_176 : memref<64x128xf32, #tpu.memory_space<vmem_shared>>) target(%arg11 : memref<64x128xf32, #tpu.memory_space<vmem>>) offsets(%arg17 : memref<64xi32, #tpu.memory_space<vmem>>) semaphore(%arg29 : memref<!tpu.dma_semaphore, #tpu.memory_space<semaphore_mem>>)
    %scan3A_177 = arith.constant 0 : i32
    %scan3A_178 = arith.constant 32 : i32
    %scan3A_179 = arith.addi %scan3A_177, %scan3A_178 : i32
    %scan3A_180 = arith.constant 1 : i32
    scf.for %scan3A_198 = %scan3A_177 to %scan3A_179 step %scan3A_180  : i32 {
      %mul3A_199 = arith.constant 4 : i32
      %mul3A_200 = arith.muli %mul3A_199, %scan3A_198 : i32
      %add3A_201 = arith.constant 0 : i32
      %add3A_202 = arith.addi %mul3A_200, %add3A_201 : i32
      %ge3A = arith.constant 3 : i32
      %ge3A_203 = arith.cmpi sge, %add3A_202, %ge3A : i32
      %convert_element_type3A_204 = arith.extui %ge3A_203 : i1 to i32
      %cond3A_205 = arith.constant 0 : i32
      %cond3A_206 = arith.cmpi ne, %convert_element_type3A_204, %cond3A_205 : i32
      scf.if %cond3A_206 {
        %dma_wait3A_317 = arith.constant 0 : i32
        %dma_wait3A_318 = arith.constant 0 : i32
        %dma_wait3A_319 = tpu.memref_slice %arg25[%dma_wait3A_317, %dma_wait3A_318] : memref<8192x128xf32, #tpu.memory_space<vmem_shared>> -> memref<8192x128xf32, #tpu.memory_space<vmem_shared>>
        tpu.wait_indirect_dma semaphore(%arg32 : memref<!tpu.dma_semaphore, #tpu.memory_space<semaphore_mem>>) src(%arg8 : memref<64x128xf32, #tpu.memory_space<vmem>>) dst(%dma_wait3A_319 : memref<8192x128xf32, #tpu.memory_space<vmem_shared>>)
      } else {
      }
      %add3A_207 = arith.constant 1 : i32
      %add3A_208 = arith.addi %add3A_202, %add3A_207 : i32
      %lt3A = arith.constant 128 : i32
      %lt3A_209 = arith.cmpi slt, %add3A_208, %lt3A : i32
      %convert_element_type3A_210 = arith.extui %lt3A_209 : i1 to i32
      %cond3A_211 = arith.constant 0 : i32
      %cond3A_212 = arith.cmpi ne, %convert_element_type3A_210, %cond3A_211 : i32
      scf.if %cond3A_212 {
        %add3A_317 = arith.constant 1 : i32
        %add3A_318 = arith.addi %add3A_202, %add3A_317 : i32
        %jit3A = arith.constant 2 : i32
        %div3A = arith.divsi %add3A_318, %jit3A : i32
        %sign3A = arith.constant 0 : i32
        %sign3A_319 = arith.cmpi sgt, %add3A_318, %sign3A : i32
        %sign3A_320 = arith.extui %sign3A_319 : i1 to i32
        %sign3A_321 = arith.constant 0 : i32
        %sign3A_322 = arith.cmpi slt, %add3A_318, %sign3A_321 : i32
        %sign3A_323 = arith.extui %sign3A_322 : i1 to i32
        %sign3A_324 = arith.subi %sign3A_320, %sign3A_323 : i32
        %sign3A_325 = arith.constant 0 : i32
        %sign3A_326 = arith.cmpi sgt, %jit3A, %sign3A_325 : i32
        %sign3A_327 = arith.extui %sign3A_326 : i1 to i32
        %sign3A_328 = arith.constant 0 : i32
        %sign3A_329 = arith.cmpi slt, %jit3A, %sign3A_328 : i32
        %sign3A_330 = arith.extui %sign3A_329 : i1 to i32
        %sign3A_331 = arith.subi %sign3A_327, %sign3A_330 : i32
        %ne3A = arith.cmpi ne, %sign3A_324, %sign3A_331 : i32
        %rem3A = arith.remsi %add3A_318, %jit3A : i32
        %ne3A_332 = arith.constant 0 : i32
        %ne3A_333 = arith.cmpi ne, %rem3A, %ne3A_332 : i32
        %and3A_334 = arith.andi %ne3A, %ne3A_333 : i1
        %sub3A = arith.constant 1 : i32
        %sub3A_335 = arith.subi %div3A, %sub3A : i32
        %select_n3A = arith.select %and3A_334, %sub3A_335, %div3A : i32
        %jit3A_336 = arith.constant 2 : i32
        %eq3A_337 = arith.constant 0 : i32
        %eq3A_338 = arith.cmpi eq, %jit3A_336, %eq3A_337 : i32
        %jit3A_339 = arith.constant 1 : i32
        %select_n3A_340 = arith.select %eq3A_338, %jit3A_339, %jit3A_336 : i32
        %rem3A_341 = arith.remsi %add3A_318, %select_n3A_340 : i32
        %ne3A_342 = arith.constant 0 : i32
        %ne3A_343 = arith.cmpi ne, %rem3A_341, %ne3A_342 : i32
        %lt3A_344 = arith.constant 0 : i32
        %lt3A_345 = arith.cmpi slt, %rem3A_341, %lt3A_344 : i32
        %lt3A_346 = arith.constant 0 : i32
        %lt3A_347 = arith.cmpi slt, %select_n3A_340, %lt3A_346 : i32
        %ne3A_348 = arith.xori %lt3A_345, %lt3A_347 : i1
        %and3A_349 = arith.andi %ne3A_348, %ne3A_343 : i1
        %add3A_350 = arith.addi %rem3A_341, %select_n3A_340 : i32
        %select_n3A_351 = arith.select %and3A_349, %add3A_350, %rem3A_341 : i32
        %mul3A_352 = arith.constant 64 : i32
        %mul3A_353 = arith.muli %select_n3A_351, %mul3A_352 : i32
        %add3A_354 = arith.constant 0 : i32
        %add3A_355 = arith.addi %mul3A_353, %add3A_354 : i32
        %get3A_356 = arith.index_cast %select_n3A : i32 to index
        %get3A_357 = arith.index_cast %add3A_355 : i32 to index
        %get3A_358 = tpu.vector_load %arg6[%get3A_356, %get3A_357] {strides = array<i32>} : memref<64x128xi32, #tpu.memory_space<vmem>>, vector<1x16xi32>,
        %get3A_359 = vector.shape_cast %get3A_358 : vector<1x16xi32> to vector<16xi32>
        %and3A_360 = arith.constant 8191 : i32
        %and3A_361 = vector.broadcast %and3A_360 : i32 to vector<16xi32>
        %and3A_362 = arith.andi %get3A_359, %and3A_361 : vector<16xi32>
        %add3A_363 = vector.broadcast %mul3A_0 : i32 to vector<16xi32>
        %add3A_364 = arith.addi %and3A_362, %add3A_363 : vector<16xi32>
        %swap3A_365 = arith.constant 0 : index
        %swap3A_366 = tpu.vector_load %arg14[%swap3A_365] {strides = array<i32>} : memref<64xi32, #tpu.memory_space<vmem>>, vector<16xi32>,
        %swap3A_367 = vector.shape_cast %swap3A_366 : vector<16xi32> to vector<16xi32>
        %swap3A_368 = vector.shape_cast %add3A_364 : vector<16xi32> to vector<16xi32>
        tpu.vector_store %arg14[%swap3A_365], %swap3A_368 {strides = array<i32>} : memref<64xi32, #tpu.memory_space<vmem>>, vector<16xi32>,
        %shift_right_logical3A_369 = arith.constant 13 : i32
        %shift_right_logical3A_370 = vector.broadcast %shift_right_logical3A_369 : i32 to vector<16xi32>
        %shift_right_logical3A_371 = arith.shrui %get3A_359, %shift_right_logical3A_370 : vector<16xi32>
        %and3A_372 = arith.constant 63 : i32
        %and3A_373 = vector.broadcast %and3A_372 : i32 to vector<16xi32>
        %and3A_374 = arith.andi %shift_right_logical3A_371, %and3A_373 : vector<16xi32>
        %add3A_375 = arith.constant 0 : i32
        %add3A_376 = vector.broadcast %add3A_375 : i32 to vector<16xi32>
        %add3A_377 = arith.addi %and3A_374, %add3A_376 : vector<16xi32>
        %swap3A_378 = arith.constant 0 : index
        %swap3A_379 = tpu.vector_load %arg18[%swap3A_378] {strides = array<i32>} : memref<64xi32, #tpu.memory_space<vmem>>, vector<16xi32>,
        %swap3A_380 = vector.shape_cast %swap3A_379 : vector<16xi32> to vector<16xi32>
        %swap3A_381 = vector.shape_cast %add3A_377 : vector<16xi32> to vector<16xi32>
        tpu.vector_store %arg18[%swap3A_378], %swap3A_381 {strides = array<i32>} : memref<64xi32, #tpu.memory_space<vmem>>, vector<16xi32>,
        %shift_right_logical3A_382 = arith.constant 19 : i32
        %shift_right_logical3A_383 = vector.broadcast %shift_right_logical3A_382 : i32 to vector<16xi32>
        %shift_right_logical3A_384 = arith.shrui %get3A_359, %shift_right_logical3A_383 : vector<16xi32>
        %swap3A_385 = arith.constant 0 : index
        %swap3A_386 = tpu.vector_load %arg22[%swap3A_385] {strides = array<i32>} : memref<64xi32, #tpu.memory_space<vmem>>, vector<16xi32>,
        %swap3A_387 = vector.shape_cast %swap3A_386 : vector<16xi32> to vector<16xi32>
        %swap3A_388 = vector.shape_cast %shift_right_logical3A_384 : vector<16xi32> to vector<16xi32>
        tpu.vector_store %arg22[%swap3A_385], %swap3A_388 {strides = array<i32>} : memref<64xi32, #tpu.memory_space<vmem>>, vector<16xi32>,
        %add3A_389 = arith.constant 16 : i32
        %add3A_390 = arith.addi %mul3A_353, %add3A_389 : i32
        %get3A_391 = arith.index_cast %select_n3A : i32 to index
        %get3A_392 = arith.index_cast %add3A_390 : i32 to index
        %get3A_393 = tpu.vector_load %arg6[%get3A_391, %get3A_392] {strides = array<i32>} : memref<64x128xi32, #tpu.memory_space<vmem>>, vector<1x16xi32>,
        %get3A_394 = vector.shape_cast %get3A_393 : vector<1x16xi32> to vector<16xi32>
        %and3A_395 = arith.constant 8191 : i32
        %and3A_396 = vector.broadcast %and3A_395 : i32 to vector<16xi32>
        %and3A_397 = arith.andi %get3A_394, %and3A_396 : vector<16xi32>
        %add3A_398 = vector.broadcast %mul3A_0 : i32 to vector<16xi32>
        %add3A_399 = arith.addi %and3A_397, %add3A_398 : vector<16xi32>
        %swap3A_400 = arith.constant 16 : index
        %swap3A_401 = tpu.vector_load %arg14[%swap3A_400] {strides = array<i32>} : memref<64xi32, #tpu.memory_space<vmem>>, vector<16xi32>,
        %swap3A_402 = vector.shape_cast %swap3A_401 : vector<16xi32> to vector<16xi32>
        %swap3A_403 = vector.shape_cast %add3A_399 : vector<16xi32> to vector<16xi32>
        tpu.vector_store %arg14[%swap3A_400], %swap3A_403 {strides = array<i32>} : memref<64xi32, #tpu.memory_space<vmem>>, vector<16xi32>,
        %shift_right_logical3A_404 = arith.constant 13 : i32
        %shift_right_logical3A_405 = vector.broadcast %shift_right_logical3A_404 : i32 to vector<16xi32>
        %shift_right_logical3A_406 = arith.shrui %get3A_394, %shift_right_logical3A_405 : vector<16xi32>
        %and3A_407 = arith.constant 63 : i32
        %and3A_408 = vector.broadcast %and3A_407 : i32 to vector<16xi32>
        %and3A_409 = arith.andi %shift_right_logical3A_406, %and3A_408 : vector<16xi32>
        %add3A_410 = arith.constant 0 : i32
        %add3A_411 = vector.broadcast %add3A_410 : i32 to vector<16xi32>
        %add3A_412 = arith.addi %and3A_409, %add3A_411 : vector<16xi32>
        %swap3A_413 = arith.constant 16 : index
        %swap3A_414 = tpu.vector_load %arg18[%swap3A_413] {strides = array<i32>} : memref<64xi32, #tpu.memory_space<vmem>>, vector<16xi32>,
        %swap3A_415 = vector.shape_cast %swap3A_414 : vector<16xi32> to vector<16xi32>
        %swap3A_416 = vector.shape_cast %add3A_412 : vector<16xi32> to vector<16xi32>
        tpu.vector_store %arg18[%swap3A_413], %swap3A_416 {strides = array<i32>} : memref<64xi32, #tpu.memory_space<vmem>>, vector<16xi32>,
        %shift_right_logical3A_417 = arith.constant 19 : i32
        %shift_right_logical3A_418 = vector.broadcast %shift_right_logical3A_417 : i32 to vector<16xi32>
        %shift_right_logical3A_419 = arith.shrui %get3A_394, %shift_right_logical3A_418 : vector<16xi32>
        %swap3A_420 = arith.constant 16 : index
        %swap3A_421 = tpu.vector_load %arg22[%swap3A_420] {strides = array<i32>} : memref<64xi32, #tpu.memory_space<vmem>>, vector<16xi32>,
        %swap3A_422 = vector.shape_cast %swap3A_421 : vector<16xi32> to vector<16xi32>
        %swap3A_423 = vector.shape_cast %shift_right_logical3A_419 : vector<16xi32> to vector<16xi32>
        tpu.vector_store %arg22[%swap3A_420], %swap3A_423 {strides = array<i32>} : memref<64xi32, #tpu.memory_space<vmem>>, vector<16xi32>,
        %add3A_424 = arith.constant 32 : i32
        %add3A_425 = arith.addi %mul3A_353, %add3A_424 : i32
        %get3A_426 = arith.index_cast %select_n3A : i32 to index
        %get3A_427 = arith.index_cast %add3A_425 : i32 to index
        %get3A_428 = tpu.vector_load %arg6[%get3A_426, %get3A_427] {strides = array<i32>} : memref<64x128xi32, #tpu.memory_space<vmem>>, vector<1x16xi32>,
        %get3A_429 = vector.shape_cast %get3A_428 : vector<1x16xi32> to vector<16xi32>
        %and3A_430 = arith.constant 8191 : i32
        %and3A_431 = vector.broadcast %and3A_430 : i32 to vector<16xi32>
        %and3A_432 = arith.andi %get3A_429, %and3A_431 : vector<16xi32>
        %add3A_433 = vector.broadcast %mul3A_0 : i32 to vector<16xi32>
        %add3A_434 = arith.addi %and3A_432, %add3A_433 : vector<16xi32>
        %swap3A_435 = arith.constant 32 : index
        %swap3A_436 = tpu.vector_load %arg14[%swap3A_435] {strides = array<i32>} : memref<64xi32, #tpu.memory_space<vmem>>, vector<16xi32>,
        %swap3A_437 = vector.shape_cast %swap3A_436 : vector<16xi32> to vector<16xi32>
        %swap3A_438 = vector.shape_cast %add3A_434 : vector<16xi32> to vector<16xi32>
        tpu.vector_store %arg14[%swap3A_435], %swap3A_438 {strides = array<i32>} : memref<64xi32, #tpu.memory_space<vmem>>, vector<16xi32>,
        %shift_right_logical3A_439 = arith.constant 13 : i32
        %shift_right_logical3A_440 = vector.broadcast %shift_right_logical3A_439 : i32 to vector<16xi32>
        %shift_right_logical3A_441 = arith.shrui %get3A_429, %shift_right_logical3A_440 : vector<16xi32>
        %and3A_442 = arith.constant 63 : i32
        %and3A_443 = vector.broadcast %and3A_442 : i32 to vector<16xi32>
        %and3A_444 = arith.andi %shift_right_logical3A_441, %and3A_443 : vector<16xi32>
        %add3A_445 = arith.constant 0 : i32
        %add3A_446 = vector.broadcast %add3A_445 : i32 to vector<16xi32>
        %add3A_447 = arith.addi %and3A_444, %add3A_446 : vector<16xi32>
        %swap3A_448 = arith.constant 32 : index
        %swap3A_449 = tpu.vector_load %arg18[%swap3A_448] {strides = array<i32>} : memref<64xi32, #tpu.memory_space<vmem>>, vector<16xi32>,
        %swap3A_450 = vector.shape_cast %swap3A_449 : vector<16xi32> to vector<16xi32>
        %swap3A_451 = vector.shape_cast %add3A_447 : vector<16xi32> to vector<16xi32>
        tpu.vector_store %arg18[%swap3A_448], %swap3A_451 {strides = array<i32>} : memref<64xi32, #tpu.memory_space<vmem>>, vector<16xi32>,
        %shift_right_logical3A_452 = arith.constant 19 : i32
        %shift_right_logical3A_453 = vector.broadcast %shift_right_logical3A_452 : i32 to vector<16xi32>
        %shift_right_logical3A_454 = arith.shrui %get3A_429, %shift_right_logical3A_453 : vector<16xi32>
        %swap3A_455 = arith.constant 32 : index
        %swap3A_456 = tpu.vector_load %arg22[%swap3A_455] {strides = array<i32>} : memref<64xi32, #tpu.memory_space<vmem>>, vector<16xi32>,
        %swap3A_457 = vector.shape_cast %swap3A_456 : vector<16xi32> to vector<16xi32>
        %swap3A_458 = vector.shape_cast %shift_right_logical3A_454 : vector<16xi32> to vector<16xi32>
        tpu.vector_store %arg22[%swap3A_455], %swap3A_458 {strides = array<i32>} : memref<64xi32, #tpu.memory_space<vmem>>, vector<16xi32>,
        %add3A_459 = arith.constant 48 : i32
        %add3A_460 = arith.addi %mul3A_353, %add3A_459 : i32
        %get3A_461 = arith.index_cast %select_n3A : i32 to index
        %get3A_462 = arith.index_cast %add3A_460 : i32 to index
        %get3A_463 = tpu.vector_load %arg6[%get3A_461, %get3A_462] {strides = array<i32>} : memref<64x128xi32, #tpu.memory_space<vmem>>, vector<1x16xi32>,
        %get3A_464 = vector.shape_cast %get3A_463 : vector<1x16xi32> to vector<16xi32>
        %and3A_465 = arith.constant 8191 : i32
        %and3A_466 = vector.broadcast %and3A_465 : i32 to vector<16xi32>
        %and3A_467 = arith.andi %get3A_464, %and3A_466 : vector<16xi32>
        %add3A_468 = vector.broadcast %mul3A_0 : i32 to vector<16xi32>
        %add3A_469 = arith.addi %and3A_467, %add3A_468 : vector<16xi32>
        %swap3A_470 = arith.constant 48 : index
        %swap3A_471 = tpu.vector_load %arg14[%swap3A_470] {strides = array<i32>} : memref<64xi32, #tpu.memory_space<vmem>>, vector<16xi32>,
        %swap3A_472 = vector.shape_cast %swap3A_471 : vector<16xi32> to vector<16xi32>
        %swap3A_473 = vector.shape_cast %add3A_469 : vector<16xi32> to vector<16xi32>
        tpu.vector_store %arg14[%swap3A_470], %swap3A_473 {strides = array<i32>} : memref<64xi32, #tpu.memory_space<vmem>>, vector<16xi32>,
        %shift_right_logical3A_474 = arith.constant 13 : i32
        %shift_right_logical3A_475 = vector.broadcast %shift_right_logical3A_474 : i32 to vector<16xi32>
        %shift_right_logical3A_476 = arith.shrui %get3A_464, %shift_right_logical3A_475 : vector<16xi32>
        %and3A_477 = arith.constant 63 : i32
        %and3A_478 = vector.broadcast %and3A_477 : i32 to vector<16xi32>
        %and3A_479 = arith.andi %shift_right_logical3A_476, %and3A_478 : vector<16xi32>
        %add3A_480 = arith.constant 0 : i32
        %add3A_481 = vector.broadcast %add3A_480 : i32 to vector<16xi32>
        %add3A_482 = arith.addi %and3A_479, %add3A_481 : vector<16xi32>
        %swap3A_483 = arith.constant 48 : index
        %swap3A_484 = tpu.vector_load %arg18[%swap3A_483] {strides = array<i32>} : memref<64xi32, #tpu.memory_space<vmem>>, vector<16xi32>,
        %swap3A_485 = vector.shape_cast %swap3A_484 : vector<16xi32> to vector<16xi32>
        %swap3A_486 = vector.shape_cast %add3A_482 : vector<16xi32> to vector<16xi32>
        tpu.vector_store %arg18[%swap3A_483], %swap3A_486 {strides = array<i32>} : memref<64xi32, #tpu.memory_space<vmem>>, vector<16xi32>,
        %shift_right_logical3A_487 = arith.constant 19 : i32
        %shift_right_logical3A_488 = vector.broadcast %shift_right_logical3A_487 : i32 to vector<16xi32>
        %shift_right_logical3A_489 = arith.shrui %get3A_464, %shift_right_logical3A_488 : vector<16xi32>
        %swap3A_490 = arith.constant 48 : index
        %swap3A_491 = tpu.vector_load %arg22[%swap3A_490] {strides = array<i32>} : memref<64xi32, #tpu.memory_space<vmem>>, vector<16xi32>,
        %swap3A_492 = vector.shape_cast %swap3A_491 : vector<16xi32> to vector<16xi32>
        %swap3A_493 = vector.shape_cast %shift_right_logical3A_489 : vector<16xi32> to vector<16xi32>
        tpu.vector_store %arg22[%swap3A_490], %swap3A_493 {strides = array<i32>} : memref<64xi32, #tpu.memory_space<vmem>>, vector<16xi32>,
        %dma_start3A_494 = arith.constant 0 : i32
        %dma_start3A_495 = arith.constant 0 : i32
        %dma_start3A_496 = tpu.memref_slice %arg2[%dma_start3A_494, %dma_start3A_495] : memref<16384x128xf32, #tpu.memory_space<hbm>> -> memref<16384x128xf32, #tpu.memory_space<hbm>>
        tpu.enqueue_indirect_dma source(%dma_start3A_496 : memref<16384x128xf32, #tpu.memory_space<hbm>>) target(%arg8 : memref<64x128xf32, #tpu.memory_space<vmem>>) offsets(%arg14 : memref<64xi32, #tpu.memory_space<vmem>>) semaphore(%arg28 : memref<!tpu.dma_semaphore, #tpu.memory_space<semaphore_mem>>)
        %dma_start3A_497 = arith.constant 0 : i32
        %dma_start3A_498 = arith.constant 0 : i32
        %dma_start3A_499 = tpu.memref_slice %arg26[%dma_start3A_497, %dma_start3A_498] : memref<64x128xf32, #tpu.memory_space<vmem_shared>> -> memref<64x128xf32, #tpu.memory_space<vmem_shared>>
        tpu.enqueue_indirect_dma source(%dma_start3A_499 : memref<64x128xf32, #tpu.memory_space<vmem_shared>>) target(%arg12 : memref<64x128xf32, #tpu.memory_space<vmem>>) offsets(%arg18 : memref<64xi32, #tpu.memory_space<vmem>>) semaphore(%arg30 : memref<!tpu.dma_semaphore, #tpu.memory_space<semaphore_mem>>)
      } else {
      }
      %dma_wait3A_213 = arith.constant 0 : i32
      %dma_wait3A_214 = arith.constant 0 : i32
      %dma_wait3A_215 = tpu.memref_slice %arg2[%dma_wait3A_213, %dma_wait3A_214] : memref<16384x128xf32, #tpu.memory_space<hbm>> -> memref<16384x128xf32, #tpu.memory_space<hbm>>
      tpu.wait_indirect_dma semaphore(%arg27 : memref<!tpu.dma_semaphore, #tpu.memory_space<semaphore_mem>>) src(%dma_wait3A_215 : memref<16384x128xf32, #tpu.memory_space<hbm>>) dst(%arg7 : memref<64x128xf32, #tpu.memory_space<vmem>>)
      %dma_wait3A_216 = arith.constant 0 : i32
      %dma_wait3A_217 = arith.constant 0 : i32
      %dma_wait3A_218 = tpu.memref_slice %arg26[%dma_wait3A_216, %dma_wait3A_217] : memref<64x128xf32, #tpu.memory_space<vmem_shared>> -> memref<64x128xf32, #tpu.memory_space<vmem_shared>>
      tpu.wait_indirect_dma semaphore(%arg29 : memref<!tpu.dma_semaphore, #tpu.memory_space<semaphore_mem>>) src(%dma_wait3A_218 : memref<64x128xf32, #tpu.memory_space<vmem_shared>>) dst(%arg11 : memref<64x128xf32, #tpu.memory_space<vmem>>)
      %scan3A_219 = arith.constant 0 : i32
      %scan3A_220 = arith.constant 64 : i32
      %scan3A_221 = arith.addi %scan3A_219, %scan3A_220 : i32
      %scan3A_222 = arith.constant 1 : i32
      scf.for %scan3A_317 = %scan3A_219 to %scan3A_221 step %scan3A_222  : i32 {
        %get3A_318 = arith.index_cast %scan3A_317 : i32 to index
        %get3A_319 = arith.constant 0 : index
        %get3A_320 = tpu.vector_load %arg7[%get3A_318, %get3A_319] {strides = array<i32>} : memref<64x128xf32, #tpu.memory_space<vmem>>, vector<1x16xf32>,
        %get3A_321 = vector.shape_cast %get3A_320 : vector<1x16xf32> to vector<16xf32>
        %get3A_322 = arith.index_cast %scan3A_317 : i32 to index
        %get3A_323 = arith.constant 0 : index
        %get3A_324 = tpu.vector_load %arg11[%get3A_322, %get3A_323] {strides = array<i32>} : memref<64x128xf32, #tpu.memory_space<vmem>>, vector<1x16xf32>,
        %get3A_325 = vector.shape_cast %get3A_324 : vector<1x16xf32> to vector<16xf32>
        %add3A_326 = arith.addf %get3A_321, %get3A_325 : vector<16xf32>
        %max3A = arith.constant 0.000000e+00 : f32
        %max3A_327 = vector.broadcast %max3A : f32 to vector<16xf32>
        %max3A_328 = arith.maximumf %add3A_326, %max3A_327 : vector<16xf32>
        %swap3A_329 = arith.index_cast %scan3A_317 : i32 to index
        %swap3A_330 = arith.constant 0 : index
        %swap3A_331 = tpu.vector_load %arg7[%swap3A_329, %swap3A_330] {strides = array<i32>} : memref<64x128xf32, #tpu.memory_space<vmem>>, vector<1x16xf32>,
        %swap3A_332 = vector.shape_cast %swap3A_331 : vector<1x16xf32> to vector<16xf32>
        %swap3A_333 = vector.shape_cast %max3A_328 : vector<16xf32> to vector<1x16xf32>
        tpu.vector_store %arg7[%swap3A_329, %swap3A_330], %swap3A_333 {strides = array<i32>} : memref<64x128xf32, #tpu.memory_space<vmem>>, vector<1x16xf32>,
        %get3A_334 = arith.index_cast %scan3A_317 : i32 to index
        %get3A_335 = arith.constant 16 : index
        %get3A_336 = tpu.vector_load %arg7[%get3A_334, %get3A_335] {strides = array<i32>} : memref<64x128xf32, #tpu.memory_space<vmem>>, vector<1x16xf32>,
        %get3A_337 = vector.shape_cast %get3A_336 : vector<1x16xf32> to vector<16xf32>
        %get3A_338 = arith.index_cast %scan3A_317 : i32 to index
        %get3A_339 = arith.constant 16 : index
        %get3A_340 = tpu.vector_load %arg11[%get3A_338, %get3A_339] {strides = array<i32>} : memref<64x128xf32, #tpu.memory_space<vmem>>, vector<1x16xf32>,
        %get3A_341 = vector.shape_cast %get3A_340 : vector<1x16xf32> to vector<16xf32>
        %add3A_342 = arith.addf %get3A_337, %get3A_341 : vector<16xf32>
        %max3A_343 = arith.constant 0.000000e+00 : f32
        %max3A_344 = vector.broadcast %max3A_343 : f32 to vector<16xf32>
        %max3A_345 = arith.maximumf %add3A_342, %max3A_344 : vector<16xf32>
        %swap3A_346 = arith.index_cast %scan3A_317 : i32 to index
        %swap3A_347 = arith.constant 16 : index
        %swap3A_348 = tpu.vector_load %arg7[%swap3A_346, %swap3A_347] {strides = array<i32>} : memref<64x128xf32, #tpu.memory_space<vmem>>, vector<1x16xf32>,
        %swap3A_349 = vector.shape_cast %swap3A_348 : vector<1x16xf32> to vector<16xf32>
        %swap3A_350 = vector.shape_cast %max3A_345 : vector<16xf32> to vector<1x16xf32>
        tpu.vector_store %arg7[%swap3A_346, %swap3A_347], %swap3A_350 {strides = array<i32>} : memref<64x128xf32, #tpu.memory_space<vmem>>, vector<1x16xf32>,
        %get3A_351 = arith.index_cast %scan3A_317 : i32 to index
        %get3A_352 = arith.constant 32 : index
        %get3A_353 = tpu.vector_load %arg7[%get3A_351, %get3A_352] {strides = array<i32>} : memref<64x128xf32, #tpu.memory_space<vmem>>, vector<1x16xf32>,
        %get3A_354 = vector.shape_cast %get3A_353 : vector<1x16xf32> to vector<16xf32>
        %get3A_355 = arith.index_cast %scan3A_317 : i32 to index
        %get3A_356 = arith.constant 32 : index
        %get3A_357 = tpu.vector_load %arg11[%get3A_355, %get3A_356] {strides = array<i32>} : memref<64x128xf32, #tpu.memory_space<vmem>>, vector<1x16xf32>,
        %get3A_358 = vector.shape_cast %get3A_357 : vector<1x16xf32> to vector<16xf32>
        %add3A_359 = arith.addf %get3A_354, %get3A_358 : vector<16xf32>
        %max3A_360 = arith.constant 0.000000e+00 : f32
        %max3A_361 = vector.broadcast %max3A_360 : f32 to vector<16xf32>
        %max3A_362 = arith.maximumf %add3A_359, %max3A_361 : vector<16xf32>
        %swap3A_363 = arith.index_cast %scan3A_317 : i32 to index
        %swap3A_364 = arith.constant 32 : index
        %swap3A_365 = tpu.vector_load %arg7[%swap3A_363, %swap3A_364] {strides = array<i32>} : memref<64x128xf32, #tpu.memory_space<vmem>>, vector<1x16xf32>,
        %swap3A_366 = vector.shape_cast %swap3A_365 : vector<1x16xf32> to vector<16xf32>
        %swap3A_367 = vector.shape_cast %max3A_362 : vector<16xf32> to vector<1x16xf32>
        tpu.vector_store %arg7[%swap3A_363, %swap3A_364], %swap3A_367 {strides = array<i32>} : memref<64x128xf32, #tpu.memory_space<vmem>>, vector<1x16xf32>,
        %get3A_368 = arith.index_cast %scan3A_317 : i32 to index
        %get3A_369 = arith.constant 48 : index
        %get3A_370 = tpu.vector_load %arg7[%get3A_368, %get3A_369] {strides = array<i32>} : memref<64x128xf32, #tpu.memory_space<vmem>>, vector<1x16xf32>,
        %get3A_371 = vector.shape_cast %get3A_370 : vector<1x16xf32> to vector<16xf32>
        %get3A_372 = arith.index_cast %scan3A_317 : i32 to index
        %get3A_373 = arith.constant 48 : index
        %get3A_374 = tpu.vector_load %arg11[%get3A_372, %get3A_373] {strides = array<i32>} : memref<64x128xf32, #tpu.memory_space<vmem>>, vector<1x16xf32>,
        %get3A_375 = vector.shape_cast %get3A_374 : vector<1x16xf32> to vector<16xf32>
        %add3A_376 = arith.addf %get3A_371, %get3A_375 : vector<16xf32>
        %max3A_377 = arith.constant 0.000000e+00 : f32
        %max3A_378 = vector.broadcast %max3A_377 : f32 to vector<16xf32>
        %max3A_379 = arith.maximumf %add3A_376, %max3A_378 : vector<16xf32>
        %swap3A_380 = arith.index_cast %scan3A_317 : i32 to index
        %swap3A_381 = arith.constant 48 : index
        %swap3A_382 = tpu.vector_load %arg7[%swap3A_380, %swap3A_381] {strides = array<i32>} : memref<64x128xf32, #tpu.memory_space<vmem>>, vector<1x16xf32>,
        %swap3A_383 = vector.shape_cast %swap3A_382 : vector<1x16xf32> to vector<16xf32>
        %swap3A_384 = vector.shape_cast %max3A_379 : vector<16xf32> to vector<1x16xf32>
        tpu.vector_store %arg7[%swap3A_380, %swap3A_381], %swap3A_384 {strides = array<i32>} : memref<64x128xf32, #tpu.memory_space<vmem>>, vector<1x16xf32>,
        %get3A_385 = arith.index_cast %scan3A_317 : i32 to index
        %get3A_386 = arith.constant 64 : index
        %get3A_387 = tpu.vector_load %arg7[%get3A_385, %get3A_386] {strides = array<i32>} : memref<64x128xf32, #tpu.memory_space<vmem>>, vector<1x16xf32>,
        %get3A_388 = vector.shape_cast %get3A_387 : vector<1x16xf32> to vector<16xf32>
        %get3A_389 = arith.index_cast %scan3A_317 : i32 to index
        %get3A_390 = arith.constant 64 : index
        %get3A_391 = tpu.vector_load %arg11[%get3A_389, %get3A_390] {strides = array<i32>} : memref<64x128xf32, #tpu.memory_space<vmem>>, vector<1x16xf32>,
        %get3A_392 = vector.shape_cast %get3A_391 : vector<1x16xf32> to vector<16xf32>
        %add3A_393 = arith.addf %get3A_388, %get3A_392 : vector<16xf32>
        %max3A_394 = arith.constant 0.000000e+00 : f32
        %max3A_395 = vector.broadcast %max3A_394 : f32 to vector<16xf32>
        %max3A_396 = arith.maximumf %add3A_393, %max3A_395 : vector<16xf32>
        %swap3A_397 = arith.index_cast %scan3A_317 : i32 to index
        %swap3A_398 = arith.constant 64 : index
        %swap3A_399 = tpu.vector_load %arg7[%swap3A_397, %swap3A_398] {strides = array<i32>} : memref<64x128xf32, #tpu.memory_space<vmem>>, vector<1x16xf32>,
        %swap3A_400 = vector.shape_cast %swap3A_399 : vector<1x16xf32> to vector<16xf32>
        %swap3A_401 = vector.shape_cast %max3A_396 : vector<16xf32> to vector<1x16xf32>
        tpu.vector_store %arg7[%swap3A_397, %swap3A_398], %swap3A_401 {strides = array<i32>} : memref<64x128xf32, #tpu.memory_space<vmem>>, vector<1x16xf32>,
        %get3A_402 = arith.index_cast %scan3A_317 : i32 to index
        %get3A_403 = arith.constant 80 : index
        %get3A_404 = tpu.vector_load %arg7[%get3A_402, %get3A_403] {strides = array<i32>} : memref<64x128xf32, #tpu.memory_space<vmem>>, vector<1x16xf32>,
        %get3A_405 = vector.shape_cast %get3A_404 : vector<1x16xf32> to vector<16xf32>
        %get3A_406 = arith.index_cast %scan3A_317 : i32 to index
        %get3A_407 = arith.constant 80 : index
        %get3A_408 = tpu.vector_load %arg11[%get3A_406, %get3A_407] {strides = array<i32>} : memref<64x128xf32, #tpu.memory_space<vmem>>, vector<1x16xf32>,
        %get3A_409 = vector.shape_cast %get3A_408 : vector<1x16xf32> to vector<16xf32>
        %add3A_410 = arith.addf %get3A_405, %get3A_409 : vector<16xf32>
        %max3A_411 = arith.constant 0.000000e+00 : f32
        %max3A_412 = vector.broadcast %max3A_411 : f32 to vector<16xf32>
        %max3A_413 = arith.maximumf %add3A_410, %max3A_412 : vector<16xf32>
        %swap3A_414 = arith.index_cast %scan3A_317 : i32 to index
        %swap3A_415 = arith.constant 80 : index
        %swap3A_416 = tpu.vector_load %arg7[%swap3A_414, %swap3A_415] {strides = array<i32>} : memref<64x128xf32, #tpu.memory_space<vmem>>, vector<1x16xf32>,
        %swap3A_417 = vector.shape_cast %swap3A_416 : vector<1x16xf32> to vector<16xf32>
        %swap3A_418 = vector.shape_cast %max3A_413 : vector<16xf32> to vector<1x16xf32>
        tpu.vector_store %arg7[%swap3A_414, %swap3A_415], %swap3A_418 {strides = array<i32>} : memref<64x128xf32, #tpu.memory_space<vmem>>, vector<1x16xf32>,
        %get3A_419 = arith.index_cast %scan3A_317 : i32 to index
        %get3A_420 = arith.constant 96 : index
        %get3A_421 = tpu.vector_load %arg7[%get3A_419, %get3A_420] {strides = array<i32>} : memref<64x128xf32, #tpu.memory_space<vmem>>, vector<1x16xf32>,
        %get3A_422 = vector.shape_cast %get3A_421 : vector<1x16xf32> to vector<16xf32>
        %get3A_423 = arith.index_cast %scan3A_317 : i32 to index
        %get3A_424 = arith.constant 96 : index
        %get3A_425 = tpu.vector_load %arg11[%get3A_423, %get3A_424] {strides = array<i32>} : memref<64x128xf32, #tpu.memory_space<vmem>>, vector<1x16xf32>,
        %get3A_426 = vector.shape_cast %get3A_425 : vector<1x16xf32> to vector<16xf32>
        %add3A_427 = arith.addf %get3A_422, %get3A_426 : vector<16xf32>
        %max3A_428 = arith.constant 0.000000e+00 : f32
        %max3A_429 = vector.broadcast %max3A_428 : f32 to vector<16xf32>
        %max3A_430 = arith.maximumf %add3A_427, %max3A_429 : vector<16xf32>
        %swap3A_431 = arith.index_cast %scan3A_317 : i32 to index
        %swap3A_432 = arith.constant 96 : index
        %swap3A_433 = tpu.vector_load %arg7[%swap3A_431, %swap3A_432] {strides = array<i32>} : memref<64x128xf32, #tpu.memory_space<vmem>>, vector<1x16xf32>,
        %swap3A_434 = vector.shape_cast %swap3A_433 : vector<1x16xf32> to vector<16xf32>
        %swap3A_435 = vector.shape_cast %max3A_430 : vector<16xf32> to vector<1x16xf32>
        tpu.vector_store %arg7[%swap3A_431, %swap3A_432], %swap3A_435 {strides = array<i32>} : memref<64x128xf32, #tpu.memory_space<vmem>>, vector<1x16xf32>,
        %get3A_436 = arith.index_cast %scan3A_317 : i32 to index
        %get3A_437 = arith.constant 112 : index
        %get3A_438 = tpu.vector_load %arg7[%get3A_436, %get3A_437] {strides = array<i32>} : memref<64x128xf32, #tpu.memory_space<vmem>>, vector<1x16xf32>,
        %get3A_439 = vector.shape_cast %get3A_438 : vector<1x16xf32> to vector<16xf32>
        %get3A_440 = arith.index_cast %scan3A_317 : i32 to index
        %get3A_441 = arith.constant 112 : index
        %get3A_442 = tpu.vector_load %arg11[%get3A_440, %get3A_441] {strides = array<i32>} : memref<64x128xf32, #tpu.memory_space<vmem>>, vector<1x16xf32>,
        %get3A_443 = vector.shape_cast %get3A_442 : vector<1x16xf32> to vector<16xf32>
        %add3A_444 = arith.addf %get3A_439, %get3A_443 : vector<16xf32>
        %max3A_445 = arith.constant 0.000000e+00 : f32
        %max3A_446 = vector.broadcast %max3A_445 : f32 to vector<16xf32>
        %max3A_447 = arith.maximumf %add3A_444, %max3A_446 : vector<16xf32>
        %swap3A_448 = arith.index_cast %scan3A_317 : i32 to index
        %swap3A_449 = arith.constant 112 : index
        %swap3A_450 = tpu.vector_load %arg7[%swap3A_448, %swap3A_449] {strides = array<i32>} : memref<64x128xf32, #tpu.memory_space<vmem>>, vector<1x16xf32>,
        %swap3A_451 = vector.shape_cast %swap3A_450 : vector<1x16xf32> to vector<16xf32>
        %swap3A_452 = vector.shape_cast %max3A_447 : vector<16xf32> to vector<1x16xf32>
        tpu.vector_store %arg7[%swap3A_448, %swap3A_449], %swap3A_452 {strides = array<i32>} : memref<64x128xf32, #tpu.memory_space<vmem>>, vector<1x16xf32>,
      }
      %scan3A_223 = arith.constant 64 : i32
      %dma_start3A_224 = arith.constant 0 : i32
      %dma_start3A_225 = arith.constant 0 : i32
      %dma_start3A_226 = tpu.memref_slice %arg25[%dma_start3A_224, %dma_start3A_225] : memref<8192x128xf32, #tpu.memory_space<vmem_shared>> -> memref<8192x128xf32, #tpu.memory_space<vmem_shared>>
      tpu.enqueue_indirect_dma source(%arg7 : memref<64x128xf32, #tpu.memory_space<vmem>>) target(%dma_start3A_226 : memref<8192x128xf32, #tpu.memory_space<vmem_shared>>) offsets(%arg21 : memref<64xi32, #tpu.memory_space<vmem>>) semaphore(%arg31 : memref<!tpu.dma_semaphore, #tpu.memory_space<semaphore_mem>>) {add = true}
      %mul3A_227 = arith.constant 4 : i32
      %mul3A_228 = arith.muli %mul3A_227, %scan3A_198 : i32
      %add3A_229 = arith.constant 1 : i32
      %add3A_230 = arith.addi %mul3A_228, %add3A_229 : i32
      %ge3A_231 = arith.constant 3 : i32
      %ge3A_232 = arith.cmpi sge, %add3A_230, %ge3A_231 : i32
      %convert_element_type3A_233 = arith.extui %ge3A_232 : i1 to i32
      %cond3A_234 = arith.constant 0 : i32
      %cond3A_235 = arith.cmpi ne, %convert_element_type3A_233, %cond3A_234 : i32
      scf.if %cond3A_235 {
        %dma_wait3A_317 = arith.constant 0 : i32
        %dma_wait3A_318 = arith.constant 0 : i32
        %dma_wait3A_319 = tpu.memref_slice %arg25[%dma_wait3A_317, %dma_wait3A_318] : memref<8192x128xf32, #tpu.memory_space<vmem_shared>> -> memref<8192x128xf32, #tpu.memory_space<vmem_shared>>
        tpu.wait_indirect_dma semaphore(%arg33 : memref<!tpu.dma_semaphore, #tpu.memory_space<semaphore_mem>>) src(%arg9 : memref<64x128xf32, #tpu.memory_space<vmem>>) dst(%dma_wait3A_319 : memref<8192x128xf32, #tpu.memory_space<vmem_shared>>)
      } else {
      }
      %add3A_236 = arith.constant 1 : i32
      %add3A_237 = arith.addi %add3A_230, %add3A_236 : i32
      %lt3A_238 = arith.constant 128 : i32
      %lt3A_239 = arith.cmpi slt, %add3A_237, %lt3A_238 : i32
      %convert_element_type3A_240 = arith.extui %lt3A_239 : i1 to i32
      %cond3A_241 = arith.constant 0 : i32
      %cond3A_242 = arith.cmpi ne, %convert_element_type3A_240, %cond3A_241 : i32
      scf.if %cond3A_242 {
        %add3A_317 = arith.constant 1 : i32
        %add3A_318 = arith.addi %add3A_230, %add3A_317 : i32
        %jit3A = arith.constant 2 : i32
        %div3A = arith.divsi %add3A_318, %jit3A : i32
        %sign3A = arith.constant 0 : i32
        %sign3A_319 = arith.cmpi sgt, %add3A_318, %sign3A : i32
        %sign3A_320 = arith.extui %sign3A_319 : i1 to i32
        %sign3A_321 = arith.constant 0 : i32
        %sign3A_322 = arith.cmpi slt, %add3A_318, %sign3A_321 : i32
        %sign3A_323 = arith.extui %sign3A_322 : i1 to i32
        %sign3A_324 = arith.subi %sign3A_320, %sign3A_323 : i32
        %sign3A_325 = arith.constant 0 : i32
        %sign3A_326 = arith.cmpi sgt, %jit3A, %sign3A_325 : i32
        %sign3A_327 = arith.extui %sign3A_326 : i1 to i32
        %sign3A_328 = arith.constant 0 : i32
        %sign3A_329 = arith.cmpi slt, %jit3A, %sign3A_328 : i32
        %sign3A_330 = arith.extui %sign3A_329 : i1 to i32
        %sign3A_331 = arith.subi %sign3A_327, %sign3A_330 : i32
        %ne3A = arith.cmpi ne, %sign3A_324, %sign3A_331 : i32
        %rem3A = arith.remsi %add3A_318, %jit3A : i32
        %ne3A_332 = arith.constant 0 : i32
        %ne3A_333 = arith.cmpi ne, %rem3A, %ne3A_332 : i32
        %and3A_334 = arith.andi %ne3A, %ne3A_333 : i1
        %sub3A = arith.constant 1 : i32
        %sub3A_335 = arith.subi %div3A, %sub3A : i32
        %select_n3A = arith.select %and3A_334, %sub3A_335, %div3A : i32
        %jit3A_336 = arith.constant 2 : i32
        %eq3A_337 = arith.constant 0 : i32
        %eq3A_338 = arith.cmpi eq, %jit3A_336, %eq3A_337 : i32
        %jit3A_339 = arith.constant 1 : i32
        %select_n3A_340 = arith.select %eq3A_338, %jit3A_339, %jit3A_336 : i32
        %rem3A_341 = arith.remsi %add3A_318, %select_n3A_340 : i32
        %ne3A_342 = arith.constant 0 : i32
        %ne3A_343 = arith.cmpi ne, %rem3A_341, %ne3A_342 : i32
        %lt3A_344 = arith.constant 0 : i32
        %lt3A_345 = arith.cmpi slt, %rem3A_341, %lt3A_344 : i32
        %lt3A_346 = arith.constant 0 : i32
        %lt3A_347 = arith.cmpi slt, %select_n3A_340, %lt3A_346 : i32
        %ne3A_348 = arith.xori %lt3A_345, %lt3A_347 : i1
        %and3A_349 = arith.andi %ne3A_348, %ne3A_343 : i1
        %add3A_350 = arith.addi %rem3A_341, %select_n3A_340 : i32
        %select_n3A_351 = arith.select %and3A_349, %add3A_350, %rem3A_341 : i32
        %mul3A_352 = arith.constant 64 : i32
        %mul3A_353 = arith.muli %select_n3A_351, %mul3A_352 : i32
        %add3A_354 = arith.constant 0 : i32
        %add3A_355 = arith.addi %mul3A_353, %add3A_354 : i32
        %get3A_356 = arith.index_cast %select_n3A : i32 to index
        %get3A_357 = arith.index_cast %add3A_355 : i32 to index
        %get3A_358 = tpu.vector_load %arg6[%get3A_356, %get3A_357] {strides = array<i32>} : memref<64x128xi32, #tpu.memory_space<vmem>>, vector<1x16xi32>,
        %get3A_359 = vector.shape_cast %get3A_358 : vector<1x16xi32> to vector<16xi32>
        %and3A_360 = arith.constant 8191 : i32
        %and3A_361 = vector.broadcast %and3A_360 : i32 to vector<16xi32>
        %and3A_362 = arith.andi %get3A_359, %and3A_361 : vector<16xi32>
        %add3A_363 = vector.broadcast %mul3A_0 : i32 to vector<16xi32>
        %add3A_364 = arith.addi %and3A_362, %add3A_363 : vector<16xi32>
        %swap3A_365 = arith.constant 0 : index
        %swap3A_366 = tpu.vector_load %arg15[%swap3A_365] {strides = array<i32>} : memref<64xi32, #tpu.memory_space<vmem>>, vector<16xi32>,
        %swap3A_367 = vector.shape_cast %swap3A_366 : vector<16xi32> to vector<16xi32>
        %swap3A_368 = vector.shape_cast %add3A_364 : vector<16xi32> to vector<16xi32>
        tpu.vector_store %arg15[%swap3A_365], %swap3A_368 {strides = array<i32>} : memref<64xi32, #tpu.memory_space<vmem>>, vector<16xi32>,
        %shift_right_logical3A_369 = arith.constant 13 : i32
        %shift_right_logical3A_370 = vector.broadcast %shift_right_logical3A_369 : i32 to vector<16xi32>
        %shift_right_logical3A_371 = arith.shrui %get3A_359, %shift_right_logical3A_370 : vector<16xi32>
        %and3A_372 = arith.constant 63 : i32
        %and3A_373 = vector.broadcast %and3A_372 : i32 to vector<16xi32>
        %and3A_374 = arith.andi %shift_right_logical3A_371, %and3A_373 : vector<16xi32>
        %add3A_375 = arith.constant 0 : i32
        %add3A_376 = vector.broadcast %add3A_375 : i32 to vector<16xi32>
        %add3A_377 = arith.addi %and3A_374, %add3A_376 : vector<16xi32>
        %swap3A_378 = arith.constant 0 : index
        %swap3A_379 = tpu.vector_load %arg19[%swap3A_378] {strides = array<i32>} : memref<64xi32, #tpu.memory_space<vmem>>, vector<16xi32>,
        %swap3A_380 = vector.shape_cast %swap3A_379 : vector<16xi32> to vector<16xi32>
        %swap3A_381 = vector.shape_cast %add3A_377 : vector<16xi32> to vector<16xi32>
        tpu.vector_store %arg19[%swap3A_378], %swap3A_381 {strides = array<i32>} : memref<64xi32, #tpu.memory_space<vmem>>, vector<16xi32>,
        %shift_right_logical3A_382 = arith.constant 19 : i32
        %shift_right_logical3A_383 = vector.broadcast %shift_right_logical3A_382 : i32 to vector<16xi32>
        %shift_right_logical3A_384 = arith.shrui %get3A_359, %shift_right_logical3A_383 : vector<16xi32>
        %swap3A_385 = arith.constant 0 : index
        %swap3A_386 = tpu.vector_load %arg23[%swap3A_385] {strides = array<i32>} : memref<64xi32, #tpu.memory_space<vmem>>, vector<16xi32>,
        %swap3A_387 = vector.shape_cast %swap3A_386 : vector<16xi32> to vector<16xi32>
        %swap3A_388 = vector.shape_cast %shift_right_logical3A_384 : vector<16xi32> to vector<16xi32>
        tpu.vector_store %arg23[%swap3A_385], %swap3A_388 {strides = array<i32>} : memref<64xi32, #tpu.memory_space<vmem>>, vector<16xi32>,
        %add3A_389 = arith.constant 16 : i32
        %add3A_390 = arith.addi %mul3A_353, %add3A_389 : i32
        %get3A_391 = arith.index_cast %select_n3A : i32 to index
        %get3A_392 = arith.index_cast %add3A_390 : i32 to index
        %get3A_393 = tpu.vector_load %arg6[%get3A_391, %get3A_392] {strides = array<i32>} : memref<64x128xi32, #tpu.memory_space<vmem>>, vector<1x16xi32>,
        %get3A_394 = vector.shape_cast %get3A_393 : vector<1x16xi32> to vector<16xi32>
        %and3A_395 = arith.constant 8191 : i32
        %and3A_396 = vector.broadcast %and3A_395 : i32 to vector<16xi32>
        %and3A_397 = arith.andi %get3A_394, %and3A_396 : vector<16xi32>
        %add3A_398 = vector.broadcast %mul3A_0 : i32 to vector<16xi32>
        %add3A_399 = arith.addi %and3A_397, %add3A_398 : vector<16xi32>
        %swap3A_400 = arith.constant 16 : index
        %swap3A_401 = tpu.vector_load %arg15[%swap3A_400] {strides = array<i32>} : memref<64xi32, #tpu.memory_space<vmem>>, vector<16xi32>,
        %swap3A_402 = vector.shape_cast %swap3A_401 : vector<16xi32> to vector<16xi32>
        %swap3A_403 = vector.shape_cast %add3A_399 : vector<16xi32> to vector<16xi32>
        tpu.vector_store %arg15[%swap3A_400], %swap3A_403 {strides = array<i32>} : memref<64xi32, #tpu.memory_space<vmem>>, vector<16xi32>,
        %shift_right_logical3A_404 = arith.constant 13 : i32
        %shift_right_logical3A_405 = vector.broadcast %shift_right_logical3A_404 : i32 to vector<16xi32>
        %shift_right_logical3A_406 = arith.shrui %get3A_394, %shift_right_logical3A_405 : vector<16xi32>
        %and3A_407 = arith.constant 63 : i32
        %and3A_408 = vector.broadcast %and3A_407 : i32 to vector<16xi32>
        %and3A_409 = arith.andi %shift_right_logical3A_406, %and3A_408 : vector<16xi32>
        %add3A_410 = arith.constant 0 : i32
        %add3A_411 = vector.broadcast %add3A_410 : i32 to vector<16xi32>
        %add3A_412 = arith.addi %and3A_409, %add3A_411 : vector<16xi32>
        %swap3A_413 = arith.constant 16 : index
        %swap3A_414 = tpu.vector_load %arg19[%swap3A_413] {strides = array<i32>} : memref<64xi32, #tpu.memory_space<vmem>>, vector<16xi32>,
        %swap3A_415 = vector.shape_cast %swap3A_414 : vector<16xi32> to vector<16xi32>
        %swap3A_416 = vector.shape_cast %add3A_412 : vector<16xi32> to vector<16xi32>
        tpu.vector_store %arg19[%swap3A_413], %swap3A_416 {strides = array<i32>} : memref<64xi32, #tpu.memory_space<vmem>>, vector<16xi32>,
        %shift_right_logical3A_417 = arith.constant 19 : i32
        %shift_right_logical3A_418 = vector.broadcast %shift_right_logical3A_417 : i32 to vector<16xi32>
        %shift_right_logical3A_419 = arith.shrui %get3A_394, %shift_right_logical3A_418 : vector<16xi32>
        %swap3A_420 = arith.constant 16 : index
        %swap3A_421 = tpu.vector_load %arg23[%swap3A_420] {strides = array<i32>} : memref<64xi32, #tpu.memory_space<vmem>>, vector<16xi32>,
        %swap3A_422 = vector.shape_cast %swap3A_421 : vector<16xi32> to vector<16xi32>
        %swap3A_423 = vector.shape_cast %shift_right_logical3A_419 : vector<16xi32> to vector<16xi32>
        tpu.vector_store %arg23[%swap3A_420], %swap3A_423 {strides = array<i32>} : memref<64xi32, #tpu.memory_space<vmem>>, vector<16xi32>,
        %add3A_424 = arith.constant 32 : i32
        %add3A_425 = arith.addi %mul3A_353, %add3A_424 : i32
        %get3A_426 = arith.index_cast %select_n3A : i32 to index
        %get3A_427 = arith.index_cast %add3A_425 : i32 to index
        %get3A_428 = tpu.vector_load %arg6[%get3A_426, %get3A_427] {strides = array<i32>} : memref<64x128xi32, #tpu.memory_space<vmem>>, vector<1x16xi32>,
        %get3A_429 = vector.shape_cast %get3A_428 : vector<1x16xi32> to vector<16xi32>
        %and3A_430 = arith.constant 8191 : i32
        %and3A_431 = vector.broadcast %and3A_430 : i32 to vector<16xi32>
        %and3A_432 = arith.andi %get3A_429, %and3A_431 : vector<16xi32>
        %add3A_433 = vector.broadcast %mul3A_0 : i32 to vector<16xi32>
        %add3A_434 = arith.addi %and3A_432, %add3A_433 : vector<16xi32>
        %swap3A_435 = arith.constant 32 : index
        %swap3A_436 = tpu.vector_load %arg15[%swap3A_435] {strides = array<i32>} : memref<64xi32, #tpu.memory_space<vmem>>, vector<16xi32>,
        %swap3A_437 = vector.shape_cast %swap3A_436 : vector<16xi32> to vector<16xi32>
        %swap3A_438 = vector.shape_cast %add3A_434 : vector<16xi32> to vector<16xi32>
        tpu.vector_store %arg15[%swap3A_435], %swap3A_438 {strides = array<i32>} : memref<64xi32, #tpu.memory_space<vmem>>, vector<16xi32>,
        %shift_right_logical3A_439 = arith.constant 13 : i32
        %shift_right_logical3A_440 = vector.broadcast %shift_right_logical3A_439 : i32 to vector<16xi32>
        %shift_right_logical3A_441 = arith.shrui %get3A_429, %shift_right_logical3A_440 : vector<16xi32>
        %and3A_442 = arith.constant 63 : i32
        %and3A_443 = vector.broadcast %and3A_442 : i32 to vector<16xi32>
        %and3A_444 = arith.andi %shift_right_logical3A_441, %and3A_443 : vector<16xi32>
        %add3A_445 = arith.constant 0 : i32
        %add3A_446 = vector.broadcast %add3A_445 : i32 to vector<16xi32>
        %add3A_447 = arith.addi %and3A_444, %add3A_446 : vector<16xi32>
        %swap3A_448 = arith.constant 32 : index
        %swap3A_449 = tpu.vector_load %arg19[%swap3A_448] {strides = array<i32>} : memref<64xi32, #tpu.memory_space<vmem>>, vector<16xi32>,
        %swap3A_450 = vector.shape_cast %swap3A_449 : vector<16xi32> to vector<16xi32>
        %swap3A_451 = vector.shape_cast %add3A_447 : vector<16xi32> to vector<16xi32>
        tpu.vector_store %arg19[%swap3A_448], %swap3A_451 {strides = array<i32>} : memref<64xi32, #tpu.memory_space<vmem>>, vector<16xi32>,
        %shift_right_logical3A_452 = arith.constant 19 : i32
        %shift_right_logical3A_453 = vector.broadcast %shift_right_logical3A_452 : i32 to vector<16xi32>
        %shift_right_logical3A_454 = arith.shrui %get3A_429, %shift_right_logical3A_453 : vector<16xi32>
        %swap3A_455 = arith.constant 32 : index
        %swap3A_456 = tpu.vector_load %arg23[%swap3A_455] {strides = array<i32>} : memref<64xi32, #tpu.memory_space<vmem>>, vector<16xi32>,
        %swap3A_457 = vector.shape_cast %swap3A_456 : vector<16xi32> to vector<16xi32>
        %swap3A_458 = vector.shape_cast %shift_right_logical3A_454 : vector<16xi32> to vector<16xi32>
        tpu.vector_store %arg23[%swap3A_455], %swap3A_458 {strides = array<i32>} : memref<64xi32, #tpu.memory_space<vmem>>, vector<16xi32>,
        %add3A_459 = arith.constant 48 : i32
        %add3A_460 = arith.addi %mul3A_353, %add3A_459 : i32
        %get3A_461 = arith.index_cast %select_n3A : i32 to index
        %get3A_462 = arith.index_cast %add3A_460 : i32 to index
        %get3A_463 = tpu.vector_load %arg6[%get3A_461, %get3A_462] {strides = array<i32>} : memref<64x128xi32, #tpu.memory_space<vmem>>, vector<1x16xi32>,
        %get3A_464 = vector.shape_cast %get3A_463 : vector<1x16xi32> to vector<16xi32>
        %and3A_465 = arith.constant 8191 : i32
        %and3A_466 = vector.broadcast %and3A_465 : i32 to vector<16xi32>
        %and3A_467 = arith.andi %get3A_464, %and3A_466 : vector<16xi32>
        %add3A_468 = vector.broadcast %mul3A_0 : i32 to vector<16xi32>
        %add3A_469 = arith.addi %and3A_467, %add3A_468 : vector<16xi32>
        %swap3A_470 = arith.constant 48 : index
        %swap3A_471 = tpu.vector_load %arg15[%swap3A_470] {strides = array<i32>} : memref<64xi32, #tpu.memory_space<vmem>>, vector<16xi32>,
        %swap3A_472 = vector.shape_cast %swap3A_471 : vector<16xi32> to vector<16xi32>
        %swap3A_473 = vector.shape_cast %add3A_469 : vector<16xi32> to vector<16xi32>
        tpu.vector_store %arg15[%swap3A_470], %swap3A_473 {strides = array<i32>} : memref<64xi32, #tpu.memory_space<vmem>>, vector<16xi32>,
        %shift_right_logical3A_474 = arith.constant 13 : i32
        %shift_right_logical3A_475 = vector.broadcast %shift_right_logical3A_474 : i32 to vector<16xi32>
        %shift_right_logical3A_476 = arith.shrui %get3A_464, %shift_right_logical3A_475 : vector<16xi32>
        %and3A_477 = arith.constant 63 : i32
        %and3A_478 = vector.broadcast %and3A_477 : i32 to vector<16xi32>
        %and3A_479 = arith.andi %shift_right_logical3A_476, %and3A_478 : vector<16xi32>
        %add3A_480 = arith.constant 0 : i32
        %add3A_481 = vector.broadcast %add3A_480 : i32 to vector<16xi32>
        %add3A_482 = arith.addi %and3A_479, %add3A_481 : vector<16xi32>
        %swap3A_483 = arith.constant 48 : index
        %swap3A_484 = tpu.vector_load %arg19[%swap3A_483] {strides = array<i32>} : memref<64xi32, #tpu.memory_space<vmem>>, vector<16xi32>,
        %swap3A_485 = vector.shape_cast %swap3A_484 : vector<16xi32> to vector<16xi32>
        %swap3A_486 = vector.shape_cast %add3A_482 : vector<16xi32> to vector<16xi32>
        tpu.vector_store %arg19[%swap3A_483], %swap3A_486 {strides = array<i32>} : memref<64xi32, #tpu.memory_space<vmem>>, vector<16xi32>,
        %shift_right_logical3A_487 = arith.constant 19 : i32
        %shift_right_logical3A_488 = vector.broadcast %shift_right_logical3A_487 : i32 to vector<16xi32>
        %shift_right_logical3A_489 = arith.shrui %get3A_464, %shift_right_logical3A_488 : vector<16xi32>
        %swap3A_490 = arith.constant 48 : index
        %swap3A_491 = tpu.vector_load %arg23[%swap3A_490] {strides = array<i32>} : memref<64xi32, #tpu.memory_space<vmem>>, vector<16xi32>,
        %swap3A_492 = vector.shape_cast %swap3A_491 : vector<16xi32> to vector<16xi32>
        %swap3A_493 = vector.shape_cast %shift_right_logical3A_489 : vector<16xi32> to vector<16xi32>
        tpu.vector_store %arg23[%swap3A_490], %swap3A_493 {strides = array<i32>} : memref<64xi32, #tpu.memory_space<vmem>>, vector<16xi32>,
        %dma_start3A_494 = arith.constant 0 : i32
        %dma_start3A_495 = arith.constant 0 : i32
        %dma_start3A_496 = tpu.memref_slice %arg2[%dma_start3A_494, %dma_start3A_495] : memref<16384x128xf32, #tpu.memory_space<hbm>> -> memref<16384x128xf32, #tpu.memory_space<hbm>>
        tpu.enqueue_indirect_dma source(%dma_start3A_496 : memref<16384x128xf32, #tpu.memory_space<hbm>>) target(%arg9 : memref<64x128xf32, #tpu.memory_space<vmem>>) offsets(%arg15 : memref<64xi32, #tpu.memory_space<vmem>>) semaphore(%arg27 : memref<!tpu.dma_semaphore, #tpu.memory_space<semaphore_mem>>)
        %dma_start3A_497 = arith.constant 0 : i32
        %dma_start3A_498 = arith.constant 0 : i32
        %dma_start3A_499 = tpu.memref_slice %arg26[%dma_start3A_497, %dma_start3A_498] : memref<64x128xf32, #tpu.memory_space<vmem_shared>> -> memref<64x128xf32, #tpu.memory_space<vmem_shared>>
        tpu.enqueue_indirect_dma source(%dma_start3A_499 : memref<64x128xf32, #tpu.memory_space<vmem_shared>>) target(%arg11 : memref<64x128xf32, #tpu.memory_space<vmem>>) offsets(%arg19 : memref<64xi32, #tpu.memory_space<vmem>>) semaphore(%arg29 : memref<!tpu.dma_semaphore, #tpu.memory_space<semaphore_mem>>)
      } else {
      }
      %dma_wait3A_243 = arith.constant 0 : i32
      %dma_wait3A_244 = arith.constant 0 : i32
      %dma_wait3A_245 = tpu.memref_slice %arg2[%dma_wait3A_243, %dma_wait3A_244] : memref<16384x128xf32, #tpu.memory_space<hbm>> -> memref<16384x128xf32, #tpu.memory_space<hbm>>
      tpu.wait_indirect_dma semaphore(%arg28 : memref<!tpu.dma_semaphore, #tpu.memory_space<semaphore_mem>>) src(%dma_wait3A_245 : memref<16384x128xf32, #tpu.memory_space<hbm>>) dst(%arg8 : memref<64x128xf32, #tpu.memory_space<vmem>>)
      %dma_wait3A_246 = arith.constant 0 : i32
      %dma_wait3A_247 = arith.constant 0 : i32
      %dma_wait3A_248 = tpu.memref_slice %arg26[%dma_wait3A_246, %dma_wait3A_247] : memref<64x128xf32, #tpu.memory_space<vmem_shared>> -> memref<64x128xf32, #tpu.memory_space<vmem_shared>>
      tpu.wait_indirect_dma semaphore(%arg30 : memref<!tpu.dma_semaphore, #tpu.memory_space<semaphore_mem>>) src(%dma_wait3A_248 : memref<64x128xf32, #tpu.memory_space<vmem_shared>>) dst(%arg12 : memref<64x128xf32, #tpu.memory_space<vmem>>)
      %scan3A_249 = arith.constant 0 : i32
      %scan3A_250 = arith.constant 64 : i32
      %scan3A_251 = arith.addi %scan3A_249, %scan3A_250 : i32
      %scan3A_252 = arith.constant 1 : i32
      scf.for %scan3A_317 = %scan3A_249 to %scan3A_251 step %scan3A_252  : i32 {
        %get3A_318 = arith.index_cast %scan3A_317 : i32 to index
        %get3A_319 = arith.constant 0 : index
        %get3A_320 = tpu.vector_load %arg8[%get3A_318, %get3A_319] {strides = array<i32>} : memref<64x128xf32, #tpu.memory_space<vmem>>, vector<1x16xf32>,
        %get3A_321 = vector.shape_cast %get3A_320 : vector<1x16xf32> to vector<16xf32>
        %get3A_322 = arith.index_cast %scan3A_317 : i32 to index
        %get3A_323 = arith.constant 0 : index
        %get3A_324 = tpu.vector_load %arg12[%get3A_322, %get3A_323] {strides = array<i32>} : memref<64x128xf32, #tpu.memory_space<vmem>>, vector<1x16xf32>,
        %get3A_325 = vector.shape_cast %get3A_324 : vector<1x16xf32> to vector<16xf32>
        %add3A_326 = arith.addf %get3A_321, %get3A_325 : vector<16xf32>
        %max3A = arith.constant 0.000000e+00 : f32
        %max3A_327 = vector.broadcast %max3A : f32 to vector<16xf32>
        %max3A_328 = arith.maximumf %add3A_326, %max3A_327 : vector<16xf32>
        %swap3A_329 = arith.index_cast %scan3A_317 : i32 to index
        %swap3A_330 = arith.constant 0 : index
        %swap3A_331 = tpu.vector_load %arg8[%swap3A_329, %swap3A_330] {strides = array<i32>} : memref<64x128xf32, #tpu.memory_space<vmem>>, vector<1x16xf32>,
        %swap3A_332 = vector.shape_cast %swap3A_331 : vector<1x16xf32> to vector<16xf32>
        %swap3A_333 = vector.shape_cast %max3A_328 : vector<16xf32> to vector<1x16xf32>
        tpu.vector_store %arg8[%swap3A_329, %swap3A_330], %swap3A_333 {strides = array<i32>} : memref<64x128xf32, #tpu.memory_space<vmem>>, vector<1x16xf32>,
        %get3A_334 = arith.index_cast %scan3A_317 : i32 to index
        %get3A_335 = arith.constant 16 : index
        %get3A_336 = tpu.vector_load %arg8[%get3A_334, %get3A_335] {strides = array<i32>} : memref<64x128xf32, #tpu.memory_space<vmem>>, vector<1x16xf32>,
        %get3A_337 = vector.shape_cast %get3A_336 : vector<1x16xf32> to vector<16xf32>
        %get3A_338 = arith.index_cast %scan3A_317 : i32 to index
        %get3A_339 = arith.constant 16 : index
        %get3A_340 = tpu.vector_load %arg12[%get3A_338, %get3A_339] {strides = array<i32>} : memref<64x128xf32, #tpu.memory_space<vmem>>, vector<1x16xf32>,
        %get3A_341 = vector.shape_cast %get3A_340 : vector<1x16xf32> to vector<16xf32>
        %add3A_342 = arith.addf %get3A_337, %get3A_341 : vector<16xf32>
        %max3A_343 = arith.constant 0.000000e+00 : f32
        %max3A_344 = vector.broadcast %max3A_343 : f32 to vector<16xf32>
        %max3A_345 = arith.maximumf %add3A_342, %max3A_344 : vector<16xf32>
        %swap3A_346 = arith.index_cast %scan3A_317 : i32 to index
        %swap3A_347 = arith.constant 16 : index
        %swap3A_348 = tpu.vector_load %arg8[%swap3A_346, %swap3A_347] {strides = array<i32>} : memref<64x128xf32, #tpu.memory_space<vmem>>, vector<1x16xf32>,
        %swap3A_349 = vector.shape_cast %swap3A_348 : vector<1x16xf32> to vector<16xf32>
        %swap3A_350 = vector.shape_cast %max3A_345 : vector<16xf32> to vector<1x16xf32>
        tpu.vector_store %arg8[%swap3A_346, %swap3A_347], %swap3A_350 {strides = array<i32>} : memref<64x128xf32, #tpu.memory_space<vmem>>, vector<1x16xf32>,
        %get3A_351 = arith.index_cast %scan3A_317 : i32 to index
        %get3A_352 = arith.constant 32 : index
        %get3A_353 = tpu.vector_load %arg8[%get3A_351, %get3A_352] {strides = array<i32>} : memref<64x128xf32, #tpu.memory_space<vmem>>, vector<1x16xf32>,
        %get3A_354 = vector.shape_cast %get3A_353 : vector<1x16xf32> to vector<16xf32>
        %get3A_355 = arith.index_cast %scan3A_317 : i32 to index
        %get3A_356 = arith.constant 32 : index
        %get3A_357 = tpu.vector_load %arg12[%get3A_355, %get3A_356] {strides = array<i32>} : memref<64x128xf32, #tpu.memory_space<vmem>>, vector<1x16xf32>,
        %get3A_358 = vector.shape_cast %get3A_357 : vector<1x16xf32> to vector<16xf32>
        %add3A_359 = arith.addf %get3A_354, %get3A_358 : vector<16xf32>
        %max3A_360 = arith.constant 0.000000e+00 : f32
        %max3A_361 = vector.broadcast %max3A_360 : f32 to vector<16xf32>
        %max3A_362 = arith.maximumf %add3A_359, %max3A_361 : vector<16xf32>
        %swap3A_363 = arith.index_cast %scan3A_317 : i32 to index
        %swap3A_364 = arith.constant 32 : index
        %swap3A_365 = tpu.vector_load %arg8[%swap3A_363, %swap3A_364] {strides = array<i32>} : memref<64x128xf32, #tpu.memory_space<vmem>>, vector<1x16xf32>,
        %swap3A_366 = vector.shape_cast %swap3A_365 : vector<1x16xf32> to vector<16xf32>
        %swap3A_367 = vector.shape_cast %max3A_362 : vector<16xf32> to vector<1x16xf32>
        tpu.vector_store %arg8[%swap3A_363, %swap3A_364], %swap3A_367 {strides = array<i32>} : memref<64x128xf32, #tpu.memory_space<vmem>>, vector<1x16xf32>,
        %get3A_368 = arith.index_cast %scan3A_317 : i32 to index
        %get3A_369 = arith.constant 48 : index
        %get3A_370 = tpu.vector_load %arg8[%get3A_368, %get3A_369] {strides = array<i32>} : memref<64x128xf32, #tpu.memory_space<vmem>>, vector<1x16xf32>,
        %get3A_371 = vector.shape_cast %get3A_370 : vector<1x16xf32> to vector<16xf32>
        %get3A_372 = arith.index_cast %scan3A_317 : i32 to index
        %get3A_373 = arith.constant 48 : index
        %get3A_374 = tpu.vector_load %arg12[%get3A_372, %get3A_373] {strides = array<i32>} : memref<64x128xf32, #tpu.memory_space<vmem>>, vector<1x16xf32>,
        %get3A_375 = vector.shape_cast %get3A_374 : vector<1x16xf32> to vector<16xf32>
        %add3A_376 = arith.addf %get3A_371, %get3A_375 : vector<16xf32>
        %max3A_377 = arith.constant 0.000000e+00 : f32
        %max3A_378 = vector.broadcast %max3A_377 : f32 to vector<16xf32>
        %max3A_379 = arith.maximumf %add3A_376, %max3A_378 : vector<16xf32>
        %swap3A_380 = arith.index_cast %scan3A_317 : i32 to index
        %swap3A_381 = arith.constant 48 : index
        %swap3A_382 = tpu.vector_load %arg8[%swap3A_380, %swap3A_381] {strides = array<i32>} : memref<64x128xf32, #tpu.memory_space<vmem>>, vector<1x16xf32>,
        %swap3A_383 = vector.shape_cast %swap3A_382 : vector<1x16xf32> to vector<16xf32>
        %swap3A_384 = vector.shape_cast %max3A_379 : vector<16xf32> to vector<1x16xf32>
        tpu.vector_store %arg8[%swap3A_380, %swap3A_381], %swap3A_384 {strides = array<i32>} : memref<64x128xf32, #tpu.memory_space<vmem>>, vector<1x16xf32>,
        %get3A_385 = arith.index_cast %scan3A_317 : i32 to index
        %get3A_386 = arith.constant 64 : index
        %get3A_387 = tpu.vector_load %arg8[%get3A_385, %get3A_386] {strides = array<i32>} : memref<64x128xf32, #tpu.memory_space<vmem>>, vector<1x16xf32>,
        %get3A_388 = vector.shape_cast %get3A_387 : vector<1x16xf32> to vector<16xf32>
        %get3A_389 = arith.index_cast %scan3A_317 : i32 to index
        %get3A_390 = arith.constant 64 : index
        %get3A_391 = tpu.vector_load %arg12[%get3A_389, %get3A_390] {strides = array<i32>} : memref<64x128xf32, #tpu.memory_space<vmem>>, vector<1x16xf32>,
        %get3A_392 = vector.shape_cast %get3A_391 : vector<1x16xf32> to vector<16xf32>
        %add3A_393 = arith.addf %get3A_388, %get3A_392 : vector<16xf32>
        %max3A_394 = arith.constant 0.000000e+00 : f32
        %max3A_395 = vector.broadcast %max3A_394 : f32 to vector<16xf32>
        %max3A_396 = arith.maximumf %add3A_393, %max3A_395 : vector<16xf32>
        %swap3A_397 = arith.index_cast %scan3A_317 : i32 to index
        %swap3A_398 = arith.constant 64 : index
        %swap3A_399 = tpu.vector_load %arg8[%swap3A_397, %swap3A_398] {strides = array<i32>} : memref<64x128xf32, #tpu.memory_space<vmem>>, vector<1x16xf32>,
        %swap3A_400 = vector.shape_cast %swap3A_399 : vector<1x16xf32> to vector<16xf32>
        %swap3A_401 = vector.shape_cast %max3A_396 : vector<16xf32> to vector<1x16xf32>
        tpu.vector_store %arg8[%swap3A_397, %swap3A_398], %swap3A_401 {strides = array<i32>} : memref<64x128xf32, #tpu.memory_space<vmem>>, vector<1x16xf32>,
        %get3A_402 = arith.index_cast %scan3A_317 : i32 to index
        %get3A_403 = arith.constant 80 : index
        %get3A_404 = tpu.vector_load %arg8[%get3A_402, %get3A_403] {strides = array<i32>} : memref<64x128xf32, #tpu.memory_space<vmem>>, vector<1x16xf32>,
        %get3A_405 = vector.shape_cast %get3A_404 : vector<1x16xf32> to vector<16xf32>
        %get3A_406 = arith.index_cast %scan3A_317 : i32 to index
        %get3A_407 = arith.constant 80 : index
        %get3A_408 = tpu.vector_load %arg12[%get3A_406, %get3A_407] {strides = array<i32>} : memref<64x128xf32, #tpu.memory_space<vmem>>, vector<1x16xf32>,
        %get3A_409 = vector.shape_cast %get3A_408 : vector<1x16xf32> to vector<16xf32>
        %add3A_410 = arith.addf %get3A_405, %get3A_409 : vector<16xf32>
        %max3A_411 = arith.constant 0.000000e+00 : f32
        %max3A_412 = vector.broadcast %max3A_411 : f32 to vector<16xf32>
        %max3A_413 = arith.maximumf %add3A_410, %max3A_412 : vector<16xf32>
        %swap3A_414 = arith.index_cast %scan3A_317 : i32 to index
        %swap3A_415 = arith.constant 80 : index
        %swap3A_416 = tpu.vector_load %arg8[%swap3A_414, %swap3A_415] {strides = array<i32>} : memref<64x128xf32, #tpu.memory_space<vmem>>, vector<1x16xf32>,
        %swap3A_417 = vector.shape_cast %swap3A_416 : vector<1x16xf32> to vector<16xf32>
        %swap3A_418 = vector.shape_cast %max3A_413 : vector<16xf32> to vector<1x16xf32>
        tpu.vector_store %arg8[%swap3A_414, %swap3A_415], %swap3A_418 {strides = array<i32>} : memref<64x128xf32, #tpu.memory_space<vmem>>, vector<1x16xf32>,
        %get3A_419 = arith.index_cast %scan3A_317 : i32 to index
        %get3A_420 = arith.constant 96 : index
        %get3A_421 = tpu.vector_load %arg8[%get3A_419, %get3A_420] {strides = array<i32>} : memref<64x128xf32, #tpu.memory_space<vmem>>, vector<1x16xf32>,
        %get3A_422 = vector.shape_cast %get3A_421 : vector<1x16xf32> to vector<16xf32>
        %get3A_423 = arith.index_cast %scan3A_317 : i32 to index
        %get3A_424 = arith.constant 96 : index
        %get3A_425 = tpu.vector_load %arg12[%get3A_423, %get3A_424] {strides = array<i32>} : memref<64x128xf32, #tpu.memory_space<vmem>>, vector<1x16xf32>,
        %get3A_426 = vector.shape_cast %get3A_425 : vector<1x16xf32> to vector<16xf32>
        %add3A_427 = arith.addf %get3A_422, %get3A_426 : vector<16xf32>
        %max3A_428 = arith.constant 0.000000e+00 : f32
        %max3A_429 = vector.broadcast %max3A_428 : f32 to vector<16xf32>
        %max3A_430 = arith.maximumf %add3A_427, %max3A_429 : vector<16xf32>
        %swap3A_431 = arith.index_cast %scan3A_317 : i32 to index
        %swap3A_432 = arith.constant 96 : index
        %swap3A_433 = tpu.vector_load %arg8[%swap3A_431, %swap3A_432] {strides = array<i32>} : memref<64x128xf32, #tpu.memory_space<vmem>>, vector<1x16xf32>,
        %swap3A_434 = vector.shape_cast %swap3A_433 : vector<1x16xf32> to vector<16xf32>
        %swap3A_435 = vector.shape_cast %max3A_430 : vector<16xf32> to vector<1x16xf32>
        tpu.vector_store %arg8[%swap3A_431, %swap3A_432], %swap3A_435 {strides = array<i32>} : memref<64x128xf32, #tpu.memory_space<vmem>>, vector<1x16xf32>,
        %get3A_436 = arith.index_cast %scan3A_317 : i32 to index
        %get3A_437 = arith.constant 112 : index
        %get3A_438 = tpu.vector_load %arg8[%get3A_436, %get3A_437] {strides = array<i32>} : memref<64x128xf32, #tpu.memory_space<vmem>>, vector<1x16xf32>,
        %get3A_439 = vector.shape_cast %get3A_438 : vector<1x16xf32> to vector<16xf32>
        %get3A_440 = arith.index_cast %scan3A_317 : i32 to index
        %get3A_441 = arith.constant 112 : index
        %get3A_442 = tpu.vector_load %arg12[%get3A_440, %get3A_441] {strides = array<i32>} : memref<64x128xf32, #tpu.memory_space<vmem>>, vector<1x16xf32>,
        %get3A_443 = vector.shape_cast %get3A_442 : vector<1x16xf32> to vector<16xf32>
        %add3A_444 = arith.addf %get3A_439, %get3A_443 : vector<16xf32>
        %max3A_445 = arith.constant 0.000000e+00 : f32
        %max3A_446 = vector.broadcast %max3A_445 : f32 to vector<16xf32>
        %max3A_447 = arith.maximumf %add3A_444, %max3A_446 : vector<16xf32>
        %swap3A_448 = arith.index_cast %scan3A_317 : i32 to index
        %swap3A_449 = arith.constant 112 : index
        %swap3A_450 = tpu.vector_load %arg8[%swap3A_448, %swap3A_449] {strides = array<i32>} : memref<64x128xf32, #tpu.memory_space<vmem>>, vector<1x16xf32>,
        %swap3A_451 = vector.shape_cast %swap3A_450 : vector<1x16xf32> to vector<16xf32>
        %swap3A_452 = vector.shape_cast %max3A_447 : vector<16xf32> to vector<1x16xf32>
        tpu.vector_store %arg8[%swap3A_448, %swap3A_449], %swap3A_452 {strides = array<i32>} : memref<64x128xf32, #tpu.memory_space<vmem>>, vector<1x16xf32>,
      }
      %scan3A_253 = arith.constant 64 : i32
      %dma_start3A_254 = arith.constant 0 : i32
      %dma_start3A_255 = arith.constant 0 : i32
      %dma_start3A_256 = tpu.memref_slice %arg25[%dma_start3A_254, %dma_start3A_255] : memref<8192x128xf32, #tpu.memory_space<vmem_shared>> -> memref<8192x128xf32, #tpu.memory_space<vmem_shared>>
      tpu.enqueue_indirect_dma source(%arg8 : memref<64x128xf32, #tpu.memory_space<vmem>>) target(%dma_start3A_256 : memref<8192x128xf32, #tpu.memory_space<vmem_shared>>) offsets(%arg22 : memref<64xi32, #tpu.memory_space<vmem>>) semaphore(%arg32 : memref<!tpu.dma_semaphore, #tpu.memory_space<semaphore_mem>>) {add = true}
      %mul3A_257 = arith.constant 4 : i32
      %mul3A_258 = arith.muli %mul3A_257, %scan3A_198 : i32
      %add3A_259 = arith.constant 2 : i32
      %add3A_260 = arith.addi %mul3A_258, %add3A_259 : i32
      %ge3A_261 = arith.constant 3 : i32
      %ge3A_262 = arith.cmpi sge, %add3A_260, %ge3A_261 : i32
      %convert_element_type3A_263 = arith.extui %ge3A_262 : i1 to i32
      %cond3A_264 = arith.constant 0 : i32
      %cond3A_265 = arith.cmpi ne, %convert_element_type3A_263, %cond3A_264 : i32
      scf.if %cond3A_265 {
        %dma_wait3A_317 = arith.constant 0 : i32
        %dma_wait3A_318 = arith.constant 0 : i32
        %dma_wait3A_319 = tpu.memref_slice %arg25[%dma_wait3A_317, %dma_wait3A_318] : memref<8192x128xf32, #tpu.memory_space<vmem_shared>> -> memref<8192x128xf32, #tpu.memory_space<vmem_shared>>
        tpu.wait_indirect_dma semaphore(%arg34 : memref<!tpu.dma_semaphore, #tpu.memory_space<semaphore_mem>>) src(%arg10 : memref<64x128xf32, #tpu.memory_space<vmem>>) dst(%dma_wait3A_319 : memref<8192x128xf32, #tpu.memory_space<vmem_shared>>)
      } else {
      }
      %add3A_266 = arith.constant 1 : i32
      %add3A_267 = arith.addi %add3A_260, %add3A_266 : i32
      %lt3A_268 = arith.constant 128 : i32
      %lt3A_269 = arith.cmpi slt, %add3A_267, %lt3A_268 : i32
      %convert_element_type3A_270 = arith.extui %lt3A_269 : i1 to i32
      %cond3A_271 = arith.constant 0 : i32
      %cond3A_272 = arith.cmpi ne, %convert_element_type3A_270, %cond3A_271 : i32
      scf.if %cond3A_272 {
        %add3A_317 = arith.constant 1 : i32
        %add3A_318 = arith.addi %add3A_260, %add3A_317 : i32
        %jit3A = arith.constant 2 : i32
        %div3A = arith.divsi %add3A_318, %jit3A : i32
        %sign3A = arith.constant 0 : i32
        %sign3A_319 = arith.cmpi sgt, %add3A_318, %sign3A : i32
        %sign3A_320 = arith.extui %sign3A_319 : i1 to i32
        %sign3A_321 = arith.constant 0 : i32
        %sign3A_322 = arith.cmpi slt, %add3A_318, %sign3A_321 : i32
        %sign3A_323 = arith.extui %sign3A_322 : i1 to i32
        %sign3A_324 = arith.subi %sign3A_320, %sign3A_323 : i32
        %sign3A_325 = arith.constant 0 : i32
        %sign3A_326 = arith.cmpi sgt, %jit3A, %sign3A_325 : i32
        %sign3A_327 = arith.extui %sign3A_326 : i1 to i32
        %sign3A_328 = arith.constant 0 : i32
        %sign3A_329 = arith.cmpi slt, %jit3A, %sign3A_328 : i32
        %sign3A_330 = arith.extui %sign3A_329 : i1 to i32
        %sign3A_331 = arith.subi %sign3A_327, %sign3A_330 : i32
        %ne3A = arith.cmpi ne, %sign3A_324, %sign3A_331 : i32
        %rem3A = arith.remsi %add3A_318, %jit3A : i32
        %ne3A_332 = arith.constant 0 : i32
        %ne3A_333 = arith.cmpi ne, %rem3A, %ne3A_332 : i32
        %and3A_334 = arith.andi %ne3A, %ne3A_333 : i1
        %sub3A = arith.constant 1 : i32
        %sub3A_335 = arith.subi %div3A, %sub3A : i32
        %select_n3A = arith.select %and3A_334, %sub3A_335, %div3A : i32
        %jit3A_336 = arith.constant 2 : i32
        %eq3A_337 = arith.constant 0 : i32
        %eq3A_338 = arith.cmpi eq, %jit3A_336, %eq3A_337 : i32
        %jit3A_339 = arith.constant 1 : i32
        %select_n3A_340 = arith.select %eq3A_338, %jit3A_339, %jit3A_336 : i32
        %rem3A_341 = arith.remsi %add3A_318, %select_n3A_340 : i32
        %ne3A_342 = arith.constant 0 : i32
        %ne3A_343 = arith.cmpi ne, %rem3A_341, %ne3A_342 : i32
        %lt3A_344 = arith.constant 0 : i32
        %lt3A_345 = arith.cmpi slt, %rem3A_341, %lt3A_344 : i32
        %lt3A_346 = arith.constant 0 : i32
        %lt3A_347 = arith.cmpi slt, %select_n3A_340, %lt3A_346 : i32
        %ne3A_348 = arith.xori %lt3A_345, %lt3A_347 : i1
        %and3A_349 = arith.andi %ne3A_348, %ne3A_343 : i1
        %add3A_350 = arith.addi %rem3A_341, %select_n3A_340 : i32
        %select_n3A_351 = arith.select %and3A_349, %add3A_350, %rem3A_341 : i32
        %mul3A_352 = arith.constant 64 : i32
        %mul3A_353 = arith.muli %select_n3A_351, %mul3A_352 : i32
        %add3A_354 = arith.constant 0 : i32
        %add3A_355 = arith.addi %mul3A_353, %add3A_354 : i32
        %get3A_356 = arith.index_cast %select_n3A : i32 to index
        %get3A_357 = arith.index_cast %add3A_355 : i32 to index
        %get3A_358 = tpu.vector_load %arg6[%get3A_356, %get3A_357] {strides = array<i32>} : memref<64x128xi32, #tpu.memory_space<vmem>>, vector<1x16xi32>,
        %get3A_359 = vector.shape_cast %get3A_358 : vector<1x16xi32> to vector<16xi32>
        %and3A_360 = arith.constant 8191 : i32
        %and3A_361 = vector.broadcast %and3A_360 : i32 to vector<16xi32>
        %and3A_362 = arith.andi %get3A_359, %and3A_361 : vector<16xi32>
        %add3A_363 = vector.broadcast %mul3A_0 : i32 to vector<16xi32>
        %add3A_364 = arith.addi %and3A_362, %add3A_363 : vector<16xi32>
        %swap3A_365 = arith.constant 0 : index
        %swap3A_366 = tpu.vector_load %arg16[%swap3A_365] {strides = array<i32>} : memref<64xi32, #tpu.memory_space<vmem>>, vector<16xi32>,
        %swap3A_367 = vector.shape_cast %swap3A_366 : vector<16xi32> to vector<16xi32>
        %swap3A_368 = vector.shape_cast %add3A_364 : vector<16xi32> to vector<16xi32>
        tpu.vector_store %arg16[%swap3A_365], %swap3A_368 {strides = array<i32>} : memref<64xi32, #tpu.memory_space<vmem>>, vector<16xi32>,
        %shift_right_logical3A_369 = arith.constant 13 : i32
        %shift_right_logical3A_370 = vector.broadcast %shift_right_logical3A_369 : i32 to vector<16xi32>
        %shift_right_logical3A_371 = arith.shrui %get3A_359, %shift_right_logical3A_370 : vector<16xi32>
        %and3A_372 = arith.constant 63 : i32
        %and3A_373 = vector.broadcast %and3A_372 : i32 to vector<16xi32>
        %and3A_374 = arith.andi %shift_right_logical3A_371, %and3A_373 : vector<16xi32>
        %add3A_375 = arith.constant 0 : i32
        %add3A_376 = vector.broadcast %add3A_375 : i32 to vector<16xi32>
        %add3A_377 = arith.addi %and3A_374, %add3A_376 : vector<16xi32>
        %swap3A_378 = arith.constant 0 : index
        %swap3A_379 = tpu.vector_load %arg20[%swap3A_378] {strides = array<i32>} : memref<64xi32, #tpu.memory_space<vmem>>, vector<16xi32>,
        %swap3A_380 = vector.shape_cast %swap3A_379 : vector<16xi32> to vector<16xi32>
        %swap3A_381 = vector.shape_cast %add3A_377 : vector<16xi32> to vector<16xi32>
        tpu.vector_store %arg20[%swap3A_378], %swap3A_381 {strides = array<i32>} : memref<64xi32, #tpu.memory_space<vmem>>, vector<16xi32>,
        %shift_right_logical3A_382 = arith.constant 19 : i32
        %shift_right_logical3A_383 = vector.broadcast %shift_right_logical3A_382 : i32 to vector<16xi32>
        %shift_right_logical3A_384 = arith.shrui %get3A_359, %shift_right_logical3A_383 : vector<16xi32>
        %swap3A_385 = arith.constant 0 : index
        %swap3A_386 = tpu.vector_load %arg24[%swap3A_385] {strides = array<i32>} : memref<64xi32, #tpu.memory_space<vmem>>, vector<16xi32>,
        %swap3A_387 = vector.shape_cast %swap3A_386 : vector<16xi32> to vector<16xi32>
        %swap3A_388 = vector.shape_cast %shift_right_logical3A_384 : vector<16xi32> to vector<16xi32>
        tpu.vector_store %arg24[%swap3A_385], %swap3A_388 {strides = array<i32>} : memref<64xi32, #tpu.memory_space<vmem>>, vector<16xi32>,
        %add3A_389 = arith.constant 16 : i32
        %add3A_390 = arith.addi %mul3A_353, %add3A_389 : i32
        %get3A_391 = arith.index_cast %select_n3A : i32 to index
        %get3A_392 = arith.index_cast %add3A_390 : i32 to index
        %get3A_393 = tpu.vector_load %arg6[%get3A_391, %get3A_392] {strides = array<i32>} : memref<64x128xi32, #tpu.memory_space<vmem>>, vector<1x16xi32>,
        %get3A_394 = vector.shape_cast %get3A_393 : vector<1x16xi32> to vector<16xi32>
        %and3A_395 = arith.constant 8191 : i32
        %and3A_396 = vector.broadcast %and3A_395 : i32 to vector<16xi32>
        %and3A_397 = arith.andi %get3A_394, %and3A_396 : vector<16xi32>
        %add3A_398 = vector.broadcast %mul3A_0 : i32 to vector<16xi32>
        %add3A_399 = arith.addi %and3A_397, %add3A_398 : vector<16xi32>
        %swap3A_400 = arith.constant 16 : index
        %swap3A_401 = tpu.vector_load %arg16[%swap3A_400] {strides = array<i32>} : memref<64xi32, #tpu.memory_space<vmem>>, vector<16xi32>,
        %swap3A_402 = vector.shape_cast %swap3A_401 : vector<16xi32> to vector<16xi32>
        %swap3A_403 = vector.shape_cast %add3A_399 : vector<16xi32> to vector<16xi32>
        tpu.vector_store %arg16[%swap3A_400], %swap3A_403 {strides = array<i32>} : memref<64xi32, #tpu.memory_space<vmem>>, vector<16xi32>,
        %shift_right_logical3A_404 = arith.constant 13 : i32
        %shift_right_logical3A_405 = vector.broadcast %shift_right_logical3A_404 : i32 to vector<16xi32>
        %shift_right_logical3A_406 = arith.shrui %get3A_394, %shift_right_logical3A_405 : vector<16xi32>
        %and3A_407 = arith.constant 63 : i32
        %and3A_408 = vector.broadcast %and3A_407 : i32 to vector<16xi32>
        %and3A_409 = arith.andi %shift_right_logical3A_406, %and3A_408 : vector<16xi32>
        %add3A_410 = arith.constant 0 : i32
        %add3A_411 = vector.broadcast %add3A_410 : i32 to vector<16xi32>
        %add3A_412 = arith.addi %and3A_409, %add3A_411 : vector<16xi32>
        %swap3A_413 = arith.constant 16 : index
        %swap3A_414 = tpu.vector_load %arg20[%swap3A_413] {strides = array<i32>} : memref<64xi32, #tpu.memory_space<vmem>>, vector<16xi32>,
        %swap3A_415 = vector.shape_cast %swap3A_414 : vector<16xi32> to vector<16xi32>
        %swap3A_416 = vector.shape_cast %add3A_412 : vector<16xi32> to vector<16xi32>
        tpu.vector_store %arg20[%swap3A_413], %swap3A_416 {strides = array<i32>} : memref<64xi32, #tpu.memory_space<vmem>>, vector<16xi32>,
        %shift_right_logical3A_417 = arith.constant 19 : i32
        %shift_right_logical3A_418 = vector.broadcast %shift_right_logical3A_417 : i32 to vector<16xi32>
        %shift_right_logical3A_419 = arith.shrui %get3A_394, %shift_right_logical3A_418 : vector<16xi32>
        %swap3A_420 = arith.constant 16 : index
        %swap3A_421 = tpu.vector_load %arg24[%swap3A_420] {strides = array<i32>} : memref<64xi32, #tpu.memory_space<vmem>>, vector<16xi32>,
        %swap3A_422 = vector.shape_cast %swap3A_421 : vector<16xi32> to vector<16xi32>
        %swap3A_423 = vector.shape_cast %shift_right_logical3A_419 : vector<16xi32> to vector<16xi32>
        tpu.vector_store %arg24[%swap3A_420], %swap3A_423 {strides = array<i32>} : memref<64xi32, #tpu.memory_space<vmem>>, vector<16xi32>,
        %add3A_424 = arith.constant 32 : i32
        %add3A_425 = arith.addi %mul3A_353, %add3A_424 : i32
        %get3A_426 = arith.index_cast %select_n3A : i32 to index
        %get3A_427 = arith.index_cast %add3A_425 : i32 to index
        %get3A_428 = tpu.vector_load %arg6[%get3A_426, %get3A_427] {strides = array<i32>} : memref<64x128xi32, #tpu.memory_space<vmem>>, vector<1x16xi32>,
        %get3A_429 = vector.shape_cast %get3A_428 : vector<1x16xi32> to vector<16xi32>
        %and3A_430 = arith.constant 8191 : i32
        %and3A_431 = vector.broadcast %and3A_430 : i32 to vector<16xi32>
        %and3A_432 = arith.andi %get3A_429, %and3A_431 : vector<16xi32>
        %add3A_433 = vector.broadcast %mul3A_0 : i32 to vector<16xi32>
        %add3A_434 = arith.addi %and3A_432, %add3A_433 : vector<16xi32>
        %swap3A_435 = arith.constant 32 : index
        %swap3A_436 = tpu.vector_load %arg16[%swap3A_435] {strides = array<i32>} : memref<64xi32, #tpu.memory_space<vmem>>, vector<16xi32>,
        %swap3A_437 = vector.shape_cast %swap3A_436 : vector<16xi32> to vector<16xi32>
        %swap3A_438 = vector.shape_cast %add3A_434 : vector<16xi32> to vector<16xi32>
        tpu.vector_store %arg16[%swap3A_435], %swap3A_438 {strides = array<i32>} : memref<64xi32, #tpu.memory_space<vmem>>, vector<16xi32>,
        %shift_right_logical3A_439 = arith.constant 13 : i32
        %shift_right_logical3A_440 = vector.broadcast %shift_right_logical3A_439 : i32 to vector<16xi32>
        %shift_right_logical3A_441 = arith.shrui %get3A_429, %shift_right_logical3A_440 : vector<16xi32>
        %and3A_442 = arith.constant 63 : i32
        %and3A_443 = vector.broadcast %and3A_442 : i32 to vector<16xi32>
        %and3A_444 = arith.andi %shift_right_logical3A_441, %and3A_443 : vector<16xi32>
        %add3A_445 = arith.constant 0 : i32
        %add3A_446 = vector.broadcast %add3A_445 : i32 to vector<16xi32>
        %add3A_447 = arith.addi %and3A_444, %add3A_446 : vector<16xi32>
        %swap3A_448 = arith.constant 32 : index
        %swap3A_449 = tpu.vector_load %arg20[%swap3A_448] {strides = array<i32>} : memref<64xi32, #tpu.memory_space<vmem>>, vector<16xi32>,
        %swap3A_450 = vector.shape_cast %swap3A_449 : vector<16xi32> to vector<16xi32>
        %swap3A_451 = vector.shape_cast %add3A_447 : vector<16xi32> to vector<16xi32>
        tpu.vector_store %arg20[%swap3A_448], %swap3A_451 {strides = array<i32>} : memref<64xi32, #tpu.memory_space<vmem>>, vector<16xi32>,
        %shift_right_logical3A_452 = arith.constant 19 : i32
        %shift_right_logical3A_453 = vector.broadcast %shift_right_logical3A_452 : i32 to vector<16xi32>
        %shift_right_logical3A_454 = arith.shrui %get3A_429, %shift_right_logical3A_453 : vector<16xi32>
        %swap3A_455 = arith.constant 32 : index
        %swap3A_456 = tpu.vector_load %arg24[%swap3A_455] {strides = array<i32>} : memref<64xi32, #tpu.memory_space<vmem>>, vector<16xi32>,
        %swap3A_457 = vector.shape_cast %swap3A_456 : vector<16xi32> to vector<16xi32>
        %swap3A_458 = vector.shape_cast %shift_right_logical3A_454 : vector<16xi32> to vector<16xi32>
        tpu.vector_store %arg24[%swap3A_455], %swap3A_458 {strides = array<i32>} : memref<64xi32, #tpu.memory_space<vmem>>, vector<16xi32>,
        %add3A_459 = arith.constant 48 : i32
        %add3A_460 = arith.addi %mul3A_353, %add3A_459 : i32
        %get3A_461 = arith.index_cast %select_n3A : i32 to index
        %get3A_462 = arith.index_cast %add3A_460 : i32 to index
        %get3A_463 = tpu.vector_load %arg6[%get3A_461, %get3A_462] {strides = array<i32>} : memref<64x128xi32, #tpu.memory_space<vmem>>, vector<1x16xi32>,
        %get3A_464 = vector.shape_cast %get3A_463 : vector<1x16xi32> to vector<16xi32>
        %and3A_465 = arith.constant 8191 : i32
        %and3A_466 = vector.broadcast %and3A_465 : i32 to vector<16xi32>
        %and3A_467 = arith.andi %get3A_464, %and3A_466 : vector<16xi32>
        %add3A_468 = vector.broadcast %mul3A_0 : i32 to vector<16xi32>
        %add3A_469 = arith.addi %and3A_467, %add3A_468 : vector<16xi32>
        %swap3A_470 = arith.constant 48 : index
        %swap3A_471 = tpu.vector_load %arg16[%swap3A_470] {strides = array<i32>} : memref<64xi32, #tpu.memory_space<vmem>>, vector<16xi32>,
        %swap3A_472 = vector.shape_cast %swap3A_471 : vector<16xi32> to vector<16xi32>
        %swap3A_473 = vector.shape_cast %add3A_469 : vector<16xi32> to vector<16xi32>
        tpu.vector_store %arg16[%swap3A_470], %swap3A_473 {strides = array<i32>} : memref<64xi32, #tpu.memory_space<vmem>>, vector<16xi32>,
        %shift_right_logical3A_474 = arith.constant 13 : i32
        %shift_right_logical3A_475 = vector.broadcast %shift_right_logical3A_474 : i32 to vector<16xi32>
        %shift_right_logical3A_476 = arith.shrui %get3A_464, %shift_right_logical3A_475 : vector<16xi32>
        %and3A_477 = arith.constant 63 : i32
        %and3A_478 = vector.broadcast %and3A_477 : i32 to vector<16xi32>
        %and3A_479 = arith.andi %shift_right_logical3A_476, %and3A_478 : vector<16xi32>
        %add3A_480 = arith.constant 0 : i32
        %add3A_481 = vector.broadcast %add3A_480 : i32 to vector<16xi32>
        %add3A_482 = arith.addi %and3A_479, %add3A_481 : vector<16xi32>
        %swap3A_483 = arith.constant 48 : index
        %swap3A_484 = tpu.vector_load %arg20[%swap3A_483] {strides = array<i32>} : memref<64xi32, #tpu.memory_space<vmem>>, vector<16xi32>,
        %swap3A_485 = vector.shape_cast %swap3A_484 : vector<16xi32> to vector<16xi32>
        %swap3A_486 = vector.shape_cast %add3A_482 : vector<16xi32> to vector<16xi32>
        tpu.vector_store %arg20[%swap3A_483], %swap3A_486 {strides = array<i32>} : memref<64xi32, #tpu.memory_space<vmem>>, vector<16xi32>,
        %shift_right_logical3A_487 = arith.constant 19 : i32
        %shift_right_logical3A_488 = vector.broadcast %shift_right_logical3A_487 : i32 to vector<16xi32>
        %shift_right_logical3A_489 = arith.shrui %get3A_464, %shift_right_logical3A_488 : vector<16xi32>
        %swap3A_490 = arith.constant 48 : index
        %swap3A_491 = tpu.vector_load %arg24[%swap3A_490] {strides = array<i32>} : memref<64xi32, #tpu.memory_space<vmem>>, vector<16xi32>,
        %swap3A_492 = vector.shape_cast %swap3A_491 : vector<16xi32> to vector<16xi32>
        %swap3A_493 = vector.shape_cast %shift_right_logical3A_489 : vector<16xi32> to vector<16xi32>
        tpu.vector_store %arg24[%swap3A_490], %swap3A_493 {strides = array<i32>} : memref<64xi32, #tpu.memory_space<vmem>>, vector<16xi32>,
        %dma_start3A_494 = arith.constant 0 : i32
        %dma_start3A_495 = arith.constant 0 : i32
        %dma_start3A_496 = tpu.memref_slice %arg2[%dma_start3A_494, %dma_start3A_495] : memref<16384x128xf32, #tpu.memory_space<hbm>> -> memref<16384x128xf32, #tpu.memory_space<hbm>>
        tpu.enqueue_indirect_dma source(%dma_start3A_496 : memref<16384x128xf32, #tpu.memory_space<hbm>>) target(%arg10 : memref<64x128xf32, #tpu.memory_space<vmem>>) offsets(%arg16 : memref<64xi32, #tpu.memory_space<vmem>>) semaphore(%arg28 : memref<!tpu.dma_semaphore, #tpu.memory_space<semaphore_mem>>)
        %dma_start3A_497 = arith.constant 0 : i32
        %dma_start3A_498 = arith.constant 0 : i32
        %dma_start3A_499 = tpu.memref_slice %arg26[%dma_start3A_497, %dma_start3A_498] : memref<64x128xf32, #tpu.memory_space<vmem_shared>> -> memref<64x128xf32, #tpu.memory_space<vmem_shared>>
        tpu.enqueue_indirect_dma source(%dma_start3A_499 : memref<64x128xf32, #tpu.memory_space<vmem_shared>>) target(%arg12 : memref<64x128xf32, #tpu.memory_space<vmem>>) offsets(%arg20 : memref<64xi32, #tpu.memory_space<vmem>>) semaphore(%arg30 : memref<!tpu.dma_semaphore, #tpu.memory_space<semaphore_mem>>)
      } else {
      }
      %dma_wait3A_273 = arith.constant 0 : i32
      %dma_wait3A_274 = arith.constant 0 : i32
      %dma_wait3A_275 = tpu.memref_slice %arg2[%dma_wait3A_273, %dma_wait3A_274] : memref<16384x128xf32, #tpu.memory_space<hbm>> -> memref<16384x128xf32, #tpu.memory_space<hbm>>
      tpu.wait_indirect_dma semaphore(%arg27 : memref<!tpu.dma_semaphore, #tpu.memory_space<semaphore_mem>>) src(%dma_wait3A_275 : memref<16384x128xf32, #tpu.memory_space<hbm>>) dst(%arg9 : memref<64x128xf32, #tpu.memory_space<vmem>>)
      %dma_wait3A_276 = arith.constant 0 : i32
      %dma_wait3A_277 = arith.constant 0 : i32
      %dma_wait3A_278 = tpu.memref_slice %arg26[%dma_wait3A_276, %dma_wait3A_277] : memref<64x128xf32, #tpu.memory_space<vmem_shared>> -> memref<64x128xf32, #tpu.memory_space<vmem_shared>>
      tpu.wait_indirect_dma semaphore(%arg29 : memref<!tpu.dma_semaphore, #tpu.memory_space<semaphore_mem>>) src(%dma_wait3A_278 : memref<64x128xf32, #tpu.memory_space<vmem_shared>>) dst(%arg11 : memref<64x128xf32, #tpu.memory_space<vmem>>)
      %scan3A_279 = arith.constant 0 : i32
      %scan3A_280 = arith.constant 64 : i32
      %scan3A_281 = arith.addi %scan3A_279, %scan3A_280 : i32
      %scan3A_282 = arith.constant 1 : i32
      scf.for %scan3A_317 = %scan3A_279 to %scan3A_281 step %scan3A_282  : i32 {
        %get3A_318 = arith.index_cast %scan3A_317 : i32 to index
        %get3A_319 = arith.constant 0 : index
        %get3A_320 = tpu.vector_load %arg9[%get3A_318, %get3A_319] {strides = array<i32>} : memref<64x128xf32, #tpu.memory_space<vmem>>, vector<1x16xf32>,
        %get3A_321 = vector.shape_cast %get3A_320 : vector<1x16xf32> to vector<16xf32>
        %get3A_322 = arith.index_cast %scan3A_317 : i32 to index
        %get3A_323 = arith.constant 0 : index
        %get3A_324 = tpu.vector_load %arg11[%get3A_322, %get3A_323] {strides = array<i32>} : memref<64x128xf32, #tpu.memory_space<vmem>>, vector<1x16xf32>,
        %get3A_325 = vector.shape_cast %get3A_324 : vector<1x16xf32> to vector<16xf32>
        %add3A_326 = arith.addf %get3A_321, %get3A_325 : vector<16xf32>
        %max3A = arith.constant 0.000000e+00 : f32
        %max3A_327 = vector.broadcast %max3A : f32 to vector<16xf32>
        %max3A_328 = arith.maximumf %add3A_326, %max3A_327 : vector<16xf32>
        %swap3A_329 = arith.index_cast %scan3A_317 : i32 to index
        %swap3A_330 = arith.constant 0 : index
        %swap3A_331 = tpu.vector_load %arg9[%swap3A_329, %swap3A_330] {strides = array<i32>} : memref<64x128xf32, #tpu.memory_space<vmem>>, vector<1x16xf32>,
        %swap3A_332 = vector.shape_cast %swap3A_331 : vector<1x16xf32> to vector<16xf32>
        %swap3A_333 = vector.shape_cast %max3A_328 : vector<16xf32> to vector<1x16xf32>
        tpu.vector_store %arg9[%swap3A_329, %swap3A_330], %swap3A_333 {strides = array<i32>} : memref<64x128xf32, #tpu.memory_space<vmem>>, vector<1x16xf32>,
        %get3A_334 = arith.index_cast %scan3A_317 : i32 to index
        %get3A_335 = arith.constant 16 : index
        %get3A_336 = tpu.vector_load %arg9[%get3A_334, %get3A_335] {strides = array<i32>} : memref<64x128xf32, #tpu.memory_space<vmem>>, vector<1x16xf32>,
        %get3A_337 = vector.shape_cast %get3A_336 : vector<1x16xf32> to vector<16xf32>
        %get3A_338 = arith.index_cast %scan3A_317 : i32 to index
        %get3A_339 = arith.constant 16 : index
        %get3A_340 = tpu.vector_load %arg11[%get3A_338, %get3A_339] {strides = array<i32>} : memref<64x128xf32, #tpu.memory_space<vmem>>, vector<1x16xf32>,
        %get3A_341 = vector.shape_cast %get3A_340 : vector<1x16xf32> to vector<16xf32>
        %add3A_342 = arith.addf %get3A_337, %get3A_341 : vector<16xf32>
        %max3A_343 = arith.constant 0.000000e+00 : f32
        %max3A_344 = vector.broadcast %max3A_343 : f32 to vector<16xf32>
        %max3A_345 = arith.maximumf %add3A_342, %max3A_344 : vector<16xf32>
        %swap3A_346 = arith.index_cast %scan3A_317 : i32 to index
        %swap3A_347 = arith.constant 16 : index
        %swap3A_348 = tpu.vector_load %arg9[%swap3A_346, %swap3A_347] {strides = array<i32>} : memref<64x128xf32, #tpu.memory_space<vmem>>, vector<1x16xf32>,
        %swap3A_349 = vector.shape_cast %swap3A_348 : vector<1x16xf32> to vector<16xf32>
        %swap3A_350 = vector.shape_cast %max3A_345 : vector<16xf32> to vector<1x16xf32>
        tpu.vector_store %arg9[%swap3A_346, %swap3A_347], %swap3A_350 {strides = array<i32>} : memref<64x128xf32, #tpu.memory_space<vmem>>, vector<1x16xf32>,
        %get3A_351 = arith.index_cast %scan3A_317 : i32 to index
        %get3A_352 = arith.constant 32 : index
        %get3A_353 = tpu.vector_load %arg9[%get3A_351, %get3A_352] {strides = array<i32>} : memref<64x128xf32, #tpu.memory_space<vmem>>, vector<1x16xf32>,
        %get3A_354 = vector.shape_cast %get3A_353 : vector<1x16xf32> to vector<16xf32>
        %get3A_355 = arith.index_cast %scan3A_317 : i32 to index
        %get3A_356 = arith.constant 32 : index
        %get3A_357 = tpu.vector_load %arg11[%get3A_355, %get3A_356] {strides = array<i32>} : memref<64x128xf32, #tpu.memory_space<vmem>>, vector<1x16xf32>,
        %get3A_358 = vector.shape_cast %get3A_357 : vector<1x16xf32> to vector<16xf32>
        %add3A_359 = arith.addf %get3A_354, %get3A_358 : vector<16xf32>
        %max3A_360 = arith.constant 0.000000e+00 : f32
        %max3A_361 = vector.broadcast %max3A_360 : f32 to vector<16xf32>
        %max3A_362 = arith.maximumf %add3A_359, %max3A_361 : vector<16xf32>
        %swap3A_363 = arith.index_cast %scan3A_317 : i32 to index
        %swap3A_364 = arith.constant 32 : index
        %swap3A_365 = tpu.vector_load %arg9[%swap3A_363, %swap3A_364] {strides = array<i32>} : memref<64x128xf32, #tpu.memory_space<vmem>>, vector<1x16xf32>,
        %swap3A_366 = vector.shape_cast %swap3A_365 : vector<1x16xf32> to vector<16xf32>
        %swap3A_367 = vector.shape_cast %max3A_362 : vector<16xf32> to vector<1x16xf32>
        tpu.vector_store %arg9[%swap3A_363, %swap3A_364], %swap3A_367 {strides = array<i32>} : memref<64x128xf32, #tpu.memory_space<vmem>>, vector<1x16xf32>,
        %get3A_368 = arith.index_cast %scan3A_317 : i32 to index
        %get3A_369 = arith.constant 48 : index
        %get3A_370 = tpu.vector_load %arg9[%get3A_368, %get3A_369] {strides = array<i32>} : memref<64x128xf32, #tpu.memory_space<vmem>>, vector<1x16xf32>,
        %get3A_371 = vector.shape_cast %get3A_370 : vector<1x16xf32> to vector<16xf32>
        %get3A_372 = arith.index_cast %scan3A_317 : i32 to index
        %get3A_373 = arith.constant 48 : index
        %get3A_374 = tpu.vector_load %arg11[%get3A_372, %get3A_373] {strides = array<i32>} : memref<64x128xf32, #tpu.memory_space<vmem>>, vector<1x16xf32>,
        %get3A_375 = vector.shape_cast %get3A_374 : vector<1x16xf32> to vector<16xf32>
        %add3A_376 = arith.addf %get3A_371, %get3A_375 : vector<16xf32>
        %max3A_377 = arith.constant 0.000000e+00 : f32
        %max3A_378 = vector.broadcast %max3A_377 : f32 to vector<16xf32>
        %max3A_379 = arith.maximumf %add3A_376, %max3A_378 : vector<16xf32>
        %swap3A_380 = arith.index_cast %scan3A_317 : i32 to index
        %swap3A_381 = arith.constant 48 : index
        %swap3A_382 = tpu.vector_load %arg9[%swap3A_380, %swap3A_381] {strides = array<i32>} : memref<64x128xf32, #tpu.memory_space<vmem>>, vector<1x16xf32>,
        %swap3A_383 = vector.shape_cast %swap3A_382 : vector<1x16xf32> to vector<16xf32>
        %swap3A_384 = vector.shape_cast %max3A_379 : vector<16xf32> to vector<1x16xf32>
        tpu.vector_store %arg9[%swap3A_380, %swap3A_381], %swap3A_384 {strides = array<i32>} : memref<64x128xf32, #tpu.memory_space<vmem>>, vector<1x16xf32>,
        %get3A_385 = arith.index_cast %scan3A_317 : i32 to index
        %get3A_386 = arith.constant 64 : index
        %get3A_387 = tpu.vector_load %arg9[%get3A_385, %get3A_386] {strides = array<i32>} : memref<64x128xf32, #tpu.memory_space<vmem>>, vector<1x16xf32>,
        %get3A_388 = vector.shape_cast %get3A_387 : vector<1x16xf32> to vector<16xf32>
        %get3A_389 = arith.index_cast %scan3A_317 : i32 to index
        %get3A_390 = arith.constant 64 : index
        %get3A_391 = tpu.vector_load %arg11[%get3A_389, %get3A_390] {strides = array<i32>} : memref<64x128xf32, #tpu.memory_space<vmem>>, vector<1x16xf32>,
        %get3A_392 = vector.shape_cast %get3A_391 : vector<1x16xf32> to vector<16xf32>
        %add3A_393 = arith.addf %get3A_388, %get3A_392 : vector<16xf32>
        %max3A_394 = arith.constant 0.000000e+00 : f32
        %max3A_395 = vector.broadcast %max3A_394 : f32 to vector<16xf32>
        %max3A_396 = arith.maximumf %add3A_393, %max3A_395 : vector<16xf32>
        %swap3A_397 = arith.index_cast %scan3A_317 : i32 to index
        %swap3A_398 = arith.constant 64 : index
        %swap3A_399 = tpu.vector_load %arg9[%swap3A_397, %swap3A_398] {strides = array<i32>} : memref<64x128xf32, #tpu.memory_space<vmem>>, vector<1x16xf32>,
        %swap3A_400 = vector.shape_cast %swap3A_399 : vector<1x16xf32> to vector<16xf32>
        %swap3A_401 = vector.shape_cast %max3A_396 : vector<16xf32> to vector<1x16xf32>
        tpu.vector_store %arg9[%swap3A_397, %swap3A_398], %swap3A_401 {strides = array<i32>} : memref<64x128xf32, #tpu.memory_space<vmem>>, vector<1x16xf32>,
        %get3A_402 = arith.index_cast %scan3A_317 : i32 to index
        %get3A_403 = arith.constant 80 : index
        %get3A_404 = tpu.vector_load %arg9[%get3A_402, %get3A_403] {strides = array<i32>} : memref<64x128xf32, #tpu.memory_space<vmem>>, vector<1x16xf32>,
        %get3A_405 = vector.shape_cast %get3A_404 : vector<1x16xf32> to vector<16xf32>
        %get3A_406 = arith.index_cast %scan3A_317 : i32 to index
        %get3A_407 = arith.constant 80 : index
        %get3A_408 = tpu.vector_load %arg11[%get3A_406, %get3A_407] {strides = array<i32>} : memref<64x128xf32, #tpu.memory_space<vmem>>, vector<1x16xf32>,
        %get3A_409 = vector.shape_cast %get3A_408 : vector<1x16xf32> to vector<16xf32>
        %add3A_410 = arith.addf %get3A_405, %get3A_409 : vector<16xf32>
        %max3A_411 = arith.constant 0.000000e+00 : f32
        %max3A_412 = vector.broadcast %max3A_411 : f32 to vector<16xf32>
        %max3A_413 = arith.maximumf %add3A_410, %max3A_412 : vector<16xf32>
        %swap3A_414 = arith.index_cast %scan3A_317 : i32 to index
        %swap3A_415 = arith.constant 80 : index
        %swap3A_416 = tpu.vector_load %arg9[%swap3A_414, %swap3A_415] {strides = array<i32>} : memref<64x128xf32, #tpu.memory_space<vmem>>, vector<1x16xf32>,
        %swap3A_417 = vector.shape_cast %swap3A_416 : vector<1x16xf32> to vector<16xf32>
        %swap3A_418 = vector.shape_cast %max3A_413 : vector<16xf32> to vector<1x16xf32>
        tpu.vector_store %arg9[%swap3A_414, %swap3A_415], %swap3A_418 {strides = array<i32>} : memref<64x128xf32, #tpu.memory_space<vmem>>, vector<1x16xf32>,
        %get3A_419 = arith.index_cast %scan3A_317 : i32 to index
        %get3A_420 = arith.constant 96 : index
        %get3A_421 = tpu.vector_load %arg9[%get3A_419, %get3A_420] {strides = array<i32>} : memref<64x128xf32, #tpu.memory_space<vmem>>, vector<1x16xf32>,
        %get3A_422 = vector.shape_cast %get3A_421 : vector<1x16xf32> to vector<16xf32>
        %get3A_423 = arith.index_cast %scan3A_317 : i32 to index
        %get3A_424 = arith.constant 96 : index
        %get3A_425 = tpu.vector_load %arg11[%get3A_423, %get3A_424] {strides = array<i32>} : memref<64x128xf32, #tpu.memory_space<vmem>>, vector<1x16xf32>,
        %get3A_426 = vector.shape_cast %get3A_425 : vector<1x16xf32> to vector<16xf32>
        %add3A_427 = arith.addf %get3A_422, %get3A_426 : vector<16xf32>
        %max3A_428 = arith.constant 0.000000e+00 : f32
        %max3A_429 = vector.broadcast %max3A_428 : f32 to vector<16xf32>
        %max3A_430 = arith.maximumf %add3A_427, %max3A_429 : vector<16xf32>
        %swap3A_431 = arith.index_cast %scan3A_317 : i32 to index
        %swap3A_432 = arith.constant 96 : index
        %swap3A_433 = tpu.vector_load %arg9[%swap3A_431, %swap3A_432] {strides = array<i32>} : memref<64x128xf32, #tpu.memory_space<vmem>>, vector<1x16xf32>,
        %swap3A_434 = vector.shape_cast %swap3A_433 : vector<1x16xf32> to vector<16xf32>
        %swap3A_435 = vector.shape_cast %max3A_430 : vector<16xf32> to vector<1x16xf32>
        tpu.vector_store %arg9[%swap3A_431, %swap3A_432], %swap3A_435 {strides = array<i32>} : memref<64x128xf32, #tpu.memory_space<vmem>>, vector<1x16xf32>,
        %get3A_436 = arith.index_cast %scan3A_317 : i32 to index
        %get3A_437 = arith.constant 112 : index
        %get3A_438 = tpu.vector_load %arg9[%get3A_436, %get3A_437] {strides = array<i32>} : memref<64x128xf32, #tpu.memory_space<vmem>>, vector<1x16xf32>,
        %get3A_439 = vector.shape_cast %get3A_438 : vector<1x16xf32> to vector<16xf32>
        %get3A_440 = arith.index_cast %scan3A_317 : i32 to index
        %get3A_441 = arith.constant 112 : index
        %get3A_442 = tpu.vector_load %arg11[%get3A_440, %get3A_441] {strides = array<i32>} : memref<64x128xf32, #tpu.memory_space<vmem>>, vector<1x16xf32>,
        %get3A_443 = vector.shape_cast %get3A_442 : vector<1x16xf32> to vector<16xf32>
        %add3A_444 = arith.addf %get3A_439, %get3A_443 : vector<16xf32>
        %max3A_445 = arith.constant 0.000000e+00 : f32
        %max3A_446 = vector.broadcast %max3A_445 : f32 to vector<16xf32>
        %max3A_447 = arith.maximumf %add3A_444, %max3A_446 : vector<16xf32>
        %swap3A_448 = arith.index_cast %scan3A_317 : i32 to index
        %swap3A_449 = arith.constant 112 : index
        %swap3A_450 = tpu.vector_load %arg9[%swap3A_448, %swap3A_449] {strides = array<i32>} : memref<64x128xf32, #tpu.memory_space<vmem>>, vector<1x16xf32>,
        %swap3A_451 = vector.shape_cast %swap3A_450 : vector<1x16xf32> to vector<16xf32>
        %swap3A_452 = vector.shape_cast %max3A_447 : vector<16xf32> to vector<1x16xf32>
        tpu.vector_store %arg9[%swap3A_448, %swap3A_449], %swap3A_452 {strides = array<i32>} : memref<64x128xf32, #tpu.memory_space<vmem>>, vector<1x16xf32>,
      }
      %scan3A_283 = arith.constant 64 : i32
      %dma_start3A_284 = arith.constant 0 : i32
      %dma_start3A_285 = arith.constant 0 : i32
      %dma_start3A_286 = tpu.memref_slice %arg25[%dma_start3A_284, %dma_start3A_285] : memref<8192x128xf32, #tpu.memory_space<vmem_shared>> -> memref<8192x128xf32, #tpu.memory_space<vmem_shared>>
      tpu.enqueue_indirect_dma source(%arg9 : memref<64x128xf32, #tpu.memory_space<vmem>>) target(%dma_start3A_286 : memref<8192x128xf32, #tpu.memory_space<vmem_shared>>) offsets(%arg23 : memref<64xi32, #tpu.memory_space<vmem>>) semaphore(%arg33 : memref<!tpu.dma_semaphore, #tpu.memory_space<semaphore_mem>>) {add = true}
      %mul3A_287 = arith.constant 4 : i32
      %mul3A_288 = arith.muli %mul3A_287, %scan3A_198 : i32
      %add3A_289 = arith.constant 3 : i32
      %add3A_290 = arith.addi %mul3A_288, %add3A_289 : i32
      %ge3A_291 = arith.constant 3 : i32
      %ge3A_292 = arith.cmpi sge, %add3A_290, %ge3A_291 : i32
      %convert_element_type3A_293 = arith.extui %ge3A_292 : i1 to i32
      %cond3A_294 = arith.constant 0 : i32
      %cond3A_295 = arith.cmpi ne, %convert_element_type3A_293, %cond3A_294 : i32
      scf.if %cond3A_295 {
        %dma_wait3A_317 = arith.constant 0 : i32
        %dma_wait3A_318 = arith.constant 0 : i32
        %dma_wait3A_319 = tpu.memref_slice %arg25[%dma_wait3A_317, %dma_wait3A_318] : memref<8192x128xf32, #tpu.memory_space<vmem_shared>> -> memref<8192x128xf32, #tpu.memory_space<vmem_shared>>
        tpu.wait_indirect_dma semaphore(%arg31 : memref<!tpu.dma_semaphore, #tpu.memory_space<semaphore_mem>>) src(%arg7 : memref<64x128xf32, #tpu.memory_space<vmem>>) dst(%dma_wait3A_319 : memref<8192x128xf32, #tpu.memory_space<vmem_shared>>)
      } else {
      }
      %add3A_296 = arith.constant 1 : i32
      %add3A_297 = arith.addi %add3A_290, %add3A_296 : i32
      %lt3A_298 = arith.constant 128 : i32
      %lt3A_299 = arith.cmpi slt, %add3A_297, %lt3A_298 : i32
      %convert_element_type3A_300 = arith.extui %lt3A_299 : i1 to i32
      %cond3A_301 = arith.constant 0 : i32
      %cond3A_302 = arith.cmpi ne, %convert_element_type3A_300, %cond3A_301 : i32
      scf.if %cond3A_302 {
        %add3A_317 = arith.constant 1 : i32
        %add3A_318 = arith.addi %add3A_290, %add3A_317 : i32
        %jit3A = arith.constant 2 : i32
        %div3A = arith.divsi %add3A_318, %jit3A : i32
        %sign3A = arith.constant 0 : i32
        %sign3A_319 = arith.cmpi sgt, %add3A_318, %sign3A : i32
        %sign3A_320 = arith.extui %sign3A_319 : i1 to i32
        %sign3A_321 = arith.constant 0 : i32
        %sign3A_322 = arith.cmpi slt, %add3A_318, %sign3A_321 : i32
        %sign3A_323 = arith.extui %sign3A_322 : i1 to i32
        %sign3A_324 = arith.subi %sign3A_320, %sign3A_323 : i32
        %sign3A_325 = arith.constant 0 : i32
        %sign3A_326 = arith.cmpi sgt, %jit3A, %sign3A_325 : i32
        %sign3A_327 = arith.extui %sign3A_326 : i1 to i32
        %sign3A_328 = arith.constant 0 : i32
        %sign3A_329 = arith.cmpi slt, %jit3A, %sign3A_328 : i32
        %sign3A_330 = arith.extui %sign3A_329 : i1 to i32
        %sign3A_331 = arith.subi %sign3A_327, %sign3A_330 : i32
        %ne3A = arith.cmpi ne, %sign3A_324, %sign3A_331 : i32
        %rem3A = arith.remsi %add3A_318, %jit3A : i32
        %ne3A_332 = arith.constant 0 : i32
        %ne3A_333 = arith.cmpi ne, %rem3A, %ne3A_332 : i32
        %and3A_334 = arith.andi %ne3A, %ne3A_333 : i1
        %sub3A = arith.constant 1 : i32
        %sub3A_335 = arith.subi %div3A, %sub3A : i32
        %select_n3A = arith.select %and3A_334, %sub3A_335, %div3A : i32
        %jit3A_336 = arith.constant 2 : i32
        %eq3A_337 = arith.constant 0 : i32
        %eq3A_338 = arith.cmpi eq, %jit3A_336, %eq3A_337 : i32
        %jit3A_339 = arith.constant 1 : i32
        %select_n3A_340 = arith.select %eq3A_338, %jit3A_339, %jit3A_336 : i32
        %rem3A_341 = arith.remsi %add3A_318, %select_n3A_340 : i32
        %ne3A_342 = arith.constant 0 : i32
        %ne3A_343 = arith.cmpi ne, %rem3A_341, %ne3A_342 : i32
        %lt3A_344 = arith.constant 0 : i32
        %lt3A_345 = arith.cmpi slt, %rem3A_341, %lt3A_344 : i32
        %lt3A_346 = arith.constant 0 : i32
        %lt3A_347 = arith.cmpi slt, %select_n3A_340, %lt3A_346 : i32
        %ne3A_348 = arith.xori %lt3A_345, %lt3A_347 : i1
        %and3A_349 = arith.andi %ne3A_348, %ne3A_343 : i1
        %add3A_350 = arith.addi %rem3A_341, %select_n3A_340 : i32
        %select_n3A_351 = arith.select %and3A_349, %add3A_350, %rem3A_341 : i32
        %mul3A_352 = arith.constant 64 : i32
        %mul3A_353 = arith.muli %select_n3A_351, %mul3A_352 : i32
        %add3A_354 = arith.constant 0 : i32
        %add3A_355 = arith.addi %mul3A_353, %add3A_354 : i32
        %get3A_356 = arith.index_cast %select_n3A : i32 to index
        %get3A_357 = arith.index_cast %add3A_355 : i32 to index
        %get3A_358 = tpu.vector_load %arg6[%get3A_356, %get3A_357] {strides = array<i32>} : memref<64x128xi32, #tpu.memory_space<vmem>>, vector<1x16xi32>,
        %get3A_359 = vector.shape_cast %get3A_358 : vector<1x16xi32> to vector<16xi32>
        %and3A_360 = arith.constant 8191 : i32
        %and3A_361 = vector.broadcast %and3A_360 : i32 to vector<16xi32>
        %and3A_362 = arith.andi %get3A_359, %and3A_361 : vector<16xi32>
        %add3A_363 = vector.broadcast %mul3A_0 : i32 to vector<16xi32>
        %add3A_364 = arith.addi %and3A_362, %add3A_363 : vector<16xi32>
        %swap3A_365 = arith.constant 0 : index
        %swap3A_366 = tpu.vector_load %arg13[%swap3A_365] {strides = array<i32>} : memref<64xi32, #tpu.memory_space<vmem>>, vector<16xi32>,
        %swap3A_367 = vector.shape_cast %swap3A_366 : vector<16xi32> to vector<16xi32>
        %swap3A_368 = vector.shape_cast %add3A_364 : vector<16xi32> to vector<16xi32>
        tpu.vector_store %arg13[%swap3A_365], %swap3A_368 {strides = array<i32>} : memref<64xi32, #tpu.memory_space<vmem>>, vector<16xi32>,
        %shift_right_logical3A_369 = arith.constant 13 : i32
        %shift_right_logical3A_370 = vector.broadcast %shift_right_logical3A_369 : i32 to vector<16xi32>
        %shift_right_logical3A_371 = arith.shrui %get3A_359, %shift_right_logical3A_370 : vector<16xi32>
        %and3A_372 = arith.constant 63 : i32
        %and3A_373 = vector.broadcast %and3A_372 : i32 to vector<16xi32>
        %and3A_374 = arith.andi %shift_right_logical3A_371, %and3A_373 : vector<16xi32>
        %add3A_375 = arith.constant 0 : i32
        %add3A_376 = vector.broadcast %add3A_375 : i32 to vector<16xi32>
        %add3A_377 = arith.addi %and3A_374, %add3A_376 : vector<16xi32>
        %swap3A_378 = arith.constant 0 : index
        %swap3A_379 = tpu.vector_load %arg17[%swap3A_378] {strides = array<i32>} : memref<64xi32, #tpu.memory_space<vmem>>, vector<16xi32>,
        %swap3A_380 = vector.shape_cast %swap3A_379 : vector<16xi32> to vector<16xi32>
        %swap3A_381 = vector.shape_cast %add3A_377 : vector<16xi32> to vector<16xi32>
        tpu.vector_store %arg17[%swap3A_378], %swap3A_381 {strides = array<i32>} : memref<64xi32, #tpu.memory_space<vmem>>, vector<16xi32>,
        %shift_right_logical3A_382 = arith.constant 19 : i32
        %shift_right_logical3A_383 = vector.broadcast %shift_right_logical3A_382 : i32 to vector<16xi32>
        %shift_right_logical3A_384 = arith.shrui %get3A_359, %shift_right_logical3A_383 : vector<16xi32>
        %swap3A_385 = arith.constant 0 : index
        %swap3A_386 = tpu.vector_load %arg21[%swap3A_385] {strides = array<i32>} : memref<64xi32, #tpu.memory_space<vmem>>, vector<16xi32>,
        %swap3A_387 = vector.shape_cast %swap3A_386 : vector<16xi32> to vector<16xi32>
        %swap3A_388 = vector.shape_cast %shift_right_logical3A_384 : vector<16xi32> to vector<16xi32>
        tpu.vector_store %arg21[%swap3A_385], %swap3A_388 {strides = array<i32>} : memref<64xi32, #tpu.memory_space<vmem>>, vector<16xi32>,
        %add3A_389 = arith.constant 16 : i32
        %add3A_390 = arith.addi %mul3A_353, %add3A_389 : i32
        %get3A_391 = arith.index_cast %select_n3A : i32 to index
        %get3A_392 = arith.index_cast %add3A_390 : i32 to index
        %get3A_393 = tpu.vector_load %arg6[%get3A_391, %get3A_392] {strides = array<i32>} : memref<64x128xi32, #tpu.memory_space<vmem>>, vector<1x16xi32>,
        %get3A_394 = vector.shape_cast %get3A_393 : vector<1x16xi32> to vector<16xi32>
        %and3A_395 = arith.constant 8191 : i32
        %and3A_396 = vector.broadcast %and3A_395 : i32 to vector<16xi32>
        %and3A_397 = arith.andi %get3A_394, %and3A_396 : vector<16xi32>
        %add3A_398 = vector.broadcast %mul3A_0 : i32 to vector<16xi32>
        %add3A_399 = arith.addi %and3A_397, %add3A_398 : vector<16xi32>
        %swap3A_400 = arith.constant 16 : index
        %swap3A_401 = tpu.vector_load %arg13[%swap3A_400] {strides = array<i32>} : memref<64xi32, #tpu.memory_space<vmem>>, vector<16xi32>,
        %swap3A_402 = vector.shape_cast %swap3A_401 : vector<16xi32> to vector<16xi32>
        %swap3A_403 = vector.shape_cast %add3A_399 : vector<16xi32> to vector<16xi32>
        tpu.vector_store %arg13[%swap3A_400], %swap3A_403 {strides = array<i32>} : memref<64xi32, #tpu.memory_space<vmem>>, vector<16xi32>,
        %shift_right_logical3A_404 = arith.constant 13 : i32
        %shift_right_logical3A_405 = vector.broadcast %shift_right_logical3A_404 : i32 to vector<16xi32>
        %shift_right_logical3A_406 = arith.shrui %get3A_394, %shift_right_logical3A_405 : vector<16xi32>
        %and3A_407 = arith.constant 63 : i32
        %and3A_408 = vector.broadcast %and3A_407 : i32 to vector<16xi32>
        %and3A_409 = arith.andi %shift_right_logical3A_406, %and3A_408 : vector<16xi32>
        %add3A_410 = arith.constant 0 : i32
        %add3A_411 = vector.broadcast %add3A_410 : i32 to vector<16xi32>
        %add3A_412 = arith.addi %and3A_409, %add3A_411 : vector<16xi32>
        %swap3A_413 = arith.constant 16 : index
        %swap3A_414 = tpu.vector_load %arg17[%swap3A_413] {strides = array<i32>} : memref<64xi32, #tpu.memory_space<vmem>>, vector<16xi32>,
        %swap3A_415 = vector.shape_cast %swap3A_414 : vector<16xi32> to vector<16xi32>
        %swap3A_416 = vector.shape_cast %add3A_412 : vector<16xi32> to vector<16xi32>
        tpu.vector_store %arg17[%swap3A_413], %swap3A_416 {strides = array<i32>} : memref<64xi32, #tpu.memory_space<vmem>>, vector<16xi32>,
        %shift_right_logical3A_417 = arith.constant 19 : i32
        %shift_right_logical3A_418 = vector.broadcast %shift_right_logical3A_417 : i32 to vector<16xi32>
        %shift_right_logical3A_419 = arith.shrui %get3A_394, %shift_right_logical3A_418 : vector<16xi32>
        %swap3A_420 = arith.constant 16 : index
        %swap3A_421 = tpu.vector_load %arg21[%swap3A_420] {strides = array<i32>} : memref<64xi32, #tpu.memory_space<vmem>>, vector<16xi32>,
        %swap3A_422 = vector.shape_cast %swap3A_421 : vector<16xi32> to vector<16xi32>
        %swap3A_423 = vector.shape_cast %shift_right_logical3A_419 : vector<16xi32> to vector<16xi32>
        tpu.vector_store %arg21[%swap3A_420], %swap3A_423 {strides = array<i32>} : memref<64xi32, #tpu.memory_space<vmem>>, vector<16xi32>,
        %add3A_424 = arith.constant 32 : i32
        %add3A_425 = arith.addi %mul3A_353, %add3A_424 : i32
        %get3A_426 = arith.index_cast %select_n3A : i32 to index
        %get3A_427 = arith.index_cast %add3A_425 : i32 to index
        %get3A_428 = tpu.vector_load %arg6[%get3A_426, %get3A_427] {strides = array<i32>} : memref<64x128xi32, #tpu.memory_space<vmem>>, vector<1x16xi32>,
        %get3A_429 = vector.shape_cast %get3A_428 : vector<1x16xi32> to vector<16xi32>
        %and3A_430 = arith.constant 8191 : i32
        %and3A_431 = vector.broadcast %and3A_430 : i32 to vector<16xi32>
        %and3A_432 = arith.andi %get3A_429, %and3A_431 : vector<16xi32>
        %add3A_433 = vector.broadcast %mul3A_0 : i32 to vector<16xi32>
        %add3A_434 = arith.addi %and3A_432, %add3A_433 : vector<16xi32>
        %swap3A_435 = arith.constant 32 : index
        %swap3A_436 = tpu.vector_load %arg13[%swap3A_435] {strides = array<i32>} : memref<64xi32, #tpu.memory_space<vmem>>, vector<16xi32>,
        %swap3A_437 = vector.shape_cast %swap3A_436 : vector<16xi32> to vector<16xi32>
        %swap3A_438 = vector.shape_cast %add3A_434 : vector<16xi32> to vector<16xi32>
        tpu.vector_store %arg13[%swap3A_435], %swap3A_438 {strides = array<i32>} : memref<64xi32, #tpu.memory_space<vmem>>, vector<16xi32>,
        %shift_right_logical3A_439 = arith.constant 13 : i32
        %shift_right_logical3A_440 = vector.broadcast %shift_right_logical3A_439 : i32 to vector<16xi32>
        %shift_right_logical3A_441 = arith.shrui %get3A_429, %shift_right_logical3A_440 : vector<16xi32>
        %and3A_442 = arith.constant 63 : i32
        %and3A_443 = vector.broadcast %and3A_442 : i32 to vector<16xi32>
        %and3A_444 = arith.andi %shift_right_logical3A_441, %and3A_443 : vector<16xi32>
        %add3A_445 = arith.constant 0 : i32
        %add3A_446 = vector.broadcast %add3A_445 : i32 to vector<16xi32>
        %add3A_447 = arith.addi %and3A_444, %add3A_446 : vector<16xi32>
        %swap3A_448 = arith.constant 32 : index
        %swap3A_449 = tpu.vector_load %arg17[%swap3A_448] {strides = array<i32>} : memref<64xi32, #tpu.memory_space<vmem>>, vector<16xi32>,
        %swap3A_450 = vector.shape_cast %swap3A_449 : vector<16xi32> to vector<16xi32>
        %swap3A_451 = vector.shape_cast %add3A_447 : vector<16xi32> to vector<16xi32>
        tpu.vector_store %arg17[%swap3A_448], %swap3A_451 {strides = array<i32>} : memref<64xi32, #tpu.memory_space<vmem>>, vector<16xi32>,
        %shift_right_logical3A_452 = arith.constant 19 : i32
        %shift_right_logical3A_453 = vector.broadcast %shift_right_logical3A_452 : i32 to vector<16xi32>
        %shift_right_logical3A_454 = arith.shrui %get3A_429, %shift_right_logical3A_453 : vector<16xi32>
        %swap3A_455 = arith.constant 32 : index
        %swap3A_456 = tpu.vector_load %arg21[%swap3A_455] {strides = array<i32>} : memref<64xi32, #tpu.memory_space<vmem>>, vector<16xi32>,
        %swap3A_457 = vector.shape_cast %swap3A_456 : vector<16xi32> to vector<16xi32>
        %swap3A_458 = vector.shape_cast %shift_right_logical3A_454 : vector<16xi32> to vector<16xi32>
        tpu.vector_store %arg21[%swap3A_455], %swap3A_458 {strides = array<i32>} : memref<64xi32, #tpu.memory_space<vmem>>, vector<16xi32>,
        %add3A_459 = arith.constant 48 : i32
        %add3A_460 = arith.addi %mul3A_353, %add3A_459 : i32
        %get3A_461 = arith.index_cast %select_n3A : i32 to index
        %get3A_462 = arith.index_cast %add3A_460 : i32 to index
        %get3A_463 = tpu.vector_load %arg6[%get3A_461, %get3A_462] {strides = array<i32>} : memref<64x128xi32, #tpu.memory_space<vmem>>, vector<1x16xi32>,
        %get3A_464 = vector.shape_cast %get3A_463 : vector<1x16xi32> to vector<16xi32>
        %and3A_465 = arith.constant 8191 : i32
        %and3A_466 = vector.broadcast %and3A_465 : i32 to vector<16xi32>
        %and3A_467 = arith.andi %get3A_464, %and3A_466 : vector<16xi32>
        %add3A_468 = vector.broadcast %mul3A_0 : i32 to vector<16xi32>
        %add3A_469 = arith.addi %and3A_467, %add3A_468 : vector<16xi32>
        %swap3A_470 = arith.constant 48 : index
        %swap3A_471 = tpu.vector_load %arg13[%swap3A_470] {strides = array<i32>} : memref<64xi32, #tpu.memory_space<vmem>>, vector<16xi32>,
        %swap3A_472 = vector.shape_cast %swap3A_471 : vector<16xi32> to vector<16xi32>
        %swap3A_473 = vector.shape_cast %add3A_469 : vector<16xi32> to vector<16xi32>
        tpu.vector_store %arg13[%swap3A_470], %swap3A_473 {strides = array<i32>} : memref<64xi32, #tpu.memory_space<vmem>>, vector<16xi32>,
        %shift_right_logical3A_474 = arith.constant 13 : i32
        %shift_right_logical3A_475 = vector.broadcast %shift_right_logical3A_474 : i32 to vector<16xi32>
        %shift_right_logical3A_476 = arith.shrui %get3A_464, %shift_right_logical3A_475 : vector<16xi32>
        %and3A_477 = arith.constant 63 : i32
        %and3A_478 = vector.broadcast %and3A_477 : i32 to vector<16xi32>
        %and3A_479 = arith.andi %shift_right_logical3A_476, %and3A_478 : vector<16xi32>
        %add3A_480 = arith.constant 0 : i32
        %add3A_481 = vector.broadcast %add3A_480 : i32 to vector<16xi32>
        %add3A_482 = arith.addi %and3A_479, %add3A_481 : vector<16xi32>
        %swap3A_483 = arith.constant 48 : index
        %swap3A_484 = tpu.vector_load %arg17[%swap3A_483] {strides = array<i32>} : memref<64xi32, #tpu.memory_space<vmem>>, vector<16xi32>,
        %swap3A_485 = vector.shape_cast %swap3A_484 : vector<16xi32> to vector<16xi32>
        %swap3A_486 = vector.shape_cast %add3A_482 : vector<16xi32> to vector<16xi32>
        tpu.vector_store %arg17[%swap3A_483], %swap3A_486 {strides = array<i32>} : memref<64xi32, #tpu.memory_space<vmem>>, vector<16xi32>,
        %shift_right_logical3A_487 = arith.constant 19 : i32
        %shift_right_logical3A_488 = vector.broadcast %shift_right_logical3A_487 : i32 to vector<16xi32>
        %shift_right_logical3A_489 = arith.shrui %get3A_464, %shift_right_logical3A_488 : vector<16xi32>
        %swap3A_490 = arith.constant 48 : index
        %swap3A_491 = tpu.vector_load %arg21[%swap3A_490] {strides = array<i32>} : memref<64xi32, #tpu.memory_space<vmem>>, vector<16xi32>,
        %swap3A_492 = vector.shape_cast %swap3A_491 : vector<16xi32> to vector<16xi32>
        %swap3A_493 = vector.shape_cast %shift_right_logical3A_489 : vector<16xi32> to vector<16xi32>
        tpu.vector_store %arg21[%swap3A_490], %swap3A_493 {strides = array<i32>} : memref<64xi32, #tpu.memory_space<vmem>>, vector<16xi32>,
        %dma_start3A_494 = arith.constant 0 : i32
        %dma_start3A_495 = arith.constant 0 : i32
        %dma_start3A_496 = tpu.memref_slice %arg2[%dma_start3A_494, %dma_start3A_495] : memref<16384x128xf32, #tpu.memory_space<hbm>> -> memref<16384x128xf32, #tpu.memory_space<hbm>>
        tpu.enqueue_indirect_dma source(%dma_start3A_496 : memref<16384x128xf32, #tpu.memory_space<hbm>>) target(%arg7 : memref<64x128xf32, #tpu.memory_space<vmem>>) offsets(%arg13 : memref<64xi32, #tpu.memory_space<vmem>>) semaphore(%arg27 : memref<!tpu.dma_semaphore, #tpu.memory_space<semaphore_mem>>)
        %dma_start3A_497 = arith.constant 0 : i32
        %dma_start3A_498 = arith.constant 0 : i32
        %dma_start3A_499 = tpu.memref_slice %arg26[%dma_start3A_497, %dma_start3A_498] : memref<64x128xf32, #tpu.memory_space<vmem_shared>> -> memref<64x128xf32, #tpu.memory_space<vmem_shared>>
        tpu.enqueue_indirect_dma source(%dma_start3A_499 : memref<64x128xf32, #tpu.memory_space<vmem_shared>>) target(%arg11 : memref<64x128xf32, #tpu.memory_space<vmem>>) offsets(%arg17 : memref<64xi32, #tpu.memory_space<vmem>>) semaphore(%arg29 : memref<!tpu.dma_semaphore, #tpu.memory_space<semaphore_mem>>)
      } else {
      }
      %dma_wait3A_303 = arith.constant 0 : i32
      %dma_wait3A_304 = arith.constant 0 : i32
      %dma_wait3A_305 = tpu.memref_slice %arg2[%dma_wait3A_303, %dma_wait3A_304] : memref<16384x128xf32, #tpu.memory_space<hbm>> -> memref<16384x128xf32, #tpu.memory_space<hbm>>
      tpu.wait_indirect_dma semaphore(%arg28 : memref<!tpu.dma_semaphore, #tpu.memory_space<semaphore_mem>>) src(%dma_wait3A_305 : memref<16384x128xf32, #tpu.memory_space<hbm>>) dst(%arg10 : memref<64x128xf32, #tpu.memory_space<vmem>>)
      %dma_wait3A_306 = arith.constant 0 : i32
      %dma_wait3A_307 = arith.constant 0 : i32
      %dma_wait3A_308 = tpu.memref_slice %arg26[%dma_wait3A_306, %dma_wait3A_307] : memref<64x128xf32, #tpu.memory_space<vmem_shared>> -> memref<64x128xf32, #tpu.memory_space<vmem_shared>>
      tpu.wait_indirect_dma semaphore(%arg30 : memref<!tpu.dma_semaphore, #tpu.memory_space<semaphore_mem>>) src(%dma_wait3A_308 : memref<64x128xf32, #tpu.memory_space<vmem_shared>>) dst(%arg12 : memref<64x128xf32, #tpu.memory_space<vmem>>)
      %scan3A_309 = arith.constant 0 : i32
      %scan3A_310 = arith.constant 64 : i32
      %scan3A_311 = arith.addi %scan3A_309, %scan3A_310 : i32
      %scan3A_312 = arith.constant 1 : i32
      scf.for %scan3A_317 = %scan3A_309 to %scan3A_311 step %scan3A_312  : i32 {
        %get3A_318 = arith.index_cast %scan3A_317 : i32 to index
        %get3A_319 = arith.constant 0 : index
        %get3A_320 = tpu.vector_load %arg10[%get3A_318, %get3A_319] {strides = array<i32>} : memref<64x128xf32, #tpu.memory_space<vmem>>, vector<1x16xf32>,
        %get3A_321 = vector.shape_cast %get3A_320 : vector<1x16xf32> to vector<16xf32>
        %get3A_322 = arith.index_cast %scan3A_317 : i32 to index
        %get3A_323 = arith.constant 0 : index
        %get3A_324 = tpu.vector_load %arg12[%get3A_322, %get3A_323] {strides = array<i32>} : memref<64x128xf32, #tpu.memory_space<vmem>>, vector<1x16xf32>,
        %get3A_325 = vector.shape_cast %get3A_324 : vector<1x16xf32> to vector<16xf32>
        %add3A_326 = arith.addf %get3A_321, %get3A_325 : vector<16xf32>
        %max3A = arith.constant 0.000000e+00 : f32
        %max3A_327 = vector.broadcast %max3A : f32 to vector<16xf32>
        %max3A_328 = arith.maximumf %add3A_326, %max3A_327 : vector<16xf32>
        %swap3A_329 = arith.index_cast %scan3A_317 : i32 to index
        %swap3A_330 = arith.constant 0 : index
        %swap3A_331 = tpu.vector_load %arg10[%swap3A_329, %swap3A_330] {strides = array<i32>} : memref<64x128xf32, #tpu.memory_space<vmem>>, vector<1x16xf32>,
        %swap3A_332 = vector.shape_cast %swap3A_331 : vector<1x16xf32> to vector<16xf32>
        %swap3A_333 = vector.shape_cast %max3A_328 : vector<16xf32> to vector<1x16xf32>
        tpu.vector_store %arg10[%swap3A_329, %swap3A_330], %swap3A_333 {strides = array<i32>} : memref<64x128xf32, #tpu.memory_space<vmem>>, vector<1x16xf32>,
        %get3A_334 = arith.index_cast %scan3A_317 : i32 to index
        %get3A_335 = arith.constant 16 : index
        %get3A_336 = tpu.vector_load %arg10[%get3A_334, %get3A_335] {strides = array<i32>} : memref<64x128xf32, #tpu.memory_space<vmem>>, vector<1x16xf32>,
        %get3A_337 = vector.shape_cast %get3A_336 : vector<1x16xf32> to vector<16xf32>
        %get3A_338 = arith.index_cast %scan3A_317 : i32 to index
        %get3A_339 = arith.constant 16 : index
        %get3A_340 = tpu.vector_load %arg12[%get3A_338, %get3A_339] {strides = array<i32>} : memref<64x128xf32, #tpu.memory_space<vmem>>, vector<1x16xf32>,
        %get3A_341 = vector.shape_cast %get3A_340 : vector<1x16xf32> to vector<16xf32>
        %add3A_342 = arith.addf %get3A_337, %get3A_341 : vector<16xf32>
        %max3A_343 = arith.constant 0.000000e+00 : f32
        %max3A_344 = vector.broadcast %max3A_343 : f32 to vector<16xf32>
        %max3A_345 = arith.maximumf %add3A_342, %max3A_344 : vector<16xf32>
        %swap3A_346 = arith.index_cast %scan3A_317 : i32 to index
        %swap3A_347 = arith.constant 16 : index
        %swap3A_348 = tpu.vector_load %arg10[%swap3A_346, %swap3A_347] {strides = array<i32>} : memref<64x128xf32, #tpu.memory_space<vmem>>, vector<1x16xf32>,
        %swap3A_349 = vector.shape_cast %swap3A_348 : vector<1x16xf32> to vector<16xf32>
        %swap3A_350 = vector.shape_cast %max3A_345 : vector<16xf32> to vector<1x16xf32>
        tpu.vector_store %arg10[%swap3A_346, %swap3A_347], %swap3A_350 {strides = array<i32>} : memref<64x128xf32, #tpu.memory_space<vmem>>, vector<1x16xf32>,
        %get3A_351 = arith.index_cast %scan3A_317 : i32 to index
        %get3A_352 = arith.constant 32 : index
        %get3A_353 = tpu.vector_load %arg10[%get3A_351, %get3A_352] {strides = array<i32>} : memref<64x128xf32, #tpu.memory_space<vmem>>, vector<1x16xf32>,
        %get3A_354 = vector.shape_cast %get3A_353 : vector<1x16xf32> to vector<16xf32>
        %get3A_355 = arith.index_cast %scan3A_317 : i32 to index
        %get3A_356 = arith.constant 32 : index
        %get3A_357 = tpu.vector_load %arg12[%get3A_355, %get3A_356] {strides = array<i32>} : memref<64x128xf32, #tpu.memory_space<vmem>>, vector<1x16xf32>,
        %get3A_358 = vector.shape_cast %get3A_357 : vector<1x16xf32> to vector<16xf32>
        %add3A_359 = arith.addf %get3A_354, %get3A_358 : vector<16xf32>
        %max3A_360 = arith.constant 0.000000e+00 : f32
        %max3A_361 = vector.broadcast %max3A_360 : f32 to vector<16xf32>
        %max3A_362 = arith.maximumf %add3A_359, %max3A_361 : vector<16xf32>
        %swap3A_363 = arith.index_cast %scan3A_317 : i32 to index
        %swap3A_364 = arith.constant 32 : index
        %swap3A_365 = tpu.vector_load %arg10[%swap3A_363, %swap3A_364] {strides = array<i32>} : memref<64x128xf32, #tpu.memory_space<vmem>>, vector<1x16xf32>,
        %swap3A_366 = vector.shape_cast %swap3A_365 : vector<1x16xf32> to vector<16xf32>
        %swap3A_367 = vector.shape_cast %max3A_362 : vector<16xf32> to vector<1x16xf32>
        tpu.vector_store %arg10[%swap3A_363, %swap3A_364], %swap3A_367 {strides = array<i32>} : memref<64x128xf32, #tpu.memory_space<vmem>>, vector<1x16xf32>,
        %get3A_368 = arith.index_cast %scan3A_317 : i32 to index
        %get3A_369 = arith.constant 48 : index
        %get3A_370 = tpu.vector_load %arg10[%get3A_368, %get3A_369] {strides = array<i32>} : memref<64x128xf32, #tpu.memory_space<vmem>>, vector<1x16xf32>,
        %get3A_371 = vector.shape_cast %get3A_370 : vector<1x16xf32> to vector<16xf32>
        %get3A_372 = arith.index_cast %scan3A_317 : i32 to index
        %get3A_373 = arith.constant 48 : index
        %get3A_374 = tpu.vector_load %arg12[%get3A_372, %get3A_373] {strides = array<i32>} : memref<64x128xf32, #tpu.memory_space<vmem>>, vector<1x16xf32>,
        %get3A_375 = vector.shape_cast %get3A_374 : vector<1x16xf32> to vector<16xf32>
        %add3A_376 = arith.addf %get3A_371, %get3A_375 : vector<16xf32>
        %max3A_377 = arith.constant 0.000000e+00 : f32
        %max3A_378 = vector.broadcast %max3A_377 : f32 to vector<16xf32>
        %max3A_379 = arith.maximumf %add3A_376, %max3A_378 : vector<16xf32>
        %swap3A_380 = arith.index_cast %scan3A_317 : i32 to index
        %swap3A_381 = arith.constant 48 : index
        %swap3A_382 = tpu.vector_load %arg10[%swap3A_380, %swap3A_381] {strides = array<i32>} : memref<64x128xf32, #tpu.memory_space<vmem>>, vector<1x16xf32>,
        %swap3A_383 = vector.shape_cast %swap3A_382 : vector<1x16xf32> to vector<16xf32>
        %swap3A_384 = vector.shape_cast %max3A_379 : vector<16xf32> to vector<1x16xf32>
        tpu.vector_store %arg10[%swap3A_380, %swap3A_381], %swap3A_384 {strides = array<i32>} : memref<64x128xf32, #tpu.memory_space<vmem>>, vector<1x16xf32>,
        %get3A_385 = arith.index_cast %scan3A_317 : i32 to index
        %get3A_386 = arith.constant 64 : index
        %get3A_387 = tpu.vector_load %arg10[%get3A_385, %get3A_386] {strides = array<i32>} : memref<64x128xf32, #tpu.memory_space<vmem>>, vector<1x16xf32>,
        %get3A_388 = vector.shape_cast %get3A_387 : vector<1x16xf32> to vector<16xf32>
        %get3A_389 = arith.index_cast %scan3A_317 : i32 to index
        %get3A_390 = arith.constant 64 : index
        %get3A_391 = tpu.vector_load %arg12[%get3A_389, %get3A_390] {strides = array<i32>} : memref<64x128xf32, #tpu.memory_space<vmem>>, vector<1x16xf32>,
        %get3A_392 = vector.shape_cast %get3A_391 : vector<1x16xf32> to vector<16xf32>
        %add3A_393 = arith.addf %get3A_388, %get3A_392 : vector<16xf32>
        %max3A_394 = arith.constant 0.000000e+00 : f32
        %max3A_395 = vector.broadcast %max3A_394 : f32 to vector<16xf32>
        %max3A_396 = arith.maximumf %add3A_393, %max3A_395 : vector<16xf32>
        %swap3A_397 = arith.index_cast %scan3A_317 : i32 to index
        %swap3A_398 = arith.constant 64 : index
        %swap3A_399 = tpu.vector_load %arg10[%swap3A_397, %swap3A_398] {strides = array<i32>} : memref<64x128xf32, #tpu.memory_space<vmem>>, vector<1x16xf32>,
        %swap3A_400 = vector.shape_cast %swap3A_399 : vector<1x16xf32> to vector<16xf32>
        %swap3A_401 = vector.shape_cast %max3A_396 : vector<16xf32> to vector<1x16xf32>
        tpu.vector_store %arg10[%swap3A_397, %swap3A_398], %swap3A_401 {strides = array<i32>} : memref<64x128xf32, #tpu.memory_space<vmem>>, vector<1x16xf32>,
        %get3A_402 = arith.index_cast %scan3A_317 : i32 to index
        %get3A_403 = arith.constant 80 : index
        %get3A_404 = tpu.vector_load %arg10[%get3A_402, %get3A_403] {strides = array<i32>} : memref<64x128xf32, #tpu.memory_space<vmem>>, vector<1x16xf32>,
        %get3A_405 = vector.shape_cast %get3A_404 : vector<1x16xf32> to vector<16xf32>
        %get3A_406 = arith.index_cast %scan3A_317 : i32 to index
        %get3A_407 = arith.constant 80 : index
        %get3A_408 = tpu.vector_load %arg12[%get3A_406, %get3A_407] {strides = array<i32>} : memref<64x128xf32, #tpu.memory_space<vmem>>, vector<1x16xf32>,
        %get3A_409 = vector.shape_cast %get3A_408 : vector<1x16xf32> to vector<16xf32>
        %add3A_410 = arith.addf %get3A_405, %get3A_409 : vector<16xf32>
        %max3A_411 = arith.constant 0.000000e+00 : f32
        %max3A_412 = vector.broadcast %max3A_411 : f32 to vector<16xf32>
        %max3A_413 = arith.maximumf %add3A_410, %max3A_412 : vector<16xf32>
        %swap3A_414 = arith.index_cast %scan3A_317 : i32 to index
        %swap3A_415 = arith.constant 80 : index
        %swap3A_416 = tpu.vector_load %arg10[%swap3A_414, %swap3A_415] {strides = array<i32>} : memref<64x128xf32, #tpu.memory_space<vmem>>, vector<1x16xf32>,
        %swap3A_417 = vector.shape_cast %swap3A_416 : vector<1x16xf32> to vector<16xf32>
        %swap3A_418 = vector.shape_cast %max3A_413 : vector<16xf32> to vector<1x16xf32>
        tpu.vector_store %arg10[%swap3A_414, %swap3A_415], %swap3A_418 {strides = array<i32>} : memref<64x128xf32, #tpu.memory_space<vmem>>, vector<1x16xf32>,
        %get3A_419 = arith.index_cast %scan3A_317 : i32 to index
        %get3A_420 = arith.constant 96 : index
        %get3A_421 = tpu.vector_load %arg10[%get3A_419, %get3A_420] {strides = array<i32>} : memref<64x128xf32, #tpu.memory_space<vmem>>, vector<1x16xf32>,
        %get3A_422 = vector.shape_cast %get3A_421 : vector<1x16xf32> to vector<16xf32>
        %get3A_423 = arith.index_cast %scan3A_317 : i32 to index
        %get3A_424 = arith.constant 96 : index
        %get3A_425 = tpu.vector_load %arg12[%get3A_423, %get3A_424] {strides = array<i32>} : memref<64x128xf32, #tpu.memory_space<vmem>>, vector<1x16xf32>,
        %get3A_426 = vector.shape_cast %get3A_425 : vector<1x16xf32> to vector<16xf32>
        %add3A_427 = arith.addf %get3A_422, %get3A_426 : vector<16xf32>
        %max3A_428 = arith.constant 0.000000e+00 : f32
        %max3A_429 = vector.broadcast %max3A_428 : f32 to vector<16xf32>
        %max3A_430 = arith.maximumf %add3A_427, %max3A_429 : vector<16xf32>
        %swap3A_431 = arith.index_cast %scan3A_317 : i32 to index
        %swap3A_432 = arith.constant 96 : index
        %swap3A_433 = tpu.vector_load %arg10[%swap3A_431, %swap3A_432] {strides = array<i32>} : memref<64x128xf32, #tpu.memory_space<vmem>>, vector<1x16xf32>,
        %swap3A_434 = vector.shape_cast %swap3A_433 : vector<1x16xf32> to vector<16xf32>
        %swap3A_435 = vector.shape_cast %max3A_430 : vector<16xf32> to vector<1x16xf32>
        tpu.vector_store %arg10[%swap3A_431, %swap3A_432], %swap3A_435 {strides = array<i32>} : memref<64x128xf32, #tpu.memory_space<vmem>>, vector<1x16xf32>,
        %get3A_436 = arith.index_cast %scan3A_317 : i32 to index
        %get3A_437 = arith.constant 112 : index
        %get3A_438 = tpu.vector_load %arg10[%get3A_436, %get3A_437] {strides = array<i32>} : memref<64x128xf32, #tpu.memory_space<vmem>>, vector<1x16xf32>,
        %get3A_439 = vector.shape_cast %get3A_438 : vector<1x16xf32> to vector<16xf32>
        %get3A_440 = arith.index_cast %scan3A_317 : i32 to index
        %get3A_441 = arith.constant 112 : index
        %get3A_442 = tpu.vector_load %arg12[%get3A_440, %get3A_441] {strides = array<i32>} : memref<64x128xf32, #tpu.memory_space<vmem>>, vector<1x16xf32>,
        %get3A_443 = vector.shape_cast %get3A_442 : vector<1x16xf32> to vector<16xf32>
        %add3A_444 = arith.addf %get3A_439, %get3A_443 : vector<16xf32>
        %max3A_445 = arith.constant 0.000000e+00 : f32
        %max3A_446 = vector.broadcast %max3A_445 : f32 to vector<16xf32>
        %max3A_447 = arith.maximumf %add3A_444, %max3A_446 : vector<16xf32>
        %swap3A_448 = arith.index_cast %scan3A_317 : i32 to index
        %swap3A_449 = arith.constant 112 : index
        %swap3A_450 = tpu.vector_load %arg10[%swap3A_448, %swap3A_449] {strides = array<i32>} : memref<64x128xf32, #tpu.memory_space<vmem>>, vector<1x16xf32>,
        %swap3A_451 = vector.shape_cast %swap3A_450 : vector<1x16xf32> to vector<16xf32>
        %swap3A_452 = vector.shape_cast %max3A_447 : vector<16xf32> to vector<1x16xf32>
        tpu.vector_store %arg10[%swap3A_448, %swap3A_449], %swap3A_452 {strides = array<i32>} : memref<64x128xf32, #tpu.memory_space<vmem>>, vector<1x16xf32>,
      }
      %scan3A_313 = arith.constant 64 : i32
      %dma_start3A_314 = arith.constant 0 : i32
      %dma_start3A_315 = arith.constant 0 : i32
      %dma_start3A_316 = tpu.memref_slice %arg25[%dma_start3A_314, %dma_start3A_315] : memref<8192x128xf32, #tpu.memory_space<vmem_shared>> -> memref<8192x128xf32, #tpu.memory_space<vmem_shared>>
      tpu.enqueue_indirect_dma source(%arg10 : memref<64x128xf32, #tpu.memory_space<vmem>>) target(%dma_start3A_316 : memref<8192x128xf32, #tpu.memory_space<vmem_shared>>) offsets(%arg24 : memref<64xi32, #tpu.memory_space<vmem>>) semaphore(%arg34 : memref<!tpu.dma_semaphore, #tpu.memory_space<semaphore_mem>>) {add = true}
    }
    %scan3A_181 = arith.constant 32 : i32
    %dma_wait3A = arith.constant 0 : i32
    %dma_wait3A_182 = arith.constant 0 : i32
    %dma_wait3A_183 = tpu.memref_slice %arg25[%dma_wait3A, %dma_wait3A_182] : memref<8192x128xf32, #tpu.memory_space<vmem_shared>> -> memref<8192x128xf32, #tpu.memory_space<vmem_shared>>
    tpu.wait_indirect_dma semaphore(%arg32 : memref<!tpu.dma_semaphore, #tpu.memory_space<semaphore_mem>>) src(%arg8 : memref<64x128xf32, #tpu.memory_space<vmem>>) dst(%dma_wait3A_183 : memref<8192x128xf32, #tpu.memory_space<vmem_shared>>)
    %dma_wait3A_184 = arith.constant 0 : i32
    %dma_wait3A_185 = arith.constant 0 : i32
    %dma_wait3A_186 = tpu.memref_slice %arg25[%dma_wait3A_184, %dma_wait3A_185] : memref<8192x128xf32, #tpu.memory_space<vmem_shared>> -> memref<8192x128xf32, #tpu.memory_space<vmem_shared>>
    tpu.wait_indirect_dma semaphore(%arg33 : memref<!tpu.dma_semaphore, #tpu.memory_space<semaphore_mem>>) src(%arg9 : memref<64x128xf32, #tpu.memory_space<vmem>>) dst(%dma_wait3A_186 : memref<8192x128xf32, #tpu.memory_space<vmem_shared>>)
    %dma_wait3A_187 = arith.constant 0 : i32
    %dma_wait3A_188 = arith.constant 0 : i32
    %dma_wait3A_189 = tpu.memref_slice %arg25[%dma_wait3A_187, %dma_wait3A_188] : memref<8192x128xf32, #tpu.memory_space<vmem_shared>> -> memref<8192x128xf32, #tpu.memory_space<vmem_shared>>
    tpu.wait_indirect_dma semaphore(%arg34 : memref<!tpu.dma_semaphore, #tpu.memory_space<semaphore_mem>>) src(%arg10 : memref<64x128xf32, #tpu.memory_space<vmem>>) dst(%dma_wait3A_189 : memref<8192x128xf32, #tpu.memory_space<vmem_shared>>)
    %barrier3A_190 = arith.constant 0 : index
    tpu.barrier barrier_id(%barrier3A_190)
    %mul3A_191 = arith.constant 512 : i32
    %mul3A_192 = arith.muli %arg1, %mul3A_191 : i32
    %mul3A_193 = arith.constant 8192 : i32
    %mul3A_194 = arith.muli %arg0, %mul3A_193 : i32
    %mul3A_195 = arith.constant 512 : i32
    %mul3A_196 = arith.muli %arg1, %mul3A_195 : i32
    %add3A_197 = arith.addi %mul3A_194, %mul3A_196 : i32
    "tpu.region"() ({
      %run_scoped3A = tpu.sem_alloc : memref<!tpu.dma_semaphore, #tpu.memory_space<semaphore_mem>>
      %dma_start3A_198 = arith.constant 0 : i32
      %dma_start3A_199 = tpu.memref_slice %arg5[%add3A_197, %dma_start3A_198] : memref<16384x128xf32, #tpu.memory_space<hbm>> -> memref<512x128xf32, #tpu.memory_space<hbm>>
      %dma_start3A_200 = arith.constant 0 : i32
      %dma_start3A_201 = tpu.memref_slice %arg25[%mul3A_192, %dma_start3A_200] : memref<8192x128xf32, #tpu.memory_space<vmem_shared>> -> memref<512x128xf32, #tpu.memory_space<vmem_shared>>
      tpu.enqueue_dma source(%dma_start3A_201 : memref<512x128xf32, #tpu.memory_space<vmem_shared>>) target(%dma_start3A_199 : memref<512x128xf32, #tpu.memory_space<hbm>>) target_semaphore(%run_scoped3A : memref<!tpu.dma_semaphore, #tpu.memory_space<semaphore_mem>>)
      %dma_wait3A_202 = arith.constant 0 : i32
      %dma_wait3A_203 = tpu.memref_slice %arg5[%add3A_197, %dma_wait3A_202] : memref<16384x128xf32, #tpu.memory_space<hbm>> -> memref<512x128xf32, #tpu.memory_space<hbm>>
      %dma_wait3A_204 = arith.constant 0 : i32
      %dma_wait3A_205 = tpu.memref_slice %arg25[%mul3A_192, %dma_wait3A_204] : memref<8192x128xf32, #tpu.memory_space<vmem_shared>> -> memref<512x128xf32, #tpu.memory_space<vmem_shared>>
      tpu.wait_dma2 semaphore(%run_scoped3A : memref<!tpu.dma_semaphore, #tpu.memory_space<semaphore_mem>>) src(%dma_wait3A_205 : memref<512x128xf32, #tpu.memory_space<vmem_shared>>) dst(%dma_wait3A_203 : memref<512x128xf32, #tpu.memory_space<hbm>>)
      tpu.yield
    }) : () -> ()
    return
  }
}

#map = affine_map<(d0, d1) -> (0, 0)>
module attributes {stable_mosaic.version = 14 : i64} {
  func.func @_sc_gine_body(%arg0: i32, %arg1: i32, %arg2: memref<16384x128xf32, #tpu.memory_space<hbm>>, %arg3: memref<128x128xf32, #tpu.memory_space<hbm>>, %arg4: memref<1024x128xi32, #tpu.memory_space<hbm>>, %arg5: memref<16384x128xf32, #tpu.memory_space<hbm>>, %arg6: memref<64x128xi32, #tpu.memory_space<vmem>>, %arg7: memref<64x128xf32, #tpu.memory_space<vmem>>, %arg8: memref<64x128xf32, #tpu.memory_space<vmem>>, %arg9: memref<64x128xf32, #tpu.memory_space<vmem>>, %arg10: memref<64x128xf32, #tpu.memory_space<vmem>>, %arg11: memref<64x128xf32, #tpu.memory_space<vmem>>, %arg12: memref<64x128xf32, #tpu.memory_space<vmem>>, %arg13: memref<64xi32, #tpu.memory_space<vmem>>, %arg14: memref<64xi32, #tpu.memory_space<vmem>>, %arg15: memref<64xi32, #tpu.memory_space<vmem>>, %arg16: memref<64xi32, #tpu.memory_space<vmem>>, %arg17: memref<64xi32, #tpu.memory_space<vmem>>, %arg18: memref<64xi32, #tpu.memory_space<vmem>>, %arg19: memref<64xi32, #tpu.memory_space<vmem>>, %arg20: memref<64xi32, #tpu.memory_space<vmem>>, %arg21: memref<64xi32, #tpu.memory_space<vmem>>, %arg22: memref<64xi32, #tpu.memory_space<vmem>>, %arg23: memref<64xi32, #tpu.memory_space<vmem>>, %arg24: memref<64xi32, #tpu.memory_space<vmem>>, %arg25: memref<8192x128xf32, #tpu.memory_space<vmem_shared>>, %arg26: memref<64x128xf32, #tpu.memory_space<vmem_shared>>, %arg27: memref<!tpu.dma_semaphore, #tpu.memory_space<semaphore_mem>>, %arg28: memref<!tpu.dma_semaphore, #tpu.memory_space<semaphore_mem>>, %arg29: memref<!tpu.dma_semaphore, #tpu.memory_space<semaphore_mem>>, %arg30: memref<!tpu.dma_semaphore, #tpu.memory_space<semaphore_mem>>, %arg31: memref<!tpu.dma_semaphore, #tpu.memory_space<semaphore_mem>>, %arg32: memref<!tpu.dma_semaphore, #tpu.memory_space<semaphore_mem>>, %arg33: memref<!tpu.dma_semaphore, #tpu.memory_space<semaphore_mem>>, %arg34: memref<!tpu.dma_semaphore, #tpu.memory_space<semaphore_mem>>) attributes {dimension_semantics = [#tpu.dimension_semantics<core_parallel>, #tpu.dimension_semantics<subcore_parallel>], iteration_bounds = array<i64: 2, 16>, scalar_prefetch = 0 : i64, scratch_operands = 29 : i64, tpu.core_type = #tpu.core_type<sc_vector_subcore>, window_params = [{transform_indices = #map}, {transform_indices = #map}, {transform_indices = #map}, {transform_indices = #map}]} {
    %mul3A = arith.constant 8192 : i32
    %mul3A_0 = arith.muli %arg0, %mul3A : i32
    %mul3A_1 = arith.constant 64 : i32
    %mul3A_2 = arith.muli %arg1, %mul3A_1 : i32
    "tpu.region"() ({
      %run_scoped3A = tpu.sem_alloc : memref<!tpu.dma_semaphore, #tpu.memory_space<semaphore_mem>>
      %dma_start3A_198 = arith.constant 0 : i32
      %dma_start3A_199 = tpu.memref_slice %arg4[%mul3A_2, %dma_start3A_198] : memref<1024x128xi32, #tpu.memory_space<hbm>> -> memref<64x128xi32, #tpu.memory_space<hbm>>
      %dma_start3A_200 = arith.constant 0 : i32
      %dma_start3A_201 = tpu.memref_slice %arg4[%mul3A_2, %dma_start3A_200] : memref<1024x128xi32, #tpu.memory_space<hbm>> -> memref<64x128xi32, #tpu.memory_space<hbm>>
      tpu.enqueue_dma source(%dma_start3A_201 : memref<64x128xi32, #tpu.memory_space<hbm>>) target(%arg6 : memref<64x128xi32, #tpu.memory_space<vmem>>) target_semaphore(%run_scoped3A : memref<!tpu.dma_semaphore, #tpu.memory_space<semaphore_mem>>)
      %dma_wait3A_202 = arith.constant 0 : i32
      %dma_wait3A_203 = tpu.memref_slice %arg4[%mul3A_2, %dma_wait3A_202] : memref<1024x128xi32, #tpu.memory_space<hbm>> -> memref<64x128xi32, #tpu.memory_space<hbm>>
      %dma_wait3A_204 = arith.constant 0 : i32
      %dma_wait3A_205 = tpu.memref_slice %arg4[%mul3A_2, %dma_wait3A_204] : memref<1024x128xi32, #tpu.memory_space<hbm>> -> memref<64x128xi32, #tpu.memory_space<hbm>>
      tpu.wait_dma2 semaphore(%run_scoped3A : memref<!tpu.dma_semaphore, #tpu.memory_space<semaphore_mem>>) src(%dma_wait3A_205 : memref<64x128xi32, #tpu.memory_space<hbm>>) dst(%arg6 : memref<64x128xi32, #tpu.memory_space<vmem>>)
      tpu.yield
    }) : () -> ()
    %eq3A = arith.constant 0 : i32
    %eq3A_3 = arith.cmpi eq, %arg1, %eq3A : i32
    %convert_element_type3A = arith.extui %eq3A_3 : i1 to i32
    %cond3A = arith.constant 0 : i32
    %cond3A_4 = arith.cmpi ne, %convert_element_type3A, %cond3A : i32
    scf.if %cond3A_4 {
      %mul3A_198 = arith.constant 64 : i32
      %mul3A_199 = arith.muli %arg0, %mul3A_198 : i32
      "tpu.region"() ({
        %run_scoped3A = tpu.sem_alloc : memref<!tpu.dma_semaphore, #tpu.memory_space<semaphore_mem>>
        %dma_start3A_200 = arith.constant 0 : i32
        %dma_start3A_201 = tpu.memref_slice %arg3[%mul3A_199, %dma_start3A_200] : memref<128x128xf32, #tpu.memory_space<hbm>> -> memref<64x128xf32, #tpu.memory_space<hbm>>
        tpu.enqueue_dma source(%dma_start3A_201 : memref<64x128xf32, #tpu.memory_space<hbm>>) target(%arg26 : memref<64x128xf32, #tpu.memory_space<vmem_shared>>) target_semaphore(%run_scoped3A : memref<!tpu.dma_semaphore, #tpu.memory_space<semaphore_mem>>)
        %dma_wait3A_202 = arith.constant 0 : i32
        %dma_wait3A_203 = tpu.memref_slice %arg3[%mul3A_199, %dma_wait3A_202] : memref<128x128xf32, #tpu.memory_space<hbm>> -> memref<64x128xf32, #tpu.memory_space<hbm>>
        tpu.wait_dma2 semaphore(%run_scoped3A : memref<!tpu.dma_semaphore, #tpu.memory_space<semaphore_mem>>) src(%dma_wait3A_203 : memref<64x128xf32, #tpu.memory_space<hbm>>) dst(%arg26 : memref<64x128xf32, #tpu.memory_space<vmem_shared>>)
        tpu.yield
      }) : () -> ()
    } else {
    }
    %scan3A = arith.constant 0 : i32
    %scan3A_5 = arith.constant 64 : i32
    %scan3A_6 = arith.addi %scan3A, %scan3A_5 : i32
    %scan3A_7 = arith.constant 1 : i32
    scf.for %scan3A_198 = %scan3A to %scan3A_6 step %scan3A_7  : i32 {
      %broadcast_in_dim3A = arith.constant 0.000000e+00 : f32
      %broadcast_in_dim3A_199 = vector.broadcast %broadcast_in_dim3A : f32 to vector<16xf32>
      %swap3A_200 = arith.index_cast %scan3A_198 : i32 to index
      %swap3A_201 = arith.constant 0 : index
      %swap3A_202 = tpu.vector_load %arg7[%swap3A_200, %swap3A_201] {strides = array<i32>} : memref<64x128xf32, #tpu.memory_space<vmem>>, vector<1x16xf32>,
      %swap3A_203 = vector.shape_cast %swap3A_202 : vector<1x16xf32> to vector<16xf32>
      %swap3A_204 = vector.shape_cast %broadcast_in_dim3A_199 : vector<16xf32> to vector<1x16xf32>
      tpu.vector_store %arg7[%swap3A_200, %swap3A_201], %swap3A_204 {strides = array<i32>} : memref<64x128xf32, #tpu.memory_space<vmem>>, vector<1x16xf32>,
      %broadcast_in_dim3A_205 = arith.constant 0.000000e+00 : f32
      %broadcast_in_dim3A_206 = vector.broadcast %broadcast_in_dim3A_205 : f32 to vector<16xf32>
      %swap3A_207 = arith.index_cast %scan3A_198 : i32 to index
      %swap3A_208 = arith.constant 16 : index
      %swap3A_209 = tpu.vector_load %arg7[%swap3A_207, %swap3A_208] {strides = array<i32>} : memref<64x128xf32, #tpu.memory_space<vmem>>, vector<1x16xf32>,
      %swap3A_210 = vector.shape_cast %swap3A_209 : vector<1x16xf32> to vector<16xf32>
      %swap3A_211 = vector.shape_cast %broadcast_in_dim3A_206 : vector<16xf32> to vector<1x16xf32>
      tpu.vector_store %arg7[%swap3A_207, %swap3A_208], %swap3A_211 {strides = array<i32>} : memref<64x128xf32, #tpu.memory_space<vmem>>, vector<1x16xf32>,
      %broadcast_in_dim3A_212 = arith.constant 0.000000e+00 : f32
      %broadcast_in_dim3A_213 = vector.broadcast %broadcast_in_dim3A_212 : f32 to vector<16xf32>
      %swap3A_214 = arith.index_cast %scan3A_198 : i32 to index
      %swap3A_215 = arith.constant 32 : index
      %swap3A_216 = tpu.vector_load %arg7[%swap3A_214, %swap3A_215] {strides = array<i32>} : memref<64x128xf32, #tpu.memory_space<vmem>>, vector<1x16xf32>,
      %swap3A_217 = vector.shape_cast %swap3A_216 : vector<1x16xf32> to vector<16xf32>
      %swap3A_218 = vector.shape_cast %broadcast_in_dim3A_213 : vector<16xf32> to vector<1x16xf32>
      tpu.vector_store %arg7[%swap3A_214, %swap3A_215], %swap3A_218 {strides = array<i32>} : memref<64x128xf32, #tpu.memory_space<vmem>>, vector<1x16xf32>,
      %broadcast_in_dim3A_219 = arith.constant 0.000000e+00 : f32
      %broadcast_in_dim3A_220 = vector.broadcast %broadcast_in_dim3A_219 : f32 to vector<16xf32>
      %swap3A_221 = arith.index_cast %scan3A_198 : i32 to index
      %swap3A_222 = arith.constant 48 : index
      %swap3A_223 = tpu.vector_load %arg7[%swap3A_221, %swap3A_222] {strides = array<i32>} : memref<64x128xf32, #tpu.memory_space<vmem>>, vector<1x16xf32>,
      %swap3A_224 = vector.shape_cast %swap3A_223 : vector<1x16xf32> to vector<16xf32>
      %swap3A_225 = vector.shape_cast %broadcast_in_dim3A_220 : vector<16xf32> to vector<1x16xf32>
      tpu.vector_store %arg7[%swap3A_221, %swap3A_222], %swap3A_225 {strides = array<i32>} : memref<64x128xf32, #tpu.memory_space<vmem>>, vector<1x16xf32>,
      %broadcast_in_dim3A_226 = arith.constant 0.000000e+00 : f32
      %broadcast_in_dim3A_227 = vector.broadcast %broadcast_in_dim3A_226 : f32 to vector<16xf32>
      %swap3A_228 = arith.index_cast %scan3A_198 : i32 to index
      %swap3A_229 = arith.constant 64 : index
      %swap3A_230 = tpu.vector_load %arg7[%swap3A_228, %swap3A_229] {strides = array<i32>} : memref<64x128xf32, #tpu.memory_space<vmem>>, vector<1x16xf32>,
      %swap3A_231 = vector.shape_cast %swap3A_230 : vector<1x16xf32> to vector<16xf32>
      %swap3A_232 = vector.shape_cast %broadcast_in_dim3A_227 : vector<16xf32> to vector<1x16xf32>
      tpu.vector_store %arg7[%swap3A_228, %swap3A_229], %swap3A_232 {strides = array<i32>} : memref<64x128xf32, #tpu.memory_space<vmem>>, vector<1x16xf32>,
      %broadcast_in_dim3A_233 = arith.constant 0.000000e+00 : f32
      %broadcast_in_dim3A_234 = vector.broadcast %broadcast_in_dim3A_233 : f32 to vector<16xf32>
      %swap3A_235 = arith.index_cast %scan3A_198 : i32 to index
      %swap3A_236 = arith.constant 80 : index
      %swap3A_237 = tpu.vector_load %arg7[%swap3A_235, %swap3A_236] {strides = array<i32>} : memref<64x128xf32, #tpu.memory_space<vmem>>, vector<1x16xf32>,
      %swap3A_238 = vector.shape_cast %swap3A_237 : vector<1x16xf32> to vector<16xf32>
      %swap3A_239 = vector.shape_cast %broadcast_in_dim3A_234 : vector<16xf32> to vector<1x16xf32>
      tpu.vector_store %arg7[%swap3A_235, %swap3A_236], %swap3A_239 {strides = array<i32>} : memref<64x128xf32, #tpu.memory_space<vmem>>, vector<1x16xf32>,
      %broadcast_in_dim3A_240 = arith.constant 0.000000e+00 : f32
      %broadcast_in_dim3A_241 = vector.broadcast %broadcast_in_dim3A_240 : f32 to vector<16xf32>
      %swap3A_242 = arith.index_cast %scan3A_198 : i32 to index
      %swap3A_243 = arith.constant 96 : index
      %swap3A_244 = tpu.vector_load %arg7[%swap3A_242, %swap3A_243] {strides = array<i32>} : memref<64x128xf32, #tpu.memory_space<vmem>>, vector<1x16xf32>,
      %swap3A_245 = vector.shape_cast %swap3A_244 : vector<1x16xf32> to vector<16xf32>
      %swap3A_246 = vector.shape_cast %broadcast_in_dim3A_241 : vector<16xf32> to vector<1x16xf32>
      tpu.vector_store %arg7[%swap3A_242, %swap3A_243], %swap3A_246 {strides = array<i32>} : memref<64x128xf32, #tpu.memory_space<vmem>>, vector<1x16xf32>,
      %broadcast_in_dim3A_247 = arith.constant 0.000000e+00 : f32
      %broadcast_in_dim3A_248 = vector.broadcast %broadcast_in_dim3A_247 : f32 to vector<16xf32>
      %swap3A_249 = arith.index_cast %scan3A_198 : i32 to index
      %swap3A_250 = arith.constant 112 : index
      %swap3A_251 = tpu.vector_load %arg7[%swap3A_249, %swap3A_250] {strides = array<i32>} : memref<64x128xf32, #tpu.memory_space<vmem>>, vector<1x16xf32>,
      %swap3A_252 = vector.shape_cast %swap3A_251 : vector<1x16xf32> to vector<16xf32>
      %swap3A_253 = vector.shape_cast %broadcast_in_dim3A_248 : vector<16xf32> to vector<1x16xf32>
      tpu.vector_store %arg7[%swap3A_249, %swap3A_250], %swap3A_253 {strides = array<i32>} : memref<64x128xf32, #tpu.memory_space<vmem>>, vector<1x16xf32>,
    }
    %scan3A_8 = arith.constant 64 : i32
    %mul3A_9 = arith.constant 512 : i32
    %mul3A_10 = arith.muli %arg1, %mul3A_9 : i32
    %add3A = arith.constant 0 : i32
    %add3A_11 = arith.addi %mul3A_10, %add3A : i32
    "tpu.region"() ({
      %run_scoped3A = tpu.sem_alloc : memref<!tpu.dma_semaphore, #tpu.memory_space<semaphore_mem>>
      %dma_start3A_198 = arith.constant 0 : i32
      %dma_start3A_199 = tpu.memref_slice %arg25[%add3A_11, %dma_start3A_198] : memref<8192x128xf32, #tpu.memory_space<vmem_shared>> -> memref<64x128xf32, #tpu.memory_space<vmem_shared>>
      %dma_start3A_200 = arith.constant 0 : i32
      %dma_start3A_201 = tpu.memref_slice %arg25[%add3A_11, %dma_start3A_200] : memref<8192x128xf32, #tpu.memory_space<vmem_shared>> -> memref<64x128xf32, #tpu.memory_space<vmem_shared>>
      tpu.enqueue_dma source(%arg7 : memref<64x128xf32, #tpu.memory_space<vmem>>) target(%dma_start3A_201 : memref<64x128xf32, #tpu.memory_space<vmem_shared>>) target_semaphore(%run_scoped3A : memref<!tpu.dma_semaphore, #tpu.memory_space<semaphore_mem>>)
      %dma_wait3A_202 = arith.constant 0 : i32
      %dma_wait3A_203 = tpu.memref_slice %arg25[%add3A_11, %dma_wait3A_202] : memref<8192x128xf32, #tpu.memory_space<vmem_shared>> -> memref<64x128xf32, #tpu.memory_space<vmem_shared>>
      %dma_wait3A_204 = arith.constant 0 : i32
      %dma_wait3A_205 = tpu.memref_slice %arg25[%add3A_11, %dma_wait3A_204] : memref<8192x128xf32, #tpu.memory_space<vmem_shared>> -> memref<64x128xf32, #tpu.memory_space<vmem_shared>>
      tpu.wait_dma2 semaphore(%run_scoped3A : memref<!tpu.dma_semaphore, #tpu.memory_space<semaphore_mem>>) src(%arg7 : memref<64x128xf32, #tpu.memory_space<vmem>>) dst(%dma_wait3A_205 : memref<64x128xf32, #tpu.memory_space<vmem_shared>>)
      tpu.yield
    }) : () -> ()
    %mul3A_12 = arith.constant 512 : i32
    %mul3A_13 = arith.muli %arg1, %mul3A_12 : i32
    %add3A_14 = arith.constant 64 : i32
    %add3A_15 = arith.addi %mul3A_13, %add3A_14 : i32
    "tpu.region"() ({
      %run_scoped3A = tpu.sem_alloc : memref<!tpu.dma_semaphore, #tpu.memory_space<semaphore_mem>>
      %dma_start3A_198 = arith.constant 0 : i32
      %dma_start3A_199 = tpu.memref_slice %arg25[%add3A_15, %dma_start3A_198] : memref<8192x128xf32, #tpu.memory_space<vmem_shared>> -> memref<64x128xf32, #tpu.memory_space<vmem_shared>>
      %dma_start3A_200 = arith.constant 0 : i32
      %dma_start3A_201 = tpu.memref_slice %arg25[%add3A_15, %dma_start3A_200] : memref<8192x128xf32, #tpu.memory_space<vmem_shared>> -> memref<64x128xf32, #tpu.memory_space<vmem_shared>>
      tpu.enqueue_dma source(%arg7 : memref<64x128xf32, #tpu.memory_space<vmem>>) target(%dma_start3A_201 : memref<64x128xf32, #tpu.memory_space<vmem_shared>>) target_semaphore(%run_scoped3A : memref<!tpu.dma_semaphore, #tpu.memory_space<semaphore_mem>>)
      %dma_wait3A_202 = arith.constant 0 : i32
      %dma_wait3A_203 = tpu.memref_slice %arg25[%add3A_15, %dma_wait3A_202] : memref<8192x128xf32, #tpu.memory_space<vmem_shared>> -> memref<64x128xf32, #tpu.memory_space<vmem_shared>>
      %dma_wait3A_204 = arith.constant 0 : i32
      %dma_wait3A_205 = tpu.memref_slice %arg25[%add3A_15, %dma_wait3A_204] : memref<8192x128xf32, #tpu.memory_space<vmem_shared>> -> memref<64x128xf32, #tpu.memory_space<vmem_shared>>
      tpu.wait_dma2 semaphore(%run_scoped3A : memref<!tpu.dma_semaphore, #tpu.memory_space<semaphore_mem>>) src(%arg7 : memref<64x128xf32, #tpu.memory_space<vmem>>) dst(%dma_wait3A_205 : memref<64x128xf32, #tpu.memory_space<vmem_shared>>)
      tpu.yield
    }) : () -> ()
    %mul3A_16 = arith.constant 512 : i32
    %mul3A_17 = arith.muli %arg1, %mul3A_16 : i32
    %add3A_18 = arith.constant 128 : i32
    %add3A_19 = arith.addi %mul3A_17, %add3A_18 : i32
    "tpu.region"() ({
      %run_scoped3A = tpu.sem_alloc : memref<!tpu.dma_semaphore, #tpu.memory_space<semaphore_mem>>
      %dma_start3A_198 = arith.constant 0 : i32
      %dma_start3A_199 = tpu.memref_slice %arg25[%add3A_19, %dma_start3A_198] : memref<8192x128xf32, #tpu.memory_space<vmem_shared>> -> memref<64x128xf32, #tpu.memory_space<vmem_shared>>
      %dma_start3A_200 = arith.constant 0 : i32
      %dma_start3A_201 = tpu.memref_slice %arg25[%add3A_19, %dma_start3A_200] : memref<8192x128xf32, #tpu.memory_space<vmem_shared>> -> memref<64x128xf32, #tpu.memory_space<vmem_shared>>
      tpu.enqueue_dma source(%arg7 : memref<64x128xf32, #tpu.memory_space<vmem>>) target(%dma_start3A_201 : memref<64x128xf32, #tpu.memory_space<vmem_shared>>) target_semaphore(%run_scoped3A : memref<!tpu.dma_semaphore, #tpu.memory_space<semaphore_mem>>)
      %dma_wait3A_202 = arith.constant 0 : i32
      %dma_wait3A_203 = tpu.memref_slice %arg25[%add3A_19, %dma_wait3A_202] : memref<8192x128xf32, #tpu.memory_space<vmem_shared>> -> memref<64x128xf32, #tpu.memory_space<vmem_shared>>
      %dma_wait3A_204 = arith.constant 0 : i32
      %dma_wait3A_205 = tpu.memref_slice %arg25[%add3A_19, %dma_wait3A_204] : memref<8192x128xf32, #tpu.memory_space<vmem_shared>> -> memref<64x128xf32, #tpu.memory_space<vmem_shared>>
      tpu.wait_dma2 semaphore(%run_scoped3A : memref<!tpu.dma_semaphore, #tpu.memory_space<semaphore_mem>>) src(%arg7 : memref<64x128xf32, #tpu.memory_space<vmem>>) dst(%dma_wait3A_205 : memref<64x128xf32, #tpu.memory_space<vmem_shared>>)
      tpu.yield
    }) : () -> ()
    %mul3A_20 = arith.constant 512 : i32
    %mul3A_21 = arith.muli %arg1, %mul3A_20 : i32
    %add3A_22 = arith.constant 192 : i32
    %add3A_23 = arith.addi %mul3A_21, %add3A_22 : i32
    "tpu.region"() ({
      %run_scoped3A = tpu.sem_alloc : memref<!tpu.dma_semaphore, #tpu.memory_space<semaphore_mem>>
      %dma_start3A_198 = arith.constant 0 : i32
      %dma_start3A_199 = tpu.memref_slice %arg25[%add3A_23, %dma_start3A_198] : memref<8192x128xf32, #tpu.memory_space<vmem_shared>> -> memref<64x128xf32, #tpu.memory_space<vmem_shared>>
      %dma_start3A_200 = arith.constant 0 : i32
      %dma_start3A_201 = tpu.memref_slice %arg25[%add3A_23, %dma_start3A_200] : memref<8192x128xf32, #tpu.memory_space<vmem_shared>> -> memref<64x128xf32, #tpu.memory_space<vmem_shared>>
      tpu.enqueue_dma source(%arg7 : memref<64x128xf32, #tpu.memory_space<vmem>>) target(%dma_start3A_201 : memref<64x128xf32, #tpu.memory_space<vmem_shared>>) target_semaphore(%run_scoped3A : memref<!tpu.dma_semaphore, #tpu.memory_space<semaphore_mem>>)
      %dma_wait3A_202 = arith.constant 0 : i32
      %dma_wait3A_203 = tpu.memref_slice %arg25[%add3A_23, %dma_wait3A_202] : memref<8192x128xf32, #tpu.memory_space<vmem_shared>> -> memref<64x128xf32, #tpu.memory_space<vmem_shared>>
      %dma_wait3A_204 = arith.constant 0 : i32
      %dma_wait3A_205 = tpu.memref_slice %arg25[%add3A_23, %dma_wait3A_204] : memref<8192x128xf32, #tpu.memory_space<vmem_shared>> -> memref<64x128xf32, #tpu.memory_space<vmem_shared>>
      tpu.wait_dma2 semaphore(%run_scoped3A : memref<!tpu.dma_semaphore, #tpu.memory_space<semaphore_mem>>) src(%arg7 : memref<64x128xf32, #tpu.memory_space<vmem>>) dst(%dma_wait3A_205 : memref<64x128xf32, #tpu.memory_space<vmem_shared>>)
      tpu.yield
    }) : () -> ()
    %mul3A_24 = arith.constant 512 : i32
    %mul3A_25 = arith.muli %arg1, %mul3A_24 : i32
    %add3A_26 = arith.constant 256 : i32
    %add3A_27 = arith.addi %mul3A_25, %add3A_26 : i32
    "tpu.region"() ({
      %run_scoped3A = tpu.sem_alloc : memref<!tpu.dma_semaphore, #tpu.memory_space<semaphore_mem>>
      %dma_start3A_198 = arith.constant 0 : i32
      %dma_start3A_199 = tpu.memref_slice %arg25[%add3A_27, %dma_start3A_198] : memref<8192x128xf32, #tpu.memory_space<vmem_shared>> -> memref<64x128xf32, #tpu.memory_space<vmem_shared>>
      %dma_start3A_200 = arith.constant 0 : i32
      %dma_start3A_201 = tpu.memref_slice %arg25[%add3A_27, %dma_start3A_200] : memref<8192x128xf32, #tpu.memory_space<vmem_shared>> -> memref<64x128xf32, #tpu.memory_space<vmem_shared>>
      tpu.enqueue_dma source(%arg7 : memref<64x128xf32, #tpu.memory_space<vmem>>) target(%dma_start3A_201 : memref<64x128xf32, #tpu.memory_space<vmem_shared>>) target_semaphore(%run_scoped3A : memref<!tpu.dma_semaphore, #tpu.memory_space<semaphore_mem>>)
      %dma_wait3A_202 = arith.constant 0 : i32
      %dma_wait3A_203 = tpu.memref_slice %arg25[%add3A_27, %dma_wait3A_202] : memref<8192x128xf32, #tpu.memory_space<vmem_shared>> -> memref<64x128xf32, #tpu.memory_space<vmem_shared>>
      %dma_wait3A_204 = arith.constant 0 : i32
      %dma_wait3A_205 = tpu.memref_slice %arg25[%add3A_27, %dma_wait3A_204] : memref<8192x128xf32, #tpu.memory_space<vmem_shared>> -> memref<64x128xf32, #tpu.memory_space<vmem_shared>>
      tpu.wait_dma2 semaphore(%run_scoped3A : memref<!tpu.dma_semaphore, #tpu.memory_space<semaphore_mem>>) src(%arg7 : memref<64x128xf32, #tpu.memory_space<vmem>>) dst(%dma_wait3A_205 : memref<64x128xf32, #tpu.memory_space<vmem_shared>>)
      tpu.yield
    }) : () -> ()
    %mul3A_28 = arith.constant 512 : i32
    %mul3A_29 = arith.muli %arg1, %mul3A_28 : i32
    %add3A_30 = arith.constant 320 : i32
    %add3A_31 = arith.addi %mul3A_29, %add3A_30 : i32
    "tpu.region"() ({
      %run_scoped3A = tpu.sem_alloc : memref<!tpu.dma_semaphore, #tpu.memory_space<semaphore_mem>>
      %dma_start3A_198 = arith.constant 0 : i32
      %dma_start3A_199 = tpu.memref_slice %arg25[%add3A_31, %dma_start3A_198] : memref<8192x128xf32, #tpu.memory_space<vmem_shared>> -> memref<64x128xf32, #tpu.memory_space<vmem_shared>>
      %dma_start3A_200 = arith.constant 0 : i32
      %dma_start3A_201 = tpu.memref_slice %arg25[%add3A_31, %dma_start3A_200] : memref<8192x128xf32, #tpu.memory_space<vmem_shared>> -> memref<64x128xf32, #tpu.memory_space<vmem_shared>>
      tpu.enqueue_dma source(%arg7 : memref<64x128xf32, #tpu.memory_space<vmem>>) target(%dma_start3A_201 : memref<64x128xf32, #tpu.memory_space<vmem_shared>>) target_semaphore(%run_scoped3A : memref<!tpu.dma_semaphore, #tpu.memory_space<semaphore_mem>>)
      %dma_wait3A_202 = arith.constant 0 : i32
      %dma_wait3A_203 = tpu.memref_slice %arg25[%add3A_31, %dma_wait3A_202] : memref<8192x128xf32, #tpu.memory_space<vmem_shared>> -> memref<64x128xf32, #tpu.memory_space<vmem_shared>>
      %dma_wait3A_204 = arith.constant 0 : i32
      %dma_wait3A_205 = tpu.memref_slice %arg25[%add3A_31, %dma_wait3A_204] : memref<8192x128xf32, #tpu.memory_space<vmem_shared>> -> memref<64x128xf32, #tpu.memory_space<vmem_shared>>
      tpu.wait_dma2 semaphore(%run_scoped3A : memref<!tpu.dma_semaphore, #tpu.memory_space<semaphore_mem>>) src(%arg7 : memref<64x128xf32, #tpu.memory_space<vmem>>) dst(%dma_wait3A_205 : memref<64x128xf32, #tpu.memory_space<vmem_shared>>)
      tpu.yield
    }) : () -> ()
    %mul3A_32 = arith.constant 512 : i32
    %mul3A_33 = arith.muli %arg1, %mul3A_32 : i32
    %add3A_34 = arith.constant 384 : i32
    %add3A_35 = arith.addi %mul3A_33, %add3A_34 : i32
    "tpu.region"() ({
      %run_scoped3A = tpu.sem_alloc : memref<!tpu.dma_semaphore, #tpu.memory_space<semaphore_mem>>
      %dma_start3A_198 = arith.constant 0 : i32
      %dma_start3A_199 = tpu.memref_slice %arg25[%add3A_35, %dma_start3A_198] : memref<8192x128xf32, #tpu.memory_space<vmem_shared>> -> memref<64x128xf32, #tpu.memory_space<vmem_shared>>
      %dma_start3A_200 = arith.constant 0 : i32
      %dma_start3A_201 = tpu.memref_slice %arg25[%add3A_35, %dma_start3A_200] : memref<8192x128xf32, #tpu.memory_space<vmem_shared>> -> memref<64x128xf32, #tpu.memory_space<vmem_shared>>
      tpu.enqueue_dma source(%arg7 : memref<64x128xf32, #tpu.memory_space<vmem>>) target(%dma_start3A_201 : memref<64x128xf32, #tpu.memory_space<vmem_shared>>) target_semaphore(%run_scoped3A : memref<!tpu.dma_semaphore, #tpu.memory_space<semaphore_mem>>)
      %dma_wait3A_202 = arith.constant 0 : i32
      %dma_wait3A_203 = tpu.memref_slice %arg25[%add3A_35, %dma_wait3A_202] : memref<8192x128xf32, #tpu.memory_space<vmem_shared>> -> memref<64x128xf32, #tpu.memory_space<vmem_shared>>
      %dma_wait3A_204 = arith.constant 0 : i32
      %dma_wait3A_205 = tpu.memref_slice %arg25[%add3A_35, %dma_wait3A_204] : memref<8192x128xf32, #tpu.memory_space<vmem_shared>> -> memref<64x128xf32, #tpu.memory_space<vmem_shared>>
      tpu.wait_dma2 semaphore(%run_scoped3A : memref<!tpu.dma_semaphore, #tpu.memory_space<semaphore_mem>>) src(%arg7 : memref<64x128xf32, #tpu.memory_space<vmem>>) dst(%dma_wait3A_205 : memref<64x128xf32, #tpu.memory_space<vmem_shared>>)
      tpu.yield
    }) : () -> ()
    %mul3A_36 = arith.constant 512 : i32
    %mul3A_37 = arith.muli %arg1, %mul3A_36 : i32
    %add3A_38 = arith.constant 448 : i32
    %add3A_39 = arith.addi %mul3A_37, %add3A_38 : i32
    "tpu.region"() ({
      %run_scoped3A = tpu.sem_alloc : memref<!tpu.dma_semaphore, #tpu.memory_space<semaphore_mem>>
      %dma_start3A_198 = arith.constant 0 : i32
      %dma_start3A_199 = tpu.memref_slice %arg25[%add3A_39, %dma_start3A_198] : memref<8192x128xf32, #tpu.memory_space<vmem_shared>> -> memref<64x128xf32, #tpu.memory_space<vmem_shared>>
      %dma_start3A_200 = arith.constant 0 : i32
      %dma_start3A_201 = tpu.memref_slice %arg25[%add3A_39, %dma_start3A_200] : memref<8192x128xf32, #tpu.memory_space<vmem_shared>> -> memref<64x128xf32, #tpu.memory_space<vmem_shared>>
      tpu.enqueue_dma source(%arg7 : memref<64x128xf32, #tpu.memory_space<vmem>>) target(%dma_start3A_201 : memref<64x128xf32, #tpu.memory_space<vmem_shared>>) target_semaphore(%run_scoped3A : memref<!tpu.dma_semaphore, #tpu.memory_space<semaphore_mem>>)
      %dma_wait3A_202 = arith.constant 0 : i32
      %dma_wait3A_203 = tpu.memref_slice %arg25[%add3A_39, %dma_wait3A_202] : memref<8192x128xf32, #tpu.memory_space<vmem_shared>> -> memref<64x128xf32, #tpu.memory_space<vmem_shared>>
      %dma_wait3A_204 = arith.constant 0 : i32
      %dma_wait3A_205 = tpu.memref_slice %arg25[%add3A_39, %dma_wait3A_204] : memref<8192x128xf32, #tpu.memory_space<vmem_shared>> -> memref<64x128xf32, #tpu.memory_space<vmem_shared>>
      tpu.wait_dma2 semaphore(%run_scoped3A : memref<!tpu.dma_semaphore, #tpu.memory_space<semaphore_mem>>) src(%arg7 : memref<64x128xf32, #tpu.memory_space<vmem>>) dst(%dma_wait3A_205 : memref<64x128xf32, #tpu.memory_space<vmem_shared>>)
      tpu.yield
    }) : () -> ()
    %barrier3A = arith.constant 0 : index
    tpu.barrier barrier_id(%barrier3A)
    %get3A = arith.constant 0 : i32
    %get3A_40 = arith.index_cast %get3A : i32 to index
    %get3A_41 = arith.constant 0 : index
    %get3A_42 = tpu.vector_load %arg6[%get3A_40, %get3A_41] {strides = array<i32>} : memref<64x128xi32, #tpu.memory_space<vmem>>, vector<1x16xi32>,
    %get3A_43 = vector.shape_cast %get3A_42 : vector<1x16xi32> to vector<16xi32>
    %and3A = arith.constant 8191 : i32
    %and3A_44 = vector.broadcast %and3A : i32 to vector<16xi32>
    %and3A_45 = arith.andi %get3A_43, %and3A_44 : vector<16xi32>
    %add3A_46 = vector.broadcast %mul3A_0 : i32 to vector<16xi32>
    %add3A_47 = arith.addi %and3A_45, %add3A_46 : vector<16xi32>
    %swap3A = arith.constant 0 : index
    %swap3A_48 = tpu.vector_load %arg13[%swap3A] {strides = array<i32>} : memref<64xi32, #tpu.memory_space<vmem>>, vector<16xi32>,
    %swap3A_49 = vector.shape_cast %swap3A_48 : vector<16xi32> to vector<16xi32>
    %swap3A_50 = vector.shape_cast %add3A_47 : vector<16xi32> to vector<16xi32>
    tpu.vector_store %arg13[%swap3A], %swap3A_50 {strides = array<i32>} : memref<64xi32, #tpu.memory_space<vmem>>, vector<16xi32>,
    %shift_right_logical3A = arith.constant 13 : i32
    %shift_right_logical3A_51 = vector.broadcast %shift_right_logical3A : i32 to vector<16xi32>
    %shift_right_logical3A_52 = arith.shrui %get3A_43, %shift_right_logical3A_51 : vector<16xi32>
    %and3A_53 = arith.constant 63 : i32
    %and3A_54 = vector.broadcast %and3A_53 : i32 to vector<16xi32>
    %and3A_55 = arith.andi %shift_right_logical3A_52, %and3A_54 : vector<16xi32>
    %add3A_56 = arith.constant 0 : i32
    %add3A_57 = vector.broadcast %add3A_56 : i32 to vector<16xi32>
    %add3A_58 = arith.addi %and3A_55, %add3A_57 : vector<16xi32>
    %swap3A_59 = arith.constant 0 : index
    %swap3A_60 = tpu.vector_load %arg17[%swap3A_59] {strides = array<i32>} : memref<64xi32, #tpu.memory_space<vmem>>, vector<16xi32>,
    %swap3A_61 = vector.shape_cast %swap3A_60 : vector<16xi32> to vector<16xi32>
    %swap3A_62 = vector.shape_cast %add3A_58 : vector<16xi32> to vector<16xi32>
    tpu.vector_store %arg17[%swap3A_59], %swap3A_62 {strides = array<i32>} : memref<64xi32, #tpu.memory_space<vmem>>, vector<16xi32>,
    %shift_right_logical3A_63 = arith.constant 19 : i32
    %shift_right_logical3A_64 = vector.broadcast %shift_right_logical3A_63 : i32 to vector<16xi32>
    %shift_right_logical3A_65 = arith.shrui %get3A_43, %shift_right_logical3A_64 : vector<16xi32>
    %swap3A_66 = arith.constant 0 : index
    %swap3A_67 = tpu.vector_load %arg21[%swap3A_66] {strides = array<i32>} : memref<64xi32, #tpu.memory_space<vmem>>, vector<16xi32>,
    %swap3A_68 = vector.shape_cast %swap3A_67 : vector<16xi32> to vector<16xi32>
    %swap3A_69 = vector.shape_cast %shift_right_logical3A_65 : vector<16xi32> to vector<16xi32>
    tpu.vector_store %arg21[%swap3A_66], %swap3A_69 {strides = array<i32>} : memref<64xi32, #tpu.memory_space<vmem>>, vector<16xi32>,
    %get3A_70 = arith.constant 0 : i32
    %get3A_71 = arith.index_cast %get3A_70 : i32 to index
    %get3A_72 = arith.constant 16 : index
    %get3A_73 = tpu.vector_load %arg6[%get3A_71, %get3A_72] {strides = array<i32>} : memref<64x128xi32, #tpu.memory_space<vmem>>, vector<1x16xi32>,
    %get3A_74 = vector.shape_cast %get3A_73 : vector<1x16xi32> to vector<16xi32>
    %and3A_75 = arith.constant 8191 : i32
    %and3A_76 = vector.broadcast %and3A_75 : i32 to vector<16xi32>
    %and3A_77 = arith.andi %get3A_74, %and3A_76 : vector<16xi32>
    %add3A_78 = vector.broadcast %mul3A_0 : i32 to vector<16xi32>
    %add3A_79 = arith.addi %and3A_77, %add3A_78 : vector<16xi32>
    %swap3A_80 = arith.constant 16 : index
    %swap3A_81 = tpu.vector_load %arg13[%swap3A_80] {strides = array<i32>} : memref<64xi32, #tpu.memory_space<vmem>>, vector<16xi32>,
    %swap3A_82 = vector.shape_cast %swap3A_81 : vector<16xi32> to vector<16xi32>
    %swap3A_83 = vector.shape_cast %add3A_79 : vector<16xi32> to vector<16xi32>
    tpu.vector_store %arg13[%swap3A_80], %swap3A_83 {strides = array<i32>} : memref<64xi32, #tpu.memory_space<vmem>>, vector<16xi32>,
    %shift_right_logical3A_84 = arith.constant 13 : i32
    %shift_right_logical3A_85 = vector.broadcast %shift_right_logical3A_84 : i32 to vector<16xi32>
    %shift_right_logical3A_86 = arith.shrui %get3A_74, %shift_right_logical3A_85 : vector<16xi32>
    %and3A_87 = arith.constant 63 : i32
    %and3A_88 = vector.broadcast %and3A_87 : i32 to vector<16xi32>
    %and3A_89 = arith.andi %shift_right_logical3A_86, %and3A_88 : vector<16xi32>
    %add3A_90 = arith.constant 0 : i32
    %add3A_91 = vector.broadcast %add3A_90 : i32 to vector<16xi32>
    %add3A_92 = arith.addi %and3A_89, %add3A_91 : vector<16xi32>
    %swap3A_93 = arith.constant 16 : index
    %swap3A_94 = tpu.vector_load %arg17[%swap3A_93] {strides = array<i32>} : memref<64xi32, #tpu.memory_space<vmem>>, vector<16xi32>,
    %swap3A_95 = vector.shape_cast %swap3A_94 : vector<16xi32> to vector<16xi32>
    %swap3A_96 = vector.shape_cast %add3A_92 : vector<16xi32> to vector<16xi32>
    tpu.vector_store %arg17[%swap3A_93], %swap3A_96 {strides = array<i32>} : memref<64xi32, #tpu.memory_space<vmem>>, vector<16xi32>,
    %shift_right_logical3A_97 = arith.constant 19 : i32
    %shift_right_logical3A_98 = vector.broadcast %shift_right_logical3A_97 : i32 to vector<16xi32>
    %shift_right_logical3A_99 = arith.shrui %get3A_74, %shift_right_logical3A_98 : vector<16xi32>
    %swap3A_100 = arith.constant 16 : index
    %swap3A_101 = tpu.vector_load %arg21[%swap3A_100] {strides = array<i32>} : memref<64xi32, #tpu.memory_space<vmem>>, vector<16xi32>,
    %swap3A_102 = vector.shape_cast %swap3A_101 : vector<16xi32> to vector<16xi32>
    %swap3A_103 = vector.shape_cast %shift_right_logical3A_99 : vector<16xi32> to vector<16xi32>
    tpu.vector_store %arg21[%swap3A_100], %swap3A_103 {strides = array<i32>} : memref<64xi32, #tpu.memory_space<vmem>>, vector<16xi32>,
    %get3A_104 = arith.constant 0 : i32
    %get3A_105 = arith.index_cast %get3A_104 : i32 to index
    %get3A_106 = arith.constant 32 : index
    %get3A_107 = tpu.vector_load %arg6[%get3A_105, %get3A_106] {strides = array<i32>} : memref<64x128xi32, #tpu.memory_space<vmem>>, vector<1x16xi32>,
    %get3A_108 = vector.shape_cast %get3A_107 : vector<1x16xi32> to vector<16xi32>
    %and3A_109 = arith.constant 8191 : i32
    %and3A_110 = vector.broadcast %and3A_109 : i32 to vector<16xi32>
    %and3A_111 = arith.andi %get3A_108, %and3A_110 : vector<16xi32>
    %add3A_112 = vector.broadcast %mul3A_0 : i32 to vector<16xi32>
    %add3A_113 = arith.addi %and3A_111, %add3A_112 : vector<16xi32>
    %swap3A_114 = arith.constant 32 : index
    %swap3A_115 = tpu.vector_load %arg13[%swap3A_114] {strides = array<i32>} : memref<64xi32, #tpu.memory_space<vmem>>, vector<16xi32>,
    %swap3A_116 = vector.shape_cast %swap3A_115 : vector<16xi32> to vector<16xi32>
    %swap3A_117 = vector.shape_cast %add3A_113 : vector<16xi32> to vector<16xi32>
    tpu.vector_store %arg13[%swap3A_114], %swap3A_117 {strides = array<i32>} : memref<64xi32, #tpu.memory_space<vmem>>, vector<16xi32>,
    %shift_right_logical3A_118 = arith.constant 13 : i32
    %shift_right_logical3A_119 = vector.broadcast %shift_right_logical3A_118 : i32 to vector<16xi32>
    %shift_right_logical3A_120 = arith.shrui %get3A_108, %shift_right_logical3A_119 : vector<16xi32>
    %and3A_121 = arith.constant 63 : i32
    %and3A_122 = vector.broadcast %and3A_121 : i32 to vector<16xi32>
    %and3A_123 = arith.andi %shift_right_logical3A_120, %and3A_122 : vector<16xi32>
    %add3A_124 = arith.constant 0 : i32
    %add3A_125 = vector.broadcast %add3A_124 : i32 to vector<16xi32>
    %add3A_126 = arith.addi %and3A_123, %add3A_125 : vector<16xi32>
    %swap3A_127 = arith.constant 32 : index
    %swap3A_128 = tpu.vector_load %arg17[%swap3A_127] {strides = array<i32>} : memref<64xi32, #tpu.memory_space<vmem>>, vector<16xi32>,
    %swap3A_129 = vector.shape_cast %swap3A_128 : vector<16xi32> to vector<16xi32>
    %swap3A_130 = vector.shape_cast %add3A_126 : vector<16xi32> to vector<16xi32>
    tpu.vector_store %arg17[%swap3A_127], %swap3A_130 {strides = array<i32>} : memref<64xi32, #tpu.memory_space<vmem>>, vector<16xi32>,
    %shift_right_logical3A_131 = arith.constant 19 : i32
    %shift_right_logical3A_132 = vector.broadcast %shift_right_logical3A_131 : i32 to vector<16xi32>
    %shift_right_logical3A_133 = arith.shrui %get3A_108, %shift_right_logical3A_132 : vector<16xi32>
    %swap3A_134 = arith.constant 32 : index
    %swap3A_135 = tpu.vector_load %arg21[%swap3A_134] {strides = array<i32>} : memref<64xi32, #tpu.memory_space<vmem>>, vector<16xi32>,
    %swap3A_136 = vector.shape_cast %swap3A_135 : vector<16xi32> to vector<16xi32>
    %swap3A_137 = vector.shape_cast %shift_right_logical3A_133 : vector<16xi32> to vector<16xi32>
    tpu.vector_store %arg21[%swap3A_134], %swap3A_137 {strides = array<i32>} : memref<64xi32, #tpu.memory_space<vmem>>, vector<16xi32>,
    %get3A_138 = arith.constant 0 : i32
    %get3A_139 = arith.index_cast %get3A_138 : i32 to index
    %get3A_140 = arith.constant 48 : index
    %get3A_141 = tpu.vector_load %arg6[%get3A_139, %get3A_140] {strides = array<i32>} : memref<64x128xi32, #tpu.memory_space<vmem>>, vector<1x16xi32>,
    %get3A_142 = vector.shape_cast %get3A_141 : vector<1x16xi32> to vector<16xi32>
    %and3A_143 = arith.constant 8191 : i32
    %and3A_144 = vector.broadcast %and3A_143 : i32 to vector<16xi32>
    %and3A_145 = arith.andi %get3A_142, %and3A_144 : vector<16xi32>
    %add3A_146 = vector.broadcast %mul3A_0 : i32 to vector<16xi32>
    %add3A_147 = arith.addi %and3A_145, %add3A_146 : vector<16xi32>
    %swap3A_148 = arith.constant 48 : index
    %swap3A_149 = tpu.vector_load %arg13[%swap3A_148] {strides = array<i32>} : memref<64xi32, #tpu.memory_space<vmem>>, vector<16xi32>,
    %swap3A_150 = vector.shape_cast %swap3A_149 : vector<16xi32> to vector<16xi32>
    %swap3A_151 = vector.shape_cast %add3A_147 : vector<16xi32> to vector<16xi32>
    tpu.vector_store %arg13[%swap3A_148], %swap3A_151 {strides = array<i32>} : memref<64xi32, #tpu.memory_space<vmem>>, vector<16xi32>,
    %shift_right_logical3A_152 = arith.constant 13 : i32
    %shift_right_logical3A_153 = vector.broadcast %shift_right_logical3A_152 : i32 to vector<16xi32>
    %shift_right_logical3A_154 = arith.shrui %get3A_142, %shift_right_logical3A_153 : vector<16xi32>
    %and3A_155 = arith.constant 63 : i32
    %and3A_156 = vector.broadcast %and3A_155 : i32 to vector<16xi32>
    %and3A_157 = arith.andi %shift_right_logical3A_154, %and3A_156 : vector<16xi32>
    %add3A_158 = arith.constant 0 : i32
    %add3A_159 = vector.broadcast %add3A_158 : i32 to vector<16xi32>
    %add3A_160 = arith.addi %and3A_157, %add3A_159 : vector<16xi32>
    %swap3A_161 = arith.constant 48 : index
    %swap3A_162 = tpu.vector_load %arg17[%swap3A_161] {strides = array<i32>} : memref<64xi32, #tpu.memory_space<vmem>>, vector<16xi32>,
    %swap3A_163 = vector.shape_cast %swap3A_162 : vector<16xi32> to vector<16xi32>
    %swap3A_164 = vector.shape_cast %add3A_160 : vector<16xi32> to vector<16xi32>
    tpu.vector_store %arg17[%swap3A_161], %swap3A_164 {strides = array<i32>} : memref<64xi32, #tpu.memory_space<vmem>>, vector<16xi32>,
    %shift_right_logical3A_165 = arith.constant 19 : i32
    %shift_right_logical3A_166 = vector.broadcast %shift_right_logical3A_165 : i32 to vector<16xi32>
    %shift_right_logical3A_167 = arith.shrui %get3A_142, %shift_right_logical3A_166 : vector<16xi32>
    %swap3A_168 = arith.constant 48 : index
    %swap3A_169 = tpu.vector_load %arg21[%swap3A_168] {strides = array<i32>} : memref<64xi32, #tpu.memory_space<vmem>>, vector<16xi32>,
    %swap3A_170 = vector.shape_cast %swap3A_169 : vector<16xi32> to vector<16xi32>
    %swap3A_171 = vector.shape_cast %shift_right_logical3A_167 : vector<16xi32> to vector<16xi32>
    tpu.vector_store %arg21[%swap3A_168], %swap3A_171 {strides = array<i32>} : memref<64xi32, #tpu.memory_space<vmem>>, vector<16xi32>,
    %dma_start3A = arith.constant 0 : i32
    %dma_start3A_172 = arith.constant 0 : i32
    %dma_start3A_173 = tpu.memref_slice %arg2[%dma_start3A, %dma_start3A_172] : memref<16384x128xf32, #tpu.memory_space<hbm>> -> memref<16384x128xf32, #tpu.memory_space<hbm>>
    tpu.enqueue_indirect_dma source(%dma_start3A_173 : memref<16384x128xf32, #tpu.memory_space<hbm>>) target(%arg7 : memref<64x128xf32, #tpu.memory_space<vmem>>) offsets(%arg13 : memref<64xi32, #tpu.memory_space<vmem>>) semaphore(%arg27 : memref<!tpu.dma_semaphore, #tpu.memory_space<semaphore_mem>>)
    %dma_start3A_174 = arith.constant 0 : i32
    %dma_start3A_175 = arith.constant 0 : i32
    %dma_start3A_176 = tpu.memref_slice %arg26[%dma_start3A_174, %dma_start3A_175] : memref<64x128xf32, #tpu.memory_space<vmem_shared>> -> memref<64x128xf32, #tpu.memory_space<vmem_shared>>
    tpu.enqueue_indirect_dma source(%dma_start3A_176 : memref<64x128xf32, #tpu.memory_space<vmem_shared>>) target(%arg11 : memref<64x128xf32, #tpu.memory_space<vmem>>) offsets(%arg17 : memref<64xi32, #tpu.memory_space<vmem>>) semaphore(%arg29 : memref<!tpu.dma_semaphore, #tpu.memory_space<semaphore_mem>>)
    %scan3A_177 = arith.constant 0 : i32
    %scan3A_178 = arith.constant 32 : i32
    %scan3A_179 = arith.addi %scan3A_177, %scan3A_178 : i32
    %scan3A_180 = arith.constant 1 : i32
    scf.for %scan3A_198 = %scan3A_177 to %scan3A_179 step %scan3A_180  : i32 {
      %mul3A_199 = arith.constant 4 : i32
      %mul3A_200 = arith.muli %mul3A_199, %scan3A_198 : i32
      %add3A_201 = arith.constant 0 : i32
      %add3A_202 = arith.addi %mul3A_200, %add3A_201 : i32
      %ge3A = arith.constant 3 : i32
      %ge3A_203 = arith.cmpi sge, %add3A_202, %ge3A : i32
      %convert_element_type3A_204 = arith.extui %ge3A_203 : i1 to i32
      %cond3A_205 = arith.constant 0 : i32
      %cond3A_206 = arith.cmpi ne, %convert_element_type3A_204, %cond3A_205 : i32
      scf.if %cond3A_206 {
        %dma_wait3A_317 = arith.constant 0 : i32
        %dma_wait3A_318 = arith.constant 0 : i32
        %dma_wait3A_319 = tpu.memref_slice %arg25[%dma_wait3A_317, %dma_wait3A_318] : memref<8192x128xf32, #tpu.memory_space<vmem_shared>> -> memref<8192x128xf32, #tpu.memory_space<vmem_shared>>
        tpu.wait_indirect_dma semaphore(%arg32 : memref<!tpu.dma_semaphore, #tpu.memory_space<semaphore_mem>>) src(%arg8 : memref<64x128xf32, #tpu.memory_space<vmem>>) dst(%dma_wait3A_319 : memref<8192x128xf32, #tpu.memory_space<vmem_shared>>)
      } else {
      }
      %add3A_207 = arith.constant 1 : i32
      %add3A_208 = arith.addi %add3A_202, %add3A_207 : i32
      %lt3A = arith.constant 128 : i32
      %lt3A_209 = arith.cmpi slt, %add3A_208, %lt3A : i32
      %convert_element_type3A_210 = arith.extui %lt3A_209 : i1 to i32
      %cond3A_211 = arith.constant 0 : i32
      %cond3A_212 = arith.cmpi ne, %convert_element_type3A_210, %cond3A_211 : i32
      scf.if %cond3A_212 {
        %add3A_317 = arith.constant 1 : i32
        %add3A_318 = arith.addi %add3A_202, %add3A_317 : i32
        %jit3A = arith.constant 2 : i32
        %div3A = arith.divsi %add3A_318, %jit3A : i32
        %sign3A = arith.constant 0 : i32
        %sign3A_319 = arith.cmpi sgt, %add3A_318, %sign3A : i32
        %sign3A_320 = arith.extui %sign3A_319 : i1 to i32
        %sign3A_321 = arith.constant 0 : i32
        %sign3A_322 = arith.cmpi slt, %add3A_318, %sign3A_321 : i32
        %sign3A_323 = arith.extui %sign3A_322 : i1 to i32
        %sign3A_324 = arith.subi %sign3A_320, %sign3A_323 : i32
        %sign3A_325 = arith.constant 0 : i32
        %sign3A_326 = arith.cmpi sgt, %jit3A, %sign3A_325 : i32
        %sign3A_327 = arith.extui %sign3A_326 : i1 to i32
        %sign3A_328 = arith.constant 0 : i32
        %sign3A_329 = arith.cmpi slt, %jit3A, %sign3A_328 : i32
        %sign3A_330 = arith.extui %sign3A_329 : i1 to i32
        %sign3A_331 = arith.subi %sign3A_327, %sign3A_330 : i32
        %ne3A = arith.cmpi ne, %sign3A_324, %sign3A_331 : i32
        %rem3A = arith.remsi %add3A_318, %jit3A : i32
        %ne3A_332 = arith.constant 0 : i32
        %ne3A_333 = arith.cmpi ne, %rem3A, %ne3A_332 : i32
        %and3A_334 = arith.andi %ne3A, %ne3A_333 : i1
        %sub3A = arith.constant 1 : i32
        %sub3A_335 = arith.subi %div3A, %sub3A : i32
        %select_n3A = arith.select %and3A_334, %sub3A_335, %div3A : i32
        %jit3A_336 = arith.constant 2 : i32
        %eq3A_337 = arith.constant 0 : i32
        %eq3A_338 = arith.cmpi eq, %jit3A_336, %eq3A_337 : i32
        %jit3A_339 = arith.constant 1 : i32
        %select_n3A_340 = arith.select %eq3A_338, %jit3A_339, %jit3A_336 : i32
        %rem3A_341 = arith.remsi %add3A_318, %select_n3A_340 : i32
        %ne3A_342 = arith.constant 0 : i32
        %ne3A_343 = arith.cmpi ne, %rem3A_341, %ne3A_342 : i32
        %lt3A_344 = arith.constant 0 : i32
        %lt3A_345 = arith.cmpi slt, %rem3A_341, %lt3A_344 : i32
        %lt3A_346 = arith.constant 0 : i32
        %lt3A_347 = arith.cmpi slt, %select_n3A_340, %lt3A_346 : i32
        %ne3A_348 = arith.xori %lt3A_345, %lt3A_347 : i1
        %and3A_349 = arith.andi %ne3A_348, %ne3A_343 : i1
        %add3A_350 = arith.addi %rem3A_341, %select_n3A_340 : i32
        %select_n3A_351 = arith.select %and3A_349, %add3A_350, %rem3A_341 : i32
        %mul3A_352 = arith.constant 64 : i32
        %mul3A_353 = arith.muli %select_n3A_351, %mul3A_352 : i32
        %add3A_354 = arith.constant 0 : i32
        %add3A_355 = arith.addi %mul3A_353, %add3A_354 : i32
        %get3A_356 = arith.index_cast %select_n3A : i32 to index
        %get3A_357 = arith.index_cast %add3A_355 : i32 to index
        %get3A_358 = tpu.vector_load %arg6[%get3A_356, %get3A_357] {strides = array<i32>} : memref<64x128xi32, #tpu.memory_space<vmem>>, vector<1x16xi32>,
        %get3A_359 = vector.shape_cast %get3A_358 : vector<1x16xi32> to vector<16xi32>
        %and3A_360 = arith.constant 8191 : i32
        %and3A_361 = vector.broadcast %and3A_360 : i32 to vector<16xi32>
        %and3A_362 = arith.andi %get3A_359, %and3A_361 : vector<16xi32>
        %add3A_363 = vector.broadcast %mul3A_0 : i32 to vector<16xi32>
        %add3A_364 = arith.addi %and3A_362, %add3A_363 : vector<16xi32>
        %swap3A_365 = arith.constant 0 : index
        %swap3A_366 = tpu.vector_load %arg14[%swap3A_365] {strides = array<i32>} : memref<64xi32, #tpu.memory_space<vmem>>, vector<16xi32>,
        %swap3A_367 = vector.shape_cast %swap3A_366 : vector<16xi32> to vector<16xi32>
        %swap3A_368 = vector.shape_cast %add3A_364 : vector<16xi32> to vector<16xi32>
        tpu.vector_store %arg14[%swap3A_365], %swap3A_368 {strides = array<i32>} : memref<64xi32, #tpu.memory_space<vmem>>, vector<16xi32>,
        %shift_right_logical3A_369 = arith.constant 13 : i32
        %shift_right_logical3A_370 = vector.broadcast %shift_right_logical3A_369 : i32 to vector<16xi32>
        %shift_right_logical3A_371 = arith.shrui %get3A_359, %shift_right_logical3A_370 : vector<16xi32>
        %and3A_372 = arith.constant 63 : i32
        %and3A_373 = vector.broadcast %and3A_372 : i32 to vector<16xi32>
        %and3A_374 = arith.andi %shift_right_logical3A_371, %and3A_373 : vector<16xi32>
        %add3A_375 = arith.constant 0 : i32
        %add3A_376 = vector.broadcast %add3A_375 : i32 to vector<16xi32>
        %add3A_377 = arith.addi %and3A_374, %add3A_376 : vector<16xi32>
        %swap3A_378 = arith.constant 0 : index
        %swap3A_379 = tpu.vector_load %arg18[%swap3A_378] {strides = array<i32>} : memref<64xi32, #tpu.memory_space<vmem>>, vector<16xi32>,
        %swap3A_380 = vector.shape_cast %swap3A_379 : vector<16xi32> to vector<16xi32>
        %swap3A_381 = vector.shape_cast %add3A_377 : vector<16xi32> to vector<16xi32>
        tpu.vector_store %arg18[%swap3A_378], %swap3A_381 {strides = array<i32>} : memref<64xi32, #tpu.memory_space<vmem>>, vector<16xi32>,
        %shift_right_logical3A_382 = arith.constant 19 : i32
        %shift_right_logical3A_383 = vector.broadcast %shift_right_logical3A_382 : i32 to vector<16xi32>
        %shift_right_logical3A_384 = arith.shrui %get3A_359, %shift_right_logical3A_383 : vector<16xi32>
        %swap3A_385 = arith.constant 0 : index
        %swap3A_386 = tpu.vector_load %arg22[%swap3A_385] {strides = array<i32>} : memref<64xi32, #tpu.memory_space<vmem>>, vector<16xi32>,
        %swap3A_387 = vector.shape_cast %swap3A_386 : vector<16xi32> to vector<16xi32>
        %swap3A_388 = vector.shape_cast %shift_right_logical3A_384 : vector<16xi32> to vector<16xi32>
        tpu.vector_store %arg22[%swap3A_385], %swap3A_388 {strides = array<i32>} : memref<64xi32, #tpu.memory_space<vmem>>, vector<16xi32>,
        %add3A_389 = arith.constant 16 : i32
        %add3A_390 = arith.addi %mul3A_353, %add3A_389 : i32
        %get3A_391 = arith.index_cast %select_n3A : i32 to index
        %get3A_392 = arith.index_cast %add3A_390 : i32 to index
        %get3A_393 = tpu.vector_load %arg6[%get3A_391, %get3A_392] {strides = array<i32>} : memref<64x128xi32, #tpu.memory_space<vmem>>, vector<1x16xi32>,
        %get3A_394 = vector.shape_cast %get3A_393 : vector<1x16xi32> to vector<16xi32>
        %and3A_395 = arith.constant 8191 : i32
        %and3A_396 = vector.broadcast %and3A_395 : i32 to vector<16xi32>
        %and3A_397 = arith.andi %get3A_394, %and3A_396 : vector<16xi32>
        %add3A_398 = vector.broadcast %mul3A_0 : i32 to vector<16xi32>
        %add3A_399 = arith.addi %and3A_397, %add3A_398 : vector<16xi32>
        %swap3A_400 = arith.constant 16 : index
        %swap3A_401 = tpu.vector_load %arg14[%swap3A_400] {strides = array<i32>} : memref<64xi32, #tpu.memory_space<vmem>>, vector<16xi32>,
        %swap3A_402 = vector.shape_cast %swap3A_401 : vector<16xi32> to vector<16xi32>
        %swap3A_403 = vector.shape_cast %add3A_399 : vector<16xi32> to vector<16xi32>
        tpu.vector_store %arg14[%swap3A_400], %swap3A_403 {strides = array<i32>} : memref<64xi32, #tpu.memory_space<vmem>>, vector<16xi32>,
        %shift_right_logical3A_404 = arith.constant 13 : i32
        %shift_right_logical3A_405 = vector.broadcast %shift_right_logical3A_404 : i32 to vector<16xi32>
        %shift_right_logical3A_406 = arith.shrui %get3A_394, %shift_right_logical3A_405 : vector<16xi32>
        %and3A_407 = arith.constant 63 : i32
        %and3A_408 = vector.broadcast %and3A_407 : i32 to vector<16xi32>
        %and3A_409 = arith.andi %shift_right_logical3A_406, %and3A_408 : vector<16xi32>
        %add3A_410 = arith.constant 0 : i32
        %add3A_411 = vector.broadcast %add3A_410 : i32 to vector<16xi32>
        %add3A_412 = arith.addi %and3A_409, %add3A_411 : vector<16xi32>
        %swap3A_413 = arith.constant 16 : index
        %swap3A_414 = tpu.vector_load %arg18[%swap3A_413] {strides = array<i32>} : memref<64xi32, #tpu.memory_space<vmem>>, vector<16xi32>,
        %swap3A_415 = vector.shape_cast %swap3A_414 : vector<16xi32> to vector<16xi32>
        %swap3A_416 = vector.shape_cast %add3A_412 : vector<16xi32> to vector<16xi32>
        tpu.vector_store %arg18[%swap3A_413], %swap3A_416 {strides = array<i32>} : memref<64xi32, #tpu.memory_space<vmem>>, vector<16xi32>,
        %shift_right_logical3A_417 = arith.constant 19 : i32
        %shift_right_logical3A_418 = vector.broadcast %shift_right_logical3A_417 : i32 to vector<16xi32>
        %shift_right_logical3A_419 = arith.shrui %get3A_394, %shift_right_logical3A_418 : vector<16xi32>
        %swap3A_420 = arith.constant 16 : index
        %swap3A_421 = tpu.vector_load %arg22[%swap3A_420] {strides = array<i32>} : memref<64xi32, #tpu.memory_space<vmem>>, vector<16xi32>,
        %swap3A_422 = vector.shape_cast %swap3A_421 : vector<16xi32> to vector<16xi32>
        %swap3A_423 = vector.shape_cast %shift_right_logical3A_419 : vector<16xi32> to vector<16xi32>
        tpu.vector_store %arg22[%swap3A_420], %swap3A_423 {strides = array<i32>} : memref<64xi32, #tpu.memory_space<vmem>>, vector<16xi32>,
        %add3A_424 = arith.constant 32 : i32
        %add3A_425 = arith.addi %mul3A_353, %add3A_424 : i32
        %get3A_426 = arith.index_cast %select_n3A : i32 to index
        %get3A_427 = arith.index_cast %add3A_425 : i32 to index
        %get3A_428 = tpu.vector_load %arg6[%get3A_426, %get3A_427] {strides = array<i32>} : memref<64x128xi32, #tpu.memory_space<vmem>>, vector<1x16xi32>,
        %get3A_429 = vector.shape_cast %get3A_428 : vector<1x16xi32> to vector<16xi32>
        %and3A_430 = arith.constant 8191 : i32
        %and3A_431 = vector.broadcast %and3A_430 : i32 to vector<16xi32>
        %and3A_432 = arith.andi %get3A_429, %and3A_431 : vector<16xi32>
        %add3A_433 = vector.broadcast %mul3A_0 : i32 to vector<16xi32>
        %add3A_434 = arith.addi %and3A_432, %add3A_433 : vector<16xi32>
        %swap3A_435 = arith.constant 32 : index
        %swap3A_436 = tpu.vector_load %arg14[%swap3A_435] {strides = array<i32>} : memref<64xi32, #tpu.memory_space<vmem>>, vector<16xi32>,
        %swap3A_437 = vector.shape_cast %swap3A_436 : vector<16xi32> to vector<16xi32>
        %swap3A_438 = vector.shape_cast %add3A_434 : vector<16xi32> to vector<16xi32>
        tpu.vector_store %arg14[%swap3A_435], %swap3A_438 {strides = array<i32>} : memref<64xi32, #tpu.memory_space<vmem>>, vector<16xi32>,
        %shift_right_logical3A_439 = arith.constant 13 : i32
        %shift_right_logical3A_440 = vector.broadcast %shift_right_logical3A_439 : i32 to vector<16xi32>
        %shift_right_logical3A_441 = arith.shrui %get3A_429, %shift_right_logical3A_440 : vector<16xi32>
        %and3A_442 = arith.constant 63 : i32
        %and3A_443 = vector.broadcast %and3A_442 : i32 to vector<16xi32>
        %and3A_444 = arith.andi %shift_right_logical3A_441, %and3A_443 : vector<16xi32>
        %add3A_445 = arith.constant 0 : i32
        %add3A_446 = vector.broadcast %add3A_445 : i32 to vector<16xi32>
        %add3A_447 = arith.addi %and3A_444, %add3A_446 : vector<16xi32>
        %swap3A_448 = arith.constant 32 : index
        %swap3A_449 = tpu.vector_load %arg18[%swap3A_448] {strides = array<i32>} : memref<64xi32, #tpu.memory_space<vmem>>, vector<16xi32>,
        %swap3A_450 = vector.shape_cast %swap3A_449 : vector<16xi32> to vector<16xi32>
        %swap3A_451 = vector.shape_cast %add3A_447 : vector<16xi32> to vector<16xi32>
        tpu.vector_store %arg18[%swap3A_448], %swap3A_451 {strides = array<i32>} : memref<64xi32, #tpu.memory_space<vmem>>, vector<16xi32>,
        %shift_right_logical3A_452 = arith.constant 19 : i32
        %shift_right_logical3A_453 = vector.broadcast %shift_right_logical3A_452 : i32 to vector<16xi32>
        %shift_right_logical3A_454 = arith.shrui %get3A_429, %shift_right_logical3A_453 : vector<16xi32>
        %swap3A_455 = arith.constant 32 : index
        %swap3A_456 = tpu.vector_load %arg22[%swap3A_455] {strides = array<i32>} : memref<64xi32, #tpu.memory_space<vmem>>, vector<16xi32>,
        %swap3A_457 = vector.shape_cast %swap3A_456 : vector<16xi32> to vector<16xi32>
        %swap3A_458 = vector.shape_cast %shift_right_logical3A_454 : vector<16xi32> to vector<16xi32>
        tpu.vector_store %arg22[%swap3A_455], %swap3A_458 {strides = array<i32>} : memref<64xi32, #tpu.memory_space<vmem>>, vector<16xi32>,
        %add3A_459 = arith.constant 48 : i32
        %add3A_460 = arith.addi %mul3A_353, %add3A_459 : i32
        %get3A_461 = arith.index_cast %select_n3A : i32 to index
        %get3A_462 = arith.index_cast %add3A_460 : i32 to index
        %get3A_463 = tpu.vector_load %arg6[%get3A_461, %get3A_462] {strides = array<i32>} : memref<64x128xi32, #tpu.memory_space<vmem>>, vector<1x16xi32>,
        %get3A_464 = vector.shape_cast %get3A_463 : vector<1x16xi32> to vector<16xi32>
        %and3A_465 = arith.constant 8191 : i32
        %and3A_466 = vector.broadcast %and3A_465 : i32 to vector<16xi32>
        %and3A_467 = arith.andi %get3A_464, %and3A_466 : vector<16xi32>
        %add3A_468 = vector.broadcast %mul3A_0 : i32 to vector<16xi32>
        %add3A_469 = arith.addi %and3A_467, %add3A_468 : vector<16xi32>
        %swap3A_470 = arith.constant 48 : index
        %swap3A_471 = tpu.vector_load %arg14[%swap3A_470] {strides = array<i32>} : memref<64xi32, #tpu.memory_space<vmem>>, vector<16xi32>,
        %swap3A_472 = vector.shape_cast %swap3A_471 : vector<16xi32> to vector<16xi32>
        %swap3A_473 = vector.shape_cast %add3A_469 : vector<16xi32> to vector<16xi32>
        tpu.vector_store %arg14[%swap3A_470], %swap3A_473 {strides = array<i32>} : memref<64xi32, #tpu.memory_space<vmem>>, vector<16xi32>,
        %shift_right_logical3A_474 = arith.constant 13 : i32
        %shift_right_logical3A_475 = vector.broadcast %shift_right_logical3A_474 : i32 to vector<16xi32>
        %shift_right_logical3A_476 = arith.shrui %get3A_464, %shift_right_logical3A_475 : vector<16xi32>
        %and3A_477 = arith.constant 63 : i32
        %and3A_478 = vector.broadcast %and3A_477 : i32 to vector<16xi32>
        %and3A_479 = arith.andi %shift_right_logical3A_476, %and3A_478 : vector<16xi32>
        %add3A_480 = arith.constant 0 : i32
        %add3A_481 = vector.broadcast %add3A_480 : i32 to vector<16xi32>
        %add3A_482 = arith.addi %and3A_479, %add3A_481 : vector<16xi32>
        %swap3A_483 = arith.constant 48 : index
        %swap3A_484 = tpu.vector_load %arg18[%swap3A_483] {strides = array<i32>} : memref<64xi32, #tpu.memory_space<vmem>>, vector<16xi32>,
        %swap3A_485 = vector.shape_cast %swap3A_484 : vector<16xi32> to vector<16xi32>
        %swap3A_486 = vector.shape_cast %add3A_482 : vector<16xi32> to vector<16xi32>
        tpu.vector_store %arg18[%swap3A_483], %swap3A_486 {strides = array<i32>} : memref<64xi32, #tpu.memory_space<vmem>>, vector<16xi32>,
        %shift_right_logical3A_487 = arith.constant 19 : i32
        %shift_right_logical3A_488 = vector.broadcast %shift_right_logical3A_487 : i32 to vector<16xi32>
        %shift_right_logical3A_489 = arith.shrui %get3A_464, %shift_right_logical3A_488 : vector<16xi32>
        %swap3A_490 = arith.constant 48 : index
        %swap3A_491 = tpu.vector_load %arg22[%swap3A_490] {strides = array<i32>} : memref<64xi32, #tpu.memory_space<vmem>>, vector<16xi32>,
        %swap3A_492 = vector.shape_cast %swap3A_491 : vector<16xi32> to vector<16xi32>
        %swap3A_493 = vector.shape_cast %shift_right_logical3A_489 : vector<16xi32> to vector<16xi32>
        tpu.vector_store %arg22[%swap3A_490], %swap3A_493 {strides = array<i32>} : memref<64xi32, #tpu.memory_space<vmem>>, vector<16xi32>,
        %dma_start3A_494 = arith.constant 0 : i32
        %dma_start3A_495 = arith.constant 0 : i32
        %dma_start3A_496 = tpu.memref_slice %arg2[%dma_start3A_494, %dma_start3A_495] : memref<16384x128xf32, #tpu.memory_space<hbm>> -> memref<16384x128xf32, #tpu.memory_space<hbm>>
        tpu.enqueue_indirect_dma source(%dma_start3A_496 : memref<16384x128xf32, #tpu.memory_space<hbm>>) target(%arg8 : memref<64x128xf32, #tpu.memory_space<vmem>>) offsets(%arg14 : memref<64xi32, #tpu.memory_space<vmem>>) semaphore(%arg28 : memref<!tpu.dma_semaphore, #tpu.memory_space<semaphore_mem>>)
        %dma_start3A_497 = arith.constant 0 : i32
        %dma_start3A_498 = arith.constant 0 : i32
        %dma_start3A_499 = tpu.memref_slice %arg26[%dma_start3A_497, %dma_start3A_498] : memref<64x128xf32, #tpu.memory_space<vmem_shared>> -> memref<64x128xf32, #tpu.memory_space<vmem_shared>>
        tpu.enqueue_indirect_dma source(%dma_start3A_499 : memref<64x128xf32, #tpu.memory_space<vmem_shared>>) target(%arg12 : memref<64x128xf32, #tpu.memory_space<vmem>>) offsets(%arg18 : memref<64xi32, #tpu.memory_space<vmem>>) semaphore(%arg30 : memref<!tpu.dma_semaphore, #tpu.memory_space<semaphore_mem>>)
      } else {
      }
      %dma_wait3A_213 = arith.constant 0 : i32
      %dma_wait3A_214 = arith.constant 0 : i32
      %dma_wait3A_215 = tpu.memref_slice %arg2[%dma_wait3A_213, %dma_wait3A_214] : memref<16384x128xf32, #tpu.memory_space<hbm>> -> memref<16384x128xf32, #tpu.memory_space<hbm>>
      tpu.wait_indirect_dma semaphore(%arg27 : memref<!tpu.dma_semaphore, #tpu.memory_space<semaphore_mem>>) src(%dma_wait3A_215 : memref<16384x128xf32, #tpu.memory_space<hbm>>) dst(%arg7 : memref<64x128xf32, #tpu.memory_space<vmem>>)
      %dma_wait3A_216 = arith.constant 0 : i32
      %dma_wait3A_217 = arith.constant 0 : i32
      %dma_wait3A_218 = tpu.memref_slice %arg26[%dma_wait3A_216, %dma_wait3A_217] : memref<64x128xf32, #tpu.memory_space<vmem_shared>> -> memref<64x128xf32, #tpu.memory_space<vmem_shared>>
      tpu.wait_indirect_dma semaphore(%arg29 : memref<!tpu.dma_semaphore, #tpu.memory_space<semaphore_mem>>) src(%dma_wait3A_218 : memref<64x128xf32, #tpu.memory_space<vmem_shared>>) dst(%arg11 : memref<64x128xf32, #tpu.memory_space<vmem>>)
      %scan3A_219 = arith.constant 0 : i32
      %scan3A_220 = arith.constant 64 : i32
      %scan3A_221 = arith.addi %scan3A_219, %scan3A_220 : i32
      %scan3A_222 = arith.constant 1 : i32
      scf.for %scan3A_317 = %scan3A_219 to %scan3A_221 step %scan3A_222  : i32 {
        %get3A_318 = arith.index_cast %scan3A_317 : i32 to index
        %get3A_319 = arith.constant 0 : index
        %get3A_320 = tpu.vector_load %arg7[%get3A_318, %get3A_319] {strides = array<i32>} : memref<64x128xf32, #tpu.memory_space<vmem>>, vector<1x16xf32>,
        %get3A_321 = vector.shape_cast %get3A_320 : vector<1x16xf32> to vector<16xf32>
        %get3A_322 = arith.index_cast %scan3A_317 : i32 to index
        %get3A_323 = arith.constant 0 : index
        %get3A_324 = tpu.vector_load %arg11[%get3A_322, %get3A_323] {strides = array<i32>} : memref<64x128xf32, #tpu.memory_space<vmem>>, vector<1x16xf32>,
        %get3A_325 = vector.shape_cast %get3A_324 : vector<1x16xf32> to vector<16xf32>
        %add3A_326 = arith.addf %get3A_321, %get3A_325 : vector<16xf32>
        %max3A = arith.constant 0.000000e+00 : f32
        %max3A_327 = vector.broadcast %max3A : f32 to vector<16xf32>
        %max3A_328 = arith.maximumf %add3A_326, %max3A_327 : vector<16xf32>
        %swap3A_329 = arith.index_cast %scan3A_317 : i32 to index
        %swap3A_330 = arith.constant 0 : index
        %swap3A_331 = tpu.vector_load %arg7[%swap3A_329, %swap3A_330] {strides = array<i32>} : memref<64x128xf32, #tpu.memory_space<vmem>>, vector<1x16xf32>,
        %swap3A_332 = vector.shape_cast %swap3A_331 : vector<1x16xf32> to vector<16xf32>
        %swap3A_333 = vector.shape_cast %max3A_328 : vector<16xf32> to vector<1x16xf32>
        tpu.vector_store %arg7[%swap3A_329, %swap3A_330], %swap3A_333 {strides = array<i32>} : memref<64x128xf32, #tpu.memory_space<vmem>>, vector<1x16xf32>,
        %get3A_334 = arith.index_cast %scan3A_317 : i32 to index
        %get3A_335 = arith.constant 16 : index
        %get3A_336 = tpu.vector_load %arg7[%get3A_334, %get3A_335] {strides = array<i32>} : memref<64x128xf32, #tpu.memory_space<vmem>>, vector<1x16xf32>,
        %get3A_337 = vector.shape_cast %get3A_336 : vector<1x16xf32> to vector<16xf32>
        %get3A_338 = arith.index_cast %scan3A_317 : i32 to index
        %get3A_339 = arith.constant 16 : index
        %get3A_340 = tpu.vector_load %arg11[%get3A_338, %get3A_339] {strides = array<i32>} : memref<64x128xf32, #tpu.memory_space<vmem>>, vector<1x16xf32>,
        %get3A_341 = vector.shape_cast %get3A_340 : vector<1x16xf32> to vector<16xf32>
        %add3A_342 = arith.addf %get3A_337, %get3A_341 : vector<16xf32>
        %max3A_343 = arith.constant 0.000000e+00 : f32
        %max3A_344 = vector.broadcast %max3A_343 : f32 to vector<16xf32>
        %max3A_345 = arith.maximumf %add3A_342, %max3A_344 : vector<16xf32>
        %swap3A_346 = arith.index_cast %scan3A_317 : i32 to index
        %swap3A_347 = arith.constant 16 : index
        %swap3A_348 = tpu.vector_load %arg7[%swap3A_346, %swap3A_347] {strides = array<i32>} : memref<64x128xf32, #tpu.memory_space<vmem>>, vector<1x16xf32>,
        %swap3A_349 = vector.shape_cast %swap3A_348 : vector<1x16xf32> to vector<16xf32>
        %swap3A_350 = vector.shape_cast %max3A_345 : vector<16xf32> to vector<1x16xf32>
        tpu.vector_store %arg7[%swap3A_346, %swap3A_347], %swap3A_350 {strides = array<i32>} : memref<64x128xf32, #tpu.memory_space<vmem>>, vector<1x16xf32>,
        %get3A_351 = arith.index_cast %scan3A_317 : i32 to index
        %get3A_352 = arith.constant 32 : index
        %get3A_353 = tpu.vector_load %arg7[%get3A_351, %get3A_352] {strides = array<i32>} : memref<64x128xf32, #tpu.memory_space<vmem>>, vector<1x16xf32>,
        %get3A_354 = vector.shape_cast %get3A_353 : vector<1x16xf32> to vector<16xf32>
        %get3A_355 = arith.index_cast %scan3A_317 : i32 to index
        %get3A_356 = arith.constant 32 : index
        %get3A_357 = tpu.vector_load %arg11[%get3A_355, %get3A_356] {strides = array<i32>} : memref<64x128xf32, #tpu.memory_space<vmem>>, vector<1x16xf32>,
        %get3A_358 = vector.shape_cast %get3A_357 : vector<1x16xf32> to vector<16xf32>
        %add3A_359 = arith.addf %get3A_354, %get3A_358 : vector<16xf32>
        %max3A_360 = arith.constant 0.000000e+00 : f32
        %max3A_361 = vector.broadcast %max3A_360 : f32 to vector<16xf32>
        %max3A_362 = arith.maximumf %add3A_359, %max3A_361 : vector<16xf32>
        %swap3A_363 = arith.index_cast %scan3A_317 : i32 to index
        %swap3A_364 = arith.constant 32 : index
        %swap3A_365 = tpu.vector_load %arg7[%swap3A_363, %swap3A_364] {strides = array<i32>} : memref<64x128xf32, #tpu.memory_space<vmem>>, vector<1x16xf32>,
        %swap3A_366 = vector.shape_cast %swap3A_365 : vector<1x16xf32> to vector<16xf32>
        %swap3A_367 = vector.shape_cast %max3A_362 : vector<16xf32> to vector<1x16xf32>
        tpu.vector_store %arg7[%swap3A_363, %swap3A_364], %swap3A_367 {strides = array<i32>} : memref<64x128xf32, #tpu.memory_space<vmem>>, vector<1x16xf32>,
        %get3A_368 = arith.index_cast %scan3A_317 : i32 to index
        %get3A_369 = arith.constant 48 : index
        %get3A_370 = tpu.vector_load %arg7[%get3A_368, %get3A_369] {strides = array<i32>} : memref<64x128xf32, #tpu.memory_space<vmem>>, vector<1x16xf32>,
        %get3A_371 = vector.shape_cast %get3A_370 : vector<1x16xf32> to vector<16xf32>
        %get3A_372 = arith.index_cast %scan3A_317 : i32 to index
        %get3A_373 = arith.constant 48 : index
        %get3A_374 = tpu.vector_load %arg11[%get3A_372, %get3A_373] {strides = array<i32>} : memref<64x128xf32, #tpu.memory_space<vmem>>, vector<1x16xf32>,
        %get3A_375 = vector.shape_cast %get3A_374 : vector<1x16xf32> to vector<16xf32>
        %add3A_376 = arith.addf %get3A_371, %get3A_375 : vector<16xf32>
        %max3A_377 = arith.constant 0.000000e+00 : f32
        %max3A_378 = vector.broadcast %max3A_377 : f32 to vector<16xf32>
        %max3A_379 = arith.maximumf %add3A_376, %max3A_378 : vector<16xf32>
        %swap3A_380 = arith.index_cast %scan3A_317 : i32 to index
        %swap3A_381 = arith.constant 48 : index
        %swap3A_382 = tpu.vector_load %arg7[%swap3A_380, %swap3A_381] {strides = array<i32>} : memref<64x128xf32, #tpu.memory_space<vmem>>, vector<1x16xf32>,
        %swap3A_383 = vector.shape_cast %swap3A_382 : vector<1x16xf32> to vector<16xf32>
        %swap3A_384 = vector.shape_cast %max3A_379 : vector<16xf32> to vector<1x16xf32>
        tpu.vector_store %arg7[%swap3A_380, %swap3A_381], %swap3A_384 {strides = array<i32>} : memref<64x128xf32, #tpu.memory_space<vmem>>, vector<1x16xf32>,
        %get3A_385 = arith.index_cast %scan3A_317 : i32 to index
        %get3A_386 = arith.constant 64 : index
        %get3A_387 = tpu.vector_load %arg7[%get3A_385, %get3A_386] {strides = array<i32>} : memref<64x128xf32, #tpu.memory_space<vmem>>, vector<1x16xf32>,
        %get3A_388 = vector.shape_cast %get3A_387 : vector<1x16xf32> to vector<16xf32>
        %get3A_389 = arith.index_cast %scan3A_317 : i32 to index
        %get3A_390 = arith.constant 64 : index
        %get3A_391 = tpu.vector_load %arg11[%get3A_389, %get3A_390] {strides = array<i32>} : memref<64x128xf32, #tpu.memory_space<vmem>>, vector<1x16xf32>,
        %get3A_392 = vector.shape_cast %get3A_391 : vector<1x16xf32> to vector<16xf32>
        %add3A_393 = arith.addf %get3A_388, %get3A_392 : vector<16xf32>
        %max3A_394 = arith.constant 0.000000e+00 : f32
        %max3A_395 = vector.broadcast %max3A_394 : f32 to vector<16xf32>
        %max3A_396 = arith.maximumf %add3A_393, %max3A_395 : vector<16xf32>
        %swap3A_397 = arith.index_cast %scan3A_317 : i32 to index
        %swap3A_398 = arith.constant 64 : index
        %swap3A_399 = tpu.vector_load %arg7[%swap3A_397, %swap3A_398] {strides = array<i32>} : memref<64x128xf32, #tpu.memory_space<vmem>>, vector<1x16xf32>,
        %swap3A_400 = vector.shape_cast %swap3A_399 : vector<1x16xf32> to vector<16xf32>
        %swap3A_401 = vector.shape_cast %max3A_396 : vector<16xf32> to vector<1x16xf32>
        tpu.vector_store %arg7[%swap3A_397, %swap3A_398], %swap3A_401 {strides = array<i32>} : memref<64x128xf32, #tpu.memory_space<vmem>>, vector<1x16xf32>,
        %get3A_402 = arith.index_cast %scan3A_317 : i32 to index
        %get3A_403 = arith.constant 80 : index
        %get3A_404 = tpu.vector_load %arg7[%get3A_402, %get3A_403] {strides = array<i32>} : memref<64x128xf32, #tpu.memory_space<vmem>>, vector<1x16xf32>,
        %get3A_405 = vector.shape_cast %get3A_404 : vector<1x16xf32> to vector<16xf32>
        %get3A_406 = arith.index_cast %scan3A_317 : i32 to index
        %get3A_407 = arith.constant 80 : index
        %get3A_408 = tpu.vector_load %arg11[%get3A_406, %get3A_407] {strides = array<i32>} : memref<64x128xf32, #tpu.memory_space<vmem>>, vector<1x16xf32>,
        %get3A_409 = vector.shape_cast %get3A_408 : vector<1x16xf32> to vector<16xf32>
        %add3A_410 = arith.addf %get3A_405, %get3A_409 : vector<16xf32>
        %max3A_411 = arith.constant 0.000000e+00 : f32
        %max3A_412 = vector.broadcast %max3A_411 : f32 to vector<16xf32>
        %max3A_413 = arith.maximumf %add3A_410, %max3A_412 : vector<16xf32>
        %swap3A_414 = arith.index_cast %scan3A_317 : i32 to index
        %swap3A_415 = arith.constant 80 : index
        %swap3A_416 = tpu.vector_load %arg7[%swap3A_414, %swap3A_415] {strides = array<i32>} : memref<64x128xf32, #tpu.memory_space<vmem>>, vector<1x16xf32>,
        %swap3A_417 = vector.shape_cast %swap3A_416 : vector<1x16xf32> to vector<16xf32>
        %swap3A_418 = vector.shape_cast %max3A_413 : vector<16xf32> to vector<1x16xf32>
        tpu.vector_store %arg7[%swap3A_414, %swap3A_415], %swap3A_418 {strides = array<i32>} : memref<64x128xf32, #tpu.memory_space<vmem>>, vector<1x16xf32>,
        %get3A_419 = arith.index_cast %scan3A_317 : i32 to index
        %get3A_420 = arith.constant 96 : index
        %get3A_421 = tpu.vector_load %arg7[%get3A_419, %get3A_420] {strides = array<i32>} : memref<64x128xf32, #tpu.memory_space<vmem>>, vector<1x16xf32>,
        %get3A_422 = vector.shape_cast %get3A_421 : vector<1x16xf32> to vector<16xf32>
        %get3A_423 = arith.index_cast %scan3A_317 : i32 to index
        %get3A_424 = arith.constant 96 : index
        %get3A_425 = tpu.vector_load %arg11[%get3A_423, %get3A_424] {strides = array<i32>} : memref<64x128xf32, #tpu.memory_space<vmem>>, vector<1x16xf32>,
        %get3A_426 = vector.shape_cast %get3A_425 : vector<1x16xf32> to vector<16xf32>
        %add3A_427 = arith.addf %get3A_422, %get3A_426 : vector<16xf32>
        %max3A_428 = arith.constant 0.000000e+00 : f32
        %max3A_429 = vector.broadcast %max3A_428 : f32 to vector<16xf32>
        %max3A_430 = arith.maximumf %add3A_427, %max3A_429 : vector<16xf32>
        %swap3A_431 = arith.index_cast %scan3A_317 : i32 to index
        %swap3A_432 = arith.constant 96 : index
        %swap3A_433 = tpu.vector_load %arg7[%swap3A_431, %swap3A_432] {strides = array<i32>} : memref<64x128xf32, #tpu.memory_space<vmem>>, vector<1x16xf32>,
        %swap3A_434 = vector.shape_cast %swap3A_433 : vector<1x16xf32> to vector<16xf32>
        %swap3A_435 = vector.shape_cast %max3A_430 : vector<16xf32> to vector<1x16xf32>
        tpu.vector_store %arg7[%swap3A_431, %swap3A_432], %swap3A_435 {strides = array<i32>} : memref<64x128xf32, #tpu.memory_space<vmem>>, vector<1x16xf32>,
        %get3A_436 = arith.index_cast %scan3A_317 : i32 to index
        %get3A_437 = arith.constant 112 : index
        %get3A_438 = tpu.vector_load %arg7[%get3A_436, %get3A_437] {strides = array<i32>} : memref<64x128xf32, #tpu.memory_space<vmem>>, vector<1x16xf32>,
        %get3A_439 = vector.shape_cast %get3A_438 : vector<1x16xf32> to vector<16xf32>
        %get3A_440 = arith.index_cast %scan3A_317 : i32 to index
        %get3A_441 = arith.constant 112 : index
        %get3A_442 = tpu.vector_load %arg11[%get3A_440, %get3A_441] {strides = array<i32>} : memref<64x128xf32, #tpu.memory_space<vmem>>, vector<1x16xf32>,
        %get3A_443 = vector.shape_cast %get3A_442 : vector<1x16xf32> to vector<16xf32>
        %add3A_444 = arith.addf %get3A_439, %get3A_443 : vector<16xf32>
        %max3A_445 = arith.constant 0.000000e+00 : f32
        %max3A_446 = vector.broadcast %max3A_445 : f32 to vector<16xf32>
        %max3A_447 = arith.maximumf %add3A_444, %max3A_446 : vector<16xf32>
        %swap3A_448 = arith.index_cast %scan3A_317 : i32 to index
        %swap3A_449 = arith.constant 112 : index
        %swap3A_450 = tpu.vector_load %arg7[%swap3A_448, %swap3A_449] {strides = array<i32>} : memref<64x128xf32, #tpu.memory_space<vmem>>, vector<1x16xf32>,
        %swap3A_451 = vector.shape_cast %swap3A_450 : vector<1x16xf32> to vector<16xf32>
        %swap3A_452 = vector.shape_cast %max3A_447 : vector<16xf32> to vector<1x16xf32>
        tpu.vector_store %arg7[%swap3A_448, %swap3A_449], %swap3A_452 {strides = array<i32>} : memref<64x128xf32, #tpu.memory_space<vmem>>, vector<1x16xf32>,
      }
      %scan3A_223 = arith.constant 64 : i32
      %dma_start3A_224 = arith.constant 0 : i32
      %dma_start3A_225 = arith.constant 0 : i32
      %dma_start3A_226 = tpu.memref_slice %arg25[%dma_start3A_224, %dma_start3A_225] : memref<8192x128xf32, #tpu.memory_space<vmem_shared>> -> memref<8192x128xf32, #tpu.memory_space<vmem_shared>>
      tpu.enqueue_indirect_dma source(%arg7 : memref<64x128xf32, #tpu.memory_space<vmem>>) target(%dma_start3A_226 : memref<8192x128xf32, #tpu.memory_space<vmem_shared>>) offsets(%arg21 : memref<64xi32, #tpu.memory_space<vmem>>) semaphore(%arg31 : memref<!tpu.dma_semaphore, #tpu.memory_space<semaphore_mem>>) {add = true}
      %mul3A_227 = arith.constant 4 : i32
      %mul3A_228 = arith.muli %mul3A_227, %scan3A_198 : i32
      %add3A_229 = arith.constant 1 : i32
      %add3A_230 = arith.addi %mul3A_228, %add3A_229 : i32
      %ge3A_231 = arith.constant 3 : i32
      %ge3A_232 = arith.cmpi sge, %add3A_230, %ge3A_231 : i32
      %convert_element_type3A_233 = arith.extui %ge3A_232 : i1 to i32
      %cond3A_234 = arith.constant 0 : i32
      %cond3A_235 = arith.cmpi ne, %convert_element_type3A_233, %cond3A_234 : i32
      scf.if %cond3A_235 {
        %dma_wait3A_317 = arith.constant 0 : i32
        %dma_wait3A_318 = arith.constant 0 : i32
        %dma_wait3A_319 = tpu.memref_slice %arg25[%dma_wait3A_317, %dma_wait3A_318] : memref<8192x128xf32, #tpu.memory_space<vmem_shared>> -> memref<8192x128xf32, #tpu.memory_space<vmem_shared>>
        tpu.wait_indirect_dma semaphore(%arg33 : memref<!tpu.dma_semaphore, #tpu.memory_space<semaphore_mem>>) src(%arg9 : memref<64x128xf32, #tpu.memory_space<vmem>>) dst(%dma_wait3A_319 : memref<8192x128xf32, #tpu.memory_space<vmem_shared>>)
      } else {
      }
      %add3A_236 = arith.constant 1 : i32
      %add3A_237 = arith.addi %add3A_230, %add3A_236 : i32
      %lt3A_238 = arith.constant 128 : i32
      %lt3A_239 = arith.cmpi slt, %add3A_237, %lt3A_238 : i32
      %convert_element_type3A_240 = arith.extui %lt3A_239 : i1 to i32
      %cond3A_241 = arith.constant 0 : i32
      %cond3A_242 = arith.cmpi ne, %convert_element_type3A_240, %cond3A_241 : i32
      scf.if %cond3A_242 {
        %add3A_317 = arith.constant 1 : i32
        %add3A_318 = arith.addi %add3A_230, %add3A_317 : i32
        %jit3A = arith.constant 2 : i32
        %div3A = arith.divsi %add3A_318, %jit3A : i32
        %sign3A = arith.constant 0 : i32
        %sign3A_319 = arith.cmpi sgt, %add3A_318, %sign3A : i32
        %sign3A_320 = arith.extui %sign3A_319 : i1 to i32
        %sign3A_321 = arith.constant 0 : i32
        %sign3A_322 = arith.cmpi slt, %add3A_318, %sign3A_321 : i32
        %sign3A_323 = arith.extui %sign3A_322 : i1 to i32
        %sign3A_324 = arith.subi %sign3A_320, %sign3A_323 : i32
        %sign3A_325 = arith.constant 0 : i32
        %sign3A_326 = arith.cmpi sgt, %jit3A, %sign3A_325 : i32
        %sign3A_327 = arith.extui %sign3A_326 : i1 to i32
        %sign3A_328 = arith.constant 0 : i32
        %sign3A_329 = arith.cmpi slt, %jit3A, %sign3A_328 : i32
        %sign3A_330 = arith.extui %sign3A_329 : i1 to i32
        %sign3A_331 = arith.subi %sign3A_327, %sign3A_330 : i32
        %ne3A = arith.cmpi ne, %sign3A_324, %sign3A_331 : i32
        %rem3A = arith.remsi %add3A_318, %jit3A : i32
        %ne3A_332 = arith.constant 0 : i32
        %ne3A_333 = arith.cmpi ne, %rem3A, %ne3A_332 : i32
        %and3A_334 = arith.andi %ne3A, %ne3A_333 : i1
        %sub3A = arith.constant 1 : i32
        %sub3A_335 = arith.subi %div3A, %sub3A : i32
        %select_n3A = arith.select %and3A_334, %sub3A_335, %div3A : i32
        %jit3A_336 = arith.constant 2 : i32
        %eq3A_337 = arith.constant 0 : i32
        %eq3A_338 = arith.cmpi eq, %jit3A_336, %eq3A_337 : i32
        %jit3A_339 = arith.constant 1 : i32
        %select_n3A_340 = arith.select %eq3A_338, %jit3A_339, %jit3A_336 : i32
        %rem3A_341 = arith.remsi %add3A_318, %select_n3A_340 : i32
        %ne3A_342 = arith.constant 0 : i32
        %ne3A_343 = arith.cmpi ne, %rem3A_341, %ne3A_342 : i32
        %lt3A_344 = arith.constant 0 : i32
        %lt3A_345 = arith.cmpi slt, %rem3A_341, %lt3A_344 : i32
        %lt3A_346 = arith.constant 0 : i32
        %lt3A_347 = arith.cmpi slt, %select_n3A_340, %lt3A_346 : i32
        %ne3A_348 = arith.xori %lt3A_345, %lt3A_347 : i1
        %and3A_349 = arith.andi %ne3A_348, %ne3A_343 : i1
        %add3A_350 = arith.addi %rem3A_341, %select_n3A_340 : i32
        %select_n3A_351 = arith.select %and3A_349, %add3A_350, %rem3A_341 : i32
        %mul3A_352 = arith.constant 64 : i32
        %mul3A_353 = arith.muli %select_n3A_351, %mul3A_352 : i32
        %add3A_354 = arith.constant 0 : i32
        %add3A_355 = arith.addi %mul3A_353, %add3A_354 : i32
        %get3A_356 = arith.index_cast %select_n3A : i32 to index
        %get3A_357 = arith.index_cast %add3A_355 : i32 to index
        %get3A_358 = tpu.vector_load %arg6[%get3A_356, %get3A_357] {strides = array<i32>} : memref<64x128xi32, #tpu.memory_space<vmem>>, vector<1x16xi32>,
        %get3A_359 = vector.shape_cast %get3A_358 : vector<1x16xi32> to vector<16xi32>
        %and3A_360 = arith.constant 8191 : i32
        %and3A_361 = vector.broadcast %and3A_360 : i32 to vector<16xi32>
        %and3A_362 = arith.andi %get3A_359, %and3A_361 : vector<16xi32>
        %add3A_363 = vector.broadcast %mul3A_0 : i32 to vector<16xi32>
        %add3A_364 = arith.addi %and3A_362, %add3A_363 : vector<16xi32>
        %swap3A_365 = arith.constant 0 : index
        %swap3A_366 = tpu.vector_load %arg15[%swap3A_365] {strides = array<i32>} : memref<64xi32, #tpu.memory_space<vmem>>, vector<16xi32>,
        %swap3A_367 = vector.shape_cast %swap3A_366 : vector<16xi32> to vector<16xi32>
        %swap3A_368 = vector.shape_cast %add3A_364 : vector<16xi32> to vector<16xi32>
        tpu.vector_store %arg15[%swap3A_365], %swap3A_368 {strides = array<i32>} : memref<64xi32, #tpu.memory_space<vmem>>, vector<16xi32>,
        %shift_right_logical3A_369 = arith.constant 13 : i32
        %shift_right_logical3A_370 = vector.broadcast %shift_right_logical3A_369 : i32 to vector<16xi32>
        %shift_right_logical3A_371 = arith.shrui %get3A_359, %shift_right_logical3A_370 : vector<16xi32>
        %and3A_372 = arith.constant 63 : i32
        %and3A_373 = vector.broadcast %and3A_372 : i32 to vector<16xi32>
        %and3A_374 = arith.andi %shift_right_logical3A_371, %and3A_373 : vector<16xi32>
        %add3A_375 = arith.constant 0 : i32
        %add3A_376 = vector.broadcast %add3A_375 : i32 to vector<16xi32>
        %add3A_377 = arith.addi %and3A_374, %add3A_376 : vector<16xi32>
        %swap3A_378 = arith.constant 0 : index
        %swap3A_379 = tpu.vector_load %arg19[%swap3A_378] {strides = array<i32>} : memref<64xi32, #tpu.memory_space<vmem>>, vector<16xi32>,
        %swap3A_380 = vector.shape_cast %swap3A_379 : vector<16xi32> to vector<16xi32>
        %swap3A_381 = vector.shape_cast %add3A_377 : vector<16xi32> to vector<16xi32>
        tpu.vector_store %arg19[%swap3A_378], %swap3A_381 {strides = array<i32>} : memref<64xi32, #tpu.memory_space<vmem>>, vector<16xi32>,
        %shift_right_logical3A_382 = arith.constant 19 : i32
        %shift_right_logical3A_383 = vector.broadcast %shift_right_logical3A_382 : i32 to vector<16xi32>
        %shift_right_logical3A_384 = arith.shrui %get3A_359, %shift_right_logical3A_383 : vector<16xi32>
        %swap3A_385 = arith.constant 0 : index
        %swap3A_386 = tpu.vector_load %arg23[%swap3A_385] {strides = array<i32>} : memref<64xi32, #tpu.memory_space<vmem>>, vector<16xi32>,
        %swap3A_387 = vector.shape_cast %swap3A_386 : vector<16xi32> to vector<16xi32>
        %swap3A_388 = vector.shape_cast %shift_right_logical3A_384 : vector<16xi32> to vector<16xi32>
        tpu.vector_store %arg23[%swap3A_385], %swap3A_388 {strides = array<i32>} : memref<64xi32, #tpu.memory_space<vmem>>, vector<16xi32>,
        %add3A_389 = arith.constant 16 : i32
        %add3A_390 = arith.addi %mul3A_353, %add3A_389 : i32
        %get3A_391 = arith.index_cast %select_n3A : i32 to index
        %get3A_392 = arith.index_cast %add3A_390 : i32 to index
        %get3A_393 = tpu.vector_load %arg6[%get3A_391, %get3A_392] {strides = array<i32>} : memref<64x128xi32, #tpu.memory_space<vmem>>, vector<1x16xi32>,
        %get3A_394 = vector.shape_cast %get3A_393 : vector<1x16xi32> to vector<16xi32>
        %and3A_395 = arith.constant 8191 : i32
        %and3A_396 = vector.broadcast %and3A_395 : i32 to vector<16xi32>
        %and3A_397 = arith.andi %get3A_394, %and3A_396 : vector<16xi32>
        %add3A_398 = vector.broadcast %mul3A_0 : i32 to vector<16xi32>
        %add3A_399 = arith.addi %and3A_397, %add3A_398 : vector<16xi32>
        %swap3A_400 = arith.constant 16 : index
        %swap3A_401 = tpu.vector_load %arg15[%swap3A_400] {strides = array<i32>} : memref<64xi32, #tpu.memory_space<vmem>>, vector<16xi32>,
        %swap3A_402 = vector.shape_cast %swap3A_401 : vector<16xi32> to vector<16xi32>
        %swap3A_403 = vector.shape_cast %add3A_399 : vector<16xi32> to vector<16xi32>
        tpu.vector_store %arg15[%swap3A_400], %swap3A_403 {strides = array<i32>} : memref<64xi32, #tpu.memory_space<vmem>>, vector<16xi32>,
        %shift_right_logical3A_404 = arith.constant 13 : i32
        %shift_right_logical3A_405 = vector.broadcast %shift_right_logical3A_404 : i32 to vector<16xi32>
        %shift_right_logical3A_406 = arith.shrui %get3A_394, %shift_right_logical3A_405 : vector<16xi32>
        %and3A_407 = arith.constant 63 : i32
        %and3A_408 = vector.broadcast %and3A_407 : i32 to vector<16xi32>
        %and3A_409 = arith.andi %shift_right_logical3A_406, %and3A_408 : vector<16xi32>
        %add3A_410 = arith.constant 0 : i32
        %add3A_411 = vector.broadcast %add3A_410 : i32 to vector<16xi32>
        %add3A_412 = arith.addi %and3A_409, %add3A_411 : vector<16xi32>
        %swap3A_413 = arith.constant 16 : index
        %swap3A_414 = tpu.vector_load %arg19[%swap3A_413] {strides = array<i32>} : memref<64xi32, #tpu.memory_space<vmem>>, vector<16xi32>,
        %swap3A_415 = vector.shape_cast %swap3A_414 : vector<16xi32> to vector<16xi32>
        %swap3A_416 = vector.shape_cast %add3A_412 : vector<16xi32> to vector<16xi32>
        tpu.vector_store %arg19[%swap3A_413], %swap3A_416 {strides = array<i32>} : memref<64xi32, #tpu.memory_space<vmem>>, vector<16xi32>,
        %shift_right_logical3A_417 = arith.constant 19 : i32
        %shift_right_logical3A_418 = vector.broadcast %shift_right_logical3A_417 : i32 to vector<16xi32>
        %shift_right_logical3A_419 = arith.shrui %get3A_394, %shift_right_logical3A_418 : vector<16xi32>
        %swap3A_420 = arith.constant 16 : index
        %swap3A_421 = tpu.vector_load %arg23[%swap3A_420] {strides = array<i32>} : memref<64xi32, #tpu.memory_space<vmem>>, vector<16xi32>,
        %swap3A_422 = vector.shape_cast %swap3A_421 : vector<16xi32> to vector<16xi32>
        %swap3A_423 = vector.shape_cast %shift_right_logical3A_419 : vector<16xi32> to vector<16xi32>
        tpu.vector_store %arg23[%swap3A_420], %swap3A_423 {strides = array<i32>} : memref<64xi32, #tpu.memory_space<vmem>>, vector<16xi32>,
        %add3A_424 = arith.constant 32 : i32
        %add3A_425 = arith.addi %mul3A_353, %add3A_424 : i32
        %get3A_426 = arith.index_cast %select_n3A : i32 to index
        %get3A_427 = arith.index_cast %add3A_425 : i32 to index
        %get3A_428 = tpu.vector_load %arg6[%get3A_426, %get3A_427] {strides = array<i32>} : memref<64x128xi32, #tpu.memory_space<vmem>>, vector<1x16xi32>,
        %get3A_429 = vector.shape_cast %get3A_428 : vector<1x16xi32> to vector<16xi32>
        %and3A_430 = arith.constant 8191 : i32
        %and3A_431 = vector.broadcast %and3A_430 : i32 to vector<16xi32>
        %and3A_432 = arith.andi %get3A_429, %and3A_431 : vector<16xi32>
        %add3A_433 = vector.broadcast %mul3A_0 : i32 to vector<16xi32>
        %add3A_434 = arith.addi %and3A_432, %add3A_433 : vector<16xi32>
        %swap3A_435 = arith.constant 32 : index
        %swap3A_436 = tpu.vector_load %arg15[%swap3A_435] {strides = array<i32>} : memref<64xi32, #tpu.memory_space<vmem>>, vector<16xi32>,
        %swap3A_437 = vector.shape_cast %swap3A_436 : vector<16xi32> to vector<16xi32>
        %swap3A_438 = vector.shape_cast %add3A_434 : vector<16xi32> to vector<16xi32>
        tpu.vector_store %arg15[%swap3A_435], %swap3A_438 {strides = array<i32>} : memref<64xi32, #tpu.memory_space<vmem>>, vector<16xi32>,
        %shift_right_logical3A_439 = arith.constant 13 : i32
        %shift_right_logical3A_440 = vector.broadcast %shift_right_logical3A_439 : i32 to vector<16xi32>
        %shift_right_logical3A_441 = arith.shrui %get3A_429, %shift_right_logical3A_440 : vector<16xi32>
        %and3A_442 = arith.constant 63 : i32
        %and3A_443 = vector.broadcast %and3A_442 : i32 to vector<16xi32>
        %and3A_444 = arith.andi %shift_right_logical3A_441, %and3A_443 : vector<16xi32>
        %add3A_445 = arith.constant 0 : i32
        %add3A_446 = vector.broadcast %add3A_445 : i32 to vector<16xi32>
        %add3A_447 = arith.addi %and3A_444, %add3A_446 : vector<16xi32>
        %swap3A_448 = arith.constant 32 : index
        %swap3A_449 = tpu.vector_load %arg19[%swap3A_448] {strides = array<i32>} : memref<64xi32, #tpu.memory_space<vmem>>, vector<16xi32>,
        %swap3A_450 = vector.shape_cast %swap3A_449 : vector<16xi32> to vector<16xi32>
        %swap3A_451 = vector.shape_cast %add3A_447 : vector<16xi32> to vector<16xi32>
        tpu.vector_store %arg19[%swap3A_448], %swap3A_451 {strides = array<i32>} : memref<64xi32, #tpu.memory_space<vmem>>, vector<16xi32>,
        %shift_right_logical3A_452 = arith.constant 19 : i32
        %shift_right_logical3A_453 = vector.broadcast %shift_right_logical3A_452 : i32 to vector<16xi32>
        %shift_right_logical3A_454 = arith.shrui %get3A_429, %shift_right_logical3A_453 : vector<16xi32>
        %swap3A_455 = arith.constant 32 : index
        %swap3A_456 = tpu.vector_load %arg23[%swap3A_455] {strides = array<i32>} : memref<64xi32, #tpu.memory_space<vmem>>, vector<16xi32>,
        %swap3A_457 = vector.shape_cast %swap3A_456 : vector<16xi32> to vector<16xi32>
        %swap3A_458 = vector.shape_cast %shift_right_logical3A_454 : vector<16xi32> to vector<16xi32>
        tpu.vector_store %arg23[%swap3A_455], %swap3A_458 {strides = array<i32>} : memref<64xi32, #tpu.memory_space<vmem>>, vector<16xi32>,
        %add3A_459 = arith.constant 48 : i32
        %add3A_460 = arith.addi %mul3A_353, %add3A_459 : i32
        %get3A_461 = arith.index_cast %select_n3A : i32 to index
        %get3A_462 = arith.index_cast %add3A_460 : i32 to index
        %get3A_463 = tpu.vector_load %arg6[%get3A_461, %get3A_462] {strides = array<i32>} : memref<64x128xi32, #tpu.memory_space<vmem>>, vector<1x16xi32>,
        %get3A_464 = vector.shape_cast %get3A_463 : vector<1x16xi32> to vector<16xi32>
        %and3A_465 = arith.constant 8191 : i32
        %and3A_466 = vector.broadcast %and3A_465 : i32 to vector<16xi32>
        %and3A_467 = arith.andi %get3A_464, %and3A_466 : vector<16xi32>
        %add3A_468 = vector.broadcast %mul3A_0 : i32 to vector<16xi32>
        %add3A_469 = arith.addi %and3A_467, %add3A_468 : vector<16xi32>
        %swap3A_470 = arith.constant 48 : index
        %swap3A_471 = tpu.vector_load %arg15[%swap3A_470] {strides = array<i32>} : memref<64xi32, #tpu.memory_space<vmem>>, vector<16xi32>,
        %swap3A_472 = vector.shape_cast %swap3A_471 : vector<16xi32> to vector<16xi32>
        %swap3A_473 = vector.shape_cast %add3A_469 : vector<16xi32> to vector<16xi32>
        tpu.vector_store %arg15[%swap3A_470], %swap3A_473 {strides = array<i32>} : memref<64xi32, #tpu.memory_space<vmem>>, vector<16xi32>,
        %shift_right_logical3A_474 = arith.constant 13 : i32
        %shift_right_logical3A_475 = vector.broadcast %shift_right_logical3A_474 : i32 to vector<16xi32>
        %shift_right_logical3A_476 = arith.shrui %get3A_464, %shift_right_logical3A_475 : vector<16xi32>
        %and3A_477 = arith.constant 63 : i32
        %and3A_478 = vector.broadcast %and3A_477 : i32 to vector<16xi32>
        %and3A_479 = arith.andi %shift_right_logical3A_476, %and3A_478 : vector<16xi32>
        %add3A_480 = arith.constant 0 : i32
        %add3A_481 = vector.broadcast %add3A_480 : i32 to vector<16xi32>
        %add3A_482 = arith.addi %and3A_479, %add3A_481 : vector<16xi32>
        %swap3A_483 = arith.constant 48 : index
        %swap3A_484 = tpu.vector_load %arg19[%swap3A_483] {strides = array<i32>} : memref<64xi32, #tpu.memory_space<vmem>>, vector<16xi32>,
        %swap3A_485 = vector.shape_cast %swap3A_484 : vector<16xi32> to vector<16xi32>
        %swap3A_486 = vector.shape_cast %add3A_482 : vector<16xi32> to vector<16xi32>
        tpu.vector_store %arg19[%swap3A_483], %swap3A_486 {strides = array<i32>} : memref<64xi32, #tpu.memory_space<vmem>>, vector<16xi32>,
        %shift_right_logical3A_487 = arith.constant 19 : i32
        %shift_right_logical3A_488 = vector.broadcast %shift_right_logical3A_487 : i32 to vector<16xi32>
        %shift_right_logical3A_489 = arith.shrui %get3A_464, %shift_right_logical3A_488 : vector<16xi32>
        %swap3A_490 = arith.constant 48 : index
        %swap3A_491 = tpu.vector_load %arg23[%swap3A_490] {strides = array<i32>} : memref<64xi32, #tpu.memory_space<vmem>>, vector<16xi32>,
        %swap3A_492 = vector.shape_cast %swap3A_491 : vector<16xi32> to vector<16xi32>
        %swap3A_493 = vector.shape_cast %shift_right_logical3A_489 : vector<16xi32> to vector<16xi32>
        tpu.vector_store %arg23[%swap3A_490], %swap3A_493 {strides = array<i32>} : memref<64xi32, #tpu.memory_space<vmem>>, vector<16xi32>,
        %dma_start3A_494 = arith.constant 0 : i32
        %dma_start3A_495 = arith.constant 0 : i32
        %dma_start3A_496 = tpu.memref_slice %arg2[%dma_start3A_494, %dma_start3A_495] : memref<16384x128xf32, #tpu.memory_space<hbm>> -> memref<16384x128xf32, #tpu.memory_space<hbm>>
        tpu.enqueue_indirect_dma source(%dma_start3A_496 : memref<16384x128xf32, #tpu.memory_space<hbm>>) target(%arg9 : memref<64x128xf32, #tpu.memory_space<vmem>>) offsets(%arg15 : memref<64xi32, #tpu.memory_space<vmem>>) semaphore(%arg27 : memref<!tpu.dma_semaphore, #tpu.memory_space<semaphore_mem>>)
        %dma_start3A_497 = arith.constant 0 : i32
        %dma_start3A_498 = arith.constant 0 : i32
        %dma_start3A_499 = tpu.memref_slice %arg26[%dma_start3A_497, %dma_start3A_498] : memref<64x128xf32, #tpu.memory_space<vmem_shared>> -> memref<64x128xf32, #tpu.memory_space<vmem_shared>>
        tpu.enqueue_indirect_dma source(%dma_start3A_499 : memref<64x128xf32, #tpu.memory_space<vmem_shared>>) target(%arg11 : memref<64x128xf32, #tpu.memory_space<vmem>>) offsets(%arg19 : memref<64xi32, #tpu.memory_space<vmem>>) semaphore(%arg29 : memref<!tpu.dma_semaphore, #tpu.memory_space<semaphore_mem>>)
      } else {
      }
      %dma_wait3A_243 = arith.constant 0 : i32
      %dma_wait3A_244 = arith.constant 0 : i32
      %dma_wait3A_245 = tpu.memref_slice %arg2[%dma_wait3A_243, %dma_wait3A_244] : memref<16384x128xf32, #tpu.memory_space<hbm>> -> memref<16384x128xf32, #tpu.memory_space<hbm>>
      tpu.wait_indirect_dma semaphore(%arg28 : memref<!tpu.dma_semaphore, #tpu.memory_space<semaphore_mem>>) src(%dma_wait3A_245 : memref<16384x128xf32, #tpu.memory_space<hbm>>) dst(%arg8 : memref<64x128xf32, #tpu.memory_space<vmem>>)
      %dma_wait3A_246 = arith.constant 0 : i32
      %dma_wait3A_247 = arith.constant 0 : i32
      %dma_wait3A_248 = tpu.memref_slice %arg26[%dma_wait3A_246, %dma_wait3A_247] : memref<64x128xf32, #tpu.memory_space<vmem_shared>> -> memref<64x128xf32, #tpu.memory_space<vmem_shared>>
      tpu.wait_indirect_dma semaphore(%arg30 : memref<!tpu.dma_semaphore, #tpu.memory_space<semaphore_mem>>) src(%dma_wait3A_248 : memref<64x128xf32, #tpu.memory_space<vmem_shared>>) dst(%arg12 : memref<64x128xf32, #tpu.memory_space<vmem>>)
      %scan3A_249 = arith.constant 0 : i32
      %scan3A_250 = arith.constant 64 : i32
      %scan3A_251 = arith.addi %scan3A_249, %scan3A_250 : i32
      %scan3A_252 = arith.constant 1 : i32
      scf.for %scan3A_317 = %scan3A_249 to %scan3A_251 step %scan3A_252  : i32 {
        %get3A_318 = arith.index_cast %scan3A_317 : i32 to index
        %get3A_319 = arith.constant 0 : index
        %get3A_320 = tpu.vector_load %arg8[%get3A_318, %get3A_319] {strides = array<i32>} : memref<64x128xf32, #tpu.memory_space<vmem>>, vector<1x16xf32>,
        %get3A_321 = vector.shape_cast %get3A_320 : vector<1x16xf32> to vector<16xf32>
        %get3A_322 = arith.index_cast %scan3A_317 : i32 to index
        %get3A_323 = arith.constant 0 : index
        %get3A_324 = tpu.vector_load %arg12[%get3A_322, %get3A_323] {strides = array<i32>} : memref<64x128xf32, #tpu.memory_space<vmem>>, vector<1x16xf32>,
        %get3A_325 = vector.shape_cast %get3A_324 : vector<1x16xf32> to vector<16xf32>
        %add3A_326 = arith.addf %get3A_321, %get3A_325 : vector<16xf32>
        %max3A = arith.constant 0.000000e+00 : f32
        %max3A_327 = vector.broadcast %max3A : f32 to vector<16xf32>
        %max3A_328 = arith.maximumf %add3A_326, %max3A_327 : vector<16xf32>
        %swap3A_329 = arith.index_cast %scan3A_317 : i32 to index
        %swap3A_330 = arith.constant 0 : index
        %swap3A_331 = tpu.vector_load %arg8[%swap3A_329, %swap3A_330] {strides = array<i32>} : memref<64x128xf32, #tpu.memory_space<vmem>>, vector<1x16xf32>,
        %swap3A_332 = vector.shape_cast %swap3A_331 : vector<1x16xf32> to vector<16xf32>
        %swap3A_333 = vector.shape_cast %max3A_328 : vector<16xf32> to vector<1x16xf32>
        tpu.vector_store %arg8[%swap3A_329, %swap3A_330], %swap3A_333 {strides = array<i32>} : memref<64x128xf32, #tpu.memory_space<vmem>>, vector<1x16xf32>,
        %get3A_334 = arith.index_cast %scan3A_317 : i32 to index
        %get3A_335 = arith.constant 16 : index
        %get3A_336 = tpu.vector_load %arg8[%get3A_334, %get3A_335] {strides = array<i32>} : memref<64x128xf32, #tpu.memory_space<vmem>>, vector<1x16xf32>,
        %get3A_337 = vector.shape_cast %get3A_336 : vector<1x16xf32> to vector<16xf32>
        %get3A_338 = arith.index_cast %scan3A_317 : i32 to index
        %get3A_339 = arith.constant 16 : index
        %get3A_340 = tpu.vector_load %arg12[%get3A_338, %get3A_339] {strides = array<i32>} : memref<64x128xf32, #tpu.memory_space<vmem>>, vector<1x16xf32>,
        %get3A_341 = vector.shape_cast %get3A_340 : vector<1x16xf32> to vector<16xf32>
        %add3A_342 = arith.addf %get3A_337, %get3A_341 : vector<16xf32>
        %max3A_343 = arith.constant 0.000000e+00 : f32
        %max3A_344 = vector.broadcast %max3A_343 : f32 to vector<16xf32>
        %max3A_345 = arith.maximumf %add3A_342, %max3A_344 : vector<16xf32>
        %swap3A_346 = arith.index_cast %scan3A_317 : i32 to index
        %swap3A_347 = arith.constant 16 : index
        %swap3A_348 = tpu.vector_load %arg8[%swap3A_346, %swap3A_347] {strides = array<i32>} : memref<64x128xf32, #tpu.memory_space<vmem>>, vector<1x16xf32>,
        %swap3A_349 = vector.shape_cast %swap3A_348 : vector<1x16xf32> to vector<16xf32>
        %swap3A_350 = vector.shape_cast %max3A_345 : vector<16xf32> to vector<1x16xf32>
        tpu.vector_store %arg8[%swap3A_346, %swap3A_347], %swap3A_350 {strides = array<i32>} : memref<64x128xf32, #tpu.memory_space<vmem>>, vector<1x16xf32>,
        %get3A_351 = arith.index_cast %scan3A_317 : i32 to index
        %get3A_352 = arith.constant 32 : index
        %get3A_353 = tpu.vector_load %arg8[%get3A_351, %get3A_352] {strides = array<i32>} : memref<64x128xf32, #tpu.memory_space<vmem>>, vector<1x16xf32>,
        %get3A_354 = vector.shape_cast %get3A_353 : vector<1x16xf32> to vector<16xf32>
        %get3A_355 = arith.index_cast %scan3A_317 : i32 to index
        %get3A_356 = arith.constant 32 : index
        %get3A_357 = tpu.vector_load %arg12[%get3A_355, %get3A_356] {strides = array<i32>} : memref<64x128xf32, #tpu.memory_space<vmem>>, vector<1x16xf32>,
        %get3A_358 = vector.shape_cast %get3A_357 : vector<1x16xf32> to vector<16xf32>
        %add3A_359 = arith.addf %get3A_354, %get3A_358 : vector<16xf32>
        %max3A_360 = arith.constant 0.000000e+00 : f32
        %max3A_361 = vector.broadcast %max3A_360 : f32 to vector<16xf32>
        %max3A_362 = arith.maximumf %add3A_359, %max3A_361 : vector<16xf32>
        %swap3A_363 = arith.index_cast %scan3A_317 : i32 to index
        %swap3A_364 = arith.constant 32 : index
        %swap3A_365 = tpu.vector_load %arg8[%swap3A_363, %swap3A_364] {strides = array<i32>} : memref<64x128xf32, #tpu.memory_space<vmem>>, vector<1x16xf32>,
        %swap3A_366 = vector.shape_cast %swap3A_365 : vector<1x16xf32> to vector<16xf32>
        %swap3A_367 = vector.shape_cast %max3A_362 : vector<16xf32> to vector<1x16xf32>
        tpu.vector_store %arg8[%swap3A_363, %swap3A_364], %swap3A_367 {strides = array<i32>} : memref<64x128xf32, #tpu.memory_space<vmem>>, vector<1x16xf32>,
        %get3A_368 = arith.index_cast %scan3A_317 : i32 to index
        %get3A_369 = arith.constant 48 : index
        %get3A_370 = tpu.vector_load %arg8[%get3A_368, %get3A_369] {strides = array<i32>} : memref<64x128xf32, #tpu.memory_space<vmem>>, vector<1x16xf32>,
        %get3A_371 = vector.shape_cast %get3A_370 : vector<1x16xf32> to vector<16xf32>
        %get3A_372 = arith.index_cast %scan3A_317 : i32 to index
        %get3A_373 = arith.constant 48 : index
        %get3A_374 = tpu.vector_load %arg12[%get3A_372, %get3A_373] {strides = array<i32>} : memref<64x128xf32, #tpu.memory_space<vmem>>, vector<1x16xf32>,
        %get3A_375 = vector.shape_cast %get3A_374 : vector<1x16xf32> to vector<16xf32>
        %add3A_376 = arith.addf %get3A_371, %get3A_375 : vector<16xf32>
        %max3A_377 = arith.constant 0.000000e+00 : f32
        %max3A_378 = vector.broadcast %max3A_377 : f32 to vector<16xf32>
        %max3A_379 = arith.maximumf %add3A_376, %max3A_378 : vector<16xf32>
        %swap3A_380 = arith.index_cast %scan3A_317 : i32 to index
        %swap3A_381 = arith.constant 48 : index
        %swap3A_382 = tpu.vector_load %arg8[%swap3A_380, %swap3A_381] {strides = array<i32>} : memref<64x128xf32, #tpu.memory_space<vmem>>, vector<1x16xf32>,
        %swap3A_383 = vector.shape_cast %swap3A_382 : vector<1x16xf32> to vector<16xf32>
        %swap3A_384 = vector.shape_cast %max3A_379 : vector<16xf32> to vector<1x16xf32>
        tpu.vector_store %arg8[%swap3A_380, %swap3A_381], %swap3A_384 {strides = array<i32>} : memref<64x128xf32, #tpu.memory_space<vmem>>, vector<1x16xf32>,
        %get3A_385 = arith.index_cast %scan3A_317 : i32 to index
        %get3A_386 = arith.constant 64 : index
        %get3A_387 = tpu.vector_load %arg8[%get3A_385, %get3A_386] {strides = array<i32>} : memref<64x128xf32, #tpu.memory_space<vmem>>, vector<1x16xf32>,
        %get3A_388 = vector.shape_cast %get3A_387 : vector<1x16xf32> to vector<16xf32>
        %get3A_389 = arith.index_cast %scan3A_317 : i32 to index
        %get3A_390 = arith.constant 64 : index
        %get3A_391 = tpu.vector_load %arg12[%get3A_389, %get3A_390] {strides = array<i32>} : memref<64x128xf32, #tpu.memory_space<vmem>>, vector<1x16xf32>,
        %get3A_392 = vector.shape_cast %get3A_391 : vector<1x16xf32> to vector<16xf32>
        %add3A_393 = arith.addf %get3A_388, %get3A_392 : vector<16xf32>
        %max3A_394 = arith.constant 0.000000e+00 : f32
        %max3A_395 = vector.broadcast %max3A_394 : f32 to vector<16xf32>
        %max3A_396 = arith.maximumf %add3A_393, %max3A_395 : vector<16xf32>
        %swap3A_397 = arith.index_cast %scan3A_317 : i32 to index
        %swap3A_398 = arith.constant 64 : index
        %swap3A_399 = tpu.vector_load %arg8[%swap3A_397, %swap3A_398] {strides = array<i32>} : memref<64x128xf32, #tpu.memory_space<vmem>>, vector<1x16xf32>,
        %swap3A_400 = vector.shape_cast %swap3A_399 : vector<1x16xf32> to vector<16xf32>
        %swap3A_401 = vector.shape_cast %max3A_396 : vector<16xf32> to vector<1x16xf32>
        tpu.vector_store %arg8[%swap3A_397, %swap3A_398], %swap3A_401 {strides = array<i32>} : memref<64x128xf32, #tpu.memory_space<vmem>>, vector<1x16xf32>,
        %get3A_402 = arith.index_cast %scan3A_317 : i32 to index
        %get3A_403 = arith.constant 80 : index
        %get3A_404 = tpu.vector_load %arg8[%get3A_402, %get3A_403] {strides = array<i32>} : memref<64x128xf32, #tpu.memory_space<vmem>>, vector<1x16xf32>,
        %get3A_405 = vector.shape_cast %get3A_404 : vector<1x16xf32> to vector<16xf32>
        %get3A_406 = arith.index_cast %scan3A_317 : i32 to index
        %get3A_407 = arith.constant 80 : index
        %get3A_408 = tpu.vector_load %arg12[%get3A_406, %get3A_407] {strides = array<i32>} : memref<64x128xf32, #tpu.memory_space<vmem>>, vector<1x16xf32>,
        %get3A_409 = vector.shape_cast %get3A_408 : vector<1x16xf32> to vector<16xf32>
        %add3A_410 = arith.addf %get3A_405, %get3A_409 : vector<16xf32>
        %max3A_411 = arith.constant 0.000000e+00 : f32
        %max3A_412 = vector.broadcast %max3A_411 : f32 to vector<16xf32>
        %max3A_413 = arith.maximumf %add3A_410, %max3A_412 : vector<16xf32>
        %swap3A_414 = arith.index_cast %scan3A_317 : i32 to index
        %swap3A_415 = arith.constant 80 : index
        %swap3A_416 = tpu.vector_load %arg8[%swap3A_414, %swap3A_415] {strides = array<i32>} : memref<64x128xf32, #tpu.memory_space<vmem>>, vector<1x16xf32>,
        %swap3A_417 = vector.shape_cast %swap3A_416 : vector<1x16xf32> to vector<16xf32>
        %swap3A_418 = vector.shape_cast %max3A_413 : vector<16xf32> to vector<1x16xf32>
        tpu.vector_store %arg8[%swap3A_414, %swap3A_415], %swap3A_418 {strides = array<i32>} : memref<64x128xf32, #tpu.memory_space<vmem>>, vector<1x16xf32>,
        %get3A_419 = arith.index_cast %scan3A_317 : i32 to index
        %get3A_420 = arith.constant 96 : index
        %get3A_421 = tpu.vector_load %arg8[%get3A_419, %get3A_420] {strides = array<i32>} : memref<64x128xf32, #tpu.memory_space<vmem>>, vector<1x16xf32>,
        %get3A_422 = vector.shape_cast %get3A_421 : vector<1x16xf32> to vector<16xf32>
        %get3A_423 = arith.index_cast %scan3A_317 : i32 to index
        %get3A_424 = arith.constant 96 : index
        %get3A_425 = tpu.vector_load %arg12[%get3A_423, %get3A_424] {strides = array<i32>} : memref<64x128xf32, #tpu.memory_space<vmem>>, vector<1x16xf32>,
        %get3A_426 = vector.shape_cast %get3A_425 : vector<1x16xf32> to vector<16xf32>
        %add3A_427 = arith.addf %get3A_422, %get3A_426 : vector<16xf32>
        %max3A_428 = arith.constant 0.000000e+00 : f32
        %max3A_429 = vector.broadcast %max3A_428 : f32 to vector<16xf32>
        %max3A_430 = arith.maximumf %add3A_427, %max3A_429 : vector<16xf32>
        %swap3A_431 = arith.index_cast %scan3A_317 : i32 to index
        %swap3A_432 = arith.constant 96 : index
        %swap3A_433 = tpu.vector_load %arg8[%swap3A_431, %swap3A_432] {strides = array<i32>} : memref<64x128xf32, #tpu.memory_space<vmem>>, vector<1x16xf32>,
        %swap3A_434 = vector.shape_cast %swap3A_433 : vector<1x16xf32> to vector<16xf32>
        %swap3A_435 = vector.shape_cast %max3A_430 : vector<16xf32> to vector<1x16xf32>
        tpu.vector_store %arg8[%swap3A_431, %swap3A_432], %swap3A_435 {strides = array<i32>} : memref<64x128xf32, #tpu.memory_space<vmem>>, vector<1x16xf32>,
        %get3A_436 = arith.index_cast %scan3A_317 : i32 to index
        %get3A_437 = arith.constant 112 : index
        %get3A_438 = tpu.vector_load %arg8[%get3A_436, %get3A_437] {strides = array<i32>} : memref<64x128xf32, #tpu.memory_space<vmem>>, vector<1x16xf32>,
        %get3A_439 = vector.shape_cast %get3A_438 : vector<1x16xf32> to vector<16xf32>
        %get3A_440 = arith.index_cast %scan3A_317 : i32 to index
        %get3A_441 = arith.constant 112 : index
        %get3A_442 = tpu.vector_load %arg12[%get3A_440, %get3A_441] {strides = array<i32>} : memref<64x128xf32, #tpu.memory_space<vmem>>, vector<1x16xf32>,
        %get3A_443 = vector.shape_cast %get3A_442 : vector<1x16xf32> to vector<16xf32>
        %add3A_444 = arith.addf %get3A_439, %get3A_443 : vector<16xf32>
        %max3A_445 = arith.constant 0.000000e+00 : f32
        %max3A_446 = vector.broadcast %max3A_445 : f32 to vector<16xf32>
        %max3A_447 = arith.maximumf %add3A_444, %max3A_446 : vector<16xf32>
        %swap3A_448 = arith.index_cast %scan3A_317 : i32 to index
        %swap3A_449 = arith.constant 112 : index
        %swap3A_450 = tpu.vector_load %arg8[%swap3A_448, %swap3A_449] {strides = array<i32>} : memref<64x128xf32, #tpu.memory_space<vmem>>, vector<1x16xf32>,
        %swap3A_451 = vector.shape_cast %swap3A_450 : vector<1x16xf32> to vector<16xf32>
        %swap3A_452 = vector.shape_cast %max3A_447 : vector<16xf32> to vector<1x16xf32>
        tpu.vector_store %arg8[%swap3A_448, %swap3A_449], %swap3A_452 {strides = array<i32>} : memref<64x128xf32, #tpu.memory_space<vmem>>, vector<1x16xf32>,
      }
      %scan3A_253 = arith.constant 64 : i32
      %dma_start3A_254 = arith.constant 0 : i32
      %dma_start3A_255 = arith.constant 0 : i32
      %dma_start3A_256 = tpu.memref_slice %arg25[%dma_start3A_254, %dma_start3A_255] : memref<8192x128xf32, #tpu.memory_space<vmem_shared>> -> memref<8192x128xf32, #tpu.memory_space<vmem_shared>>
      tpu.enqueue_indirect_dma source(%arg8 : memref<64x128xf32, #tpu.memory_space<vmem>>) target(%dma_start3A_256 : memref<8192x128xf32, #tpu.memory_space<vmem_shared>>) offsets(%arg22 : memref<64xi32, #tpu.memory_space<vmem>>) semaphore(%arg32 : memref<!tpu.dma_semaphore, #tpu.memory_space<semaphore_mem>>) {add = true}
      %mul3A_257 = arith.constant 4 : i32
      %mul3A_258 = arith.muli %mul3A_257, %scan3A_198 : i32
      %add3A_259 = arith.constant 2 : i32
      %add3A_260 = arith.addi %mul3A_258, %add3A_259 : i32
      %ge3A_261 = arith.constant 3 : i32
      %ge3A_262 = arith.cmpi sge, %add3A_260, %ge3A_261 : i32
      %convert_element_type3A_263 = arith.extui %ge3A_262 : i1 to i32
      %cond3A_264 = arith.constant 0 : i32
      %cond3A_265 = arith.cmpi ne, %convert_element_type3A_263, %cond3A_264 : i32
      scf.if %cond3A_265 {
        %dma_wait3A_317 = arith.constant 0 : i32
        %dma_wait3A_318 = arith.constant 0 : i32
        %dma_wait3A_319 = tpu.memref_slice %arg25[%dma_wait3A_317, %dma_wait3A_318] : memref<8192x128xf32, #tpu.memory_space<vmem_shared>> -> memref<8192x128xf32, #tpu.memory_space<vmem_shared>>
        tpu.wait_indirect_dma semaphore(%arg34 : memref<!tpu.dma_semaphore, #tpu.memory_space<semaphore_mem>>) src(%arg10 : memref<64x128xf32, #tpu.memory_space<vmem>>) dst(%dma_wait3A_319 : memref<8192x128xf32, #tpu.memory_space<vmem_shared>>)
      } else {
      }
      %add3A_266 = arith.constant 1 : i32
      %add3A_267 = arith.addi %add3A_260, %add3A_266 : i32
      %lt3A_268 = arith.constant 128 : i32
      %lt3A_269 = arith.cmpi slt, %add3A_267, %lt3A_268 : i32
      %convert_element_type3A_270 = arith.extui %lt3A_269 : i1 to i32
      %cond3A_271 = arith.constant 0 : i32
      %cond3A_272 = arith.cmpi ne, %convert_element_type3A_270, %cond3A_271 : i32
      scf.if %cond3A_272 {
        %add3A_317 = arith.constant 1 : i32
        %add3A_318 = arith.addi %add3A_260, %add3A_317 : i32
        %jit3A = arith.constant 2 : i32
        %div3A = arith.divsi %add3A_318, %jit3A : i32
        %sign3A = arith.constant 0 : i32
        %sign3A_319 = arith.cmpi sgt, %add3A_318, %sign3A : i32
        %sign3A_320 = arith.extui %sign3A_319 : i1 to i32
        %sign3A_321 = arith.constant 0 : i32
        %sign3A_322 = arith.cmpi slt, %add3A_318, %sign3A_321 : i32
        %sign3A_323 = arith.extui %sign3A_322 : i1 to i32
        %sign3A_324 = arith.subi %sign3A_320, %sign3A_323 : i32
        %sign3A_325 = arith.constant 0 : i32
        %sign3A_326 = arith.cmpi sgt, %jit3A, %sign3A_325 : i32
        %sign3A_327 = arith.extui %sign3A_326 : i1 to i32
        %sign3A_328 = arith.constant 0 : i32
        %sign3A_329 = arith.cmpi slt, %jit3A, %sign3A_328 : i32
        %sign3A_330 = arith.extui %sign3A_329 : i1 to i32
        %sign3A_331 = arith.subi %sign3A_327, %sign3A_330 : i32
        %ne3A = arith.cmpi ne, %sign3A_324, %sign3A_331 : i32
        %rem3A = arith.remsi %add3A_318, %jit3A : i32
        %ne3A_332 = arith.constant 0 : i32
        %ne3A_333 = arith.cmpi ne, %rem3A, %ne3A_332 : i32
        %and3A_334 = arith.andi %ne3A, %ne3A_333 : i1
        %sub3A = arith.constant 1 : i32
        %sub3A_335 = arith.subi %div3A, %sub3A : i32
        %select_n3A = arith.select %and3A_334, %sub3A_335, %div3A : i32
        %jit3A_336 = arith.constant 2 : i32
        %eq3A_337 = arith.constant 0 : i32
        %eq3A_338 = arith.cmpi eq, %jit3A_336, %eq3A_337 : i32
        %jit3A_339 = arith.constant 1 : i32
        %select_n3A_340 = arith.select %eq3A_338, %jit3A_339, %jit3A_336 : i32
        %rem3A_341 = arith.remsi %add3A_318, %select_n3A_340 : i32
        %ne3A_342 = arith.constant 0 : i32
        %ne3A_343 = arith.cmpi ne, %rem3A_341, %ne3A_342 : i32
        %lt3A_344 = arith.constant 0 : i32
        %lt3A_345 = arith.cmpi slt, %rem3A_341, %lt3A_344 : i32
        %lt3A_346 = arith.constant 0 : i32
        %lt3A_347 = arith.cmpi slt, %select_n3A_340, %lt3A_346 : i32
        %ne3A_348 = arith.xori %lt3A_345, %lt3A_347 : i1
        %and3A_349 = arith.andi %ne3A_348, %ne3A_343 : i1
        %add3A_350 = arith.addi %rem3A_341, %select_n3A_340 : i32
        %select_n3A_351 = arith.select %and3A_349, %add3A_350, %rem3A_341 : i32
        %mul3A_352 = arith.constant 64 : i32
        %mul3A_353 = arith.muli %select_n3A_351, %mul3A_352 : i32
        %add3A_354 = arith.constant 0 : i32
        %add3A_355 = arith.addi %mul3A_353, %add3A_354 : i32
        %get3A_356 = arith.index_cast %select_n3A : i32 to index
        %get3A_357 = arith.index_cast %add3A_355 : i32 to index
        %get3A_358 = tpu.vector_load %arg6[%get3A_356, %get3A_357] {strides = array<i32>} : memref<64x128xi32, #tpu.memory_space<vmem>>, vector<1x16xi32>,
        %get3A_359 = vector.shape_cast %get3A_358 : vector<1x16xi32> to vector<16xi32>
        %and3A_360 = arith.constant 8191 : i32
        %and3A_361 = vector.broadcast %and3A_360 : i32 to vector<16xi32>
        %and3A_362 = arith.andi %get3A_359, %and3A_361 : vector<16xi32>
        %add3A_363 = vector.broadcast %mul3A_0 : i32 to vector<16xi32>
        %add3A_364 = arith.addi %and3A_362, %add3A_363 : vector<16xi32>
        %swap3A_365 = arith.constant 0 : index
        %swap3A_366 = tpu.vector_load %arg16[%swap3A_365] {strides = array<i32>} : memref<64xi32, #tpu.memory_space<vmem>>, vector<16xi32>,
        %swap3A_367 = vector.shape_cast %swap3A_366 : vector<16xi32> to vector<16xi32>
        %swap3A_368 = vector.shape_cast %add3A_364 : vector<16xi32> to vector<16xi32>
        tpu.vector_store %arg16[%swap3A_365], %swap3A_368 {strides = array<i32>} : memref<64xi32, #tpu.memory_space<vmem>>, vector<16xi32>,
        %shift_right_logical3A_369 = arith.constant 13 : i32
        %shift_right_logical3A_370 = vector.broadcast %shift_right_logical3A_369 : i32 to vector<16xi32>
        %shift_right_logical3A_371 = arith.shrui %get3A_359, %shift_right_logical3A_370 : vector<16xi32>
        %and3A_372 = arith.constant 63 : i32
        %and3A_373 = vector.broadcast %and3A_372 : i32 to vector<16xi32>
        %and3A_374 = arith.andi %shift_right_logical3A_371, %and3A_373 : vector<16xi32>
        %add3A_375 = arith.constant 0 : i32
        %add3A_376 = vector.broadcast %add3A_375 : i32 to vector<16xi32>
        %add3A_377 = arith.addi %and3A_374, %add3A_376 : vector<16xi32>
        %swap3A_378 = arith.constant 0 : index
        %swap3A_379 = tpu.vector_load %arg20[%swap3A_378] {strides = array<i32>} : memref<64xi32, #tpu.memory_space<vmem>>, vector<16xi32>,
        %swap3A_380 = vector.shape_cast %swap3A_379 : vector<16xi32> to vector<16xi32>
        %swap3A_381 = vector.shape_cast %add3A_377 : vector<16xi32> to vector<16xi32>
        tpu.vector_store %arg20[%swap3A_378], %swap3A_381 {strides = array<i32>} : memref<64xi32, #tpu.memory_space<vmem>>, vector<16xi32>,
        %shift_right_logical3A_382 = arith.constant 19 : i32
        %shift_right_logical3A_383 = vector.broadcast %shift_right_logical3A_382 : i32 to vector<16xi32>
        %shift_right_logical3A_384 = arith.shrui %get3A_359, %shift_right_logical3A_383 : vector<16xi32>
        %swap3A_385 = arith.constant 0 : index
        %swap3A_386 = tpu.vector_load %arg24[%swap3A_385] {strides = array<i32>} : memref<64xi32, #tpu.memory_space<vmem>>, vector<16xi32>,
        %swap3A_387 = vector.shape_cast %swap3A_386 : vector<16xi32> to vector<16xi32>
        %swap3A_388 = vector.shape_cast %shift_right_logical3A_384 : vector<16xi32> to vector<16xi32>
        tpu.vector_store %arg24[%swap3A_385], %swap3A_388 {strides = array<i32>} : memref<64xi32, #tpu.memory_space<vmem>>, vector<16xi32>,
        %add3A_389 = arith.constant 16 : i32
        %add3A_390 = arith.addi %mul3A_353, %add3A_389 : i32
        %get3A_391 = arith.index_cast %select_n3A : i32 to index
        %get3A_392 = arith.index_cast %add3A_390 : i32 to index
        %get3A_393 = tpu.vector_load %arg6[%get3A_391, %get3A_392] {strides = array<i32>} : memref<64x128xi32, #tpu.memory_space<vmem>>, vector<1x16xi32>,
        %get3A_394 = vector.shape_cast %get3A_393 : vector<1x16xi32> to vector<16xi32>
        %and3A_395 = arith.constant 8191 : i32
        %and3A_396 = vector.broadcast %and3A_395 : i32 to vector<16xi32>
        %and3A_397 = arith.andi %get3A_394, %and3A_396 : vector<16xi32>
        %add3A_398 = vector.broadcast %mul3A_0 : i32 to vector<16xi32>
        %add3A_399 = arith.addi %and3A_397, %add3A_398 : vector<16xi32>
        %swap3A_400 = arith.constant 16 : index
        %swap3A_401 = tpu.vector_load %arg16[%swap3A_400] {strides = array<i32>} : memref<64xi32, #tpu.memory_space<vmem>>, vector<16xi32>,
        %swap3A_402 = vector.shape_cast %swap3A_401 : vector<16xi32> to vector<16xi32>
        %swap3A_403 = vector.shape_cast %add3A_399 : vector<16xi32> to vector<16xi32>
        tpu.vector_store %arg16[%swap3A_400], %swap3A_403 {strides = array<i32>} : memref<64xi32, #tpu.memory_space<vmem>>, vector<16xi32>,
        %shift_right_logical3A_404 = arith.constant 13 : i32
        %shift_right_logical3A_405 = vector.broadcast %shift_right_logical3A_404 : i32 to vector<16xi32>
        %shift_right_logical3A_406 = arith.shrui %get3A_394, %shift_right_logical3A_405 : vector<16xi32>
        %and3A_407 = arith.constant 63 : i32
        %and3A_408 = vector.broadcast %and3A_407 : i32 to vector<16xi32>
        %and3A_409 = arith.andi %shift_right_logical3A_406, %and3A_408 : vector<16xi32>
        %add3A_410 = arith.constant 0 : i32
        %add3A_411 = vector.broadcast %add3A_410 : i32 to vector<16xi32>
        %add3A_412 = arith.addi %and3A_409, %add3A_411 : vector<16xi32>
        %swap3A_413 = arith.constant 16 : index
        %swap3A_414 = tpu.vector_load %arg20[%swap3A_413] {strides = array<i32>} : memref<64xi32, #tpu.memory_space<vmem>>, vector<16xi32>,
        %swap3A_415 = vector.shape_cast %swap3A_414 : vector<16xi32> to vector<16xi32>
        %swap3A_416 = vector.shape_cast %add3A_412 : vector<16xi32> to vector<16xi32>
        tpu.vector_store %arg20[%swap3A_413], %swap3A_416 {strides = array<i32>} : memref<64xi32, #tpu.memory_space<vmem>>, vector<16xi32>,
        %shift_right_logical3A_417 = arith.constant 19 : i32
        %shift_right_logical3A_418 = vector.broadcast %shift_right_logical3A_417 : i32 to vector<16xi32>
        %shift_right_logical3A_419 = arith.shrui %get3A_394, %shift_right_logical3A_418 : vector<16xi32>
        %swap3A_420 = arith.constant 16 : index
        %swap3A_421 = tpu.vector_load %arg24[%swap3A_420] {strides = array<i32>} : memref<64xi32, #tpu.memory_space<vmem>>, vector<16xi32>,
        %swap3A_422 = vector.shape_cast %swap3A_421 : vector<16xi32> to vector<16xi32>
        %swap3A_423 = vector.shape_cast %shift_right_logical3A_419 : vector<16xi32> to vector<16xi32>
        tpu.vector_store %arg24[%swap3A_420], %swap3A_423 {strides = array<i32>} : memref<64xi32, #tpu.memory_space<vmem>>, vector<16xi32>,
        %add3A_424 = arith.constant 32 : i32
        %add3A_425 = arith.addi %mul3A_353, %add3A_424 : i32
        %get3A_426 = arith.index_cast %select_n3A : i32 to index
        %get3A_427 = arith.index_cast %add3A_425 : i32 to index
        %get3A_428 = tpu.vector_load %arg6[%get3A_426, %get3A_427] {strides = array<i32>} : memref<64x128xi32, #tpu.memory_space<vmem>>, vector<1x16xi32>,
        %get3A_429 = vector.shape_cast %get3A_428 : vector<1x16xi32> to vector<16xi32>
        %and3A_430 = arith.constant 8191 : i32
        %and3A_431 = vector.broadcast %and3A_430 : i32 to vector<16xi32>
        %and3A_432 = arith.andi %get3A_429, %and3A_431 : vector<16xi32>
        %add3A_433 = vector.broadcast %mul3A_0 : i32 to vector<16xi32>
        %add3A_434 = arith.addi %and3A_432, %add3A_433 : vector<16xi32>
        %swap3A_435 = arith.constant 32 : index
        %swap3A_436 = tpu.vector_load %arg16[%swap3A_435] {strides = array<i32>} : memref<64xi32, #tpu.memory_space<vmem>>, vector<16xi32>,
        %swap3A_437 = vector.shape_cast %swap3A_436 : vector<16xi32> to vector<16xi32>
        %swap3A_438 = vector.shape_cast %add3A_434 : vector<16xi32> to vector<16xi32>
        tpu.vector_store %arg16[%swap3A_435], %swap3A_438 {strides = array<i32>} : memref<64xi32, #tpu.memory_space<vmem>>, vector<16xi32>,
        %shift_right_logical3A_439 = arith.constant 13 : i32
        %shift_right_logical3A_440 = vector.broadcast %shift_right_logical3A_439 : i32 to vector<16xi32>
        %shift_right_logical3A_441 = arith.shrui %get3A_429, %shift_right_logical3A_440 : vector<16xi32>
        %and3A_442 = arith.constant 63 : i32
        %and3A_443 = vector.broadcast %and3A_442 : i32 to vector<16xi32>
        %and3A_444 = arith.andi %shift_right_logical3A_441, %and3A_443 : vector<16xi32>
        %add3A_445 = arith.constant 0 : i32
        %add3A_446 = vector.broadcast %add3A_445 : i32 to vector<16xi32>
        %add3A_447 = arith.addi %and3A_444, %add3A_446 : vector<16xi32>
        %swap3A_448 = arith.constant 32 : index
        %swap3A_449 = tpu.vector_load %arg20[%swap3A_448] {strides = array<i32>} : memref<64xi32, #tpu.memory_space<vmem>>, vector<16xi32>,
        %swap3A_450 = vector.shape_cast %swap3A_449 : vector<16xi32> to vector<16xi32>
        %swap3A_451 = vector.shape_cast %add3A_447 : vector<16xi32> to vector<16xi32>
        tpu.vector_store %arg20[%swap3A_448], %swap3A_451 {strides = array<i32>} : memref<64xi32, #tpu.memory_space<vmem>>, vector<16xi32>,
        %shift_right_logical3A_452 = arith.constant 19 : i32
        %shift_right_logical3A_453 = vector.broadcast %shift_right_logical3A_452 : i32 to vector<16xi32>
        %shift_right_logical3A_454 = arith.shrui %get3A_429, %shift_right_logical3A_453 : vector<16xi32>
        %swap3A_455 = arith.constant 32 : index
        %swap3A_456 = tpu.vector_load %arg24[%swap3A_455] {strides = array<i32>} : memref<64xi32, #tpu.memory_space<vmem>>, vector<16xi32>,
        %swap3A_457 = vector.shape_cast %swap3A_456 : vector<16xi32> to vector<16xi32>
        %swap3A_458 = vector.shape_cast %shift_right_logical3A_454 : vector<16xi32> to vector<16xi32>
        tpu.vector_store %arg24[%swap3A_455], %swap3A_458 {strides = array<i32>} : memref<64xi32, #tpu.memory_space<vmem>>, vector<16xi32>,
        %add3A_459 = arith.constant 48 : i32
        %add3A_460 = arith.addi %mul3A_353, %add3A_459 : i32
        %get3A_461 = arith.index_cast %select_n3A : i32 to index
        %get3A_462 = arith.index_cast %add3A_460 : i32 to index
        %get3A_463 = tpu.vector_load %arg6[%get3A_461, %get3A_462] {strides = array<i32>} : memref<64x128xi32, #tpu.memory_space<vmem>>, vector<1x16xi32>,
        %get3A_464 = vector.shape_cast %get3A_463 : vector<1x16xi32> to vector<16xi32>
        %and3A_465 = arith.constant 8191 : i32
        %and3A_466 = vector.broadcast %and3A_465 : i32 to vector<16xi32>
        %and3A_467 = arith.andi %get3A_464, %and3A_466 : vector<16xi32>
        %add3A_468 = vector.broadcast %mul3A_0 : i32 to vector<16xi32>
        %add3A_469 = arith.addi %and3A_467, %add3A_468 : vector<16xi32>
        %swap3A_470 = arith.constant 48 : index
        %swap3A_471 = tpu.vector_load %arg16[%swap3A_470] {strides = array<i32>} : memref<64xi32, #tpu.memory_space<vmem>>, vector<16xi32>,
        %swap3A_472 = vector.shape_cast %swap3A_471 : vector<16xi32> to vector<16xi32>
        %swap3A_473 = vector.shape_cast %add3A_469 : vector<16xi32> to vector<16xi32>
        tpu.vector_store %arg16[%swap3A_470], %swap3A_473 {strides = array<i32>} : memref<64xi32, #tpu.memory_space<vmem>>, vector<16xi32>,
        %shift_right_logical3A_474 = arith.constant 13 : i32
        %shift_right_logical3A_475 = vector.broadcast %shift_right_logical3A_474 : i32 to vector<16xi32>
        %shift_right_logical3A_476 = arith.shrui %get3A_464, %shift_right_logical3A_475 : vector<16xi32>
        %and3A_477 = arith.constant 63 : i32
        %and3A_478 = vector.broadcast %and3A_477 : i32 to vector<16xi32>
        %and3A_479 = arith.andi %shift_right_logical3A_476, %and3A_478 : vector<16xi32>
        %add3A_480 = arith.constant 0 : i32
        %add3A_481 = vector.broadcast %add3A_480 : i32 to vector<16xi32>
        %add3A_482 = arith.addi %and3A_479, %add3A_481 : vector<16xi32>
        %swap3A_483 = arith.constant 48 : index
        %swap3A_484 = tpu.vector_load %arg20[%swap3A_483] {strides = array<i32>} : memref<64xi32, #tpu.memory_space<vmem>>, vector<16xi32>,
        %swap3A_485 = vector.shape_cast %swap3A_484 : vector<16xi32> to vector<16xi32>
        %swap3A_486 = vector.shape_cast %add3A_482 : vector<16xi32> to vector<16xi32>
        tpu.vector_store %arg20[%swap3A_483], %swap3A_486 {strides = array<i32>} : memref<64xi32, #tpu.memory_space<vmem>>, vector<16xi32>,
        %shift_right_logical3A_487 = arith.constant 19 : i32
        %shift_right_logical3A_488 = vector.broadcast %shift_right_logical3A_487 : i32 to vector<16xi32>
        %shift_right_logical3A_489 = arith.shrui %get3A_464, %shift_right_logical3A_488 : vector<16xi32>
        %swap3A_490 = arith.constant 48 : index
        %swap3A_491 = tpu.vector_load %arg24[%swap3A_490] {strides = array<i32>} : memref<64xi32, #tpu.memory_space<vmem>>, vector<16xi32>,
        %swap3A_492 = vector.shape_cast %swap3A_491 : vector<16xi32> to vector<16xi32>
        %swap3A_493 = vector.shape_cast %shift_right_logical3A_489 : vector<16xi32> to vector<16xi32>
        tpu.vector_store %arg24[%swap3A_490], %swap3A_493 {strides = array<i32>} : memref<64xi32, #tpu.memory_space<vmem>>, vector<16xi32>,
        %dma_start3A_494 = arith.constant 0 : i32
        %dma_start3A_495 = arith.constant 0 : i32
        %dma_start3A_496 = tpu.memref_slice %arg2[%dma_start3A_494, %dma_start3A_495] : memref<16384x128xf32, #tpu.memory_space<hbm>> -> memref<16384x128xf32, #tpu.memory_space<hbm>>
        tpu.enqueue_indirect_dma source(%dma_start3A_496 : memref<16384x128xf32, #tpu.memory_space<hbm>>) target(%arg10 : memref<64x128xf32, #tpu.memory_space<vmem>>) offsets(%arg16 : memref<64xi32, #tpu.memory_space<vmem>>) semaphore(%arg28 : memref<!tpu.dma_semaphore, #tpu.memory_space<semaphore_mem>>)
        %dma_start3A_497 = arith.constant 0 : i32
        %dma_start3A_498 = arith.constant 0 : i32
        %dma_start3A_499 = tpu.memref_slice %arg26[%dma_start3A_497, %dma_start3A_498] : memref<64x128xf32, #tpu.memory_space<vmem_shared>> -> memref<64x128xf32, #tpu.memory_space<vmem_shared>>
        tpu.enqueue_indirect_dma source(%dma_start3A_499 : memref<64x128xf32, #tpu.memory_space<vmem_shared>>) target(%arg12 : memref<64x128xf32, #tpu.memory_space<vmem>>) offsets(%arg20 : memref<64xi32, #tpu.memory_space<vmem>>) semaphore(%arg30 : memref<!tpu.dma_semaphore, #tpu.memory_space<semaphore_mem>>)
      } else {
      }
      %dma_wait3A_273 = arith.constant 0 : i32
      %dma_wait3A_274 = arith.constant 0 : i32
      %dma_wait3A_275 = tpu.memref_slice %arg2[%dma_wait3A_273, %dma_wait3A_274] : memref<16384x128xf32, #tpu.memory_space<hbm>> -> memref<16384x128xf32, #tpu.memory_space<hbm>>
      tpu.wait_indirect_dma semaphore(%arg27 : memref<!tpu.dma_semaphore, #tpu.memory_space<semaphore_mem>>) src(%dma_wait3A_275 : memref<16384x128xf32, #tpu.memory_space<hbm>>) dst(%arg9 : memref<64x128xf32, #tpu.memory_space<vmem>>)
      %dma_wait3A_276 = arith.constant 0 : i32
      %dma_wait3A_277 = arith.constant 0 : i32
      %dma_wait3A_278 = tpu.memref_slice %arg26[%dma_wait3A_276, %dma_wait3A_277] : memref<64x128xf32, #tpu.memory_space<vmem_shared>> -> memref<64x128xf32, #tpu.memory_space<vmem_shared>>
      tpu.wait_indirect_dma semaphore(%arg29 : memref<!tpu.dma_semaphore, #tpu.memory_space<semaphore_mem>>) src(%dma_wait3A_278 : memref<64x128xf32, #tpu.memory_space<vmem_shared>>) dst(%arg11 : memref<64x128xf32, #tpu.memory_space<vmem>>)
      %scan3A_279 = arith.constant 0 : i32
      %scan3A_280 = arith.constant 64 : i32
      %scan3A_281 = arith.addi %scan3A_279, %scan3A_280 : i32
      %scan3A_282 = arith.constant 1 : i32
      scf.for %scan3A_317 = %scan3A_279 to %scan3A_281 step %scan3A_282  : i32 {
        %get3A_318 = arith.index_cast %scan3A_317 : i32 to index
        %get3A_319 = arith.constant 0 : index
        %get3A_320 = tpu.vector_load %arg9[%get3A_318, %get3A_319] {strides = array<i32>} : memref<64x128xf32, #tpu.memory_space<vmem>>, vector<1x16xf32>,
        %get3A_321 = vector.shape_cast %get3A_320 : vector<1x16xf32> to vector<16xf32>
        %get3A_322 = arith.index_cast %scan3A_317 : i32 to index
        %get3A_323 = arith.constant 0 : index
        %get3A_324 = tpu.vector_load %arg11[%get3A_322, %get3A_323] {strides = array<i32>} : memref<64x128xf32, #tpu.memory_space<vmem>>, vector<1x16xf32>,
        %get3A_325 = vector.shape_cast %get3A_324 : vector<1x16xf32> to vector<16xf32>
        %add3A_326 = arith.addf %get3A_321, %get3A_325 : vector<16xf32>
        %max3A = arith.constant 0.000000e+00 : f32
        %max3A_327 = vector.broadcast %max3A : f32 to vector<16xf32>
        %max3A_328 = arith.maximumf %add3A_326, %max3A_327 : vector<16xf32>
        %swap3A_329 = arith.index_cast %scan3A_317 : i32 to index
        %swap3A_330 = arith.constant 0 : index
        %swap3A_331 = tpu.vector_load %arg9[%swap3A_329, %swap3A_330] {strides = array<i32>} : memref<64x128xf32, #tpu.memory_space<vmem>>, vector<1x16xf32>,
        %swap3A_332 = vector.shape_cast %swap3A_331 : vector<1x16xf32> to vector<16xf32>
        %swap3A_333 = vector.shape_cast %max3A_328 : vector<16xf32> to vector<1x16xf32>
        tpu.vector_store %arg9[%swap3A_329, %swap3A_330], %swap3A_333 {strides = array<i32>} : memref<64x128xf32, #tpu.memory_space<vmem>>, vector<1x16xf32>,
        %get3A_334 = arith.index_cast %scan3A_317 : i32 to index
        %get3A_335 = arith.constant 16 : index
        %get3A_336 = tpu.vector_load %arg9[%get3A_334, %get3A_335] {strides = array<i32>} : memref<64x128xf32, #tpu.memory_space<vmem>>, vector<1x16xf32>,
        %get3A_337 = vector.shape_cast %get3A_336 : vector<1x16xf32> to vector<16xf32>
        %get3A_338 = arith.index_cast %scan3A_317 : i32 to index
        %get3A_339 = arith.constant 16 : index
        %get3A_340 = tpu.vector_load %arg11[%get3A_338, %get3A_339] {strides = array<i32>} : memref<64x128xf32, #tpu.memory_space<vmem>>, vector<1x16xf32>,
        %get3A_341 = vector.shape_cast %get3A_340 : vector<1x16xf32> to vector<16xf32>
        %add3A_342 = arith.addf %get3A_337, %get3A_341 : vector<16xf32>
        %max3A_343 = arith.constant 0.000000e+00 : f32
        %max3A_344 = vector.broadcast %max3A_343 : f32 to vector<16xf32>
        %max3A_345 = arith.maximumf %add3A_342, %max3A_344 : vector<16xf32>
        %swap3A_346 = arith.index_cast %scan3A_317 : i32 to index
        %swap3A_347 = arith.constant 16 : index
        %swap3A_348 = tpu.vector_load %arg9[%swap3A_346, %swap3A_347] {strides = array<i32>} : memref<64x128xf32, #tpu.memory_space<vmem>>, vector<1x16xf32>,
        %swap3A_349 = vector.shape_cast %swap3A_348 : vector<1x16xf32> to vector<16xf32>
        %swap3A_350 = vector.shape_cast %max3A_345 : vector<16xf32> to vector<1x16xf32>
        tpu.vector_store %arg9[%swap3A_346, %swap3A_347], %swap3A_350 {strides = array<i32>} : memref<64x128xf32, #tpu.memory_space<vmem>>, vector<1x16xf32>,
        %get3A_351 = arith.index_cast %scan3A_317 : i32 to index
        %get3A_352 = arith.constant 32 : index
        %get3A_353 = tpu.vector_load %arg9[%get3A_351, %get3A_352] {strides = array<i32>} : memref<64x128xf32, #tpu.memory_space<vmem>>, vector<1x16xf32>,
        %get3A_354 = vector.shape_cast %get3A_353 : vector<1x16xf32> to vector<16xf32>
        %get3A_355 = arith.index_cast %scan3A_317 : i32 to index
        %get3A_356 = arith.constant 32 : index
        %get3A_357 = tpu.vector_load %arg11[%get3A_355, %get3A_356] {strides = array<i32>} : memref<64x128xf32, #tpu.memory_space<vmem>>, vector<1x16xf32>,
        %get3A_358 = vector.shape_cast %get3A_357 : vector<1x16xf32> to vector<16xf32>
        %add3A_359 = arith.addf %get3A_354, %get3A_358 : vector<16xf32>
        %max3A_360 = arith.constant 0.000000e+00 : f32
        %max3A_361 = vector.broadcast %max3A_360 : f32 to vector<16xf32>
        %max3A_362 = arith.maximumf %add3A_359, %max3A_361 : vector<16xf32>
        %swap3A_363 = arith.index_cast %scan3A_317 : i32 to index
        %swap3A_364 = arith.constant 32 : index
        %swap3A_365 = tpu.vector_load %arg9[%swap3A_363, %swap3A_364] {strides = array<i32>} : memref<64x128xf32, #tpu.memory_space<vmem>>, vector<1x16xf32>,
        %swap3A_366 = vector.shape_cast %swap3A_365 : vector<1x16xf32> to vector<16xf32>
        %swap3A_367 = vector.shape_cast %max3A_362 : vector<16xf32> to vector<1x16xf32>
        tpu.vector_store %arg9[%swap3A_363, %swap3A_364], %swap3A_367 {strides = array<i32>} : memref<64x128xf32, #tpu.memory_space<vmem>>, vector<1x16xf32>,
        %get3A_368 = arith.index_cast %scan3A_317 : i32 to index
        %get3A_369 = arith.constant 48 : index
        %get3A_370 = tpu.vector_load %arg9[%get3A_368, %get3A_369] {strides = array<i32>} : memref<64x128xf32, #tpu.memory_space<vmem>>, vector<1x16xf32>,
        %get3A_371 = vector.shape_cast %get3A_370 : vector<1x16xf32> to vector<16xf32>
        %get3A_372 = arith.index_cast %scan3A_317 : i32 to index
        %get3A_373 = arith.constant 48 : index
        %get3A_374 = tpu.vector_load %arg11[%get3A_372, %get3A_373] {strides = array<i32>} : memref<64x128xf32, #tpu.memory_space<vmem>>, vector<1x16xf32>,
        %get3A_375 = vector.shape_cast %get3A_374 : vector<1x16xf32> to vector<16xf32>
        %add3A_376 = arith.addf %get3A_371, %get3A_375 : vector<16xf32>
        %max3A_377 = arith.constant 0.000000e+00 : f32
        %max3A_378 = vector.broadcast %max3A_377 : f32 to vector<16xf32>
        %max3A_379 = arith.maximumf %add3A_376, %max3A_378 : vector<16xf32>
        %swap3A_380 = arith.index_cast %scan3A_317 : i32 to index
        %swap3A_381 = arith.constant 48 : index
        %swap3A_382 = tpu.vector_load %arg9[%swap3A_380, %swap3A_381] {strides = array<i32>} : memref<64x128xf32, #tpu.memory_space<vmem>>, vector<1x16xf32>,
        %swap3A_383 = vector.shape_cast %swap3A_382 : vector<1x16xf32> to vector<16xf32>
        %swap3A_384 = vector.shape_cast %max3A_379 : vector<16xf32> to vector<1x16xf32>
        tpu.vector_store %arg9[%swap3A_380, %swap3A_381], %swap3A_384 {strides = array<i32>} : memref<64x128xf32, #tpu.memory_space<vmem>>, vector<1x16xf32>,
        %get3A_385 = arith.index_cast %scan3A_317 : i32 to index
        %get3A_386 = arith.constant 64 : index
        %get3A_387 = tpu.vector_load %arg9[%get3A_385, %get3A_386] {strides = array<i32>} : memref<64x128xf32, #tpu.memory_space<vmem>>, vector<1x16xf32>,
        %get3A_388 = vector.shape_cast %get3A_387 : vector<1x16xf32> to vector<16xf32>
        %get3A_389 = arith.index_cast %scan3A_317 : i32 to index
        %get3A_390 = arith.constant 64 : index
        %get3A_391 = tpu.vector_load %arg11[%get3A_389, %get3A_390] {strides = array<i32>} : memref<64x128xf32, #tpu.memory_space<vmem>>, vector<1x16xf32>,
        %get3A_392 = vector.shape_cast %get3A_391 : vector<1x16xf32> to vector<16xf32>
        %add3A_393 = arith.addf %get3A_388, %get3A_392 : vector<16xf32>
        %max3A_394 = arith.constant 0.000000e+00 : f32
        %max3A_395 = vector.broadcast %max3A_394 : f32 to vector<16xf32>
        %max3A_396 = arith.maximumf %add3A_393, %max3A_395 : vector<16xf32>
        %swap3A_397 = arith.index_cast %scan3A_317 : i32 to index
        %swap3A_398 = arith.constant 64 : index
        %swap3A_399 = tpu.vector_load %arg9[%swap3A_397, %swap3A_398] {strides = array<i32>} : memref<64x128xf32, #tpu.memory_space<vmem>>, vector<1x16xf32>,
        %swap3A_400 = vector.shape_cast %swap3A_399 : vector<1x16xf32> to vector<16xf32>
        %swap3A_401 = vector.shape_cast %max3A_396 : vector<16xf32> to vector<1x16xf32>
        tpu.vector_store %arg9[%swap3A_397, %swap3A_398], %swap3A_401 {strides = array<i32>} : memref<64x128xf32, #tpu.memory_space<vmem>>, vector<1x16xf32>,
        %get3A_402 = arith.index_cast %scan3A_317 : i32 to index
        %get3A_403 = arith.constant 80 : index
        %get3A_404 = tpu.vector_load %arg9[%get3A_402, %get3A_403] {strides = array<i32>} : memref<64x128xf32, #tpu.memory_space<vmem>>, vector<1x16xf32>,
        %get3A_405 = vector.shape_cast %get3A_404 : vector<1x16xf32> to vector<16xf32>
        %get3A_406 = arith.index_cast %scan3A_317 : i32 to index
        %get3A_407 = arith.constant 80 : index
        %get3A_408 = tpu.vector_load %arg11[%get3A_406, %get3A_407] {strides = array<i32>} : memref<64x128xf32, #tpu.memory_space<vmem>>, vector<1x16xf32>,
        %get3A_409 = vector.shape_cast %get3A_408 : vector<1x16xf32> to vector<16xf32>
        %add3A_410 = arith.addf %get3A_405, %get3A_409 : vector<16xf32>
        %max3A_411 = arith.constant 0.000000e+00 : f32
        %max3A_412 = vector.broadcast %max3A_411 : f32 to vector<16xf32>
        %max3A_413 = arith.maximumf %add3A_410, %max3A_412 : vector<16xf32>
        %swap3A_414 = arith.index_cast %scan3A_317 : i32 to index
        %swap3A_415 = arith.constant 80 : index
        %swap3A_416 = tpu.vector_load %arg9[%swap3A_414, %swap3A_415] {strides = array<i32>} : memref<64x128xf32, #tpu.memory_space<vmem>>, vector<1x16xf32>,
        %swap3A_417 = vector.shape_cast %swap3A_416 : vector<1x16xf32> to vector<16xf32>
        %swap3A_418 = vector.shape_cast %max3A_413 : vector<16xf32> to vector<1x16xf32>
        tpu.vector_store %arg9[%swap3A_414, %swap3A_415], %swap3A_418 {strides = array<i32>} : memref<64x128xf32, #tpu.memory_space<vmem>>, vector<1x16xf32>,
        %get3A_419 = arith.index_cast %scan3A_317 : i32 to index
        %get3A_420 = arith.constant 96 : index
        %get3A_421 = tpu.vector_load %arg9[%get3A_419, %get3A_420] {strides = array<i32>} : memref<64x128xf32, #tpu.memory_space<vmem>>, vector<1x16xf32>,
        %get3A_422 = vector.shape_cast %get3A_421 : vector<1x16xf32> to vector<16xf32>
        %get3A_423 = arith.index_cast %scan3A_317 : i32 to index
        %get3A_424 = arith.constant 96 : index
        %get3A_425 = tpu.vector_load %arg11[%get3A_423, %get3A_424] {strides = array<i32>} : memref<64x128xf32, #tpu.memory_space<vmem>>, vector<1x16xf32>,
        %get3A_426 = vector.shape_cast %get3A_425 : vector<1x16xf32> to vector<16xf32>
        %add3A_427 = arith.addf %get3A_422, %get3A_426 : vector<16xf32>
        %max3A_428 = arith.constant 0.000000e+00 : f32
        %max3A_429 = vector.broadcast %max3A_428 : f32 to vector<16xf32>
        %max3A_430 = arith.maximumf %add3A_427, %max3A_429 : vector<16xf32>
        %swap3A_431 = arith.index_cast %scan3A_317 : i32 to index
        %swap3A_432 = arith.constant 96 : index
        %swap3A_433 = tpu.vector_load %arg9[%swap3A_431, %swap3A_432] {strides = array<i32>} : memref<64x128xf32, #tpu.memory_space<vmem>>, vector<1x16xf32>,
        %swap3A_434 = vector.shape_cast %swap3A_433 : vector<1x16xf32> to vector<16xf32>
        %swap3A_435 = vector.shape_cast %max3A_430 : vector<16xf32> to vector<1x16xf32>
        tpu.vector_store %arg9[%swap3A_431, %swap3A_432], %swap3A_435 {strides = array<i32>} : memref<64x128xf32, #tpu.memory_space<vmem>>, vector<1x16xf32>,
        %get3A_436 = arith.index_cast %scan3A_317 : i32 to index
        %get3A_437 = arith.constant 112 : index
        %get3A_438 = tpu.vector_load %arg9[%get3A_436, %get3A_437] {strides = array<i32>} : memref<64x128xf32, #tpu.memory_space<vmem>>, vector<1x16xf32>,
        %get3A_439 = vector.shape_cast %get3A_438 : vector<1x16xf32> to vector<16xf32>
        %get3A_440 = arith.index_cast %scan3A_317 : i32 to index
        %get3A_441 = arith.constant 112 : index
        %get3A_442 = tpu.vector_load %arg11[%get3A_440, %get3A_441] {strides = array<i32>} : memref<64x128xf32, #tpu.memory_space<vmem>>, vector<1x16xf32>,
        %get3A_443 = vector.shape_cast %get3A_442 : vector<1x16xf32> to vector<16xf32>
        %add3A_444 = arith.addf %get3A_439, %get3A_443 : vector<16xf32>
        %max3A_445 = arith.constant 0.000000e+00 : f32
        %max3A_446 = vector.broadcast %max3A_445 : f32 to vector<16xf32>
        %max3A_447 = arith.maximumf %add3A_444, %max3A_446 : vector<16xf32>
        %swap3A_448 = arith.index_cast %scan3A_317 : i32 to index
        %swap3A_449 = arith.constant 112 : index
        %swap3A_450 = tpu.vector_load %arg9[%swap3A_448, %swap3A_449] {strides = array<i32>} : memref<64x128xf32, #tpu.memory_space<vmem>>, vector<1x16xf32>,
        %swap3A_451 = vector.shape_cast %swap3A_450 : vector<1x16xf32> to vector<16xf32>
        %swap3A_452 = vector.shape_cast %max3A_447 : vector<16xf32> to vector<1x16xf32>
        tpu.vector_store %arg9[%swap3A_448, %swap3A_449], %swap3A_452 {strides = array<i32>} : memref<64x128xf32, #tpu.memory_space<vmem>>, vector<1x16xf32>,
      }
      %scan3A_283 = arith.constant 64 : i32
      %dma_start3A_284 = arith.constant 0 : i32
      %dma_start3A_285 = arith.constant 0 : i32
      %dma_start3A_286 = tpu.memref_slice %arg25[%dma_start3A_284, %dma_start3A_285] : memref<8192x128xf32, #tpu.memory_space<vmem_shared>> -> memref<8192x128xf32, #tpu.memory_space<vmem_shared>>
      tpu.enqueue_indirect_dma source(%arg9 : memref<64x128xf32, #tpu.memory_space<vmem>>) target(%dma_start3A_286 : memref<8192x128xf32, #tpu.memory_space<vmem_shared>>) offsets(%arg23 : memref<64xi32, #tpu.memory_space<vmem>>) semaphore(%arg33 : memref<!tpu.dma_semaphore, #tpu.memory_space<semaphore_mem>>) {add = true}
      %mul3A_287 = arith.constant 4 : i32
      %mul3A_288 = arith.muli %mul3A_287, %scan3A_198 : i32
      %add3A_289 = arith.constant 3 : i32
      %add3A_290 = arith.addi %mul3A_288, %add3A_289 : i32
      %ge3A_291 = arith.constant 3 : i32
      %ge3A_292 = arith.cmpi sge, %add3A_290, %ge3A_291 : i32
      %convert_element_type3A_293 = arith.extui %ge3A_292 : i1 to i32
      %cond3A_294 = arith.constant 0 : i32
      %cond3A_295 = arith.cmpi ne, %convert_element_type3A_293, %cond3A_294 : i32
      scf.if %cond3A_295 {
        %dma_wait3A_317 = arith.constant 0 : i32
        %dma_wait3A_318 = arith.constant 0 : i32
        %dma_wait3A_319 = tpu.memref_slice %arg25[%dma_wait3A_317, %dma_wait3A_318] : memref<8192x128xf32, #tpu.memory_space<vmem_shared>> -> memref<8192x128xf32, #tpu.memory_space<vmem_shared>>
        tpu.wait_indirect_dma semaphore(%arg31 : memref<!tpu.dma_semaphore, #tpu.memory_space<semaphore_mem>>) src(%arg7 : memref<64x128xf32, #tpu.memory_space<vmem>>) dst(%dma_wait3A_319 : memref<8192x128xf32, #tpu.memory_space<vmem_shared>>)
      } else {
      }
      %add3A_296 = arith.constant 1 : i32
      %add3A_297 = arith.addi %add3A_290, %add3A_296 : i32
      %lt3A_298 = arith.constant 128 : i32
      %lt3A_299 = arith.cmpi slt, %add3A_297, %lt3A_298 : i32
      %convert_element_type3A_300 = arith.extui %lt3A_299 : i1 to i32
      %cond3A_301 = arith.constant 0 : i32
      %cond3A_302 = arith.cmpi ne, %convert_element_type3A_300, %cond3A_301 : i32
      scf.if %cond3A_302 {
        %add3A_317 = arith.constant 1 : i32
        %add3A_318 = arith.addi %add3A_290, %add3A_317 : i32
        %jit3A = arith.constant 2 : i32
        %div3A = arith.divsi %add3A_318, %jit3A : i32
        %sign3A = arith.constant 0 : i32
        %sign3A_319 = arith.cmpi sgt, %add3A_318, %sign3A : i32
        %sign3A_320 = arith.extui %sign3A_319 : i1 to i32
        %sign3A_321 = arith.constant 0 : i32
        %sign3A_322 = arith.cmpi slt, %add3A_318, %sign3A_321 : i32
        %sign3A_323 = arith.extui %sign3A_322 : i1 to i32
        %sign3A_324 = arith.subi %sign3A_320, %sign3A_323 : i32
        %sign3A_325 = arith.constant 0 : i32
        %sign3A_326 = arith.cmpi sgt, %jit3A, %sign3A_325 : i32
        %sign3A_327 = arith.extui %sign3A_326 : i1 to i32
        %sign3A_328 = arith.constant 0 : i32
        %sign3A_329 = arith.cmpi slt, %jit3A, %sign3A_328 : i32
        %sign3A_330 = arith.extui %sign3A_329 : i1 to i32
        %sign3A_331 = arith.subi %sign3A_327, %sign3A_330 : i32
        %ne3A = arith.cmpi ne, %sign3A_324, %sign3A_331 : i32
        %rem3A = arith.remsi %add3A_318, %jit3A : i32
        %ne3A_332 = arith.constant 0 : i32
        %ne3A_333 = arith.cmpi ne, %rem3A, %ne3A_332 : i32
        %and3A_334 = arith.andi %ne3A, %ne3A_333 : i1
        %sub3A = arith.constant 1 : i32
        %sub3A_335 = arith.subi %div3A, %sub3A : i32
        %select_n3A = arith.select %and3A_334, %sub3A_335, %div3A : i32
        %jit3A_336 = arith.constant 2 : i32
        %eq3A_337 = arith.constant 0 : i32
        %eq3A_338 = arith.cmpi eq, %jit3A_336, %eq3A_337 : i32
        %jit3A_339 = arith.constant 1 : i32
        %select_n3A_340 = arith.select %eq3A_338, %jit3A_339, %jit3A_336 : i32
        %rem3A_341 = arith.remsi %add3A_318, %select_n3A_340 : i32
        %ne3A_342 = arith.constant 0 : i32
        %ne3A_343 = arith.cmpi ne, %rem3A_341, %ne3A_342 : i32
        %lt3A_344 = arith.constant 0 : i32
        %lt3A_345 = arith.cmpi slt, %rem3A_341, %lt3A_344 : i32
        %lt3A_346 = arith.constant 0 : i32
        %lt3A_347 = arith.cmpi slt, %select_n3A_340, %lt3A_346 : i32
        %ne3A_348 = arith.xori %lt3A_345, %lt3A_347 : i1
        %and3A_349 = arith.andi %ne3A_348, %ne3A_343 : i1
        %add3A_350 = arith.addi %rem3A_341, %select_n3A_340 : i32
        %select_n3A_351 = arith.select %and3A_349, %add3A_350, %rem3A_341 : i32
        %mul3A_352 = arith.constant 64 : i32
        %mul3A_353 = arith.muli %select_n3A_351, %mul3A_352 : i32
        %add3A_354 = arith.constant 0 : i32
        %add3A_355 = arith.addi %mul3A_353, %add3A_354 : i32
        %get3A_356 = arith.index_cast %select_n3A : i32 to index
        %get3A_357 = arith.index_cast %add3A_355 : i32 to index
        %get3A_358 = tpu.vector_load %arg6[%get3A_356, %get3A_357] {strides = array<i32>} : memref<64x128xi32, #tpu.memory_space<vmem>>, vector<1x16xi32>,
        %get3A_359 = vector.shape_cast %get3A_358 : vector<1x16xi32> to vector<16xi32>
        %and3A_360 = arith.constant 8191 : i32
        %and3A_361 = vector.broadcast %and3A_360 : i32 to vector<16xi32>
        %and3A_362 = arith.andi %get3A_359, %and3A_361 : vector<16xi32>
        %add3A_363 = vector.broadcast %mul3A_0 : i32 to vector<16xi32>
        %add3A_364 = arith.addi %and3A_362, %add3A_363 : vector<16xi32>
        %swap3A_365 = arith.constant 0 : index
        %swap3A_366 = tpu.vector_load %arg13[%swap3A_365] {strides = array<i32>} : memref<64xi32, #tpu.memory_space<vmem>>, vector<16xi32>,
        %swap3A_367 = vector.shape_cast %swap3A_366 : vector<16xi32> to vector<16xi32>
        %swap3A_368 = vector.shape_cast %add3A_364 : vector<16xi32> to vector<16xi32>
        tpu.vector_store %arg13[%swap3A_365], %swap3A_368 {strides = array<i32>} : memref<64xi32, #tpu.memory_space<vmem>>, vector<16xi32>,
        %shift_right_logical3A_369 = arith.constant 13 : i32
        %shift_right_logical3A_370 = vector.broadcast %shift_right_logical3A_369 : i32 to vector<16xi32>
        %shift_right_logical3A_371 = arith.shrui %get3A_359, %shift_right_logical3A_370 : vector<16xi32>
        %and3A_372 = arith.constant 63 : i32
        %and3A_373 = vector.broadcast %and3A_372 : i32 to vector<16xi32>
        %and3A_374 = arith.andi %shift_right_logical3A_371, %and3A_373 : vector<16xi32>
        %add3A_375 = arith.constant 0 : i32
        %add3A_376 = vector.broadcast %add3A_375 : i32 to vector<16xi32>
        %add3A_377 = arith.addi %and3A_374, %add3A_376 : vector<16xi32>
        %swap3A_378 = arith.constant 0 : index
        %swap3A_379 = tpu.vector_load %arg17[%swap3A_378] {strides = array<i32>} : memref<64xi32, #tpu.memory_space<vmem>>, vector<16xi32>,
        %swap3A_380 = vector.shape_cast %swap3A_379 : vector<16xi32> to vector<16xi32>
        %swap3A_381 = vector.shape_cast %add3A_377 : vector<16xi32> to vector<16xi32>
        tpu.vector_store %arg17[%swap3A_378], %swap3A_381 {strides = array<i32>} : memref<64xi32, #tpu.memory_space<vmem>>, vector<16xi32>,
        %shift_right_logical3A_382 = arith.constant 19 : i32
        %shift_right_logical3A_383 = vector.broadcast %shift_right_logical3A_382 : i32 to vector<16xi32>
        %shift_right_logical3A_384 = arith.shrui %get3A_359, %shift_right_logical3A_383 : vector<16xi32>
        %swap3A_385 = arith.constant 0 : index
        %swap3A_386 = tpu.vector_load %arg21[%swap3A_385] {strides = array<i32>} : memref<64xi32, #tpu.memory_space<vmem>>, vector<16xi32>,
        %swap3A_387 = vector.shape_cast %swap3A_386 : vector<16xi32> to vector<16xi32>
        %swap3A_388 = vector.shape_cast %shift_right_logical3A_384 : vector<16xi32> to vector<16xi32>
        tpu.vector_store %arg21[%swap3A_385], %swap3A_388 {strides = array<i32>} : memref<64xi32, #tpu.memory_space<vmem>>, vector<16xi32>,
        %add3A_389 = arith.constant 16 : i32
        %add3A_390 = arith.addi %mul3A_353, %add3A_389 : i32
        %get3A_391 = arith.index_cast %select_n3A : i32 to index
        %get3A_392 = arith.index_cast %add3A_390 : i32 to index
        %get3A_393 = tpu.vector_load %arg6[%get3A_391, %get3A_392] {strides = array<i32>} : memref<64x128xi32, #tpu.memory_space<vmem>>, vector<1x16xi32>,
        %get3A_394 = vector.shape_cast %get3A_393 : vector<1x16xi32> to vector<16xi32>
        %and3A_395 = arith.constant 8191 : i32
        %and3A_396 = vector.broadcast %and3A_395 : i32 to vector<16xi32>
        %and3A_397 = arith.andi %get3A_394, %and3A_396 : vector<16xi32>
        %add3A_398 = vector.broadcast %mul3A_0 : i32 to vector<16xi32>
        %add3A_399 = arith.addi %and3A_397, %add3A_398 : vector<16xi32>
        %swap3A_400 = arith.constant 16 : index
        %swap3A_401 = tpu.vector_load %arg13[%swap3A_400] {strides = array<i32>} : memref<64xi32, #tpu.memory_space<vmem>>, vector<16xi32>,
        %swap3A_402 = vector.shape_cast %swap3A_401 : vector<16xi32> to vector<16xi32>
        %swap3A_403 = vector.shape_cast %add3A_399 : vector<16xi32> to vector<16xi32>
        tpu.vector_store %arg13[%swap3A_400], %swap3A_403 {strides = array<i32>} : memref<64xi32, #tpu.memory_space<vmem>>, vector<16xi32>,
        %shift_right_logical3A_404 = arith.constant 13 : i32
        %shift_right_logical3A_405 = vector.broadcast %shift_right_logical3A_404 : i32 to vector<16xi32>
        %shift_right_logical3A_406 = arith.shrui %get3A_394, %shift_right_logical3A_405 : vector<16xi32>
        %and3A_407 = arith.constant 63 : i32
        %and3A_408 = vector.broadcast %and3A_407 : i32 to vector<16xi32>
        %and3A_409 = arith.andi %shift_right_logical3A_406, %and3A_408 : vector<16xi32>
        %add3A_410 = arith.constant 0 : i32
        %add3A_411 = vector.broadcast %add3A_410 : i32 to vector<16xi32>
        %add3A_412 = arith.addi %and3A_409, %add3A_411 : vector<16xi32>
        %swap3A_413 = arith.constant 16 : index
        %swap3A_414 = tpu.vector_load %arg17[%swap3A_413] {strides = array<i32>} : memref<64xi32, #tpu.memory_space<vmem>>, vector<16xi32>,
        %swap3A_415 = vector.shape_cast %swap3A_414 : vector<16xi32> to vector<16xi32>
        %swap3A_416 = vector.shape_cast %add3A_412 : vector<16xi32> to vector<16xi32>
        tpu.vector_store %arg17[%swap3A_413], %swap3A_416 {strides = array<i32>} : memref<64xi32, #tpu.memory_space<vmem>>, vector<16xi32>,
        %shift_right_logical3A_417 = arith.constant 19 : i32
        %shift_right_logical3A_418 = vector.broadcast %shift_right_logical3A_417 : i32 to vector<16xi32>
        %shift_right_logical3A_419 = arith.shrui %get3A_394, %shift_right_logical3A_418 : vector<16xi32>
        %swap3A_420 = arith.constant 16 : index
        %swap3A_421 = tpu.vector_load %arg21[%swap3A_420] {strides = array<i32>} : memref<64xi32, #tpu.memory_space<vmem>>, vector<16xi32>,
        %swap3A_422 = vector.shape_cast %swap3A_421 : vector<16xi32> to vector<16xi32>
        %swap3A_423 = vector.shape_cast %shift_right_logical3A_419 : vector<16xi32> to vector<16xi32>
        tpu.vector_store %arg21[%swap3A_420], %swap3A_423 {strides = array<i32>} : memref<64xi32, #tpu.memory_space<vmem>>, vector<16xi32>,
        %add3A_424 = arith.constant 32 : i32
        %add3A_425 = arith.addi %mul3A_353, %add3A_424 : i32
        %get3A_426 = arith.index_cast %select_n3A : i32 to index
        %get3A_427 = arith.index_cast %add3A_425 : i32 to index
        %get3A_428 = tpu.vector_load %arg6[%get3A_426, %get3A_427] {strides = array<i32>} : memref<64x128xi32, #tpu.memory_space<vmem>>, vector<1x16xi32>,
        %get3A_429 = vector.shape_cast %get3A_428 : vector<1x16xi32> to vector<16xi32>
        %and3A_430 = arith.constant 8191 : i32
        %and3A_431 = vector.broadcast %and3A_430 : i32 to vector<16xi32>
        %and3A_432 = arith.andi %get3A_429, %and3A_431 : vector<16xi32>
        %add3A_433 = vector.broadcast %mul3A_0 : i32 to vector<16xi32>
        %add3A_434 = arith.addi %and3A_432, %add3A_433 : vector<16xi32>
        %swap3A_435 = arith.constant 32 : index
        %swap3A_436 = tpu.vector_load %arg13[%swap3A_435] {strides = array<i32>} : memref<64xi32, #tpu.memory_space<vmem>>, vector<16xi32>,
        %swap3A_437 = vector.shape_cast %swap3A_436 : vector<16xi32> to vector<16xi32>
        %swap3A_438 = vector.shape_cast %add3A_434 : vector<16xi32> to vector<16xi32>
        tpu.vector_store %arg13[%swap3A_435], %swap3A_438 {strides = array<i32>} : memref<64xi32, #tpu.memory_space<vmem>>, vector<16xi32>,
        %shift_right_logical3A_439 = arith.constant 13 : i32
        %shift_right_logical3A_440 = vector.broadcast %shift_right_logical3A_439 : i32 to vector<16xi32>
        %shift_right_logical3A_441 = arith.shrui %get3A_429, %shift_right_logical3A_440 : vector<16xi32>
        %and3A_442 = arith.constant 63 : i32
        %and3A_443 = vector.broadcast %and3A_442 : i32 to vector<16xi32>
        %and3A_444 = arith.andi %shift_right_logical3A_441, %and3A_443 : vector<16xi32>
        %add3A_445 = arith.constant 0 : i32
        %add3A_446 = vector.broadcast %add3A_445 : i32 to vector<16xi32>
        %add3A_447 = arith.addi %and3A_444, %add3A_446 : vector<16xi32>
        %swap3A_448 = arith.constant 32 : index
        %swap3A_449 = tpu.vector_load %arg17[%swap3A_448] {strides = array<i32>} : memref<64xi32, #tpu.memory_space<vmem>>, vector<16xi32>,
        %swap3A_450 = vector.shape_cast %swap3A_449 : vector<16xi32> to vector<16xi32>
        %swap3A_451 = vector.shape_cast %add3A_447 : vector<16xi32> to vector<16xi32>
        tpu.vector_store %arg17[%swap3A_448], %swap3A_451 {strides = array<i32>} : memref<64xi32, #tpu.memory_space<vmem>>, vector<16xi32>,
        %shift_right_logical3A_452 = arith.constant 19 : i32
        %shift_right_logical3A_453 = vector.broadcast %shift_right_logical3A_452 : i32 to vector<16xi32>
        %shift_right_logical3A_454 = arith.shrui %get3A_429, %shift_right_logical3A_453 : vector<16xi32>
        %swap3A_455 = arith.constant 32 : index
        %swap3A_456 = tpu.vector_load %arg21[%swap3A_455] {strides = array<i32>} : memref<64xi32, #tpu.memory_space<vmem>>, vector<16xi32>,
        %swap3A_457 = vector.shape_cast %swap3A_456 : vector<16xi32> to vector<16xi32>
        %swap3A_458 = vector.shape_cast %shift_right_logical3A_454 : vector<16xi32> to vector<16xi32>
        tpu.vector_store %arg21[%swap3A_455], %swap3A_458 {strides = array<i32>} : memref<64xi32, #tpu.memory_space<vmem>>, vector<16xi32>,
        %add3A_459 = arith.constant 48 : i32
        %add3A_460 = arith.addi %mul3A_353, %add3A_459 : i32
        %get3A_461 = arith.index_cast %select_n3A : i32 to index
        %get3A_462 = arith.index_cast %add3A_460 : i32 to index
        %get3A_463 = tpu.vector_load %arg6[%get3A_461, %get3A_462] {strides = array<i32>} : memref<64x128xi32, #tpu.memory_space<vmem>>, vector<1x16xi32>,
        %get3A_464 = vector.shape_cast %get3A_463 : vector<1x16xi32> to vector<16xi32>
        %and3A_465 = arith.constant 8191 : i32
        %and3A_466 = vector.broadcast %and3A_465 : i32 to vector<16xi32>
        %and3A_467 = arith.andi %get3A_464, %and3A_466 : vector<16xi32>
        %add3A_468 = vector.broadcast %mul3A_0 : i32 to vector<16xi32>
        %add3A_469 = arith.addi %and3A_467, %add3A_468 : vector<16xi32>
        %swap3A_470 = arith.constant 48 : index
        %swap3A_471 = tpu.vector_load %arg13[%swap3A_470] {strides = array<i32>} : memref<64xi32, #tpu.memory_space<vmem>>, vector<16xi32>,
        %swap3A_472 = vector.shape_cast %swap3A_471 : vector<16xi32> to vector<16xi32>
        %swap3A_473 = vector.shape_cast %add3A_469 : vector<16xi32> to vector<16xi32>
        tpu.vector_store %arg13[%swap3A_470], %swap3A_473 {strides = array<i32>} : memref<64xi32, #tpu.memory_space<vmem>>, vector<16xi32>,
        %shift_right_logical3A_474 = arith.constant 13 : i32
        %shift_right_logical3A_475 = vector.broadcast %shift_right_logical3A_474 : i32 to vector<16xi32>
        %shift_right_logical3A_476 = arith.shrui %get3A_464, %shift_right_logical3A_475 : vector<16xi32>
        %and3A_477 = arith.constant 63 : i32
        %and3A_478 = vector.broadcast %and3A_477 : i32 to vector<16xi32>
        %and3A_479 = arith.andi %shift_right_logical3A_476, %and3A_478 : vector<16xi32>
        %add3A_480 = arith.constant 0 : i32
        %add3A_481 = vector.broadcast %add3A_480 : i32 to vector<16xi32>
        %add3A_482 = arith.addi %and3A_479, %add3A_481 : vector<16xi32>
        %swap3A_483 = arith.constant 48 : index
        %swap3A_484 = tpu.vector_load %arg17[%swap3A_483] {strides = array<i32>} : memref<64xi32, #tpu.memory_space<vmem>>, vector<16xi32>,
        %swap3A_485 = vector.shape_cast %swap3A_484 : vector<16xi32> to vector<16xi32>
        %swap3A_486 = vector.shape_cast %add3A_482 : vector<16xi32> to vector<16xi32>
        tpu.vector_store %arg17[%swap3A_483], %swap3A_486 {strides = array<i32>} : memref<64xi32, #tpu.memory_space<vmem>>, vector<16xi32>,
        %shift_right_logical3A_487 = arith.constant 19 : i32
        %shift_right_logical3A_488 = vector.broadcast %shift_right_logical3A_487 : i32 to vector<16xi32>
        %shift_right_logical3A_489 = arith.shrui %get3A_464, %shift_right_logical3A_488 : vector<16xi32>
        %swap3A_490 = arith.constant 48 : index
        %swap3A_491 = tpu.vector_load %arg21[%swap3A_490] {strides = array<i32>} : memref<64xi32, #tpu.memory_space<vmem>>, vector<16xi32>,
        %swap3A_492 = vector.shape_cast %swap3A_491 : vector<16xi32> to vector<16xi32>
        %swap3A_493 = vector.shape_cast %shift_right_logical3A_489 : vector<16xi32> to vector<16xi32>
        tpu.vector_store %arg21[%swap3A_490], %swap3A_493 {strides = array<i32>} : memref<64xi32, #tpu.memory_space<vmem>>, vector<16xi32>,
        %dma_start3A_494 = arith.constant 0 : i32
        %dma_start3A_495 = arith.constant 0 : i32
        %dma_start3A_496 = tpu.memref_slice %arg2[%dma_start3A_494, %dma_start3A_495] : memref<16384x128xf32, #tpu.memory_space<hbm>> -> memref<16384x128xf32, #tpu.memory_space<hbm>>
        tpu.enqueue_indirect_dma source(%dma_start3A_496 : memref<16384x128xf32, #tpu.memory_space<hbm>>) target(%arg7 : memref<64x128xf32, #tpu.memory_space<vmem>>) offsets(%arg13 : memref<64xi32, #tpu.memory_space<vmem>>) semaphore(%arg27 : memref<!tpu.dma_semaphore, #tpu.memory_space<semaphore_mem>>)
        %dma_start3A_497 = arith.constant 0 : i32
        %dma_start3A_498 = arith.constant 0 : i32
        %dma_start3A_499 = tpu.memref_slice %arg26[%dma_start3A_497, %dma_start3A_498] : memref<64x128xf32, #tpu.memory_space<vmem_shared>> -> memref<64x128xf32, #tpu.memory_space<vmem_shared>>
        tpu.enqueue_indirect_dma source(%dma_start3A_499 : memref<64x128xf32, #tpu.memory_space<vmem_shared>>) target(%arg11 : memref<64x128xf32, #tpu.memory_space<vmem>>) offsets(%arg17 : memref<64xi32, #tpu.memory_space<vmem>>) semaphore(%arg29 : memref<!tpu.dma_semaphore, #tpu.memory_space<semaphore_mem>>)
      } else {
      }
      %dma_wait3A_303 = arith.constant 0 : i32
      %dma_wait3A_304 = arith.constant 0 : i32
      %dma_wait3A_305 = tpu.memref_slice %arg2[%dma_wait3A_303, %dma_wait3A_304] : memref<16384x128xf32, #tpu.memory_space<hbm>> -> memref<16384x128xf32, #tpu.memory_space<hbm>>
      tpu.wait_indirect_dma semaphore(%arg28 : memref<!tpu.dma_semaphore, #tpu.memory_space<semaphore_mem>>) src(%dma_wait3A_305 : memref<16384x128xf32, #tpu.memory_space<hbm>>) dst(%arg10 : memref<64x128xf32, #tpu.memory_space<vmem>>)
      %dma_wait3A_306 = arith.constant 0 : i32
      %dma_wait3A_307 = arith.constant 0 : i32
      %dma_wait3A_308 = tpu.memref_slice %arg26[%dma_wait3A_306, %dma_wait3A_307] : memref<64x128xf32, #tpu.memory_space<vmem_shared>> -> memref<64x128xf32, #tpu.memory_space<vmem_shared>>
      tpu.wait_indirect_dma semaphore(%arg30 : memref<!tpu.dma_semaphore, #tpu.memory_space<semaphore_mem>>) src(%dma_wait3A_308 : memref<64x128xf32, #tpu.memory_space<vmem_shared>>) dst(%arg12 : memref<64x128xf32, #tpu.memory_space<vmem>>)
      %scan3A_309 = arith.constant 0 : i32
      %scan3A_310 = arith.constant 64 : i32
      %scan3A_311 = arith.addi %scan3A_309, %scan3A_310 : i32
      %scan3A_312 = arith.constant 1 : i32
      scf.for %scan3A_317 = %scan3A_309 to %scan3A_311 step %scan3A_312  : i32 {
        %get3A_318 = arith.index_cast %scan3A_317 : i32 to index
        %get3A_319 = arith.constant 0 : index
        %get3A_320 = tpu.vector_load %arg10[%get3A_318, %get3A_319] {strides = array<i32>} : memref<64x128xf32, #tpu.memory_space<vmem>>, vector<1x16xf32>,
        %get3A_321 = vector.shape_cast %get3A_320 : vector<1x16xf32> to vector<16xf32>
        %get3A_322 = arith.index_cast %scan3A_317 : i32 to index
        %get3A_323 = arith.constant 0 : index
        %get3A_324 = tpu.vector_load %arg12[%get3A_322, %get3A_323] {strides = array<i32>} : memref<64x128xf32, #tpu.memory_space<vmem>>, vector<1x16xf32>,
        %get3A_325 = vector.shape_cast %get3A_324 : vector<1x16xf32> to vector<16xf32>
        %add3A_326 = arith.addf %get3A_321, %get3A_325 : vector<16xf32>
        %max3A = arith.constant 0.000000e+00 : f32
        %max3A_327 = vector.broadcast %max3A : f32 to vector<16xf32>
        %max3A_328 = arith.maximumf %add3A_326, %max3A_327 : vector<16xf32>
        %swap3A_329 = arith.index_cast %scan3A_317 : i32 to index
        %swap3A_330 = arith.constant 0 : index
        %swap3A_331 = tpu.vector_load %arg10[%swap3A_329, %swap3A_330] {strides = array<i32>} : memref<64x128xf32, #tpu.memory_space<vmem>>, vector<1x16xf32>,
        %swap3A_332 = vector.shape_cast %swap3A_331 : vector<1x16xf32> to vector<16xf32>
        %swap3A_333 = vector.shape_cast %max3A_328 : vector<16xf32> to vector<1x16xf32>
        tpu.vector_store %arg10[%swap3A_329, %swap3A_330], %swap3A_333 {strides = array<i32>} : memref<64x128xf32, #tpu.memory_space<vmem>>, vector<1x16xf32>,
        %get3A_334 = arith.index_cast %scan3A_317 : i32 to index
        %get3A_335 = arith.constant 16 : index
        %get3A_336 = tpu.vector_load %arg10[%get3A_334, %get3A_335] {strides = array<i32>} : memref<64x128xf32, #tpu.memory_space<vmem>>, vector<1x16xf32>,
        %get3A_337 = vector.shape_cast %get3A_336 : vector<1x16xf32> to vector<16xf32>
        %get3A_338 = arith.index_cast %scan3A_317 : i32 to index
        %get3A_339 = arith.constant 16 : index
        %get3A_340 = tpu.vector_load %arg12[%get3A_338, %get3A_339] {strides = array<i32>} : memref<64x128xf32, #tpu.memory_space<vmem>>, vector<1x16xf32>,
        %get3A_341 = vector.shape_cast %get3A_340 : vector<1x16xf32> to vector<16xf32>
        %add3A_342 = arith.addf %get3A_337, %get3A_341 : vector<16xf32>
        %max3A_343 = arith.constant 0.000000e+00 : f32
        %max3A_344 = vector.broadcast %max3A_343 : f32 to vector<16xf32>
        %max3A_345 = arith.maximumf %add3A_342, %max3A_344 : vector<16xf32>
        %swap3A_346 = arith.index_cast %scan3A_317 : i32 to index
        %swap3A_347 = arith.constant 16 : index
        %swap3A_348 = tpu.vector_load %arg10[%swap3A_346, %swap3A_347] {strides = array<i32>} : memref<64x128xf32, #tpu.memory_space<vmem>>, vector<1x16xf32>,
        %swap3A_349 = vector.shape_cast %swap3A_348 : vector<1x16xf32> to vector<16xf32>
        %swap3A_350 = vector.shape_cast %max3A_345 : vector<16xf32> to vector<1x16xf32>
        tpu.vector_store %arg10[%swap3A_346, %swap3A_347], %swap3A_350 {strides = array<i32>} : memref<64x128xf32, #tpu.memory_space<vmem>>, vector<1x16xf32>,
        %get3A_351 = arith.index_cast %scan3A_317 : i32 to index
        %get3A_352 = arith.constant 32 : index
        %get3A_353 = tpu.vector_load %arg10[%get3A_351, %get3A_352] {strides = array<i32>} : memref<64x128xf32, #tpu.memory_space<vmem>>, vector<1x16xf32>,
        %get3A_354 = vector.shape_cast %get3A_353 : vector<1x16xf32> to vector<16xf32>
        %get3A_355 = arith.index_cast %scan3A_317 : i32 to index
        %get3A_356 = arith.constant 32 : index
        %get3A_357 = tpu.vector_load %arg12[%get3A_355, %get3A_356] {strides = array<i32>} : memref<64x128xf32, #tpu.memory_space<vmem>>, vector<1x16xf32>,
        %get3A_358 = vector.shape_cast %get3A_357 : vector<1x16xf32> to vector<16xf32>
        %add3A_359 = arith.addf %get3A_354, %get3A_358 : vector<16xf32>
        %max3A_360 = arith.constant 0.000000e+00 : f32
        %max3A_361 = vector.broadcast %max3A_360 : f32 to vector<16xf32>
        %max3A_362 = arith.maximumf %add3A_359, %max3A_361 : vector<16xf32>
        %swap3A_363 = arith.index_cast %scan3A_317 : i32 to index
        %swap3A_364 = arith.constant 32 : index
        %swap3A_365 = tpu.vector_load %arg10[%swap3A_363, %swap3A_364] {strides = array<i32>} : memref<64x128xf32, #tpu.memory_space<vmem>>, vector<1x16xf32>,
        %swap3A_366 = vector.shape_cast %swap3A_365 : vector<1x16xf32> to vector<16xf32>
        %swap3A_367 = vector.shape_cast %max3A_362 : vector<16xf32> to vector<1x16xf32>
        tpu.vector_store %arg10[%swap3A_363, %swap3A_364], %swap3A_367 {strides = array<i32>} : memref<64x128xf32, #tpu.memory_space<vmem>>, vector<1x16xf32>,
        %get3A_368 = arith.index_cast %scan3A_317 : i32 to index
        %get3A_369 = arith.constant 48 : index
        %get3A_370 = tpu.vector_load %arg10[%get3A_368, %get3A_369] {strides = array<i32>} : memref<64x128xf32, #tpu.memory_space<vmem>>, vector<1x16xf32>,
        %get3A_371 = vector.shape_cast %get3A_370 : vector<1x16xf32> to vector<16xf32>
        %get3A_372 = arith.index_cast %scan3A_317 : i32 to index
        %get3A_373 = arith.constant 48 : index
        %get3A_374 = tpu.vector_load %arg12[%get3A_372, %get3A_373] {strides = array<i32>} : memref<64x128xf32, #tpu.memory_space<vmem>>, vector<1x16xf32>,
        %get3A_375 = vector.shape_cast %get3A_374 : vector<1x16xf32> to vector<16xf32>
        %add3A_376 = arith.addf %get3A_371, %get3A_375 : vector<16xf32>
        %max3A_377 = arith.constant 0.000000e+00 : f32
        %max3A_378 = vector.broadcast %max3A_377 : f32 to vector<16xf32>
        %max3A_379 = arith.maximumf %add3A_376, %max3A_378 : vector<16xf32>
        %swap3A_380 = arith.index_cast %scan3A_317 : i32 to index
        %swap3A_381 = arith.constant 48 : index
        %swap3A_382 = tpu.vector_load %arg10[%swap3A_380, %swap3A_381] {strides = array<i32>} : memref<64x128xf32, #tpu.memory_space<vmem>>, vector<1x16xf32>,
        %swap3A_383 = vector.shape_cast %swap3A_382 : vector<1x16xf32> to vector<16xf32>
        %swap3A_384 = vector.shape_cast %max3A_379 : vector<16xf32> to vector<1x16xf32>
        tpu.vector_store %arg10[%swap3A_380, %swap3A_381], %swap3A_384 {strides = array<i32>} : memref<64x128xf32, #tpu.memory_space<vmem>>, vector<1x16xf32>,
        %get3A_385 = arith.index_cast %scan3A_317 : i32 to index
        %get3A_386 = arith.constant 64 : index
        %get3A_387 = tpu.vector_load %arg10[%get3A_385, %get3A_386] {strides = array<i32>} : memref<64x128xf32, #tpu.memory_space<vmem>>, vector<1x16xf32>,
        %get3A_388 = vector.shape_cast %get3A_387 : vector<1x16xf32> to vector<16xf32>
        %get3A_389 = arith.index_cast %scan3A_317 : i32 to index
        %get3A_390 = arith.constant 64 : index
        %get3A_391 = tpu.vector_load %arg12[%get3A_389, %get3A_390] {strides = array<i32>} : memref<64x128xf32, #tpu.memory_space<vmem>>, vector<1x16xf32>,
        %get3A_392 = vector.shape_cast %get3A_391 : vector<1x16xf32> to vector<16xf32>
        %add3A_393 = arith.addf %get3A_388, %get3A_392 : vector<16xf32>
        %max3A_394 = arith.constant 0.000000e+00 : f32
        %max3A_395 = vector.broadcast %max3A_394 : f32 to vector<16xf32>
        %max3A_396 = arith.maximumf %add3A_393, %max3A_395 : vector<16xf32>
        %swap3A_397 = arith.index_cast %scan3A_317 : i32 to index
        %swap3A_398 = arith.constant 64 : index
        %swap3A_399 = tpu.vector_load %arg10[%swap3A_397, %swap3A_398] {strides = array<i32>} : memref<64x128xf32, #tpu.memory_space<vmem>>, vector<1x16xf32>,
        %swap3A_400 = vector.shape_cast %swap3A_399 : vector<1x16xf32> to vector<16xf32>
        %swap3A_401 = vector.shape_cast %max3A_396 : vector<16xf32> to vector<1x16xf32>
        tpu.vector_store %arg10[%swap3A_397, %swap3A_398], %swap3A_401 {strides = array<i32>} : memref<64x128xf32, #tpu.memory_space<vmem>>, vector<1x16xf32>,
        %get3A_402 = arith.index_cast %scan3A_317 : i32 to index
        %get3A_403 = arith.constant 80 : index
        %get3A_404 = tpu.vector_load %arg10[%get3A_402, %get3A_403] {strides = array<i32>} : memref<64x128xf32, #tpu.memory_space<vmem>>, vector<1x16xf32>,
        %get3A_405 = vector.shape_cast %get3A_404 : vector<1x16xf32> to vector<16xf32>
        %get3A_406 = arith.index_cast %scan3A_317 : i32 to index
        %get3A_407 = arith.constant 80 : index
        %get3A_408 = tpu.vector_load %arg12[%get3A_406, %get3A_407] {strides = array<i32>} : memref<64x128xf32, #tpu.memory_space<vmem>>, vector<1x16xf32>,
        %get3A_409 = vector.shape_cast %get3A_408 : vector<1x16xf32> to vector<16xf32>
        %add3A_410 = arith.addf %get3A_405, %get3A_409 : vector<16xf32>
        %max3A_411 = arith.constant 0.000000e+00 : f32
        %max3A_412 = vector.broadcast %max3A_411 : f32 to vector<16xf32>
        %max3A_413 = arith.maximumf %add3A_410, %max3A_412 : vector<16xf32>
        %swap3A_414 = arith.index_cast %scan3A_317 : i32 to index
        %swap3A_415 = arith.constant 80 : index
        %swap3A_416 = tpu.vector_load %arg10[%swap3A_414, %swap3A_415] {strides = array<i32>} : memref<64x128xf32, #tpu.memory_space<vmem>>, vector<1x16xf32>,
        %swap3A_417 = vector.shape_cast %swap3A_416 : vector<1x16xf32> to vector<16xf32>
        %swap3A_418 = vector.shape_cast %max3A_413 : vector<16xf32> to vector<1x16xf32>
        tpu.vector_store %arg10[%swap3A_414, %swap3A_415], %swap3A_418 {strides = array<i32>} : memref<64x128xf32, #tpu.memory_space<vmem>>, vector<1x16xf32>,
        %get3A_419 = arith.index_cast %scan3A_317 : i32 to index
        %get3A_420 = arith.constant 96 : index
        %get3A_421 = tpu.vector_load %arg10[%get3A_419, %get3A_420] {strides = array<i32>} : memref<64x128xf32, #tpu.memory_space<vmem>>, vector<1x16xf32>,
        %get3A_422 = vector.shape_cast %get3A_421 : vector<1x16xf32> to vector<16xf32>
        %get3A_423 = arith.index_cast %scan3A_317 : i32 to index
        %get3A_424 = arith.constant 96 : index
        %get3A_425 = tpu.vector_load %arg12[%get3A_423, %get3A_424] {strides = array<i32>} : memref<64x128xf32, #tpu.memory_space<vmem>>, vector<1x16xf32>,
        %get3A_426 = vector.shape_cast %get3A_425 : vector<1x16xf32> to vector<16xf32>
        %add3A_427 = arith.addf %get3A_422, %get3A_426 : vector<16xf32>
        %max3A_428 = arith.constant 0.000000e+00 : f32
        %max3A_429 = vector.broadcast %max3A_428 : f32 to vector<16xf32>
        %max3A_430 = arith.maximumf %add3A_427, %max3A_429 : vector<16xf32>
        %swap3A_431 = arith.index_cast %scan3A_317 : i32 to index
        %swap3A_432 = arith.constant 96 : index
        %swap3A_433 = tpu.vector_load %arg10[%swap3A_431, %swap3A_432] {strides = array<i32>} : memref<64x128xf32, #tpu.memory_space<vmem>>, vector<1x16xf32>,
        %swap3A_434 = vector.shape_cast %swap3A_433 : vector<1x16xf32> to vector<16xf32>
        %swap3A_435 = vector.shape_cast %max3A_430 : vector<16xf32> to vector<1x16xf32>
        tpu.vector_store %arg10[%swap3A_431, %swap3A_432], %swap3A_435 {strides = array<i32>} : memref<64x128xf32, #tpu.memory_space<vmem>>, vector<1x16xf32>,
        %get3A_436 = arith.index_cast %scan3A_317 : i32 to index
        %get3A_437 = arith.constant 112 : index
        %get3A_438 = tpu.vector_load %arg10[%get3A_436, %get3A_437] {strides = array<i32>} : memref<64x128xf32, #tpu.memory_space<vmem>>, vector<1x16xf32>,
        %get3A_439 = vector.shape_cast %get3A_438 : vector<1x16xf32> to vector<16xf32>
        %get3A_440 = arith.index_cast %scan3A_317 : i32 to index
        %get3A_441 = arith.constant 112 : index
        %get3A_442 = tpu.vector_load %arg12[%get3A_440, %get3A_441] {strides = array<i32>} : memref<64x128xf32, #tpu.memory_space<vmem>>, vector<1x16xf32>,
        %get3A_443 = vector.shape_cast %get3A_442 : vector<1x16xf32> to vector<16xf32>
        %add3A_444 = arith.addf %get3A_439, %get3A_443 : vector<16xf32>
        %max3A_445 = arith.constant 0.000000e+00 : f32
        %max3A_446 = vector.broadcast %max3A_445 : f32 to vector<16xf32>
        %max3A_447 = arith.maximumf %add3A_444, %max3A_446 : vector<16xf32>
        %swap3A_448 = arith.index_cast %scan3A_317 : i32 to index
        %swap3A_449 = arith.constant 112 : index
        %swap3A_450 = tpu.vector_load %arg10[%swap3A_448, %swap3A_449] {strides = array<i32>} : memref<64x128xf32, #tpu.memory_space<vmem>>, vector<1x16xf32>,
        %swap3A_451 = vector.shape_cast %swap3A_450 : vector<1x16xf32> to vector<16xf32>
        %swap3A_452 = vector.shape_cast %max3A_447 : vector<16xf32> to vector<1x16xf32>
        tpu.vector_store %arg10[%swap3A_448, %swap3A_449], %swap3A_452 {strides = array<i32>} : memref<64x128xf32, #tpu.memory_space<vmem>>, vector<1x16xf32>,
      }
      %scan3A_313 = arith.constant 64 : i32
      %dma_start3A_314 = arith.constant 0 : i32
      %dma_start3A_315 = arith.constant 0 : i32
      %dma_start3A_316 = tpu.memref_slice %arg25[%dma_start3A_314, %dma_start3A_315] : memref<8192x128xf32, #tpu.memory_space<vmem_shared>> -> memref<8192x128xf32, #tpu.memory_space<vmem_shared>>
      tpu.enqueue_indirect_dma source(%arg10 : memref<64x128xf32, #tpu.memory_space<vmem>>) target(%dma_start3A_316 : memref<8192x128xf32, #tpu.memory_space<vmem_shared>>) offsets(%arg24 : memref<64xi32, #tpu.memory_space<vmem>>) semaphore(%arg34 : memref<!tpu.dma_semaphore, #tpu.memory_space<semaphore_mem>>) {add = true}
    }
    %scan3A_181 = arith.constant 32 : i32
    %dma_wait3A = arith.constant 0 : i32
    %dma_wait3A_182 = arith.constant 0 : i32
    %dma_wait3A_183 = tpu.memref_slice %arg25[%dma_wait3A, %dma_wait3A_182] : memref<8192x128xf32, #tpu.memory_space<vmem_shared>> -> memref<8192x128xf32, #tpu.memory_space<vmem_shared>>
    tpu.wait_indirect_dma semaphore(%arg32 : memref<!tpu.dma_semaphore, #tpu.memory_space<semaphore_mem>>) src(%arg8 : memref<64x128xf32, #tpu.memory_space<vmem>>) dst(%dma_wait3A_183 : memref<8192x128xf32, #tpu.memory_space<vmem_shared>>)
    %dma_wait3A_184 = arith.constant 0 : i32
    %dma_wait3A_185 = arith.constant 0 : i32
    %dma_wait3A_186 = tpu.memref_slice %arg25[%dma_wait3A_184, %dma_wait3A_185] : memref<8192x128xf32, #tpu.memory_space<vmem_shared>> -> memref<8192x128xf32, #tpu.memory_space<vmem_shared>>
    tpu.wait_indirect_dma semaphore(%arg33 : memref<!tpu.dma_semaphore, #tpu.memory_space<semaphore_mem>>) src(%arg9 : memref<64x128xf32, #tpu.memory_space<vmem>>) dst(%dma_wait3A_186 : memref<8192x128xf32, #tpu.memory_space<vmem_shared>>)
    %dma_wait3A_187 = arith.constant 0 : i32
    %dma_wait3A_188 = arith.constant 0 : i32
    %dma_wait3A_189 = tpu.memref_slice %arg25[%dma_wait3A_187, %dma_wait3A_188] : memref<8192x128xf32, #tpu.memory_space<vmem_shared>> -> memref<8192x128xf32, #tpu.memory_space<vmem_shared>>
    tpu.wait_indirect_dma semaphore(%arg34 : memref<!tpu.dma_semaphore, #tpu.memory_space<semaphore_mem>>) src(%arg10 : memref<64x128xf32, #tpu.memory_space<vmem>>) dst(%dma_wait3A_189 : memref<8192x128xf32, #tpu.memory_space<vmem_shared>>)
    %barrier3A_190 = arith.constant 0 : index
    tpu.barrier barrier_id(%barrier3A_190)
    %mul3A_191 = arith.constant 512 : i32
    %mul3A_192 = arith.muli %arg1, %mul3A_191 : i32
    %mul3A_193 = arith.constant 8192 : i32
    %mul3A_194 = arith.muli %arg0, %mul3A_193 : i32
    %mul3A_195 = arith.constant 512 : i32
    %mul3A_196 = arith.muli %arg1, %mul3A_195 : i32
    %add3A_197 = arith.addi %mul3A_194, %mul3A_196 : i32
    "tpu.region"() ({
      %run_scoped3A = tpu.sem_alloc : memref<!tpu.dma_semaphore, #tpu.memory_space<semaphore_mem>>
      %dma_start3A_198 = arith.constant 0 : i32
      %dma_start3A_199 = tpu.memref_slice %arg5[%add3A_197, %dma_start3A_198] : memref<16384x128xf32, #tpu.memory_space<hbm>> -> memref<512x128xf32, #tpu.memory_space<hbm>>
      %dma_start3A_200 = arith.constant 0 : i32
      %dma_start3A_201 = tpu.memref_slice %arg25[%mul3A_192, %dma_start3A_200] : memref<8192x128xf32, #tpu.memory_space<vmem_shared>> -> memref<512x128xf32, #tpu.memory_space<vmem_shared>>
      tpu.enqueue_dma source(%dma_start3A_201 : memref<512x128xf32, #tpu.memory_space<vmem_shared>>) target(%dma_start3A_199 : memref<512x128xf32, #tpu.memory_space<hbm>>) target_semaphore(%run_scoped3A : memref<!tpu.dma_semaphore, #tpu.memory_space<semaphore_mem>>)
      %dma_wait3A_202 = arith.constant 0 : i32
      %dma_wait3A_203 = tpu.memref_slice %arg5[%add3A_197, %dma_wait3A_202] : memref<16384x128xf32, #tpu.memory_space<hbm>> -> memref<512x128xf32, #tpu.memory_space<hbm>>
      %dma_wait3A_204 = arith.constant 0 : i32
      %dma_wait3A_205 = tpu.memref_slice %arg25[%mul3A_192, %dma_wait3A_204] : memref<8192x128xf32, #tpu.memory_space<vmem_shared>> -> memref<512x128xf32, #tpu.memory_space<vmem_shared>>
      tpu.wait_dma2 semaphore(%run_scoped3A : memref<!tpu.dma_semaphore, #tpu.memory_space<semaphore_mem>>) src(%dma_wait3A_205 : memref<512x128xf32, #tpu.memory_space<vmem_shared>>) dst(%dma_wait3A_203 : memref<512x128xf32, #tpu.memory_space<hbm>>)
      tpu.yield
    }) : () -> ()
    return
  }
}

module attributes {stable_mosaic.version = 14 : i64} {
  func.func @_prep_body(%arg0: memref<2x1024x128xi32, #tpu.memory_space<vmem>>, %arg1: memref<3x1024x128xi32, #tpu.memory_space<vmem>>, %arg2: memref<5x256xf32, #tpu.memory_space<vmem>>, %arg3: memref<6x256xf32, #tpu.memory_space<vmem>>, %arg4: memref<2x256xf32, #tpu.memory_space<vmem>>, %arg5: memref<5x256xf32, #tpu.memory_space<vmem>>, %arg6: memref<6x256xf32, #tpu.memory_space<vmem>>, %arg7: memref<2x256xf32, #tpu.memory_space<vmem>>, %arg8: memref<1024x128xi32, #tpu.memory_space<vmem>>, %arg9: memref<2x128x128xf32, #tpu.memory_space<vmem>>) attributes {dimension_semantics = [], scalar_prefetch = 0 : i64, scratch_operands = 0 : i64, tpu.core_type = #tpu.core_type<tc>} {
    %get3A = arith.constant 0 : index
    %get3A_0 = arith.constant 0 : index
    %get3A_1 = arith.constant 0 : index
    %get3A_2 = vector.load %arg0[%get3A, %get3A_0, %get3A_1] : memref<2x1024x128xi32, #tpu.memory_space<vmem>>, vector<1x1024x128xi32>
    %get3A_3 = vector.shape_cast %get3A_2 : vector<1x1024x128xi32> to vector<1024x128xi32>
    %get3A_4 = arith.constant 1 : index
    %get3A_5 = arith.constant 0 : index
    %get3A_6 = arith.constant 0 : index
    %get3A_7 = vector.load %arg0[%get3A_4, %get3A_5, %get3A_6] : memref<2x1024x128xi32, #tpu.memory_space<vmem>>, vector<1x1024x128xi32>
    %get3A_8 = vector.shape_cast %get3A_7 : vector<1x1024x128xi32> to vector<1024x128xi32>
    %get3A_9 = arith.constant 0 : index
    %get3A_10 = arith.constant 0 : index
    %get3A_11 = arith.constant 0 : index
    %get3A_12 = vector.load %arg1[%get3A_9, %get3A_10, %get3A_11] : memref<3x1024x128xi32, #tpu.memory_space<vmem>>, vector<1x1024x128xi32>
    %get3A_13 = vector.shape_cast %get3A_12 : vector<1x1024x128xi32> to vector<1024x128xi32>
    %mul3A = arith.constant 12 : i32
    %mul3A_14 = vector.broadcast %mul3A : i32 to vector<1024x128xi32>
    %mul3A_15 = arith.muli %get3A_13, %mul3A_14 : vector<1024x128xi32>
    %get3A_16 = arith.constant 1 : index
    %get3A_17 = arith.constant 0 : index
    %get3A_18 = arith.constant 0 : index
    %get3A_19 = vector.load %arg1[%get3A_16, %get3A_17, %get3A_18] : memref<3x1024x128xi32, #tpu.memory_space<vmem>>, vector<1x1024x128xi32>
    %get3A_20 = vector.shape_cast %get3A_19 : vector<1x1024x128xi32> to vector<1024x128xi32>
    %mul3A_21 = arith.constant 2 : i32
    %mul3A_22 = vector.broadcast %mul3A_21 : i32 to vector<1024x128xi32>
    %mul3A_23 = arith.muli %get3A_20, %mul3A_22 : vector<1024x128xi32>
    %add3A = arith.addi %mul3A_15, %mul3A_23 : vector<1024x128xi32>
    %get3A_24 = arith.constant 2 : index
    %get3A_25 = arith.constant 0 : index
    %get3A_26 = arith.constant 0 : index
    %get3A_27 = vector.load %arg1[%get3A_24, %get3A_25, %get3A_26] : memref<3x1024x128xi32, #tpu.memory_space<vmem>>, vector<1x1024x128xi32>
    %get3A_28 = vector.shape_cast %get3A_27 : vector<1x1024x128xi32> to vector<1024x128xi32>
    %add3A_29 = arith.addi %add3A, %get3A_28 : vector<1024x128xi32>
    %shift_left3A = arith.constant 13 : i32
    %shift_left3A_30 = vector.broadcast %shift_left3A : i32 to vector<1024x128xi32>
    %shift_left3A_31 = arith.shli %add3A_29, %shift_left3A_30 : vector<1024x128xi32>
    %or3A = arith.ori %get3A_3, %shift_left3A_31 : vector<1024x128xi32>
    %shift_left3A_32 = arith.constant 19 : i32
    %shift_left3A_33 = vector.broadcast %shift_left3A_32 : i32 to vector<1024x128xi32>
    %shift_left3A_34 = arith.shli %get3A_8, %shift_left3A_33 : vector<1024x128xi32>
    %or3A_35 = arith.ori %or3A, %shift_left3A_34 : vector<1024x128xi32>
    %swap3A = arith.constant 0 : index
    %swap3A_36 = arith.constant 0 : index
    %swap3A_37 = vector.load %arg8[%swap3A, %swap3A_36] : memref<1024x128xi32, #tpu.memory_space<vmem>>, vector<1024x128xi32>
    tpu.vector_store %arg8[%swap3A, %swap3A_36], %or3A_35 {strides = array<i32>} : memref<1024x128xi32, #tpu.memory_space<vmem>>, vector<1024x128xi32>,
    %iota3A = tpu.iota {dimensions = array<i32: 0>} : vector<64x1xi32>
    %jit3A = arith.constant 12 : i32
    %div3A = vector.broadcast %jit3A : i32 to vector<64x1xi32>
    %div3A_38 = arith.divsi %iota3A, %div3A : vector<64x1xi32>
    %sign3A = arith.constant 0 : i32
    %sign3A_39 = vector.broadcast %sign3A : i32 to vector<64x1xi32>
    %sign3A_40 = arith.cmpi sgt, %iota3A, %sign3A_39 : vector<64x1xi32>
    %sign3A_41 = arith.extui %sign3A_40 : vector<64x1xi1> to vector<64x1xi32>
    %sign3A_42 = arith.constant 0 : i32
    %sign3A_43 = vector.broadcast %sign3A_42 : i32 to vector<64x1xi32>
    %sign3A_44 = arith.cmpi slt, %iota3A, %sign3A_43 : vector<64x1xi32>
    %sign3A_45 = arith.extui %sign3A_44 : vector<64x1xi1> to vector<64x1xi32>
    %sign3A_46 = arith.subi %sign3A_41, %sign3A_45 : vector<64x1xi32>
    %sign3A_47 = arith.constant 0 : i32
    %sign3A_48 = arith.cmpi sgt, %jit3A, %sign3A_47 : i32
    %sign3A_49 = arith.extui %sign3A_48 : i1 to i32
    %sign3A_50 = arith.constant 0 : i32
    %sign3A_51 = arith.cmpi slt, %jit3A, %sign3A_50 : i32
    %sign3A_52 = arith.extui %sign3A_51 : i1 to i32
    %sign3A_53 = arith.subi %sign3A_49, %sign3A_52 : i32
    %ne3A = vector.broadcast %sign3A_53 : i32 to vector<64x1xi32>
    %ne3A_54 = arith.cmpi ne, %sign3A_46, %ne3A : vector<64x1xi32>
    %rem3A = vector.broadcast %jit3A : i32 to vector<64x1xi32>
    %rem3A_55 = arith.remsi %iota3A, %rem3A : vector<64x1xi32>
    %ne3A_56 = arith.constant 0 : i32
    %ne3A_57 = vector.broadcast %ne3A_56 : i32 to vector<64x1xi32>
    %ne3A_58 = arith.cmpi ne, %rem3A_55, %ne3A_57 : vector<64x1xi32>
    %and3A = arith.andi %ne3A_54, %ne3A_58 : vector<64x1xi1>
    %sub3A = arith.constant 1 : i32
    %sub3A_59 = vector.broadcast %sub3A : i32 to vector<64x1xi32>
    %sub3A_60 = arith.subi %div3A_38, %sub3A_59 : vector<64x1xi32>
    %select_n3A = arith.select %and3A, %sub3A_60, %div3A_38 : vector<64x1xi1>, vector<64x1xi32>
    %iota3A_61 = tpu.iota {dimensions = array<i32: 1>} : vector<64x5xi32>
    %eq3A = vector.broadcast %select_n3A : vector<64x1xi32> to vector<64x5xi32>
    %eq3A_62 = arith.cmpi eq, %eq3A, %iota3A_61 : vector<64x5xi32>
    %convert_element_type3A = arith.extui %eq3A_62 : vector<64x5xi1> to vector<64x5xi32>
    %convert_element_type3A_63 = arith.sitofp %convert_element_type3A : vector<64x5xi32> to vector<64x5xf32>
    %jit3A_64 = arith.constant 2 : i32
    %div3A_65 = vector.broadcast %jit3A_64 : i32 to vector<64x1xi32>
    %div3A_66 = arith.divsi %iota3A, %div3A_65 : vector<64x1xi32>
    %sign3A_67 = arith.constant 0 : i32
    %sign3A_68 = vector.broadcast %sign3A_67 : i32 to vector<64x1xi32>
    %sign3A_69 = arith.cmpi sgt, %iota3A, %sign3A_68 : vector<64x1xi32>
    %sign3A_70 = arith.extui %sign3A_69 : vector<64x1xi1> to vector<64x1xi32>
    %sign3A_71 = arith.constant 0 : i32
    %sign3A_72 = vector.broadcast %sign3A_71 : i32 to vector<64x1xi32>
    %sign3A_73 = arith.cmpi slt, %iota3A, %sign3A_72 : vector<64x1xi32>
    %sign3A_74 = arith.extui %sign3A_73 : vector<64x1xi1> to vector<64x1xi32>
    %sign3A_75 = arith.subi %sign3A_70, %sign3A_74 : vector<64x1xi32>
    %sign3A_76 = arith.constant 0 : i32
    %sign3A_77 = arith.cmpi sgt, %jit3A_64, %sign3A_76 : i32
    %sign3A_78 = arith.extui %sign3A_77 : i1 to i32
    %sign3A_79 = arith.constant 0 : i32
    %sign3A_80 = arith.cmpi slt, %jit3A_64, %sign3A_79 : i32
    %sign3A_81 = arith.extui %sign3A_80 : i1 to i32
    %sign3A_82 = arith.subi %sign3A_78, %sign3A_81 : i32
    %ne3A_83 = vector.broadcast %sign3A_82 : i32 to vector<64x1xi32>
    %ne3A_84 = arith.cmpi ne, %sign3A_75, %ne3A_83 : vector<64x1xi32>
    %rem3A_85 = vector.broadcast %jit3A_64 : i32 to vector<64x1xi32>
    %rem3A_86 = arith.remsi %iota3A, %rem3A_85 : vector<64x1xi32>
    %ne3A_87 = arith.constant 0 : i32
    %ne3A_88 = vector.broadcast %ne3A_87 : i32 to vector<64x1xi32>
    %ne3A_89 = arith.cmpi ne, %rem3A_86, %ne3A_88 : vector<64x1xi32>
    %and3A_90 = arith.andi %ne3A_84, %ne3A_89 : vector<64x1xi1>
    %sub3A_91 = arith.constant 1 : i32
    %sub3A_92 = vector.broadcast %sub3A_91 : i32 to vector<64x1xi32>
    %sub3A_93 = arith.subi %div3A_66, %sub3A_92 : vector<64x1xi32>
    %select_n3A_94 = arith.select %and3A_90, %sub3A_93, %div3A_66 : vector<64x1xi1>, vector<64x1xi32>
    %jit3A_95 = arith.constant 6 : i32
    %eq3A_96 = arith.constant 0 : i32
    %eq3A_97 = arith.cmpi eq, %jit3A_95, %eq3A_96 : i32
    %jit3A_98 = arith.constant 1 : i32
    %select_n3A_99 = arith.select %eq3A_97, %jit3A_98, %jit3A_95 : i32
    %rem3A_100 = vector.broadcast %select_n3A_99 : i32 to vector<64x1xi32>
    %rem3A_101 = arith.remsi %select_n3A_94, %rem3A_100 : vector<64x1xi32>
    %ne3A_102 = arith.constant 0 : i32
    %ne3A_103 = vector.broadcast %ne3A_102 : i32 to vector<64x1xi32>
    %ne3A_104 = arith.cmpi ne, %rem3A_101, %ne3A_103 : vector<64x1xi32>
    %lt3A = arith.constant 0 : i32
    %lt3A_105 = vector.broadcast %lt3A : i32 to vector<64x1xi32>
    %lt3A_106 = arith.cmpi slt, %rem3A_101, %lt3A_105 : vector<64x1xi32>
    %lt3A_107 = arith.constant 0 : i32
    %lt3A_108 = arith.cmpi slt, %select_n3A_99, %lt3A_107 : i32
    %ne3A_109 = vector.broadcast %lt3A_108 : i1 to vector<64x1xi1>
    %ne3A_110 = vector.broadcast %ne3A_109 : vector<64x1xi1> to vector<64x1xi1>
    %ne3A_111 = arith.xori %lt3A_106, %ne3A_110 : vector<64x1xi1>
    %and3A_112 = arith.andi %ne3A_111, %ne3A_104 : vector<64x1xi1>
    %add3A_113 = vector.broadcast %select_n3A_99 : i32 to vector<64x1xi32>
    %add3A_114 = arith.addi %rem3A_101, %add3A_113 : vector<64x1xi32>
    %select_n3A_115 = arith.select %and3A_112, %add3A_114, %rem3A_101 : vector<64x1xi1>, vector<64x1xi32>
    %iota3A_116 = tpu.iota {dimensions = array<i32: 1>} : vector<64x6xi32>
    %eq3A_117 = vector.broadcast %select_n3A_115 : vector<64x1xi32> to vector<64x6xi32>
    %eq3A_118 = arith.cmpi eq, %eq3A_117, %iota3A_116 : vector<64x6xi32>
    %convert_element_type3A_119 = arith.extui %eq3A_118 : vector<64x6xi1> to vector<64x6xi32>
    %convert_element_type3A_120 = arith.sitofp %convert_element_type3A_119 : vector<64x6xi32> to vector<64x6xf32>
    %jit3A_121 = arith.constant 2 : i32
    %eq3A_122 = arith.constant 0 : i32
    %eq3A_123 = arith.cmpi eq, %jit3A_121, %eq3A_122 : i32
    %jit3A_124 = arith.constant 1 : i32
    %select_n3A_125 = arith.select %eq3A_123, %jit3A_124, %jit3A_121 : i32
    %rem3A_126 = vector.broadcast %select_n3A_125 : i32 to vector<64x1xi32>
    %rem3A_127 = arith.remsi %iota3A, %rem3A_126 : vector<64x1xi32>
    %ne3A_128 = arith.constant 0 : i32
    %ne3A_129 = vector.broadcast %ne3A_128 : i32 to vector<64x1xi32>
    %ne3A_130 = arith.cmpi ne, %rem3A_127, %ne3A_129 : vector<64x1xi32>
    %lt3A_131 = arith.constant 0 : i32
    %lt3A_132 = vector.broadcast %lt3A_131 : i32 to vector<64x1xi32>
    %lt3A_133 = arith.cmpi slt, %rem3A_127, %lt3A_132 : vector<64x1xi32>
    %lt3A_134 = arith.constant 0 : i32
    %lt3A_135 = arith.cmpi slt, %select_n3A_125, %lt3A_134 : i32
    %ne3A_136 = vector.broadcast %lt3A_135 : i1 to vector<64x1xi1>
    %ne3A_137 = vector.broadcast %ne3A_136 : vector<64x1xi1> to vector<64x1xi1>
    %ne3A_138 = arith.xori %lt3A_133, %ne3A_137 : vector<64x1xi1>
    %and3A_139 = arith.andi %ne3A_138, %ne3A_130 : vector<64x1xi1>
    %add3A_140 = vector.broadcast %select_n3A_125 : i32 to vector<64x1xi32>
    %add3A_141 = arith.addi %rem3A_127, %add3A_140 : vector<64x1xi32>
    %select_n3A_142 = arith.select %and3A_139, %add3A_141, %rem3A_127 : vector<64x1xi1>, vector<64x1xi32>
    %iota3A_143 = tpu.iota {dimensions = array<i32: 1>} : vector<64x2xi32>
    %eq3A_144 = vector.broadcast %select_n3A_142 : vector<64x1xi32> to vector<64x2xi32>
    %eq3A_145 = arith.cmpi eq, %eq3A_144, %iota3A_143 : vector<64x2xi32>
    %convert_element_type3A_146 = arith.extui %eq3A_145 : vector<64x2xi1> to vector<64x2xi32>
    %convert_element_type3A_147 = arith.sitofp %convert_element_type3A_146 : vector<64x2xi32> to vector<64x2xf32>
    %get3A_148 = arith.constant 0 : index
    %get3A_149 = arith.constant 0 : index
    %get3A_150 = vector.load %arg2[%get3A_148, %get3A_149] : memref<5x256xf32, #tpu.memory_space<vmem>>, vector<5x256xf32>
    %dot_general3A = arith.constant dense<0.000000e+00> : vector<64x256xf32>
    %dot_general3A_151 = tpu.matmul %convert_element_type3A_63, %get3A_150, %dot_general3A {dimension_numbers = #tpu.dot_dimension_numbers<[1], [0], [0], [1], [0, 0, 1, 1], [], []>, precision = #tpu.contract_precision<fp32>, transpose_lhs_hint = false} : vector<64x5xf32>, vector<5x256xf32>, vector<64x256xf32> -> vector<64x256xf32>
    %get3A_152 = arith.constant 0 : index
    %get3A_153 = arith.constant 0 : index
    %get3A_154 = vector.load %arg3[%get3A_152, %get3A_153] : memref<6x256xf32, #tpu.memory_space<vmem>>, vector<6x256xf32>
    %dot_general3A_155 = arith.constant dense<0.000000e+00> : vector<64x256xf32>
    %dot_general3A_156 = tpu.matmul %convert_element_type3A_120, %get3A_154, %dot_general3A_155 {dimension_numbers = #tpu.dot_dimension_numbers<[1], [0], [0], [1], [0, 0, 1, 1], [], []>, precision = #tpu.contract_precision<fp32>, transpose_lhs_hint = false} : vector<64x6xf32>, vector<6x256xf32>, vector<64x256xf32> -> vector<64x256xf32>
    %add3A_157 = arith.addf %dot_general3A_151, %dot_general3A_156 : vector<64x256xf32>
    %get3A_158 = arith.constant 0 : index
    %get3A_159 = arith.constant 0 : index
    %get3A_160 = vector.load %arg4[%get3A_158, %get3A_159] : memref<2x256xf32, #tpu.memory_space<vmem>>, vector<2x256xf32>
    %dot_general3A_161 = arith.constant dense<0.000000e+00> : vector<64x256xf32>
    %dot_general3A_162 = tpu.matmul %convert_element_type3A_147, %get3A_160, %dot_general3A_161 {dimension_numbers = #tpu.dot_dimension_numbers<[1], [0], [0], [1], [0, 0, 1, 1], [], []>, precision = #tpu.contract_precision<fp32>, transpose_lhs_hint = false} : vector<64x2xf32>, vector<2x256xf32>, vector<64x256xf32> -> vector<64x256xf32>
    %add3A_163 = arith.addf %add3A_157, %dot_general3A_162 : vector<64x256xf32>
    %slice3A = vector.extract_strided_slice %add3A_163 {offsets = [0, 0], sizes = [64, 128], strides = [1, 1]} : vector<64x256xf32> to vector<64x128xf32>
    %swap3A_164 = arith.constant 0 : index
    %swap3A_165 = arith.constant 0 : index
    %swap3A_166 = arith.constant 0 : index
    %swap3A_167 = vector.load %arg9[%swap3A_164, %swap3A_165, %swap3A_166] : memref<2x128x128xf32, #tpu.memory_space<vmem>>, vector<1x64x128xf32>
    %swap3A_168 = vector.shape_cast %swap3A_167 : vector<1x64x128xf32> to vector<64x128xf32>
    %swap3A_169 = vector.shape_cast %slice3A : vector<64x128xf32> to vector<1x64x128xf32>
    tpu.vector_store %arg9[%swap3A_164, %swap3A_165, %swap3A_166], %swap3A_169 {strides = array<i32>} : memref<2x128x128xf32, #tpu.memory_space<vmem>>, vector<1x64x128xf32>,
    %slice3A_170 = vector.extract_strided_slice %add3A_163 {offsets = [0, 128], sizes = [64, 128], strides = [1, 1]} : vector<64x256xf32> to vector<64x128xf32>
    %swap3A_171 = arith.constant 0 : index
    %swap3A_172 = arith.constant 64 : index
    %swap3A_173 = arith.constant 0 : index
    %swap3A_174 = vector.load %arg9[%swap3A_171, %swap3A_172, %swap3A_173] : memref<2x128x128xf32, #tpu.memory_space<vmem>>, vector<1x64x128xf32>
    %swap3A_175 = vector.shape_cast %swap3A_174 : vector<1x64x128xf32> to vector<64x128xf32>
    %swap3A_176 = vector.shape_cast %slice3A_170 : vector<64x128xf32> to vector<1x64x128xf32>
    tpu.vector_store %arg9[%swap3A_171, %swap3A_172, %swap3A_173], %swap3A_176 {strides = array<i32>} : memref<2x128x128xf32, #tpu.memory_space<vmem>>, vector<1x64x128xf32>,
    %jit3A_177 = arith.constant 12 : i32
    %div3A_178 = vector.broadcast %jit3A_177 : i32 to vector<64x1xi32>
    %div3A_179 = arith.divsi %iota3A, %div3A_178 : vector<64x1xi32>
    %sign3A_180 = arith.constant 0 : i32
    %sign3A_181 = vector.broadcast %sign3A_180 : i32 to vector<64x1xi32>
    %sign3A_182 = arith.cmpi sgt, %iota3A, %sign3A_181 : vector<64x1xi32>
    %sign3A_183 = arith.extui %sign3A_182 : vector<64x1xi1> to vector<64x1xi32>
    %sign3A_184 = arith.constant 0 : i32
    %sign3A_185 = vector.broadcast %sign3A_184 : i32 to vector<64x1xi32>
    %sign3A_186 = arith.cmpi slt, %iota3A, %sign3A_185 : vector<64x1xi32>
    %sign3A_187 = arith.extui %sign3A_186 : vector<64x1xi1> to vector<64x1xi32>
    %sign3A_188 = arith.subi %sign3A_183, %sign3A_187 : vector<64x1xi32>
    %sign3A_189 = arith.constant 0 : i32
    %sign3A_190 = arith.cmpi sgt, %jit3A_177, %sign3A_189 : i32
    %sign3A_191 = arith.extui %sign3A_190 : i1 to i32
    %sign3A_192 = arith.constant 0 : i32
    %sign3A_193 = arith.cmpi slt, %jit3A_177, %sign3A_192 : i32
    %sign3A_194 = arith.extui %sign3A_193 : i1 to i32
    %sign3A_195 = arith.subi %sign3A_191, %sign3A_194 : i32
    %ne3A_196 = vector.broadcast %sign3A_195 : i32 to vector<64x1xi32>
    %ne3A_197 = arith.cmpi ne, %sign3A_188, %ne3A_196 : vector<64x1xi32>
    %rem3A_198 = vector.broadcast %jit3A_177 : i32 to vector<64x1xi32>
    %rem3A_199 = arith.remsi %iota3A, %rem3A_198 : vector<64x1xi32>
    %ne3A_200 = arith.constant 0 : i32
    %ne3A_201 = vector.broadcast %ne3A_200 : i32 to vector<64x1xi32>
    %ne3A_202 = arith.cmpi ne, %rem3A_199, %ne3A_201 : vector<64x1xi32>
    %and3A_203 = arith.andi %ne3A_197, %ne3A_202 : vector<64x1xi1>
    %sub3A_204 = arith.constant 1 : i32
    %sub3A_205 = vector.broadcast %sub3A_204 : i32 to vector<64x1xi32>
    %sub3A_206 = arith.subi %div3A_179, %sub3A_205 : vector<64x1xi32>
    %select_n3A_207 = arith.select %and3A_203, %sub3A_206, %div3A_179 : vector<64x1xi1>, vector<64x1xi32>
    %iota3A_208 = tpu.iota {dimensions = array<i32: 1>} : vector<64x5xi32>
    %eq3A_209 = vector.broadcast %select_n3A_207 : vector<64x1xi32> to vector<64x5xi32>
    %eq3A_210 = arith.cmpi eq, %eq3A_209, %iota3A_208 : vector<64x5xi32>
    %convert_element_type3A_211 = arith.extui %eq3A_210 : vector<64x5xi1> to vector<64x5xi32>
    %convert_element_type3A_212 = arith.sitofp %convert_element_type3A_211 : vector<64x5xi32> to vector<64x5xf32>
    %jit3A_213 = arith.constant 2 : i32
    %div3A_214 = vector.broadcast %jit3A_213 : i32 to vector<64x1xi32>
    %div3A_215 = arith.divsi %iota3A, %div3A_214 : vector<64x1xi32>
    %sign3A_216 = arith.constant 0 : i32
    %sign3A_217 = vector.broadcast %sign3A_216 : i32 to vector<64x1xi32>
    %sign3A_218 = arith.cmpi sgt, %iota3A, %sign3A_217 : vector<64x1xi32>
    %sign3A_219 = arith.extui %sign3A_218 : vector<64x1xi1> to vector<64x1xi32>
    %sign3A_220 = arith.constant 0 : i32
    %sign3A_221 = vector.broadcast %sign3A_220 : i32 to vector<64x1xi32>
    %sign3A_222 = arith.cmpi slt, %iota3A, %sign3A_221 : vector<64x1xi32>
    %sign3A_223 = arith.extui %sign3A_222 : vector<64x1xi1> to vector<64x1xi32>
    %sign3A_224 = arith.subi %sign3A_219, %sign3A_223 : vector<64x1xi32>
    %sign3A_225 = arith.constant 0 : i32
    %sign3A_226 = arith.cmpi sgt, %jit3A_213, %sign3A_225 : i32
    %sign3A_227 = arith.extui %sign3A_226 : i1 to i32
    %sign3A_228 = arith.constant 0 : i32
    %sign3A_229 = arith.cmpi slt, %jit3A_213, %sign3A_228 : i32
    %sign3A_230 = arith.extui %sign3A_229 : i1 to i32
    %sign3A_231 = arith.subi %sign3A_227, %sign3A_230 : i32
    %ne3A_232 = vector.broadcast %sign3A_231 : i32 to vector<64x1xi32>
    %ne3A_233 = arith.cmpi ne, %sign3A_224, %ne3A_232 : vector<64x1xi32>
    %rem3A_234 = vector.broadcast %jit3A_213 : i32 to vector<64x1xi32>
    %rem3A_235 = arith.remsi %iota3A, %rem3A_234 : vector<64x1xi32>
    %ne3A_236 = arith.constant 0 : i32
    %ne3A_237 = vector.broadcast %ne3A_236 : i32 to vector<64x1xi32>
    %ne3A_238 = arith.cmpi ne, %rem3A_235, %ne3A_237 : vector<64x1xi32>
    %and3A_239 = arith.andi %ne3A_233, %ne3A_238 : vector<64x1xi1>
    %sub3A_240 = arith.constant 1 : i32
    %sub3A_241 = vector.broadcast %sub3A_240 : i32 to vector<64x1xi32>
    %sub3A_242 = arith.subi %div3A_215, %sub3A_241 : vector<64x1xi32>
    %select_n3A_243 = arith.select %and3A_239, %sub3A_242, %div3A_215 : vector<64x1xi1>, vector<64x1xi32>
    %jit3A_244 = arith.constant 6 : i32
    %eq3A_245 = arith.constant 0 : i32
    %eq3A_246 = arith.cmpi eq, %jit3A_244, %eq3A_245 : i32
    %jit3A_247 = arith.constant 1 : i32
    %select_n3A_248 = arith.select %eq3A_246, %jit3A_247, %jit3A_244 : i32
    %rem3A_249 = vector.broadcast %select_n3A_248 : i32 to vector<64x1xi32>
    %rem3A_250 = arith.remsi %select_n3A_243, %rem3A_249 : vector<64x1xi32>
    %ne3A_251 = arith.constant 0 : i32
    %ne3A_252 = vector.broadcast %ne3A_251 : i32 to vector<64x1xi32>
    %ne3A_253 = arith.cmpi ne, %rem3A_250, %ne3A_252 : vector<64x1xi32>
    %lt3A_254 = arith.constant 0 : i32
    %lt3A_255 = vector.broadcast %lt3A_254 : i32 to vector<64x1xi32>
    %lt3A_256 = arith.cmpi slt, %rem3A_250, %lt3A_255 : vector<64x1xi32>
    %lt3A_257 = arith.constant 0 : i32
    %lt3A_258 = arith.cmpi slt, %select_n3A_248, %lt3A_257 : i32
    %ne3A_259 = vector.broadcast %lt3A_258 : i1 to vector<64x1xi1>
    %ne3A_260 = vector.broadcast %ne3A_259 : vector<64x1xi1> to vector<64x1xi1>
    %ne3A_261 = arith.xori %lt3A_256, %ne3A_260 : vector<64x1xi1>
    %and3A_262 = arith.andi %ne3A_261, %ne3A_253 : vector<64x1xi1>
    %add3A_263 = vector.broadcast %select_n3A_248 : i32 to vector<64x1xi32>
    %add3A_264 = arith.addi %rem3A_250, %add3A_263 : vector<64x1xi32>
    %select_n3A_265 = arith.select %and3A_262, %add3A_264, %rem3A_250 : vector<64x1xi1>, vector<64x1xi32>
    %iota3A_266 = tpu.iota {dimensions = array<i32: 1>} : vector<64x6xi32>
    %eq3A_267 = vector.broadcast %select_n3A_265 : vector<64x1xi32> to vector<64x6xi32>
    %eq3A_268 = arith.cmpi eq, %eq3A_267, %iota3A_266 : vector<64x6xi32>
    %convert_element_type3A_269 = arith.extui %eq3A_268 : vector<64x6xi1> to vector<64x6xi32>
    %convert_element_type3A_270 = arith.sitofp %convert_element_type3A_269 : vector<64x6xi32> to vector<64x6xf32>
    %jit3A_271 = arith.constant 2 : i32
    %eq3A_272 = arith.constant 0 : i32
    %eq3A_273 = arith.cmpi eq, %jit3A_271, %eq3A_272 : i32
    %jit3A_274 = arith.constant 1 : i32
    %select_n3A_275 = arith.select %eq3A_273, %jit3A_274, %jit3A_271 : i32
    %rem3A_276 = vector.broadcast %select_n3A_275 : i32 to vector<64x1xi32>
    %rem3A_277 = arith.remsi %iota3A, %rem3A_276 : vector<64x1xi32>
    %ne3A_278 = arith.constant 0 : i32
    %ne3A_279 = vector.broadcast %ne3A_278 : i32 to vector<64x1xi32>
    %ne3A_280 = arith.cmpi ne, %rem3A_277, %ne3A_279 : vector<64x1xi32>
    %lt3A_281 = arith.constant 0 : i32
    %lt3A_282 = vector.broadcast %lt3A_281 : i32 to vector<64x1xi32>
    %lt3A_283 = arith.cmpi slt, %rem3A_277, %lt3A_282 : vector<64x1xi32>
    %lt3A_284 = arith.constant 0 : i32
    %lt3A_285 = arith.cmpi slt, %select_n3A_275, %lt3A_284 : i32
    %ne3A_286 = vector.broadcast %lt3A_285 : i1 to vector<64x1xi1>
    %ne3A_287 = vector.broadcast %ne3A_286 : vector<64x1xi1> to vector<64x1xi1>
    %ne3A_288 = arith.xori %lt3A_283, %ne3A_287 : vector<64x1xi1>
    %and3A_289 = arith.andi %ne3A_288, %ne3A_280 : vector<64x1xi1>
    %add3A_290 = vector.broadcast %select_n3A_275 : i32 to vector<64x1xi32>
    %add3A_291 = arith.addi %rem3A_277, %add3A_290 : vector<64x1xi32>
    %select_n3A_292 = arith.select %and3A_289, %add3A_291, %rem3A_277 : vector<64x1xi1>, vector<64x1xi32>
    %iota3A_293 = tpu.iota {dimensions = array<i32: 1>} : vector<64x2xi32>
    %eq3A_294 = vector.broadcast %select_n3A_292 : vector<64x1xi32> to vector<64x2xi32>
    %eq3A_295 = arith.cmpi eq, %eq3A_294, %iota3A_293 : vector<64x2xi32>
    %convert_element_type3A_296 = arith.extui %eq3A_295 : vector<64x2xi1> to vector<64x2xi32>
    %convert_element_type3A_297 = arith.sitofp %convert_element_type3A_296 : vector<64x2xi32> to vector<64x2xf32>
    %get3A_298 = arith.constant 0 : index
    %get3A_299 = arith.constant 0 : index
    %get3A_300 = vector.load %arg5[%get3A_298, %get3A_299] : memref<5x256xf32, #tpu.memory_space<vmem>>, vector<5x256xf32>
    %dot_general3A_301 = arith.constant dense<0.000000e+00> : vector<64x256xf32>
    %dot_general3A_302 = tpu.matmul %convert_element_type3A_212, %get3A_300, %dot_general3A_301 {dimension_numbers = #tpu.dot_dimension_numbers<[1], [0], [0], [1], [0, 0, 1, 1], [], []>, precision = #tpu.contract_precision<fp32>, transpose_lhs_hint = false} : vector<64x5xf32>, vector<5x256xf32>, vector<64x256xf32> -> vector<64x256xf32>
    %get3A_303 = arith.constant 0 : index
    %get3A_304 = arith.constant 0 : index
    %get3A_305 = vector.load %arg6[%get3A_303, %get3A_304] : memref<6x256xf32, #tpu.memory_space<vmem>>, vector<6x256xf32>
    %dot_general3A_306 = arith.constant dense<0.000000e+00> : vector<64x256xf32>
    %dot_general3A_307 = tpu.matmul %convert_element_type3A_270, %get3A_305, %dot_general3A_306 {dimension_numbers = #tpu.dot_dimension_numbers<[1], [0], [0], [1], [0, 0, 1, 1], [], []>, precision = #tpu.contract_precision<fp32>, transpose_lhs_hint = false} : vector<64x6xf32>, vector<6x256xf32>, vector<64x256xf32> -> vector<64x256xf32>
    %add3A_308 = arith.addf %dot_general3A_302, %dot_general3A_307 : vector<64x256xf32>
    %get3A_309 = arith.constant 0 : index
    %get3A_310 = arith.constant 0 : index
    %get3A_311 = vector.load %arg7[%get3A_309, %get3A_310] : memref<2x256xf32, #tpu.memory_space<vmem>>, vector<2x256xf32>
    %dot_general3A_312 = arith.constant dense<0.000000e+00> : vector<64x256xf32>
    %dot_general3A_313 = tpu.matmul %convert_element_type3A_297, %get3A_311, %dot_general3A_312 {dimension_numbers = #tpu.dot_dimension_numbers<[1], [0], [0], [1], [0, 0, 1, 1], [], []>, precision = #tpu.contract_precision<fp32>, transpose_lhs_hint = false} : vector<64x2xf32>, vector<2x256xf32>, vector<64x256xf32> -> vector<64x256xf32>
    %add3A_314 = arith.addf %add3A_308, %dot_general3A_313 : vector<64x256xf32>
    %slice3A_315 = vector.extract_strided_slice %add3A_314 {offsets = [0, 0], sizes = [64, 128], strides = [1, 1]} : vector<64x256xf32> to vector<64x128xf32>
    %swap3A_316 = arith.constant 1 : index
    %swap3A_317 = arith.constant 0 : index
    %swap3A_318 = arith.constant 0 : index
    %swap3A_319 = vector.load %arg9[%swap3A_316, %swap3A_317, %swap3A_318] : memref<2x128x128xf32, #tpu.memory_space<vmem>>, vector<1x64x128xf32>
    %swap3A_320 = vector.shape_cast %swap3A_319 : vector<1x64x128xf32> to vector<64x128xf32>
    %swap3A_321 = vector.shape_cast %slice3A_315 : vector<64x128xf32> to vector<1x64x128xf32>
    tpu.vector_store %arg9[%swap3A_316, %swap3A_317, %swap3A_318], %swap3A_321 {strides = array<i32>} : memref<2x128x128xf32, #tpu.memory_space<vmem>>, vector<1x64x128xf32>,
    %slice3A_322 = vector.extract_strided_slice %add3A_314 {offsets = [0, 128], sizes = [64, 128], strides = [1, 1]} : vector<64x256xf32> to vector<64x128xf32>
    %swap3A_323 = arith.constant 1 : index
    %swap3A_324 = arith.constant 64 : index
    %swap3A_325 = arith.constant 0 : index
    %swap3A_326 = vector.load %arg9[%swap3A_323, %swap3A_324, %swap3A_325] : memref<2x128x128xf32, #tpu.memory_space<vmem>>, vector<1x64x128xf32>
    %swap3A_327 = vector.shape_cast %swap3A_326 : vector<1x64x128xf32> to vector<64x128xf32>
    %swap3A_328 = vector.shape_cast %slice3A_322 : vector<64x128xf32> to vector<1x64x128xf32>
    tpu.vector_store %arg9[%swap3A_323, %swap3A_324, %swap3A_325], %swap3A_328 {strides = array<i32>} : memref<2x128x128xf32, #tpu.memory_space<vmem>>, vector<1x64x128xf32>,
    return
  }
}

module attributes {stable_mosaic.version = 14 : i64} {
  func.func @_encode_body(%arg0: i32, %arg1: i32, %arg2: memref<512x16xi32, #tpu.memory_space<vmem>>, %arg3: memref<256x128xf32, #tpu.memory_space<vmem>>, %arg4: memref<512x128xf32, #tpu.memory_space<vmem>>) attributes {dimension_semantics = [#tpu.dimension_semantics<arbitrary>, #tpu.dimension_semantics<arbitrary>], iteration_bounds = array<i64: 16, 2>, scalar_prefetch = 0 : i64, scratch_operands = 0 : i64, tpu.core_type = #tpu.core_type<tc>, window_params = [{transform_indices = @transform_0, window_bounds = array<i64: 512, 16>}, {transform_indices = @transform_1, window_bounds = array<i64: 256, 128>}, {transform_indices = @transform_2, window_bounds = array<i64: 512, 128>}]} {
    %get3A = arith.constant 0 : index
    %get3A_0 = arith.constant 0 : index
    %get3A_1 = vector.load %arg2[%get3A, %get3A_0] : memref<512x16xi32, #tpu.memory_space<vmem>>, vector<512x16xi32>
    %iota3A = tpu.iota {dimensions = array<i32: 1>} : vector<512x256xi32>
    %broadcast_in_dim3A = arith.constant 0.000000e+00 : f32
    %broadcast_in_dim3A_2 = vector.broadcast %broadcast_in_dim3A : f32 to vector<512x256xf32>
    %slice3A = vector.extract_strided_slice %get3A_1 {offsets = [0, 0], sizes = [512, 1], strides = [1, 1]} : vector<512x16xi32> to vector<512x1xi32>
    %add3A = arith.constant 0 : i32
    %add3A_3 = vector.broadcast %add3A : i32 to vector<512x1xi32>
    %add3A_4 = arith.addi %slice3A, %add3A_3 : vector<512x1xi32>
    %eq3A = vector.broadcast %add3A_4 : vector<512x1xi32> to vector<512x256xi32>
    %eq3A_5 = arith.cmpi eq, %iota3A, %eq3A : vector<512x256xi32>
    %convert_element_type3A = arith.extui %eq3A_5 : vector<512x256xi1> to vector<512x256xi32>
    %convert_element_type3A_6 = arith.sitofp %convert_element_type3A : vector<512x256xi32> to vector<512x256xf32>
    %add3A_7 = arith.addf %broadcast_in_dim3A_2, %convert_element_type3A_6 : vector<512x256xf32>
    %slice3A_8 = vector.extract_strided_slice %get3A_1 {offsets = [0, 1], sizes = [512, 1], strides = [1, 1]} : vector<512x16xi32> to vector<512x1xi32>
    %add3A_9 = arith.constant 119 : i32
    %add3A_10 = vector.broadcast %add3A_9 : i32 to vector<512x1xi32>
    %add3A_11 = arith.addi %slice3A_8, %add3A_10 : vector<512x1xi32>
    %eq3A_12 = vector.broadcast %add3A_11 : vector<512x1xi32> to vector<512x256xi32>
    %eq3A_13 = arith.cmpi eq, %iota3A, %eq3A_12 : vector<512x256xi32>
    %convert_element_type3A_14 = arith.extui %eq3A_13 : vector<512x256xi1> to vector<512x256xi32>
    %convert_element_type3A_15 = arith.sitofp %convert_element_type3A_14 : vector<512x256xi32> to vector<512x256xf32>
    %add3A_16 = arith.addf %add3A_7, %convert_element_type3A_15 : vector<512x256xf32>
    %slice3A_17 = vector.extract_strided_slice %get3A_1 {offsets = [0, 2], sizes = [512, 1], strides = [1, 1]} : vector<512x16xi32> to vector<512x1xi32>
    %add3A_18 = arith.constant 123 : i32
    %add3A_19 = vector.broadcast %add3A_18 : i32 to vector<512x1xi32>
    %add3A_20 = arith.addi %slice3A_17, %add3A_19 : vector<512x1xi32>
    %eq3A_21 = vector.broadcast %add3A_20 : vector<512x1xi32> to vector<512x256xi32>
    %eq3A_22 = arith.cmpi eq, %iota3A, %eq3A_21 : vector<512x256xi32>
    %convert_element_type3A_23 = arith.extui %eq3A_22 : vector<512x256xi1> to vector<512x256xi32>
    %convert_element_type3A_24 = arith.sitofp %convert_element_type3A_23 : vector<512x256xi32> to vector<512x256xf32>
    %add3A_25 = arith.addf %add3A_16, %convert_element_type3A_24 : vector<512x256xf32>
    %slice3A_26 = vector.extract_strided_slice %get3A_1 {offsets = [0, 3], sizes = [512, 1], strides = [1, 1]} : vector<512x16xi32> to vector<512x1xi32>
    %add3A_27 = arith.constant 135 : i32
    %add3A_28 = vector.broadcast %add3A_27 : i32 to vector<512x1xi32>
    %add3A_29 = arith.addi %slice3A_26, %add3A_28 : vector<512x1xi32>
    %eq3A_30 = vector.broadcast %add3A_29 : vector<512x1xi32> to vector<512x256xi32>
    %eq3A_31 = arith.cmpi eq, %iota3A, %eq3A_30 : vector<512x256xi32>
    %convert_element_type3A_32 = arith.extui %eq3A_31 : vector<512x256xi1> to vector<512x256xi32>
    %convert_element_type3A_33 = arith.sitofp %convert_element_type3A_32 : vector<512x256xi32> to vector<512x256xf32>
    %add3A_34 = arith.addf %add3A_25, %convert_element_type3A_33 : vector<512x256xf32>
    %slice3A_35 = vector.extract_strided_slice %get3A_1 {offsets = [0, 4], sizes = [512, 1], strides = [1, 1]} : vector<512x16xi32> to vector<512x1xi32>
    %add3A_36 = arith.constant 147 : i32
    %add3A_37 = vector.broadcast %add3A_36 : i32 to vector<512x1xi32>
    %add3A_38 = arith.addi %slice3A_35, %add3A_37 : vector<512x1xi32>
    %eq3A_39 = vector.broadcast %add3A_38 : vector<512x1xi32> to vector<512x256xi32>
    %eq3A_40 = arith.cmpi eq, %iota3A, %eq3A_39 : vector<512x256xi32>
    %convert_element_type3A_41 = arith.extui %eq3A_40 : vector<512x256xi1> to vector<512x256xi32>
    %convert_element_type3A_42 = arith.sitofp %convert_element_type3A_41 : vector<512x256xi32> to vector<512x256xf32>
    %add3A_43 = arith.addf %add3A_34, %convert_element_type3A_42 : vector<512x256xf32>
    %slice3A_44 = vector.extract_strided_slice %get3A_1 {offsets = [0, 5], sizes = [512, 1], strides = [1, 1]} : vector<512x16xi32> to vector<512x1xi32>
    %add3A_45 = arith.constant 157 : i32
    %add3A_46 = vector.broadcast %add3A_45 : i32 to vector<512x1xi32>
    %add3A_47 = arith.addi %slice3A_44, %add3A_46 : vector<512x1xi32>
    %eq3A_48 = vector.broadcast %add3A_47 : vector<512x1xi32> to vector<512x256xi32>
    %eq3A_49 = arith.cmpi eq, %iota3A, %eq3A_48 : vector<512x256xi32>
    %convert_element_type3A_50 = arith.extui %eq3A_49 : vector<512x256xi1> to vector<512x256xi32>
    %convert_element_type3A_51 = arith.sitofp %convert_element_type3A_50 : vector<512x256xi32> to vector<512x256xf32>
    %add3A_52 = arith.addf %add3A_43, %convert_element_type3A_51 : vector<512x256xf32>
    %slice3A_53 = vector.extract_strided_slice %get3A_1 {offsets = [0, 6], sizes = [512, 1], strides = [1, 1]} : vector<512x16xi32> to vector<512x1xi32>
    %add3A_54 = arith.constant 163 : i32
    %add3A_55 = vector.broadcast %add3A_54 : i32 to vector<512x1xi32>
    %add3A_56 = arith.addi %slice3A_53, %add3A_55 : vector<512x1xi32>
    %eq3A_57 = vector.broadcast %add3A_56 : vector<512x1xi32> to vector<512x256xi32>
    %eq3A_58 = arith.cmpi eq, %iota3A, %eq3A_57 : vector<512x256xi32>
    %convert_element_type3A_59 = arith.extui %eq3A_58 : vector<512x256xi1> to vector<512x256xi32>
    %convert_element_type3A_60 = arith.sitofp %convert_element_type3A_59 : vector<512x256xi32> to vector<512x256xf32>
    %add3A_61 = arith.addf %add3A_52, %convert_element_type3A_60 : vector<512x256xf32>
    %slice3A_62 = vector.extract_strided_slice %get3A_1 {offsets = [0, 7], sizes = [512, 1], strides = [1, 1]} : vector<512x16xi32> to vector<512x1xi32>
    %add3A_63 = arith.constant 169 : i32
    %add3A_64 = vector.broadcast %add3A_63 : i32 to vector<512x1xi32>
    %add3A_65 = arith.addi %slice3A_62, %add3A_64 : vector<512x1xi32>
    %eq3A_66 = vector.broadcast %add3A_65 : vector<512x1xi32> to vector<512x256xi32>
    %eq3A_67 = arith.cmpi eq, %iota3A, %eq3A_66 : vector<512x256xi32>
    %convert_element_type3A_68 = arith.extui %eq3A_67 : vector<512x256xi1> to vector<512x256xi32>
    %convert_element_type3A_69 = arith.sitofp %convert_element_type3A_68 : vector<512x256xi32> to vector<512x256xf32>
    %add3A_70 = arith.addf %add3A_61, %convert_element_type3A_69 : vector<512x256xf32>
    %slice3A_71 = vector.extract_strided_slice %get3A_1 {offsets = [0, 8], sizes = [512, 1], strides = [1, 1]} : vector<512x16xi32> to vector<512x1xi32>
    %add3A_72 = arith.constant 171 : i32
    %add3A_73 = vector.broadcast %add3A_72 : i32 to vector<512x1xi32>
    %add3A_74 = arith.addi %slice3A_71, %add3A_73 : vector<512x1xi32>
    %eq3A_75 = vector.broadcast %add3A_74 : vector<512x1xi32> to vector<512x256xi32>
    %eq3A_76 = arith.cmpi eq, %iota3A, %eq3A_75 : vector<512x256xi32>
    %convert_element_type3A_77 = arith.extui %eq3A_76 : vector<512x256xi1> to vector<512x256xi32>
    %convert_element_type3A_78 = arith.sitofp %convert_element_type3A_77 : vector<512x256xi32> to vector<512x256xf32>
    %add3A_79 = arith.addf %add3A_70, %convert_element_type3A_78 : vector<512x256xf32>
    %get3A_80 = arith.constant 0 : index
    %get3A_81 = arith.constant 0 : index
    %get3A_82 = vector.load %arg3[%get3A_80, %get3A_81] : memref<256x128xf32, #tpu.memory_space<vmem>>, vector<256x128xf32>
    %dot_general3A = arith.constant dense<0.000000e+00> : vector<512x128xf32>
    %dot_general3A_83 = tpu.matmul %add3A_79, %get3A_82, %dot_general3A {dimension_numbers = #tpu.dot_dimension_numbers<[1], [0], [0], [1], [0, 0, 1, 1], [], []>, precision = #tpu.contract_precision<fp32>, transpose_lhs_hint = false} : vector<512x256xf32>, vector<256x128xf32>, vector<512x128xf32> -> vector<512x128xf32>
    %swap3A = arith.constant 0 : index
    %swap3A_84 = arith.constant 0 : index
    %swap3A_85 = vector.load %arg4[%swap3A, %swap3A_84] : memref<512x128xf32, #tpu.memory_space<vmem>>, vector<512x128xf32>
    tpu.vector_store %arg4[%swap3A, %swap3A_84], %dot_general3A_83 {strides = array<i32>} : memref<512x128xf32, #tpu.memory_space<vmem>>, vector<512x128xf32>,
    return
  }
  func.func @transform_0(%arg0: i32, %arg1: i32) -> (i32, i32) {
    %c0_i32 = arith.constant 0 : i32
    %c0_i32_0 = arith.constant 0 : i32
    return %arg0, %c0_i32 : i32, i32
  }
  func.func @transform_1(%arg0: i32, %arg1: i32) -> (i32, i32) {
    %c0_i32 = arith.constant 0 : i32
    %c0_i32_0 = arith.constant 0 : i32
    return %c0_i32, %arg1 : i32, i32
  }
  func.func @transform_2(%arg0: i32, %arg1: i32) -> (i32, i32) {
    %mul3A = arith.constant 16 : i32
    %mul3A_0 = arith.muli %arg1, %mul3A : i32
    %add3A = arith.addi %mul3A_0, %arg0 : i32
    %c0_i32 = arith.constant 0 : i32
    %c0_i32_1 = arith.constant 0 : i32
    return %add3A, %c0_i32 : i32, i32
  }
}

module attributes {stable_mosaic.version = 14 : i64} {
  func.func @_upA_body(%arg0: i32, %arg1: memref<512x128xf32, #tpu.memory_space<vmem>>, %arg2: memref<512x128xf32, #tpu.memory_space<vmem>>, %arg3: memref<512x128xf32, #tpu.memory_space<vmem>>, %arg4: memref<512x128xf32, #tpu.memory_space<vmem>>, %arg5: memref<256x512xf32, #tpu.memory_space<vmem>>, %arg6: memref<1x1xf32, #tpu.memory_space<smem>>, %arg7: memref<512x512xf32, #tpu.memory_space<vmem>>, %arg8: memref<8x512xf32, #tpu.memory_space<vmem>>) attributes {dimension_semantics = [#tpu.dimension_semantics<arbitrary>], iteration_bounds = array<i64: 16>, scalar_prefetch = 0 : i64, scratch_operands = 0 : i64, tpu.core_type = #tpu.core_type<tc>, window_params = [{transform_indices = @transform_0, window_bounds = array<i64: 512, 128>}, {transform_indices = @transform_1, window_bounds = array<i64: 512, 128>}, {transform_indices = @transform_2, window_bounds = array<i64: 512, 128>}, {transform_indices = @transform_3, window_bounds = array<i64: 512, 128>}, {pipeline_mode = #tpu.pipeline_mode<synchronous>, transform_indices = @transform_4, window_bounds = array<i64: 256, 512>}, {transform_indices = @transform_5, window_bounds = array<i64: 1, 1>}, {transform_indices = @transform_6, window_bounds = array<i64: 512, 512>}, {pipeline_mode = #tpu.pipeline_mode<synchronous>, transform_indices = @transform_7, window_bounds = array<i64: 8, 512>}]} {
    %get3A = arith.constant 0 : index
    %get3A_0 = arith.constant 0 : index
    %get3A_1 = memref.load %arg6[%get3A, %get3A_0] : memref<1x1xf32, #tpu.memory_space<smem>>
    %add3A = arith.constant 1.000000e+00 : f32
    %add3A_2 = arith.addf %add3A, %get3A_1 : f32
    %get3A_3 = arith.constant 0 : index
    %get3A_4 = arith.constant 0 : index
    %get3A_5 = vector.load %arg1[%get3A_3, %get3A_4] : memref<512x128xf32, #tpu.memory_space<vmem>>, vector<512x128xf32>
    %get3A_6 = arith.constant 0 : index
    %get3A_7 = arith.constant 0 : index
    %get3A_8 = vector.load %arg2[%get3A_6, %get3A_7] : memref<512x128xf32, #tpu.memory_space<vmem>>, vector<512x128xf32>
    %concatenate3A = tpu.concatenate %get3A_5, %get3A_8 in 1 : vector<512x128xf32>, vector<512x128xf32> -> vector<512x256xf32>
    %mul3A = vector.broadcast %add3A_2 : f32 to vector<512x256xf32>
    %mul3A_9 = arith.mulf %concatenate3A, %mul3A : vector<512x256xf32>
    %get3A_10 = arith.constant 0 : index
    %get3A_11 = arith.constant 0 : index
    %get3A_12 = vector.load %arg3[%get3A_10, %get3A_11] : memref<512x128xf32, #tpu.memory_space<vmem>>, vector<512x128xf32>
    %get3A_13 = arith.constant 0 : index
    %get3A_14 = arith.constant 0 : index
    %get3A_15 = vector.load %arg4[%get3A_13, %get3A_14] : memref<512x128xf32, #tpu.memory_space<vmem>>, vector<512x128xf32>
    %concatenate3A_16 = tpu.concatenate %get3A_12, %get3A_15 in 1 : vector<512x128xf32>, vector<512x128xf32> -> vector<512x256xf32>
    %add3A_17 = arith.addf %mul3A_9, %concatenate3A_16 : vector<512x256xf32>
    %convert_element_type3A = arith.truncf %add3A_17 : vector<512x256xf32> to vector<512x256xbf16>
    %get3A_18 = arith.constant 0 : index
    %get3A_19 = arith.constant 0 : index
    %get3A_20 = vector.load %arg5[%get3A_18, %get3A_19] : memref<256x512xf32, #tpu.memory_space<vmem>>, vector<256x512xf32>
    %convert_element_type3A_21 = arith.truncf %get3A_20 : vector<256x512xf32> to vector<256x512xbf16>
    %dot_general3A = arith.constant dense<0.000000e+00> : vector<512x512xf32>
    %dot_general3A_22 = tpu.matmul %convert_element_type3A, %convert_element_type3A_21, %dot_general3A {dimension_numbers = #tpu.dot_dimension_numbers<[1], [0], [0], [1], [0, 0, 1, 1], [], []>, transpose_lhs_hint = false} : vector<512x256xbf16>, vector<256x512xbf16>, vector<512x512xf32> -> vector<512x512xf32>
    %swap3A = arith.constant 0 : index
    %swap3A_23 = arith.constant 0 : index
    %swap3A_24 = vector.load %arg7[%swap3A, %swap3A_23] : memref<512x512xf32, #tpu.memory_space<vmem>>, vector<512x512xf32>
    tpu.vector_store %arg7[%swap3A, %swap3A_23], %dot_general3A_22 {strides = array<i32>} : memref<512x512xf32, #tpu.memory_space<vmem>>, vector<512x512xf32>,
    %reduce_sum3A = arith.constant dense<0.000000e+00> : vector<512xf32>
    %reduce_sum3A_25 = vector.multi_reduction <add>, %dot_general3A_22, %reduce_sum3A [0] : vector<512x512xf32> to vector<512xf32>
    %broadcast_in_dim3A = vector.shape_cast %reduce_sum3A_25 : vector<512xf32> to vector<1x512xf32>
    %mul3A_26 = arith.mulf %dot_general3A_22, %dot_general3A_22 : vector<512x512xf32>
    %reduce_sum3A_27 = arith.constant dense<0.000000e+00> : vector<512xf32>
    %reduce_sum3A_28 = vector.multi_reduction <add>, %mul3A_26, %reduce_sum3A_27 [0] : vector<512x512xf32> to vector<512xf32>
    %broadcast_in_dim3A_29 = vector.shape_cast %reduce_sum3A_28 : vector<512xf32> to vector<1x512xf32>
    %broadcast_in_dim3A_30 = arith.constant 0.000000e+00 : f32
    %broadcast_in_dim3A_31 = vector.broadcast %broadcast_in_dim3A_30 : f32 to vector<6x512xf32>
    %concatenate3A_32 = tpu.concatenate %broadcast_in_dim3A, %broadcast_in_dim3A_29, %broadcast_in_dim3A_31 in 0 : vector<1x512xf32>, vector<1x512xf32>, vector<6x512xf32> -> vector<8x512xf32>
    %eq3A = arith.constant 0 : i32
    %eq3A_33 = arith.cmpi eq, %arg0, %eq3A : i32
    %convert_element_type3A_34 = arith.extui %eq3A_33 : i1 to i32
    %cond3A = arith.constant 0 : i32
    %cond3A_35 = arith.cmpi ne, %convert_element_type3A_34, %cond3A : i32
    scf.if %cond3A_35 {
      %swap3A_40 = arith.constant 0 : index
      %swap3A_41 = arith.constant 0 : index
      %swap3A_42 = vector.load %arg8[%swap3A_40, %swap3A_41] : memref<8x512xf32, #tpu.memory_space<vmem>>, vector<8x512xf32>
      tpu.vector_store %arg8[%swap3A_40, %swap3A_41], %concatenate3A_32 {strides = array<i32>} : memref<8x512xf32, #tpu.memory_space<vmem>>, vector<8x512xf32>,
    } else {
    }
    %gt3A = arith.constant 0 : i32
    %gt3A_36 = arith.cmpi sgt, %arg0, %gt3A : i32
    %convert_element_type3A_37 = arith.extui %gt3A_36 : i1 to i32
    %cond3A_38 = arith.constant 0 : i32
    %cond3A_39 = arith.cmpi ne, %convert_element_type3A_37, %cond3A_38 : i32
    scf.if %cond3A_39 {
      %get3A_40 = arith.constant 0 : index
      %get3A_41 = arith.constant 0 : index
      %get3A_42 = vector.load %arg8[%get3A_40, %get3A_41] : memref<8x512xf32, #tpu.memory_space<vmem>>, vector<8x512xf32>
      %add3A_43 = arith.addf %get3A_42, %concatenate3A_32 : vector<8x512xf32>
      %swap3A_44 = arith.constant 0 : index
      %swap3A_45 = arith.constant 0 : index
      %swap3A_46 = vector.load %arg8[%swap3A_44, %swap3A_45] : memref<8x512xf32, #tpu.memory_space<vmem>>, vector<8x512xf32>
      tpu.vector_store %arg8[%swap3A_44, %swap3A_45], %add3A_43 {strides = array<i32>} : memref<8x512xf32, #tpu.memory_space<vmem>>, vector<8x512xf32>,
    } else {
    }
    return
  }
  func.func @transform_0(%arg0: i32) -> (i32, i32) {
    %c0_i32 = arith.constant 0 : i32
    %c0_i32_0 = arith.constant 0 : i32
    return %arg0, %c0_i32 : i32, i32
  }
  func.func @transform_1(%arg0: i32) -> (i32, i32) {
    %add3A = arith.constant 16 : i32
    %add3A_0 = arith.addi %add3A, %arg0 : i32
    %c0_i32 = arith.constant 0 : i32
    %c0_i32_1 = arith.constant 0 : i32
    return %add3A_0, %c0_i32 : i32, i32
  }
  func.func @transform_2(%arg0: i32) -> (i32, i32) {
    %c0_i32 = arith.constant 0 : i32
    %c0_i32_0 = arith.constant 0 : i32
    return %arg0, %c0_i32 : i32, i32
  }
  func.func @transform_3(%arg0: i32) -> (i32, i32) {
    %add3A = arith.constant 16 : i32
    %add3A_0 = arith.addi %add3A, %arg0 : i32
    %c0_i32 = arith.constant 0 : i32
    %c0_i32_1 = arith.constant 0 : i32
    return %add3A_0, %c0_i32 : i32, i32
  }
  func.func @transform_4(%arg0: i32) -> (i32, i32) {
    %c0_i32 = arith.constant 0 : i32
    %c0_i32_0 = arith.constant 0 : i32
    %c0_i32_1 = arith.constant 0 : i32
    return %c0_i32, %c0_i32_0 : i32, i32
  }
  func.func @transform_5(%arg0: i32) -> (i32, i32) {
    %c0_i32 = arith.constant 0 : i32
    %c0_i32_0 = arith.constant 0 : i32
    %c0_i32_1 = arith.constant 0 : i32
    return %c0_i32, %c0_i32_0 : i32, i32
  }
  func.func @transform_6(%arg0: i32) -> (i32, i32) {
    %c0_i32 = arith.constant 0 : i32
    %c0_i32_0 = arith.constant 0 : i32
    return %arg0, %c0_i32 : i32, i32
  }
  func.func @transform_7(%arg0: i32) -> (i32, i32) {
    %c0_i32 = arith.constant 0 : i32
    %c0_i32_0 = arith.constant 0 : i32
    %c0_i32_1 = arith.constant 0 : i32
    return %c0_i32, %c0_i32_0 : i32, i32
  }
}

module attributes {stable_mosaic.version = 14 : i64} {
  func.func @_upB_body(%arg0: i32, %arg1: memref<512x512xf32, #tpu.memory_space<vmem>>, %arg2: memref<8x512xf32, #tpu.memory_space<vmem>>, %arg3: memref<1x512xf32, #tpu.memory_space<vmem>>, %arg4: memref<1x512xf32, #tpu.memory_space<vmem>>, %arg5: memref<512x256xf32, #tpu.memory_space<vmem>>, %arg6: memref<512x256xf32, #tpu.memory_space<vmem>>, %arg7: memref<8x256xf32, #tpu.memory_space<vmem>>) attributes {dimension_semantics = [#tpu.dimension_semantics<arbitrary>], iteration_bounds = array<i64: 16>, scalar_prefetch = 0 : i64, scratch_operands = 0 : i64, tpu.core_type = #tpu.core_type<tc>, window_params = [{transform_indices = @transform_0, window_bounds = array<i64: 512, 512>}, {pipeline_mode = #tpu.pipeline_mode<synchronous>, transform_indices = @transform_1, window_bounds = array<i64: 8, 512>}, {pipeline_mode = #tpu.pipeline_mode<synchronous>, transform_indices = @transform_2, window_bounds = array<i64: 1, 512>}, {pipeline_mode = #tpu.pipeline_mode<synchronous>, transform_indices = @transform_3, window_bounds = array<i64: 1, 512>}, {pipeline_mode = #tpu.pipeline_mode<synchronous>, transform_indices = @transform_4, window_bounds = array<i64: 512, 256>}, {transform_indices = @transform_5, window_bounds = array<i64: 512, 256>}, {pipeline_mode = #tpu.pipeline_mode<synchronous>, transform_indices = @transform_6, window_bounds = array<i64: 8, 256>}]} {
    %get3A = arith.constant 0 : index
    %get3A_0 = arith.constant 0 : index
    %get3A_1 = vector.load %arg2[%get3A, %get3A_0] : memref<8x512xf32, #tpu.memory_space<vmem>>, vector<1x512xf32>
    %mul3A = arith.constant 1.22070313E-4 : f32
    %mul3A_2 = vector.broadcast %mul3A : f32 to vector<1x512xf32>
    %mul3A_3 = arith.mulf %get3A_1, %mul3A_2 : vector<1x512xf32>
    %get3A_4 = arith.constant 1 : index
    %get3A_5 = arith.constant 0 : index
    %get3A_6 = vector.load %arg2[%get3A_4, %get3A_5] : memref<8x512xf32, #tpu.memory_space<vmem>>, vector<1x512xf32>
    %mul3A_7 = arith.constant 1.22070313E-4 : f32
    %mul3A_8 = vector.broadcast %mul3A_7 : f32 to vector<1x512xf32>
    %mul3A_9 = arith.mulf %get3A_6, %mul3A_8 : vector<1x512xf32>
    %mul3A_10 = arith.mulf %mul3A_3, %mul3A_3 : vector<1x512xf32>
    %sub3A = arith.subf %mul3A_9, %mul3A_10 : vector<1x512xf32>
    %add3A = arith.constant 9.99999974E-6 : f32
    %add3A_11 = vector.broadcast %add3A : f32 to vector<1x512xf32>
    %add3A_12 = arith.addf %sub3A, %add3A_11 : vector<1x512xf32>
    %rsqrt3A = math.rsqrt %add3A_12 : vector<1x512xf32>
    %get3A_13 = arith.constant 0 : index
    %get3A_14 = arith.constant 0 : index
    %get3A_15 = vector.load %arg1[%get3A_13, %get3A_14] : memref<512x512xf32, #tpu.memory_space<vmem>>, vector<512x512xf32>
    %sub3A_16 = vector.broadcast %mul3A_3 : vector<1x512xf32> to vector<512x512xf32>
    %sub3A_17 = arith.subf %get3A_15, %sub3A_16 : vector<512x512xf32>
    %get3A_18 = arith.constant 0 : index
    %get3A_19 = arith.constant 0 : index
    %get3A_20 = vector.load %arg3[%get3A_18, %get3A_19] : memref<1x512xf32, #tpu.memory_space<vmem>>, vector<1x512xf32>
    %mul3A_21 = arith.mulf %get3A_20, %rsqrt3A : vector<1x512xf32>
    %mul3A_22 = vector.broadcast %mul3A_21 : vector<1x512xf32> to vector<512x512xf32>
    %mul3A_23 = arith.mulf %sub3A_17, %mul3A_22 : vector<512x512xf32>
    %get3A_24 = arith.constant 0 : index
    %get3A_25 = arith.constant 0 : index
    %get3A_26 = vector.load %arg4[%get3A_24, %get3A_25] : memref<1x512xf32, #tpu.memory_space<vmem>>, vector<1x512xf32>
    %add3A_27 = vector.broadcast %get3A_26 : vector<1x512xf32> to vector<512x512xf32>
    %add3A_28 = arith.addf %mul3A_23, %add3A_27 : vector<512x512xf32>
    %max3A = arith.constant 0.000000e+00 : f32
    %max3A_29 = vector.broadcast %max3A : f32 to vector<512x512xf32>
    %max3A_30 = arith.maximumf %add3A_28, %max3A_29 : vector<512x512xf32>
    %convert_element_type3A = arith.truncf %max3A_30 : vector<512x512xf32> to vector<512x512xbf16>
    %get3A_31 = arith.constant 0 : index
    %get3A_32 = arith.constant 0 : index
    %get3A_33 = vector.load %arg5[%get3A_31, %get3A_32] : memref<512x256xf32, #tpu.memory_space<vmem>>, vector<512x256xf32>
    %convert_element_type3A_34 = arith.truncf %get3A_33 : vector<512x256xf32> to vector<512x256xbf16>
    %dot_general3A = arith.constant dense<0.000000e+00> : vector<512x256xf32>
    %dot_general3A_35 = tpu.matmul %convert_element_type3A, %convert_element_type3A_34, %dot_general3A {dimension_numbers = #tpu.dot_dimension_numbers<[1], [0], [0], [1], [0, 0, 1, 1], [], []>, transpose_lhs_hint = false} : vector<512x512xbf16>, vector<512x256xbf16>, vector<512x256xf32> -> vector<512x256xf32>
    %swap3A = arith.constant 0 : index
    %swap3A_36 = arith.constant 0 : index
    %swap3A_37 = vector.load %arg6[%swap3A, %swap3A_36] : memref<512x256xf32, #tpu.memory_space<vmem>>, vector<512x256xf32>
    tpu.vector_store %arg6[%swap3A, %swap3A_36], %dot_general3A_35 {strides = array<i32>} : memref<512x256xf32, #tpu.memory_space<vmem>>, vector<512x256xf32>,
    %reduce_sum3A = arith.constant dense<0.000000e+00> : vector<256xf32>
    %reduce_sum3A_38 = vector.multi_reduction <add>, %dot_general3A_35, %reduce_sum3A [0] : vector<512x256xf32> to vector<256xf32>
    %broadcast_in_dim3A = vector.shape_cast %reduce_sum3A_38 : vector<256xf32> to vector<1x256xf32>
    %mul3A_39 = arith.mulf %dot_general3A_35, %dot_general3A_35 : vector<512x256xf32>
    %reduce_sum3A_40 = arith.constant dense<0.000000e+00> : vector<256xf32>
    %reduce_sum3A_41 = vector.multi_reduction <add>, %mul3A_39, %reduce_sum3A_40 [0] : vector<512x256xf32> to vector<256xf32>
    %broadcast_in_dim3A_42 = vector.shape_cast %reduce_sum3A_41 : vector<256xf32> to vector<1x256xf32>
    %broadcast_in_dim3A_43 = arith.constant 0.000000e+00 : f32
    %broadcast_in_dim3A_44 = vector.broadcast %broadcast_in_dim3A_43 : f32 to vector<6x256xf32>
    %concatenate3A = tpu.concatenate %broadcast_in_dim3A, %broadcast_in_dim3A_42, %broadcast_in_dim3A_44 in 0 : vector<1x256xf32>, vector<1x256xf32>, vector<6x256xf32> -> vector<8x256xf32>
    %eq3A = arith.constant 0 : i32
    %eq3A_45 = arith.cmpi eq, %arg0, %eq3A : i32
    %convert_element_type3A_46 = arith.extui %eq3A_45 : i1 to i32
    %cond3A = arith.constant 0 : i32
    %cond3A_47 = arith.cmpi ne, %convert_element_type3A_46, %cond3A : i32
    scf.if %cond3A_47 {
      %swap3A_52 = arith.constant 0 : index
      %swap3A_53 = arith.constant 0 : index
      %swap3A_54 = vector.load %arg7[%swap3A_52, %swap3A_53] : memref<8x256xf32, #tpu.memory_space<vmem>>, vector<8x256xf32>
      tpu.vector_store %arg7[%swap3A_52, %swap3A_53], %concatenate3A {strides = array<i32>} : memref<8x256xf32, #tpu.memory_space<vmem>>, vector<8x256xf32>,
    } else {
    }
    %gt3A = arith.constant 0 : i32
    %gt3A_48 = arith.cmpi sgt, %arg0, %gt3A : i32
    %convert_element_type3A_49 = arith.extui %gt3A_48 : i1 to i32
    %cond3A_50 = arith.constant 0 : i32
    %cond3A_51 = arith.cmpi ne, %convert_element_type3A_49, %cond3A_50 : i32
    scf.if %cond3A_51 {
      %get3A_52 = arith.constant 0 : index
      %get3A_53 = arith.constant 0 : index
      %get3A_54 = vector.load %arg7[%get3A_52, %get3A_53] : memref<8x256xf32, #tpu.memory_space<vmem>>, vector<8x256xf32>
      %add3A_55 = arith.addf %get3A_54, %concatenate3A : vector<8x256xf32>
      %swap3A_56 = arith.constant 0 : index
      %swap3A_57 = arith.constant 0 : index
      %swap3A_58 = vector.load %arg7[%swap3A_56, %swap3A_57] : memref<8x256xf32, #tpu.memory_space<vmem>>, vector<8x256xf32>
      tpu.vector_store %arg7[%swap3A_56, %swap3A_57], %add3A_55 {strides = array<i32>} : memref<8x256xf32, #tpu.memory_space<vmem>>, vector<8x256xf32>,
    } else {
    }
    return
  }
  func.func @transform_0(%arg0: i32) -> (i32, i32) {
    %c0_i32 = arith.constant 0 : i32
    %c0_i32_0 = arith.constant 0 : i32
    return %arg0, %c0_i32 : i32, i32
  }
  func.func @transform_1(%arg0: i32) -> (i32, i32) {
    %c0_i32 = arith.constant 0 : i32
    %c0_i32_0 = arith.constant 0 : i32
    %c0_i32_1 = arith.constant 0 : i32
    return %c0_i32, %c0_i32_0 : i32, i32
  }
  func.func @transform_2(%arg0: i32) -> (i32, i32) {
    %c0_i32 = arith.constant 0 : i32
    %c0_i32_0 = arith.constant 0 : i32
    %c0_i32_1 = arith.constant 0 : i32
    return %c0_i32, %c0_i32_0 : i32, i32
  }
  func.func @transform_3(%arg0: i32) -> (i32, i32) {
    %c0_i32 = arith.constant 0 : i32
    %c0_i32_0 = arith.constant 0 : i32
    %c0_i32_1 = arith.constant 0 : i32
    return %c0_i32, %c0_i32_0 : i32, i32
  }
  func.func @transform_4(%arg0: i32) -> (i32, i32) {
    %c0_i32 = arith.constant 0 : i32
    %c0_i32_0 = arith.constant 0 : i32
    %c0_i32_1 = arith.constant 0 : i32
    return %c0_i32, %c0_i32_0 : i32, i32
  }
  func.func @transform_5(%arg0: i32) -> (i32, i32) {
    %c0_i32 = arith.constant 0 : i32
    %c0_i32_0 = arith.constant 0 : i32
    return %arg0, %c0_i32 : i32, i32
  }
  func.func @transform_6(%arg0: i32) -> (i32, i32) {
    %c0_i32 = arith.constant 0 : i32
    %c0_i32_0 = arith.constant 0 : i32
    %c0_i32_1 = arith.constant 0 : i32
    return %c0_i32, %c0_i32_0 : i32, i32
  }
}

module attributes {stable_mosaic.version = 14 : i64} {
  func.func @_upC_body(%arg0: i32, %arg1: i32, %arg2: memref<512x128xf32, #tpu.memory_space<vmem>>, %arg3: memref<8x128xf32, #tpu.memory_space<vmem>>, %arg4: memref<1x128xf32, #tpu.memory_space<vmem>>, %arg5: memref<1x128xf32, #tpu.memory_space<vmem>>, %arg6: memref<512x128xf32, #tpu.memory_space<vmem>>, %arg7: memref<512x128xf32, #tpu.memory_space<vmem>>) attributes {dimension_semantics = [#tpu.dimension_semantics<arbitrary>, #tpu.dimension_semantics<arbitrary>], iteration_bounds = array<i64: 16, 2>, scalar_prefetch = 0 : i64, scratch_operands = 0 : i64, tpu.core_type = #tpu.core_type<tc>, window_params = [{transform_indices = @transform_0, window_bounds = array<i64: 512, 128>}, {transform_indices = @transform_1, window_bounds = array<i64: 8, 128>}, {transform_indices = @transform_2, window_bounds = array<i64: 1, 128>}, {transform_indices = @transform_3, window_bounds = array<i64: 1, 128>}, {transform_indices = @transform_4, window_bounds = array<i64: 512, 128>}, {transform_indices = @transform_5, window_bounds = array<i64: 512, 128>}]} {
    %get3A = arith.constant 0 : index
    %get3A_0 = arith.constant 0 : index
    %get3A_1 = vector.load %arg3[%get3A, %get3A_0] : memref<8x128xf32, #tpu.memory_space<vmem>>, vector<1x128xf32>
    %mul3A = arith.constant 1.22070313E-4 : f32
    %mul3A_2 = vector.broadcast %mul3A : f32 to vector<1x128xf32>
    %mul3A_3 = arith.mulf %get3A_1, %mul3A_2 : vector<1x128xf32>
    %get3A_4 = arith.constant 1 : index
    %get3A_5 = arith.constant 0 : index
    %get3A_6 = vector.load %arg3[%get3A_4, %get3A_5] : memref<8x128xf32, #tpu.memory_space<vmem>>, vector<1x128xf32>
    %mul3A_7 = arith.constant 1.22070313E-4 : f32
    %mul3A_8 = vector.broadcast %mul3A_7 : f32 to vector<1x128xf32>
    %mul3A_9 = arith.mulf %get3A_6, %mul3A_8 : vector<1x128xf32>
    %mul3A_10 = arith.mulf %mul3A_3, %mul3A_3 : vector<1x128xf32>
    %sub3A = arith.subf %mul3A_9, %mul3A_10 : vector<1x128xf32>
    %add3A = arith.constant 9.99999974E-6 : f32
    %add3A_11 = vector.broadcast %add3A : f32 to vector<1x128xf32>
    %add3A_12 = arith.addf %sub3A, %add3A_11 : vector<1x128xf32>
    %rsqrt3A = math.rsqrt %add3A_12 : vector<1x128xf32>
    %get3A_13 = arith.constant 0 : index
    %get3A_14 = arith.constant 0 : index
    %get3A_15 = vector.load %arg2[%get3A_13, %get3A_14] : memref<512x128xf32, #tpu.memory_space<vmem>>, vector<512x128xf32>
    %sub3A_16 = vector.broadcast %mul3A_3 : vector<1x128xf32> to vector<512x128xf32>
    %sub3A_17 = arith.subf %get3A_15, %sub3A_16 : vector<512x128xf32>
    %get3A_18 = arith.constant 0 : index
    %get3A_19 = arith.constant 0 : index
    %get3A_20 = vector.load %arg4[%get3A_18, %get3A_19] : memref<1x128xf32, #tpu.memory_space<vmem>>, vector<1x128xf32>
    %mul3A_21 = arith.mulf %get3A_20, %rsqrt3A : vector<1x128xf32>
    %mul3A_22 = vector.broadcast %mul3A_21 : vector<1x128xf32> to vector<512x128xf32>
    %mul3A_23 = arith.mulf %sub3A_17, %mul3A_22 : vector<512x128xf32>
    %get3A_24 = arith.constant 0 : index
    %get3A_25 = arith.constant 0 : index
    %get3A_26 = vector.load %arg5[%get3A_24, %get3A_25] : memref<1x128xf32, #tpu.memory_space<vmem>>, vector<1x128xf32>
    %add3A_27 = vector.broadcast %get3A_26 : vector<1x128xf32> to vector<512x128xf32>
    %add3A_28 = arith.addf %mul3A_23, %add3A_27 : vector<512x128xf32>
    %max3A = arith.constant 0.000000e+00 : f32
    %max3A_29 = vector.broadcast %max3A : f32 to vector<512x128xf32>
    %max3A_30 = arith.maximumf %add3A_28, %max3A_29 : vector<512x128xf32>
    %swap3A = arith.constant 0 : index
    %swap3A_31 = arith.constant 0 : index
    %swap3A_32 = vector.load %arg6[%swap3A, %swap3A_31] : memref<512x128xf32, #tpu.memory_space<vmem>>, vector<512x128xf32>
    tpu.vector_store %arg6[%swap3A, %swap3A_31], %max3A_30 {strides = array<i32>} : memref<512x128xf32, #tpu.memory_space<vmem>>, vector<512x128xf32>,
    %swap3A_33 = arith.constant 0 : index
    %swap3A_34 = arith.constant 0 : index
    %swap3A_35 = vector.load %arg7[%swap3A_33, %swap3A_34] : memref<512x128xf32, #tpu.memory_space<vmem>>, vector<512x128xf32>
    tpu.vector_store %arg7[%swap3A_33, %swap3A_34], %max3A_30 {strides = array<i32>} : memref<512x128xf32, #tpu.memory_space<vmem>>, vector<512x128xf32>,
    return
  }
  func.func @transform_0(%arg0: i32, %arg1: i32) -> (i32, i32) {
    %c0_i32 = arith.constant 0 : i32
    return %arg0, %arg1 : i32, i32
  }
  func.func @transform_1(%arg0: i32, %arg1: i32) -> (i32, i32) {
    %c0_i32 = arith.constant 0 : i32
    %c0_i32_0 = arith.constant 0 : i32
    return %c0_i32, %arg1 : i32, i32
  }
  func.func @transform_2(%arg0: i32, %arg1: i32) -> (i32, i32) {
    %c0_i32 = arith.constant 0 : i32
    %c0_i32_0 = arith.constant 0 : i32
    return %c0_i32, %arg1 : i32, i32
  }
  func.func @transform_3(%arg0: i32, %arg1: i32) -> (i32, i32) {
    %c0_i32 = arith.constant 0 : i32
    %c0_i32_0 = arith.constant 0 : i32
    return %c0_i32, %arg1 : i32, i32
  }
  func.func @transform_4(%arg0: i32, %arg1: i32) -> (i32, i32) {
    %c0_i32 = arith.constant 0 : i32
    return %arg0, %arg1 : i32, i32
  }
  func.func @transform_5(%arg0: i32, %arg1: i32) -> (i32, i32) {
    %mul3A = arith.constant 16 : i32
    %mul3A_0 = arith.muli %arg1, %mul3A : i32
    %add3A = arith.addi %mul3A_0, %arg0 : i32
    %c0_i32 = arith.constant 0 : i32
    %c0_i32_1 = arith.constant 0 : i32
    return %add3A, %c0_i32 : i32, i32
  }
}

module attributes {stable_mosaic.version = 14 : i64} {
  func.func @_upC_body(%arg0: i32, %arg1: i32, %arg2: memref<512x128xf32, #tpu.memory_space<vmem>>, %arg3: memref<8x128xf32, #tpu.memory_space<vmem>>, %arg4: memref<1x128xf32, #tpu.memory_space<vmem>>, %arg5: memref<1x128xf32, #tpu.memory_space<vmem>>, %arg6: memref<512x128xf32, #tpu.memory_space<vmem>>, %arg7: memref<512x128xf32, #tpu.memory_space<vmem>>) attributes {dimension_semantics = [#tpu.dimension_semantics<arbitrary>, #tpu.dimension_semantics<arbitrary>], iteration_bounds = array<i64: 16, 2>, scalar_prefetch = 0 : i64, scratch_operands = 0 : i64, tpu.core_type = #tpu.core_type<tc>, window_params = [{transform_indices = @transform_0, window_bounds = array<i64: 512, 128>}, {transform_indices = @transform_1, window_bounds = array<i64: 8, 128>}, {transform_indices = @transform_2, window_bounds = array<i64: 1, 128>}, {transform_indices = @transform_3, window_bounds = array<i64: 1, 128>}, {transform_indices = @transform_4, window_bounds = array<i64: 512, 128>}, {transform_indices = @transform_5, window_bounds = array<i64: 512, 128>}]} {
    %get3A = arith.constant 0 : index
    %get3A_0 = arith.constant 0 : index
    %get3A_1 = vector.load %arg3[%get3A, %get3A_0] : memref<8x128xf32, #tpu.memory_space<vmem>>, vector<1x128xf32>
    %mul3A = arith.constant 1.22070313E-4 : f32
    %mul3A_2 = vector.broadcast %mul3A : f32 to vector<1x128xf32>
    %mul3A_3 = arith.mulf %get3A_1, %mul3A_2 : vector<1x128xf32>
    %get3A_4 = arith.constant 1 : index
    %get3A_5 = arith.constant 0 : index
    %get3A_6 = vector.load %arg3[%get3A_4, %get3A_5] : memref<8x128xf32, #tpu.memory_space<vmem>>, vector<1x128xf32>
    %mul3A_7 = arith.constant 1.22070313E-4 : f32
    %mul3A_8 = vector.broadcast %mul3A_7 : f32 to vector<1x128xf32>
    %mul3A_9 = arith.mulf %get3A_6, %mul3A_8 : vector<1x128xf32>
    %mul3A_10 = arith.mulf %mul3A_3, %mul3A_3 : vector<1x128xf32>
    %sub3A = arith.subf %mul3A_9, %mul3A_10 : vector<1x128xf32>
    %add3A = arith.constant 9.99999974E-6 : f32
    %add3A_11 = vector.broadcast %add3A : f32 to vector<1x128xf32>
    %add3A_12 = arith.addf %sub3A, %add3A_11 : vector<1x128xf32>
    %rsqrt3A = math.rsqrt %add3A_12 : vector<1x128xf32>
    %get3A_13 = arith.constant 0 : index
    %get3A_14 = arith.constant 0 : index
    %get3A_15 = vector.load %arg2[%get3A_13, %get3A_14] : memref<512x128xf32, #tpu.memory_space<vmem>>, vector<512x128xf32>
    %sub3A_16 = vector.broadcast %mul3A_3 : vector<1x128xf32> to vector<512x128xf32>
    %sub3A_17 = arith.subf %get3A_15, %sub3A_16 : vector<512x128xf32>
    %get3A_18 = arith.constant 0 : index
    %get3A_19 = arith.constant 0 : index
    %get3A_20 = vector.load %arg4[%get3A_18, %get3A_19] : memref<1x128xf32, #tpu.memory_space<vmem>>, vector<1x128xf32>
    %mul3A_21 = arith.mulf %get3A_20, %rsqrt3A : vector<1x128xf32>
    %mul3A_22 = vector.broadcast %mul3A_21 : vector<1x128xf32> to vector<512x128xf32>
    %mul3A_23 = arith.mulf %sub3A_17, %mul3A_22 : vector<512x128xf32>
    %get3A_24 = arith.constant 0 : index
    %get3A_25 = arith.constant 0 : index
    %get3A_26 = vector.load %arg5[%get3A_24, %get3A_25] : memref<1x128xf32, #tpu.memory_space<vmem>>, vector<1x128xf32>
    %add3A_27 = vector.broadcast %get3A_26 : vector<1x128xf32> to vector<512x128xf32>
    %add3A_28 = arith.addf %mul3A_23, %add3A_27 : vector<512x128xf32>
    %max3A = arith.constant 0.000000e+00 : f32
    %max3A_29 = vector.broadcast %max3A : f32 to vector<512x128xf32>
    %max3A_30 = arith.maximumf %add3A_28, %max3A_29 : vector<512x128xf32>
    %swap3A = arith.constant 0 : index
    %swap3A_31 = arith.constant 0 : index
    %swap3A_32 = vector.load %arg6[%swap3A, %swap3A_31] : memref<512x128xf32, #tpu.memory_space<vmem>>, vector<512x128xf32>
    tpu.vector_store %arg6[%swap3A, %swap3A_31], %max3A_30 {strides = array<i32>} : memref<512x128xf32, #tpu.memory_space<vmem>>, vector<512x128xf32>,
    %swap3A_33 = arith.constant 0 : index
    %swap3A_34 = arith.constant 0 : index
    %swap3A_35 = vector.load %arg7[%swap3A_33, %swap3A_34] : memref<512x128xf32, #tpu.memory_space<vmem>>, vector<512x128xf32>
    tpu.vector_store %arg7[%swap3A_33, %swap3A_34], %max3A_30 {strides = array<i32>} : memref<512x128xf32, #tpu.memory_space<vmem>>, vector<512x128xf32>,
    return
  }
  func.func @transform_0(%arg0: i32, %arg1: i32) -> (i32, i32) {
    %c0_i32 = arith.constant 0 : i32
    return %arg0, %arg1 : i32, i32
  }
  func.func @transform_1(%arg0: i32, %arg1: i32) -> (i32, i32) {
    %c0_i32 = arith.constant 0 : i32
    %c0_i32_0 = arith.constant 0 : i32
    return %c0_i32, %arg1 : i32, i32
  }
  func.func @transform_2(%arg0: i32, %arg1: i32) -> (i32, i32) {
    %c0_i32 = arith.constant 0 : i32
    %c0_i32_0 = arith.constant 0 : i32
    return %c0_i32, %arg1 : i32, i32
  }
  func.func @transform_3(%arg0: i32, %arg1: i32) -> (i32, i32) {
    %c0_i32 = arith.constant 0 : i32
    %c0_i32_0 = arith.constant 0 : i32
    return %c0_i32, %arg1 : i32, i32
  }
  func.func @transform_4(%arg0: i32, %arg1: i32) -> (i32, i32) {
    %c0_i32 = arith.constant 0 : i32
    return %arg0, %arg1 : i32, i32
  }
  func.func @transform_5(%arg0: i32, %arg1: i32) -> (i32, i32) {
    %mul3A = arith.constant 16 : i32
    %mul3A_0 = arith.muli %arg1, %mul3A : i32
    %add3A = arith.addi %mul3A_0, %arg0 : i32
    %c0_i32 = arith.constant 0 : i32
    %c0_i32_1 = arith.constant 0 : i32
    return %add3A, %c0_i32 : i32, i32
  }
}

</mosaic_0001>

<sc_bundles>
// kernel: kernel.12.cloned.1.call-start
scs
__scs_entry_jumppad:
0x0: {  	(pc) =	sbr.rel $0x88, $3  }
0x1: {  	(tag) =	ssettag $0x0;
	lr =	simm.s32 $0x1  }
0x2: {  	[smem:$0x3F81] =	sst lr;
	_ =	strace $0xD0000000  }
0x3: {  	_ = 	snop  }
0x4: {  	_ = 	snop  }
0x5: {  	_ = 	snop  }
0x6: {  	_ = 	snop  }
0x7: {  	_ = 	snop  }
__scs_overlays_trampoline_lowered:
0x8: {  	[smem:$0x3F90] =	sst s0  }
0x9: {  	[smem:$0x3F91] =	sst s1  }
0xa: {  	[smem:$0x3F92] =	sst s2  }
0xb: {  	[smem:$0x3F93] =	sst s3  }
0xc: {  	[smem:$0x3F94] =	sst s4  }
0xd: {  	[smem:$0x3F95] =	sst s5  }
0xe: {  	[smem:$0x3F96] =	sst s6  }
0xf: {  	[smem:$0x3F97] =	sst s7  }
0x10: {  	[smem:$0x3F98] =	sst s8  }
0x11: {  	[smem:$0x3F99] =	sst s9;
	s0 =	simm.s32 @!p0 $0x0  }
0x12: {  	s1 =	sld [smem:$0x3F7F];
	s0 =	simm.s32 @p0 $0x1  }
0x13: {  	[smem:$0x3F9A] =	sst s0;
	s0 =	simm.s32 @!p1 $0x0  }
0x14: {  	s2 =	sld [smem:$0x3F7E];
	s0 =	simm.s32 @p1 $0x1  }
0x15: {  	[smem:$0x3F9B] =	sst s0;
	s0 =	simm.s32 @!p2 $0x0  }
0x16: {  	s3 =	sld [smem:$0x3FDB];
	s0 =	simm.s32 @p2 $0x1  }
0x17: {  	s4 =	simm.s32 $0x1BF5;
	[smem:$0x3F9D] =	sst s0  }
0x18: {  	s0 =	sld [smem:$0x3F80];
	_ =	swait.ge [sflag:s4], $0x0  }
0x19: {  	s7 =	sld [smem:$0x3F81]  }
0x1a: {  	s8 =	sadd.s32 $0xFFFFE003, lr  }
0x1b: {  	s9 =	sadd.s32 $0xFFFFFEF7, lr;
	s5 =	simm.s32 $0xFFFFFFFF;
	p2 =	slt.u32 s8, $0xFFFFF086  }
0x1c: {  	p1 =	slt.u32 s9, $0xF7A;
	s5 =	simm.s32 @!p2 $0x0  }
0x1d: {  	s5 =	simm.s32 @p1 $0x1;
	p0 =	seq.s32 s7, s2  }
0x1e: {  	s7 =	smul.u32 @!p0 $0xF7A, s2;
	p2 =	seq.s32 @!p0 s5, $0x0  }
0x1f: {  	s9 =	smul.u32 $0xF7A, s1;
	s8 =	simm.s32 @!p0 $0x1BF5;
	p2 =	por !p2, p0  }
0x20: {  	[sflag:s8] =	ssyncset.s32 @!p0 $0xFFFFF086;
	s6 =	sadd.s32 @!p0 s3, s7;
	s7 =	simm.s32 @!p0 $0x108  }
0x21: {  	s3 =	sadd.s32 s3, s9;
	s6 =	sadd.s32 @!p0 $0x88, s6;
	s7 =	simm.s32 @p2 $0x1082  }
0x22: {  	[simem:s7], [sflag:s8] =	dma.local @!p0 [hbm:s6], $0xF7A  }
0x23: {  	s9 =	sor.u32 $0xD0000000, s2;
	s6 =	simm.s32 $0x108;
	_ =	swait.ge @!p0 [sflag:s8], $0x0  }
0x24: {  	s3 =	sadd.s32 $0x88, s3;
	s6 =	simm.s32 @!p1 $0x1082;
	[sflag:s4] =	ssyncset.s32 $0xFFFFF086  }
0x25: {  	[simem:s6], [sflag:s4] =	dma.local [hbm:s3], $0xF7A  }
0x26: {  	[smem:$0x3F81] =	sst s1;
	(tag) =	ssettag s2;
	_ =	strace s9  }
0x27: {  	s1 =	sld [smem:$0x3F91]  }
0x28: {  	s2 =	sld [smem:$0x3F92]  }
0x29: {  	s4 =	sld [smem:$0x3F94]  }
0x2a: {  	p0 =	seq.s32 s5, $0x0;
	s5 =	sld [smem:$0x3F95]  }
0x2b: {  	s6 =	sld [smem:$0x3F96]  }
0x2c: {  	s7 =	sld [smem:$0x3F97]  }
0x2d: {  	s3 =	simm.s32 $0x108;
	s8 =	sld [smem:$0x3F98]  }
0x2e: {  	s3 =	simm.s32 @!p0 $0x1082;
	s9 =	sld [smem:$0x3F99]  }
0x2f: {  	lr =	sadd.s32 s0, s3;
	s0 =	sld [smem:$0x3F90]  }
0x30: {  	s3 =	sld [smem:$0x3F93]  }
0x31: {  	[smem:$0x3F9C] =	sst s10  }
0x32: {  	s10 =	sld [smem:$0x3F9A];
	_ =	sdelay $0x3  }
0x33: {  	p0 =	seq.s32 s10, $0x1;
	s10 =	sld [smem:$0x3F9C];
	_ =	sdelay $0x3  }
0x34: {  	[smem:$0x3F9C] =	sst s10  }
0x35: {  	s10 =	sld [smem:$0x3F9B];
	_ =	sdelay $0x3  }
0x36: {  	p1 =	seq.s32 s10, $0x1;
	s10 =	sld [smem:$0x3F9C];
	_ =	sdelay $0x3  }
0x37: {  	[smem:$0x3F9C] =	sst s10  }
0x38: {  	s10 =	sld [smem:$0x3F9D]  }
0x39: {  	_ = 	snop;
	(pc) =	sbr.ind lr, $3  }
0x3a: {  	_ = 	snop  }
0x3b: {  	_ = 	snop  }
0x3c: {  	p2 =	seq.s32 s10, $0x1;
	s10 =	sld [smem:$0x3F9C]  }
0x3d: {  	_ =	shalt  }
0x3e: {  	_ =	shalt  }
0x3f: {  	_ =	shalt  }
0x40: {  	_ =	shalt  }
0x41: {  	_ =	shalt  }
0x42: {  	_ =	shalt  }
0x43: {  	_ =	shalt  }
0x44: {  	_ =	shalt  }
0x45: {  	_ =	shalt  }
0x46: {  	_ =	shalt  }
0x47: {  	_ =	shalt  }
0x48: {  	_ =	shalt  }
0x49: {  	_ =	shalt  }
0x4a: {  	_ =	shalt  }
0x4b: {  	_ =	shalt  }
0x4c: {  	_ =	shalt  }
0x4d: {  	_ =	shalt  }
0x4e: {  	_ =	shalt  }
0x4f: {  	_ =	shalt  }
0x50: {  	_ =	shalt  }
0x51: {  	_ =	shalt  }
0x52: {  	_ =	shalt  }
0x53: {  	_ =	shalt  }
0x54: {  	_ =	shalt  }
0x55: {  	_ =	shalt  }
0x56: {  	_ =	shalt  }
0x57: {  	_ =	shalt  }
0x58: {  	_ =	shalt  }
0x59: {  	_ =	shalt  }
0x5a: {  	_ =	shalt  }
0x5b: {  	_ =	shalt  }
0x5c: {  	_ =	shalt  }
0x5d: {  	_ =	shalt  }
0x5e: {  	_ =	shalt  }
0x5f: {  	_ =	shalt  }
0x60: {  	_ =	shalt  }
0x61: {  	_ =	shalt  }
0x62: {  	_ =	shalt  }
0x63: {  	_ =	shalt  }
0x64: {  	_ =	shalt  }
0x65: {  	_ =	shalt  }
0x66: {  	_ =	shalt  }
0x67: {  	_ =	shalt  }
0x68: {  	_ =	shalt  }
0x69: {  	_ =	shalt  }
0x6a: {  	_ =	shalt  }
0x6b: {  	_ =	shalt  }
0x6c: {  	_ =	shalt  }
0x6d: {  	_ =	shalt  }
0x6e: {  	_ =	shalt  }
0x6f: {  	_ =	shalt  }
0x70: {  	_ =	shalt  }
0x71: {  	_ =	shalt  }
0x72: {  	_ =	shalt  }
0x73: {  	_ =	shalt  }
0x74: {  	_ =	shalt  }
0x75: {  	_ =	shalt  }
0x76: {  	_ =	shalt  }
0x77: {  	_ =	shalt  }
0x78: {  	_ =	shalt  }
0x79: {  	_ =	shalt  }
0x7a: {  	_ =	shalt  }
0x7b: {  	_ =	shalt  }
0x7c: {  	_ =	shalt  }
0x7d: {  	_ =	shalt  }
0x7e: {  	_ =	shalt  }
0x7f: {  	_ =	shalt  }
0x80: {  	_ =	shalt  }
0x81: {  	_ =	shalt  }
0x82: {  	_ =	shalt  }
0x83: {  	_ =	shalt  }
0x84: {  	_ =	shalt  }
0x85: {  	_ =	shalt  }
0x86: {  	_ =	shalt  }
0x87: {  	_ =	shalt  }
.Lfunc_end0:
.L_simem_size_0:
called_computation_lowered:
.L_overlay_start_0:
0x88: {  	s2 =	sld [smem:$0x3FD9]  }
0x89: {  	s3 =	sld [smem:$0x3FFE];
	_ =	sdelay $0x1  }
0x8a: {  	s1 =	srdreg.scid  }
0x8b: {  	s0 =	sand.u32 $0x1, s1  }
0x8c: {  	s17 =	sshll.u32 s0, $0xA;
	s2 =	sadd.s32 s3, s2  }
0x8d: {  	s2 =	sadd.s32 s2, s17  }
0x8e: {  	[smem:$0x3FA8] =	sst s2  }
0x8f: {  	_ = 	snop  }
0x90: {  	s2 =	sld [smem:$0x3FD0];
	(tm) =	ssettm $0x1  }
0x91: {  	s18 =	sld [smem:$0x3FFB];
	_ =	sdelay $0x3  }
0x92: {  	_ =	strace s18  }
0x93: {  	s3 =	sld [smem:$0x3FFC];
	_ =	sdelay $0x3  }
0x94: {  	_ =	strace s3  }
0x95: {  	s3 =	sld [smem:$0x3FFD];
	_ =	sdelay $0x3  }
0x96: {  	_ =	strace s3  }
0x97: {  	_ =	strace $0x8FFFFFFF  }
0x98: {  	s19 =	sld [smem:$0x3FDB];
	_ =	sdelay $0x1  }
0x99: {  	s4 =	simm.s32 $_scs_section_size  }
0x9a: {  	s5 =	simm.s32 $_size__tile_overlayer_lowered;
	s6 =	simm.s32 $_tile_overlayer_lowered  }
0x9b: {  	s22 =	simm.s32 $0x1BFF;
	s21 =	sshll.u32 s6, $0x1;
	s3 =	sadd.s32 s4, s19  }
0x9c: {  	s7 =	simm.s32 $0x0;
	s20 =	sshll.u32 s5, $0x1;
	s5 =	sadd.s32 s21, s3  }
0x9d: {  	[timem:s7], [sflag:s22] =	dma.local [hbm:s5], s20  }
0x9e: {  	_ =	swait.ge [sflag:s22], s20  }
0x9f: {  	s4 =	ssub.s32 $0x0, s20;
	[sflag:s22] =	ssyncset.done $0x0  }
0xa0: {  	[sflag:s22] =	ssyncadd.s32 s4;
	_ =	sdelay $0x1  }
0xa1: {  	s23 =	simm.s32 $0x1B8B  }
0xa2: {  	_ =	swait.ge [sflag:s23], $0x1  }
0xa3: {  	[sflag:s23] =	ssyncset.done $0x0  }
0xa4: {  	s25 =	simm.s32 $0x1B8E;
	s24 =	sld [smem:$0x3FFE];
	[sflag:s23] =	ssyncadd.s32 $0xFFFFFFFF  }
0xa5: {  	s26 =	simm.s32 $execute0_lowered;
	[smem:$0x3FD2] =	sst s25  }
0xa6: {  	s5 =	sshll.u32 s26, $0x1;
	_ =	strace $0x80000046;
	[dreg:$0x1] =	wrdreg $0xFFFFFFFF  }
0xa7: {  	s28 =	simm.s32 $_size_execute0_lowered;
	s3 =	sadd.s32 s3, s5;
	[dreg:$0x0] =	wrdreg $0x0  }
0xa8: {  	s5 =	sshll.u32 s28, $0x1;
	[dreg:$0x2] =	wrdreg s3  }
0xa9: {  	[dreg:$0x3] =	wrdreg s5  }
0xaa: {  	[dreg:$0x4] =	wrdreg $0xC0  }
0xab: {  	_ =	task [dreg:s7], $0x5FFFF  }
0xac: {  	[dreg:$0x1] =	wrdreg $0xFFFFFFFF  }
0xad: {  	[dreg:$0x0] =	wrdreg $0x60  }
0xae: {  	[dreg:$0x2] =	wrdreg s2  }
0xaf: {  	[dreg:$0x3] =	wrdreg s24  }
0xb0: {  	[dreg:$0x4] =	wrdreg $0xE6000  }
0xb1: {  	[dreg:$0x5] =	wrdreg $0x1E6000  }
0xb2: {  	[dreg:$0x6] =	wrdreg $0x9  }
0xb3: {  	_ =	task.clear_ibuf [dreg:s7], $0x7FFFF;
	_ =	strace $0x90000046  }
0xb4: {  	s29 =	simm.s32 $0x9;
	_ =	strace $0x80000048  }
0xb5: {  	_ =	swait.ge [sflag:s29], $0x1  }
0xb6: {  	[sflag:s29] =	ssyncadd.s32 $0xFFFFFFFF  }
0xb7: {  	_ =	strace $0x90000048  }
0xb8: {  	_ =	sfence  }
0xb9: {  	s30 =	sld [smem:$0x0];
	_ =	sdelay $0x2  }
0xba: {  	s31 =	sshll.u32 s1, $0xD;
	s1 =	sshrl.u32 s1, $0x2  }
0xbb: {  	s3 =	sand.u32 $0x4000, s31;
	s1 =	sadd.s32 s1, s30  }
0xbc: {  	s0 =	sor.u32 s3, s0;
	s1 =	sshll.u32 s1, $0x11  }
0xbd: {  	s0 =	sor.u32 s1, s0  }
0xbe: {  	s0 =	sadd.s32 $0x8F2B, s0  }
0xbf: {  	[sflag:s0] =	ssyncadd.remote.s32 $0x1  }
0xc0: {  	_ =	sfence.sel $0xFFFF  }
0xc1: {  	[dreg:$0x0] =	wrdreg $0xFFFFFFFF;
	(pc) =	sbr.abs _section_cstart, $3  }
0xc2: {  	[dreg:$0x1] =	wrdreg $0xFFFFFFFF  }
0xc3: {  	_ =	task.clear_ibuf [dreg:s7], $0x2FFFF;
	_ =	strace $0x9FFFFFFF  }
0xc4: {  	(tm) =	ssettm $0x7FFFFFFF  }
0xc5: {  	_ =	shalt  }
tec
execute0_lowered:
.L_overlay_start_1:
0x0: {  	(tag) =	ssettag $0x1  }
0x1: {  	s1 =	rddreg [dreg:$0x0]  }
0x2: {  	s0 =	rddreg [dreg:$0x1]  }
0x3: {  	s2 =	rddreg [dreg:$0x2]  }
0x4: {  	s3 =	rddreg [dreg:$0x3];
	s4 =	srdreg.scid  }
0x5: {  	s5 =	simm.s32 $0x0;
	s9 =	stileid.u32;
	s28 =	simm.s32 $0xE280  }
0x6: {  	s29 =	simm.s32 $0xC000;
	s30 =	simm.s32 $0x1;
	s31 =	simm.s32 $0x3  }
0x7: {  	s10 =	simm.s32 $0x8000;
	s11 =	simm.s32 $0xE380;
	s12 =	simm.s32 $0xE500  }
0x8: {  	s13 =	simm.s32 $0x5;
	s14 =	simm.s32 $0xE580;
	s4 =	sand.u32 $0x1, s4  }
0x9: {  	[smem:$0x7FF] =	sst s5;
	s6 =	sshll.u32 s9, $0xA;
	s18 =	sshll.u32 s9, $0x10  }
0xa: {  	s23 =	sshll.u32 s9, $0xD;
	s15 =	sshll.u32 s4, $0xA;
	_ =	strace $0x80000047  }
0xb: {  	s7 =	sshll.u32 s4, $0x11;
	s8 =	ssub.s32 $0x2, s4;
	s6 =	sadd.s32 s6, s0  }
0xc: {  	s5 =	sadd.s32 s15, s0;
	s0 =	sadd.s32 s7, s0;
	s6 =	sadd.s32 $0x6000, s6  }
0xd: {  	s16 =	sshrl.u32 s8, $0x1;
	[dreg:$0x5] =	wrdreg s6;
	s5 =	sadd.s32 $0xA000, s5  }
0xe: {  	s7 =	ssub.s32 s8, s16;
	s16 =	sadd.s32 s18, s2;
	[dreg:$0x6] =	wrdreg s5  }
0xf: {  	s17 =	sshll.u32 s4, $0xD;
	s4 =	sadd.s32 $0x2000, s16;
	[dreg:$0x7] =	wrdreg s16  }
0x10: {  	p0 =	sne.s32 s9, $0x0;
	s19 =	sadd.s32 $0x4000, s16;
	[dreg:$0x8] =	wrdreg s4  }
0x11: {  	s9 =	simm.s32 $0xE180;
	s20 =	sadd.s32 $0x6000, s16;
	[dreg:$0x9] =	wrdreg s19  }
0x12: {  	s15 =	simm.s32 $0x0;
	s21 =	sadd.s32 $0x8000, s16;
	[dreg:$0xa] =	wrdreg s20  }
0x13: {  	s0 =	sadd.s32 s23, s0;
	s22 =	sadd.s32 $0xA000, s16;
	[dreg:$0xb] =	wrdreg s21  }
0x14: {  	s18 =	simm.s32 $0x9;
	s24 =	sadd.s32 $0xC000, s16;
	[dreg:$0xc] =	wrdreg s22  }
0x15: {  	s23 =	simm.s32 $0xE300;
	s25 =	sadd.s32 $0xE000, s16;
	[dreg:$0xd] =	wrdreg s24  }
0x16: {  	s6 =	simm.s32 $0x4;
	s0 =	sadd.s32 $0xB000, s0;
	[dreg:$0xe] =	wrdreg s25  }
0x17: {  	s26 =	smax.u32 s7, $0x1;
	s5 =	simm.s32 $0x2;
	[dreg:$0xf] =	wrdreg s0  }
0x18: {  	s7 =	simm.s32 $0xE480;
	[dreg:$0x10] =	wrdreg s26;
	s0 =	sshrl.u32 @!p0 s3, $0x3  }
0x19: {  	s20 =	simm.s32 $0x2000;
	s21 =	simm.s32 $0x40;
	s24 =	simm.s32 $0xA000  }
0x1a: {  	s25 =	simm.s32 $0xE080;
	s26 =	simm.s32 $0x4000;
	s4 =	simm.s32 $0xE100  }
0x1b: {  	v1 =	vimm.f32 $0.0e+00;
	v0 =	vmov s17;
	s22 =	simm.s32 $0x6000;
	[dreg:$0x11] =	wrdreg s0;
	s0 =	simm.s32 $0xE400  }
.LBB2_1:
0x1c: {  	[dreg:$0x12] =	wrdreg s15  }
0x1d: {  	s8 =	simm.s32 $0x0;
	s19 =	rddreg [dreg:$0x5]  }
0x1e: {  	[tilespmem:s8], [sflag:$0x9] =	stream.linear.gather [hbm4b:s19+s8], $0x2000, $0x38;
	[tilespmem:$0x1E800] =	vst v63  }
0x1f: {  	_ =	swait.ge [sflag:s18], $0x2000  }
0x20: {  	[sflag:s18] =	ssyncset.done $0x0;
	s15 =	rddreg [dreg:$0x6]  }
0x21: {  	s8 =	simm.s32 @!p0 $0x1C09;
	s17 =	rddreg [dreg:$0x11];
	[sflag:s18] =	ssyncadd.s32 $0xFFFFE000  }
0x22: {  	[spmem:s17], [sflag:s8] =	dma.local @!p0 [hbm:s15], $0x400  }
0x23: {  	s8 =	simm.s32 @!p0 $0x9  }
0x24: {  	_ =	swait.ge @!p0 [sflag:s8], $0x400  }
0x25: {  	[sflag:s8] =	ssyncset.done @!p0 $0x0  }
0x26: {  	s15 =	simm.s32 $0x200;
	[sflag:s8] =	ssyncadd.s32 @!p0 $0xFFFFFC00;
	s8 =	simm.s32 $0x0  }
.LBB2_2:
0x27: {  	p1 =	sne.s32 s15, $0x7E00;
	[tilespmem:s8+$0x2070] =	vst v1  }
0x28: {  	[tilespmem:s8+$0x2000] =	vst v1  }
0x29: {  	[tilespmem:s8+$0x2010] =	vst v1  }
.Ltmp0:
0x2a: {  	[tilespmem:s8+$0x2020] =	vst v1;
	(pc) =	sbr.rel @p1 .LBB2_2-.Ltmp0, $4  }
0x2b: {  	[tilespmem:s8+$0x2030] =	vst v1  }
0x2c: {  	[tilespmem:s8+$0x2040] =	vst v1  }
0x2d: {  	[tilespmem:s8+$0x2050] =	vst v1  }
0x2e: {  	[tilespmem:s8+$0x2060] =	vst v1;
	s8 =	sshra.s32 s15, $0x2;
	s15 =	sadd.s32 $0x200, s15  }
0x2f: {  	[tilespmem:s8+$0x2070] =	vst v1  }
0x30: {  	[tilespmem:s8+$0x2000] =	vst v1  }
0x31: {  	[tilespmem:s8+$0x2010] =	vst v1  }
0x32: {  	[tilespmem:s8+$0x2020] =	vst v1  }
0x33: {  	[tilespmem:s8+$0x2030] =	vst v1  }
0x34: {  	[tilespmem:s8+$0x2040] =	vst v1  }
0x35: {  	[tilespmem:s8+$0x2050] =	vst v1  }
0x36: {  	[tilespmem:s8+$0x2060] =	vst v1  }
0x37: {  	[spmem:s16] =	stream.linear.scatter [tilespmem:s20], [sflag:$0x9], $0x2000, $0x38;
	[tilespmem:$0x1E800] =	vst v63  }
0x38: {  	_ =	swait.ge [sflag:s18], $0x2000  }
0x39: {  	[sflag:s18] =	ssyncset.done $0x0  }
0x3a: {  	s19 =	rddreg [dreg:$0x8];
	[sflag:s18] =	ssyncadd.s32 $0xFFFFE000  }
0x3b: {  	[spmem:s19] =	stream.linear.scatter [tilespmem:s20], [sflag:$0x9], $0x2000, $0x38;
	[tilespmem:$0x1E800] =	vst v63  }
0x3c: {  	_ =	swait.ge [sflag:s18], $0x2000  }
0x3d: {  	[sflag:s18] =	ssyncset.done $0x0  }
0x3e: {  	s15 =	rddreg [dreg:$0x9];
	[sflag:s18] =	ssyncadd.s32 $0xFFFFE000  }
0x3f: {  	[spmem:s15] =	stream.linear.scatter [tilespmem:s20], [sflag:$0x9], $0x2000, $0x38;
	[tilespmem:$0x1E800] =	vst v63  }
0x40: {  	_ =	swait.ge [sflag:s18], $0x2000  }
0x41: {  	[sflag:s18] =	ssyncset.done $0x0  }
0x42: {  	s16 =	rddreg [dreg:$0xa];
	[sflag:s18] =	ssyncadd.s32 $0xFFFFE000  }
0x43: {  	[spmem:s16] =	stream.linear.scatter [tilespmem:s20], [sflag:$0x9], $0x2000, $0x38;
	[tilespmem:$0x1E800] =	vst v63  }
0x44: {  	_ =	swait.ge [sflag:s18], $0x2000  }
0x45: {  	[sflag:s18] =	ssyncset.done $0x0  }
0x46: {  	s17 =	rddreg [dreg:$0xb];
	[sflag:s18] =	ssyncadd.s32 $0xFFFFE000  }
0x47: {  	[spmem:s17] =	stream.linear.scatter [tilespmem:s20], [sflag:$0x9], $0x2000, $0x38;
	[tilespmem:$0x1E800] =	vst v63  }
0x48: {  	_ =	swait.ge [sflag:s18], $0x2000  }
0x49: {  	[sflag:s18] =	ssyncset.done $0x0  }
0x4a: {  	s19 =	rddreg [dreg:$0xc];
	[sflag:s18] =	ssyncadd.s32 $0xFFFFE000  }
0x4b: {  	[spmem:s19] =	stream.linear.scatter [tilespmem:s20], [sflag:$0x9], $0x2000, $0x38;
	[tilespmem:$0x1E800] =	vst v63  }
0x4c: {  	_ =	swait.ge [sflag:s18], $0x2000  }
0x4d: {  	[sflag:s18] =	ssyncset.done $0x0  }
0x4e: {  	s15 =	rddreg [dreg:$0xd];
	[sflag:s18] =	ssyncadd.s32 $0xFFFFE000  }
0x4f: {  	[spmem:s15] =	stream.linear.scatter [tilespmem:s20], [sflag:$0x9], $0x2000, $0x38;
	[tilespmem:$0x1E800] =	vst v63  }
0x50: {  	_ =	swait.ge [sflag:s18], $0x2000  }
0x51: {  	[sflag:s18] =	ssyncset.done $0x0  }
0x52: {  	s16 =	rddreg [dreg:$0xe];
	[sflag:s18] =	ssyncadd.s32 $0xFFFFE000  }
0x53: {  	[spmem:s16] =	stream.linear.scatter [tilespmem:s20], [sflag:$0x9], $0x2000, $0x38;
	[tilespmem:$0x1E800] =	vst v63  }
0x54: {  	_ =	swait.ge [sflag:s18], $0x2000  }
0x55: {  	[sflag:s18] =	ssyncset.done $0x0  }
0x56: {  	[sflag:s18] =	ssyncadd.s32 $0xFFFFE000  }
0x57: {  	[bflag:$0x0] =	sbarrier.arrive $0xFFFF  }
0x58: {  	v2 =	vld [tilespmem:$0x0];
	_ =	sdelay $0x1  }
0x59: {  	v3 =	vld [tilespmem:$0x10];
	_ =	sdelay $0x2  }
0x5a: {  	v6 =	vld [tilespmem:$0x20];
	v4 =	vand.u32 $0x1FFF, v2;
	v5 =	vshrl.u32 v2, $0xD;
	v2 =	vshrl.u32 v2, $0x13  }
0x5b: {  	v4 =	vor.u32 v0, v4;
	[tilespmem:$0xE400] =	vst v2  }
0x5c: {  	v61 =	vand.u32 $0x1FFF, v3;
	v60 =	vand.u32 $0x3F, v5;
	[tilespmem:$0xE000] =	vst v4  }
0x5d: {  	v63 =	vld [tilespmem:$0x30];
	v62 =	vshrl.u32 v3, $0xD;
	v2 =	vor.u32 v0, v61;
	[tilespmem:$0xE200] =	vst v60  }
0x5e: {  	[tilespmem:$0xE010] =	vst v2;
	v2 =	vand.u32 $0x3F, v62  }
0x5f: {  	[tilespmem:$0xE210] =	vst v2;
	v2 =	vshrl.u32 v3, $0x13;
	v3 =	vand.u32 $0x1FFF, v6  }
0x60: {  	[tilespmem:$0xE410] =	vst v2;
	v2 =	vor.u32 v0, v3;
	v3 =	vshrl.u32 v6, $0xD  }
0x61: {  	[tilespmem:$0xE020] =	vst v2;
	v2 =	vand.u32 $0x3F, v3  }
0x62: {  	v3 =	vand.u32 $0x1FFF, v63;
	[tilespmem:$0xE220] =	vst v2;
	v2 =	vshrl.u32 v6, $0x13  }
0x63: {  	[tilespmem:$0xE420] =	vst v2;
	v2 =	vor.u32 v0, v3;
	v3 =	vshrl.u32 v63, $0xD  }
0x64: {  	[tilespmem:$0xE030] =	vst v2;
	v2 =	vand.u32 $0x3F, v3  }
0x65: {  	[tilespmem:$0xE230] =	vst v2;
	v2 =	vshrl.u32 v63, $0x13  }
0x66: {  	s17 =	simm.s32 $0xE000;
	[tilespmem:$0xE430] =	vst v2  }
0x67: {  	[tilespmem:s20], [sflag:$0x1] =	stream.indirect.gather [hbm4b:s1+s21], $0x80, s17, s21, $0xb8;
	[tilespmem:$0x1E800] =	vst v63  }
0x68: {  	s19 =	simm.s32 $0xE200;
	s15 =	simm.s32 $0x0  }
0x69: {  	[tilespmem:s24], [sflag:$0x3] =	stream.indirect.gather [spmem:s3], $0x80, s19, s21, $0xb8;
	[tilespmem:$0x1E800] =	vst v63  }
.LBB2_4:
0x6a: {  	p1 =	seq.s32 s15, $0x0  }
0x6b: {  	s8 =	simm.s32 @!p1 $0x6  }
0x6c: {  	_ =	swait.ge @!p1 [sflag:s8], $0x2000  }
0x6d: {  	s16 =	sshll.u32 s15, $0xA;
	[sflag:s8] =	ssyncset.done @!p1 $0x0  }
0x6e: {  	s16 =	sshra.s32 s16, $0x2;
	[sflag:s8] =	ssyncadd.s32 @!p1 $0xFFFFE000  }
0x6f: {  	v2 =	vld [tilespmem:s16+$0x40];
	_ =	sdelay $0x4  }
0x70: {  	v3 =	vand.u32 $0x1FFF, v2;
	v4 =	vshrl.u32 v2, $0xD;
	v2 =	vshrl.u32 v2, $0x13  }
0x71: {  	v3 =	vor.u32 v0, v3;
	[tilespmem:$0xE480] =	vst v2  }
0x72: {  	[tilespmem:$0xE080] =	vst v3;
	v3 =	vand.u32 $0x3F, v4  }
0x73: {  	[tilespmem:$0xE280] =	vst v3  }
0x74: {  	v2 =	vld [tilespmem:s16+$0x50];
	_ =	sdelay $0x4  }
0x75: {  	v3 =	vand.u32 $0x1FFF, v2;
	v4 =	vshrl.u32 v2, $0xD;
	v2 =	vshrl.u32 v2, $0x13  }
0x76: {  	v3 =	vor.u32 v0, v3;
	[tilespmem:$0xE490] =	vst v2  }
0x77: {  	[tilespmem:$0xE090] =	vst v3;
	v3 =	vand.u32 $0x3F, v4  }
0x78: {  	[tilespmem:$0xE290] =	vst v3  }
0x79: {  	v2 =	vld [tilespmem:s16+$0x60];
	_ =	sdelay $0x4  }
0x7a: {  	v3 =	vand.u32 $0x1FFF, v2;
	v4 =	vshrl.u32 v2, $0xD;
	v2 =	vshrl.u32 v2, $0x13  }
0x7b: {  	v3 =	vor.u32 v0, v3;
	[tilespmem:$0xE4A0] =	vst v2  }
0x7c: {  	[tilespmem:$0xE0A0] =	vst v3;
	v3 =	vand.u32 $0x3F, v4  }
0x7d: {  	[tilespmem:$0xE2A0] =	vst v3  }
0x7e: {  	v2 =	vld [tilespmem:s16+$0x70];
	_ =	sdelay $0x4  }
0x7f: {  	v3 =	vand.u32 $0x1FFF, v2;
	v4 =	vshrl.u32 v2, $0xD;
	v2 =	vshrl.u32 v2, $0x13  }
0x80: {  	v3 =	vor.u32 v0, v3;
	[tilespmem:$0xE4B0] =	vst v2  }
0x81: {  	[tilespmem:$0xE0B0] =	vst v3;
	v3 =	vand.u32 $0x3F, v4  }
0x82: {  	[tilespmem:$0xE2B0] =	vst v3  }
0x83: {  	[tilespmem:s26], [sflag:$0x2] =	stream.indirect.gather [hbm4b:s1+s21], $0x80, s25, s21, $0xb8;
	[tilespmem:$0x1E800] =	vst v63  }
0x84: {  	_ = 	snop  }
0x85: {  	[tilespmem:s29], [sflag:$0x4] =	stream.indirect.gather [spmem:s3], $0x80, s28, s21, $0xb8;
	[tilespmem:$0x1E800] =	vst v63  }
0x86: {  	_ =	swait.ge [sflag:s30], $0x2000  }
0x87: {  	[sflag:s30] =	ssyncset.done $0x0  }
0x88: {  	[sflag:s30] =	ssyncadd.s32 $0xFFFFE000  }
0x89: {  	_ =	swait.ge [sflag:s31], $0x2000  }
0x8a: {  	[sflag:s31] =	ssyncset.done $0x0  }
0x8b: {  	s17 =	simm.s32 $0x0;
	[sflag:s31] =	ssyncadd.s32 $0xFFFFE000  }
0x8c: {  	v8 =	vld [tilespmem:s17+$0xA000]  }
0x8d: {  	v13 =	vld [tilespmem:s17+$0xA010]  }
0x8e: {  	v7 =	vld [tilespmem:s17+$0xA020]  }
0x8f: {  	v6 =	vld [tilespmem:s17+$0xA030]  }
0x90: {  	v5 =	vld [tilespmem:s17+$0xA040]  }
0x91: {  	v4 =	vld [tilespmem:s17+$0xA050]  }
0x92: {  	v3 =	vld [tilespmem:s17+$0xA060]  }
0x93: {  	v2 =	vld [tilespmem:s17+$0xA070]  }
0x94: {  	v14 =	vld [tilespmem:s17+$0x2000]  }
0x95: {  	v15 =	vld [tilespmem:s17+$0x2010]  }
0x96: {  	v12 =	vld [tilespmem:s17+$0x2020]  }
0x97: {  	v11 =	vld [tilespmem:s17+$0x2030]  }
0x98: {  	v10 =	vld [tilespmem:s17+$0x2040]  }
0x99: {  	v9 =	vld [tilespmem:s17+$0x2050];
	v14 =	vadd.f32 v8, v14  }
0x9a: {  	s8 =	simm.s32 $0x200;
	v13 =	vadd.f32 v13, v15;
	v8 =	vld [tilespmem:s17+$0x2060]  }
.LBB2_5:
0x9b: {  	s19 =	sshra.s32 s8, $0x2;
	p2 =	sne.s32 s8, $0x7E00;
	v14 =	vmax.f32 v14, $0.0e+00;
	v7 =	vadd.f32 v7, v12;
	v12 =	vld [tilespmem:s17+$0x2070]  }
0x9c: {  	v15 =	vld [tilespmem:s19+$0xA000];
	[tilespmem:s17+$0x2000] =	vst v14;
	v13 =	vmax.f32 v13, $0.0e+00;
	v6 =	vadd.f32 v6, v11  }
0x9d: {  	v16 =	vld [tilespmem:s19+$0xA010];
	[tilespmem:s17+$0x2010] =	vst v13;
	v11 =	vmax.f32 v7, $0.0e+00;
	v5 =	vadd.f32 v5, v10  }
0x9e: {  	v7 =	vld [tilespmem:s19+$0xA020];
	[tilespmem:s17+$0x2020] =	vst v11;
	v10 =	vmax.f32 v6, $0.0e+00;
	v4 =	vadd.f32 v4, v9  }
0x9f: {  	v6 =	vld [tilespmem:s19+$0xA030];
	[tilespmem:s17+$0x2030] =	vst v10;
	v9 =	vmax.f32 v5, $0.0e+00;
	v3 =	vadd.f32 v3, v8  }
0xa0: {  	v5 =	vld [tilespmem:s19+$0xA040];
	[tilespmem:s17+$0x2040] =	vst v9;
	v8 =	vmax.f32 v4, $0.0e+00;
	v2 =	vadd.f32 v2, v12  }
0xa1: {  	v4 =	vld [tilespmem:s19+$0xA050];
	[tilespmem:s17+$0x2050] =	vst v8;
	v8 =	vmax.f32 v3, $0.0e+00  }
0xa2: {  	v3 =	vld [tilespmem:s19+$0xA060];
	[tilespmem:s17+$0x2060] =	vst v8;
	v8 =	vmax.f32 v2, $0.0e+00  }
0xa3: {  	v2 =	vld [tilespmem:s19+$0xA070];
	[tilespmem:s17+$0x2070] =	vst v8;
	s17 =	smov.u32 s19  }
0xa4: {  	v8 =	vld [tilespmem:s17+$0x2000]  }
0xa5: {  	v13 =	vld [tilespmem:s17+$0x2010]  }
.Ltmp1:
0xa6: {  	v12 =	vld [tilespmem:s17+$0x2020];
	(pc) =	sbr.rel @p2 .LBB2_5-.Ltmp1, $4  }
0xa7: {  	v11 =	vld [tilespmem:s17+$0x2030]  }
0xa8: {  	v10 =	vld [tilespmem:s17+$0x2040]  }
0xa9: {  	v14 =	vadd.f32 v15, v8;
	v9 =	vld [tilespmem:s17+$0x2050]  }
0xaa: {  	s8 =	sadd.s32 $0x200, s8;
	v13 =	vadd.f32 v16, v13;
	v8 =	vld [tilespmem:s17+$0x2060]  }
0xab: {  	v14 =	vmax.f32 v14, $0.0e+00;
	v7 =	vadd.f32 v7, v12;
	v12 =	vld [tilespmem:s17+$0x2070]  }
0xac: {  	[tilespmem:s17+$0x2000] =	vst v14;
	v13 =	vmax.f32 v13, $0.0e+00;
	v6 =	vadd.f32 v6, v11  }
0xad: {  	[tilespmem:s17+$0x2010] =	vst v13;
	v7 =	vmax.f32 v7, $0.0e+00;
	v5 =	vadd.f32 v5, v10  }
0xae: {  	[tilespmem:s17+$0x2020] =	vst v7;
	v6 =	vmax.f32 v6, $0.0e+00;
	v4 =	vadd.f32 v4, v9  }
0xaf: {  	[tilespmem:s17+$0x2030] =	vst v6;
	v5 =	vmax.f32 v5, $0.0e+00;
	v3 =	vadd.f32 v3, v8  }
0xb0: {  	[tilespmem:s17+$0x2040] =	vst v5;
	v4 =	vmax.f32 v4, $0.0e+00;
	v2 =	vadd.f32 v2, v12  }
0xb1: {  	[tilespmem:s17+$0x2050] =	vst v4;
	v3 =	vmax.f32 v3, $0.0e+00  }
0xb2: {  	[tilespmem:s17+$0x2060] =	vst v3;
	v2 =	vmax.f32 v2, $0.0e+00  }
0xb3: {  	s8 =	simm.s32 @!p1 $0x7;
	[tilespmem:s17+$0x2070] =	vst v2  }
0xb4: {  	[spmem:s2] =	stream.indirect.scatter.add.f32 [tilespmem:s20], [sflag:$0x5], $0x80, s0, s21, $0xb8;
	[tilespmem:$0x1E800] =	vst v63  }
0xb5: {  	_ =	swait.ge @!p1 [sflag:s8], $0x2000  }
0xb6: {  	[sflag:s8] =	ssyncset.done @!p1 $0x0  }
0xb7: {  	[sflag:s8] =	ssyncadd.s32 @!p1 $0xFFFFE000  }
0xb8: {  	v2 =	vld [tilespmem:s16+$0x80];
	_ =	sdelay $0x4  }
0xb9: {  	v3 =	vand.u32 $0x1FFF, v2;
	v4 =	vshrl.u32 v2, $0xD;
	v2 =	vshrl.u32 v2, $0x13  }
0xba: {  	v3 =	vor.u32 v0, v3;
	[tilespmem:$0xE500] =	vst v2  }
0xbb: {  	[tilespmem:$0xE100] =	vst v3;
	v3 =	vand.u32 $0x3F, v4  }
0xbc: {  	[tilespmem:$0xE300] =	vst v3  }
0xbd: {  	v2 =	vld [tilespmem:s16+$0x90];
	_ =	sdelay $0x4  }
0xbe: {  	v3 =	vand.u32 $0x1FFF, v2;
	v4 =	vshrl.u32 v2, $0xD;
	v2 =	vshrl.u32 v2, $0x13  }
0xbf: {  	v3 =	vor.u32 v0, v3;
	[tilespmem:$0xE510] =	vst v2  }
0xc0: {  	[tilespmem:$0xE110] =	vst v3;
	v3 =	vand.u32 $0x3F, v4  }
0xc1: {  	[tilespmem:$0xE310] =	vst v3  }
0xc2: {  	v2 =	vld [tilespmem:s16+$0xA0];
	_ =	sdelay $0x4  }
0xc3: {  	v3 =	vand.u32 $0x1FFF, v2;
	v4 =	vshrl.u32 v2, $0xD;
	v2 =	vshrl.u32 v2, $0x13  }
0xc4: {  	v3 =	vor.u32 v0, v3;
	[tilespmem:$0xE520] =	vst v2  }
0xc5: {  	[tilespmem:$0xE120] =	vst v3;
	v3 =	vand.u32 $0x3F, v4  }
0xc6: {  	[tilespmem:$0xE320] =	vst v3  }
0xc7: {  	v2 =	vld [tilespmem:s16+$0xB0];
	_ =	sdelay $0x4  }
0xc8: {  	v3 =	vand.u32 $0x1FFF, v2;
	v4 =	vshrl.u32 v2, $0xD;
	v2 =	vshrl.u32 v2, $0x13  }
0xc9: {  	v3 =	vor.u32 v0, v3;
	[tilespmem:$0xE530] =	vst v2  }
0xca: {  	[tilespmem:$0xE130] =	vst v3;
	v3 =	vand.u32 $0x3F, v4  }
0xcb: {  	[tilespmem:$0xE330] =	vst v3  }
0xcc: {  	[tilespmem:s22], [sflag:$0x1] =	stream.indirect.gather [hbm4b:s1+s21], $0x80, s4, s21, $0xb8;
	[tilespmem:$0x1E800] =	vst v63  }
0xcd: {  	_ = 	snop  }
0xce: {  	[tilespmem:s24], [sflag:$0x3] =	stream.indirect.gather [spmem:s3], $0x80, s23, s21, $0xb8;
	[tilespmem:$0x1E800] =	vst v63  }
0xcf: {  	_ =	swait.ge [sflag:s5], $0x2000  }
0xd0: {  	[sflag:s5] =	ssyncset.done $0x0  }
0xd1: {  	[sflag:s5] =	ssyncadd.s32 $0xFFFFE000  }
0xd2: {  	_ =	swait.ge [sflag:s6], $0x2000  }
0xd3: {  	[sflag:s6] =	ssyncset.done $0x0  }
0xd4: {  	s17 =	simm.s32 $0x0;
	[sflag:s6] =	ssyncadd.s32 $0xFFFFE000  }
0xd5: {  	v8 =	vld [tilespmem:s17+$0xC000]  }
0xd6: {  	v13 =	vld [tilespmem:s17+$0xC010]  }
0xd7: {  	v7 =	vld [tilespmem:s17+$0xC020]  }
0xd8: {  	v6 =	vld [tilespmem:s17+$0xC030]  }
0xd9: {  	v5 =	vld [tilespmem:s17+$0xC040]  }
0xda: {  	v4 =	vld [tilespmem:s17+$0xC050]  }
0xdb: {  	v3 =	vld [tilespmem:s17+$0xC060]  }
0xdc: {  	v2 =	vld [tilespmem:s17+$0xC070]  }
0xdd: {  	v14 =	vld [tilespmem:s17+$0x4000]  }
0xde: {  	v15 =	vld [tilespmem:s17+$0x4010]  }
0xdf: {  	v12 =	vld [tilespmem:s17+$0x4020]  }
0xe0: {  	v11 =	vld [tilespmem:s17+$0x4030]  }
0xe1: {  	v10 =	vld [tilespmem:s17+$0x4040]  }
0xe2: {  	v9 =	vld [tilespmem:s17+$0x4050];
	v14 =	vadd.f32 v8, v14  }
0xe3: {  	s8 =	simm.s32 $0x200;
	v13 =	vadd.f32 v13, v15;
	v8 =	vld [tilespmem:s17+$0x4060]  }
.LBB2_7:
0xe4: {  	s19 =	sshra.s32 s8, $0x2;
	p2 =	sne.s32 s8, $0x7E00;
	v14 =	vmax.f32 v14, $0.0e+00;
	v7 =	vadd.f32 v7, v12;
	v12 =	vld [tilespmem:s17+$0x4070]  }
0xe5: {  	v15 =	vld [tilespmem:s19+$0xC000];
	[tilespmem:s17+$0x4000] =	vst v14;
	v13 =	vmax.f32 v13, $0.0e+00;
	v6 =	vadd.f32 v6, v11  }
0xe6: {  	v16 =	vld [tilespmem:s19+$0xC010];
	[tilespmem:s17+$0x4010] =	vst v13;
	v11 =	vmax.f32 v7, $0.0e+00;
	v5 =	vadd.f32 v5, v10  }
0xe7: {  	v7 =	vld [tilespmem:s19+$0xC020];
	[tilespmem:s17+$0x4020] =	vst v11;
	v10 =	vmax.f32 v6, $0.0e+00;
	v4 =	vadd.f32 v4, v9  }
0xe8: {  	v6 =	vld [tilespmem:s19+$0xC030];
	[tilespmem:s17+$0x4030] =	vst v10;
	v9 =	vmax.f32 v5, $0.0e+00;
	v3 =	vadd.f32 v3, v8  }
0xe9: {  	v5 =	vld [tilespmem:s19+$0xC040];
	[tilespmem:s17+$0x4040] =	vst v9;
	v8 =	vmax.f32 v4, $0.0e+00;
	v2 =	vadd.f32 v2, v12  }
0xea: {  	v4 =	vld [tilespmem:s19+$0xC050];
	[tilespmem:s17+$0x4050] =	vst v8;
	v8 =	vmax.f32 v3, $0.0e+00  }
0xeb: {  	v3 =	vld [tilespmem:s19+$0xC060];
	[tilespmem:s17+$0x4060] =	vst v8;
	v8 =	vmax.f32 v2, $0.0e+00  }
0xec: {  	v2 =	vld [tilespmem:s19+$0xC070];
	[tilespmem:s17+$0x4070] =	vst v8;
	s17 =	smov.u32 s19  }
0xed: {  	v8 =	vld [tilespmem:s17+$0x4000]  }
0xee: {  	v13 =	vld [tilespmem:s17+$0x4010]  }
.Ltmp2:
0xef: {  	v12 =	vld [tilespmem:s17+$0x4020];
	(pc) =	sbr.rel @p2 .LBB2_7-.Ltmp2, $4  }
0xf0: {  	v11 =	vld [tilespmem:s17+$0x4030]  }
0xf1: {  	v10 =	vld [tilespmem:s17+$0x4040]  }
0xf2: {  	v14 =	vadd.f32 v15, v8;
	v9 =	vld [tilespmem:s17+$0x4050]  }
0xf3: {  	s8 =	sadd.s32 $0x200, s8;
	v13 =	vadd.f32 v16, v13;
	v8 =	vld [tilespmem:s17+$0x4060]  }
0xf4: {  	v14 =	vmax.f32 v14, $0.0e+00;
	v7 =	vadd.f32 v7, v12;
	v12 =	vld [tilespmem:s17+$0x4070]  }
0xf5: {  	[tilespmem:s17+$0x4000] =	vst v14;
	v13 =	vmax.f32 v13, $0.0e+00;
	v6 =	vadd.f32 v6, v11  }
0xf6: {  	[tilespmem:s17+$0x4010] =	vst v13;
	v7 =	vmax.f32 v7, $0.0e+00;
	v5 =	vadd.f32 v5, v10  }
0xf7: {  	[tilespmem:s17+$0x4020] =	vst v7;
	v6 =	vmax.f32 v6, $0.0e+00;
	v4 =	vadd.f32 v4, v9  }
0xf8: {  	[tilespmem:s17+$0x4030] =	vst v6;
	v5 =	vmax.f32 v5, $0.0e+00;
	v3 =	vadd.f32 v3, v8  }
0xf9: {  	[tilespmem:s17+$0x4040] =	vst v5;
	v4 =	vmax.f32 v4, $0.0e+00;
	v2 =	vadd.f32 v2, v12  }
0xfa: {  	[tilespmem:s17+$0x4050] =	vst v4;
	v3 =	vmax.f32 v3, $0.0e+00  }
0xfb: {  	[tilespmem:s17+$0x4060] =	vst v3;
	v2 =	vmax.f32 v2, $0.0e+00  }
0xfc: {  	s8 =	simm.s32 @!p1 $0x8;
	[tilespmem:s17+$0x4070] =	vst v2  }
0xfd: {  	[spmem:s2] =	stream.indirect.scatter.add.f32 [tilespmem:s26], [sflag:$0x6], $0x80, s7, s21, $0xb8;
	[tilespmem:$0x1E800] =	vst v63  }
0xfe: {  	_ =	swait.ge @!p1 [sflag:s8], $0x2000  }
0xff: {  	[sflag:s8] =	ssyncset.done @!p1 $0x0  }
0x100: {  	[sflag:s8] =	ssyncadd.s32 @!p1 $0xFFFFE000  }
0x101: {  	v2 =	vld [tilespmem:s16+$0xC0];
	_ =	sdelay $0x4  }
0x102: {  	v3 =	vand.u32 $0x1FFF, v2;
	v4 =	vshrl.u32 v2, $0xD;
	v2 =	vshrl.u32 v2, $0x13  }
0x103: {  	v3 =	vor.u32 v0, v3;
	[tilespmem:$0xE580] =	vst v2  }
0x104: {  	[tilespmem:$0xE180] =	vst v3;
	v3 =	vand.u32 $0x3F, v4  }
0x105: {  	[tilespmem:$0xE380] =	vst v3  }
0x106: {  	v2 =	vld [tilespmem:s16+$0xD0];
	_ =	sdelay $0x4  }
0x107: {  	v3 =	vand.u32 $0x1FFF, v2;
	v4 =	vshrl.u32 v2, $0xD;
	v2 =	vshrl.u32 v2, $0x13  }
0x108: {  	v3 =	vor.u32 v0, v3;
	[tilespmem:$0xE590] =	vst v2  }
0x109: {  	[tilespmem:$0xE190] =	vst v3;
	v3 =	vand.u32 $0x3F, v4  }
0x10a: {  	[tilespmem:$0xE390] =	vst v3  }
0x10b: {  	v2 =	vld [tilespmem:s16+$0xE0];
	_ =	sdelay $0x4  }
0x10c: {  	v3 =	vand.u32 $0x1FFF, v2;
	v4 =	vshrl.u32 v2, $0xD;
	v2 =	vshrl.u32 v2, $0x13  }
0x10d: {  	v3 =	vor.u32 v0, v3;
	[tilespmem:$0xE5A0] =	vst v2  }
0x10e: {  	[tilespmem:$0xE1A0] =	vst v3;
	v3 =	vand.u32 $0x3F, v4  }
0x10f: {  	[tilespmem:$0xE3A0] =	vst v3  }
0x110: {  	v2 =	vld [tilespmem:s16+$0xF0];
	_ =	sdelay $0x4  }
0x111: {  	v3 =	vand.u32 $0x1FFF, v2;
	v4 =	vshrl.u32 v2, $0xD;
	v2 =	vshrl.u32 v2, $0x13  }
0x112: {  	v3 =	vor.u32 v0, v3;
	[tilespmem:$0xE5B0] =	vst v2  }
0x113: {  	[tilespmem:$0xE1B0] =	vst v3;
	v3 =	vand.u32 $0x3F, v4  }
0x114: {  	[tilespmem:$0xE3B0] =	vst v3  }
0x115: {  	[tilespmem:s10], [sflag:$0x2] =	stream.indirect.gather [hbm4b:s1+s21], $0x80, s9, s21, $0xb8;
	[tilespmem:$0x1E800] =	vst v63  }
0x116: {  	_ = 	snop  }
0x117: {  	[tilespmem:s29], [sflag:$0x4] =	stream.indirect.gather [spmem:s3], $0x80, s11, s21, $0xb8;
	[tilespmem:$0x1E800] =	vst v63  }
0x118: {  	_ =	swait.ge [sflag:s30], $0x2000  }
0x119: {  	[sflag:s30] =	ssyncset.done $0x0  }
0x11a: {  	[sflag:s30] =	ssyncadd.s32 $0xFFFFE000  }
0x11b: {  	_ =	swait.ge [sflag:s31], $0x2000  }
0x11c: {  	[sflag:s31] =	ssyncset.done $0x0  }
0x11d: {  	s17 =	simm.s32 $0x0;
	[sflag:s31] =	ssyncadd.s32 $0xFFFFE000  }
0x11e: {  	v8 =	vld [tilespmem:s17+$0xA000]  }
0x11f: {  	v13 =	vld [tilespmem:s17+$0xA010]  }
0x120: {  	v7 =	vld [tilespmem:s17+$0xA020]  }
0x121: {  	v6 =	vld [tilespmem:s17+$0xA030]  }
0x122: {  	v5 =	vld [tilespmem:s17+$0xA040]  }
0x123: {  	v4 =	vld [tilespmem:s17+$0xA050]  }
0x124: {  	v3 =	vld [tilespmem:s17+$0xA060]  }
0x125: {  	v2 =	vld [tilespmem:s17+$0xA070]  }
0x126: {  	v14 =	vld [tilespmem:s17+$0x6000]  }
0x127: {  	v15 =	vld [tilespmem:s17+$0x6010]  }
0x128: {  	v12 =	vld [tilespmem:s17+$0x6020]  }
0x129: {  	v11 =	vld [tilespmem:s17+$0x6030]  }
0x12a: {  	v10 =	vld [tilespmem:s17+$0x6040]  }
0x12b: {  	v9 =	vld [tilespmem:s17+$0x6050];
	v14 =	vadd.f32 v8, v14  }
0x12c: {  	s8 =	simm.s32 $0x200;
	v13 =	vadd.f32 v13, v15;
	v8 =	vld [tilespmem:s17+$0x6060]  }
.LBB2_9:
0x12d: {  	s19 =	sshra.s32 s8, $0x2;
	p1 =	sne.s32 s8, $0x7E00;
	v14 =	vmax.f32 v14, $0.0e+00;
	v7 =	vadd.f32 v7, v12;
	v12 =	vld [tilespmem:s17+$0x6070]  }
0x12e: {  	v15 =	vld [tilespmem:s19+$0xA000];
	[tilespmem:s17+$0x6000] =	vst v14;
	v13 =	vmax.f32 v13, $0.0e+00;
	v6 =	vadd.f32 v6, v11  }
0x12f: {  	v16 =	vld [tilespmem:s19+$0xA010];
	[tilespmem:s17+$0x6010] =	vst v13;
	v11 =	vmax.f32 v7, $0.0e+00;
	v5 =	vadd.f32 v5, v10  }
0x130: {  	v7 =	vld [tilespmem:s19+$0xA020];
	[tilespmem:s17+$0x6020] =	vst v11;
	v10 =	vmax.f32 v6, $0.0e+00;
	v4 =	vadd.f32 v4, v9  }
0x131: {  	v6 =	vld [tilespmem:s19+$0xA030];
	[tilespmem:s17+$0x6030] =	vst v10;
	v9 =	vmax.f32 v5, $0.0e+00;
	v3 =	vadd.f32 v3, v8  }
0x132: {  	v5 =	vld [tilespmem:s19+$0xA040];
	[tilespmem:s17+$0x6040] =	vst v9;
	v8 =	vmax.f32 v4, $0.0e+00;
	v2 =	vadd.f32 v2, v12  }
0x133: {  	v4 =	vld [tilespmem:s19+$0xA050];
	[tilespmem:s17+$0x6050] =	vst v8;
	v8 =	vmax.f32 v3, $0.0e+00  }
0x134: {  	v3 =	vld [tilespmem:s19+$0xA060];
	[tilespmem:s17+$0x6060] =	vst v8;
	v8 =	vmax.f32 v2, $0.0e+00  }
0x135: {  	v2 =	vld [tilespmem:s19+$0xA070];
	[tilespmem:s17+$0x6070] =	vst v8;
	s17 =	smov.u32 s19  }
0x136: {  	v8 =	vld [tilespmem:s17+$0x6000]  }
0x137: {  	v13 =	vld [tilespmem:s17+$0x6010]  }
.Ltmp3:
0x138: {  	v12 =	vld [tilespmem:s17+$0x6020];
	(pc) =	sbr.rel @p1 .LBB2_9-.Ltmp3, $4  }
0x139: {  	v11 =	vld [tilespmem:s17+$0x6030]  }
0x13a: {  	v10 =	vld [tilespmem:s17+$0x6040]  }
0x13b: {  	v14 =	vadd.f32 v15, v8;
	v9 =	vld [tilespmem:s17+$0x6050]  }
0x13c: {  	s8 =	sadd.s32 $0x200, s8;
	v13 =	vadd.f32 v16, v13;
	v8 =	vld [tilespmem:s17+$0x6060]  }
0x13d: {  	v14 =	vmax.f32 v14, $0.0e+00;
	v7 =	vadd.f32 v7, v12;
	v12 =	vld [tilespmem:s17+$0x6070]  }
0x13e: {  	[tilespmem:s17+$0x6000] =	vst v14;
	v13 =	vmax.f32 v13, $0.0e+00;
	v6 =	vadd.f32 v6, v11  }
0x13f: {  	[tilespmem:s17+$0x6010] =	vst v13;
	v7 =	vmax.f32 v7, $0.0e+00;
	v5 =	vadd.f32 v5, v10  }
0x140: {  	[tilespmem:s17+$0x6020] =	vst v7;
	v6 =	vmax.f32 v6, $0.0e+00;
	v4 =	vadd.f32 v4, v9  }
0x141: {  	[tilespmem:s17+$0x6030] =	vst v6;
	v5 =	vmax.f32 v5, $0.0e+00;
	v3 =	vadd.f32 v3, v8  }
0x142: {  	[tilespmem:s17+$0x6040] =	vst v5;
	v4 =	vmax.f32 v4, $0.0e+00;
	v2 =	vadd.f32 v2, v12  }
0x143: {  	[tilespmem:s17+$0x6050] =	vst v4;
	v3 =	vmax.f32 v3, $0.0e+00  }
0x144: {  	[tilespmem:s17+$0x6060] =	vst v3;
	v2 =	vmax.f32 v2, $0.0e+00  }
0x145: {  	[tilespmem:s17+$0x6070] =	vst v2  }
0x146: {  	[spmem:s2] =	stream.indirect.scatter.add.f32 [tilespmem:s22], [sflag:$0x7], $0x80, s12, s21, $0xb8;
	[tilespmem:$0x1E800] =	vst v63  }
0x147: {  	_ =	swait.ge [sflag:s13], $0x2000  }
0x148: {  	[sflag:s13] =	ssyncset.done $0x0  }
0x149: {  	p1 =	seq.s32 s15, $0x1F;
	[sflag:s13] =	ssyncadd.s32 $0xFFFFE000  }
0x14a: {  	v2 =	vld @!p1 [tilespmem:s16+$0x100];
	_ =	sdelay $0x4  }
0x14b: {  	v3 =	vand.u32 @!p1 $0x1FFF, v2;
	v4 =	vshrl.u32 @!p1 v2, $0xD;
	v2 =	vshrl.u32 @!p1 v2, $0x13  }
0x14c: {  	v3 =	vor.u32 @!p1 v0, v3;
	[tilespmem:$0xE400] =	vst @!p1 v2  }
0x14d: {  	[tilespmem:$0xE000] =	vst @!p1 v3;
	v3 =	vand.u32 @!p1 $0x3F, v4  }
0x14e: {  	[tilespmem:$0xE200] =	vst @!p1 v3  }
0x14f: {  	v2 =	vld @!p1 [tilespmem:s16+$0x110];
	_ =	sdelay $0x4  }
0x150: {  	v3 =	vand.u32 @!p1 $0x1FFF, v2;
	v4 =	vshrl.u32 @!p1 v2, $0xD;
	v2 =	vshrl.u32 @!p1 v2, $0x13  }
0x151: {  	v3 =	vor.u32 @!p1 v0, v3;
	[tilespmem:$0xE410] =	vst @!p1 v2  }
0x152: {  	[tilespmem:$0xE010] =	vst @!p1 v3;
	v3 =	vand.u32 @!p1 $0x3F, v4  }
0x153: {  	[tilespmem:$0xE210] =	vst @!p1 v3  }
0x154: {  	v2 =	vld @!p1 [tilespmem:s16+$0x120];
	_ =	sdelay $0x4  }
0x155: {  	v3 =	vand.u32 @!p1 $0x1FFF, v2;
	v4 =	vshrl.u32 @!p1 v2, $0xD;
	v2 =	vshrl.u32 @!p1 v2, $0x13  }
0x156: {  	v3 =	vor.u32 @!p1 v0, v3;
	[tilespmem:$0xE420] =	vst @!p1 v2  }
0x157: {  	[tilespmem:$0xE020] =	vst @!p1 v3;
	v3 =	vand.u32 @!p1 $0x3F, v4  }
0x158: {  	[tilespmem:$0xE220] =	vst @!p1 v3  }
0x159: {  	v2 =	vld @!p1 [tilespmem:s16+$0x130];
	_ =	sdelay $0x4  }
0x15a: {  	v3 =	vand.u32 @!p1 $0x1FFF, v2;
	v4 =	vshrl.u32 @!p1 v2, $0xD;
	v2 =	vshrl.u32 @!p1 v2, $0x13  }
0x15b: {  	v3 =	vor.u32 @!p1 v0, v3;
	[tilespmem:$0xE430] =	vst @!p1 v2  }
0x15c: {  	[tilespmem:$0xE030] =	vst @!p1 v3;
	v3 =	vand.u32 @!p1 $0x3F, v4  }
0x15d: {  	s8 =	simm.s32 @!p1 $0x40;
	s17 =	simm.s32 @!p1 $0x2000;
	s16 =	simm.s32 @!p1 $0xE000;
	[tilespmem:$0xE230] =	vst @!p1 v3  }
0x15e: {  	[tilespmem:s17], [sflag:$0x1] =	stream.indirect.gather @!p1 [hbm4b:s1+s8], $0x80, s16, s8, $0xb8;
	[tilespmem:$0x1E800] =	vst v63  }
0x15f: {  	s16 =	simm.s32 @!p1 $0xE200;
	s17 =	simm.s32 @!p1 $0xA000  }
0x160: {  	[tilespmem:s17], [sflag:$0x3] =	stream.indirect.gather @!p1 [spmem:s3], $0x80, s16, s8, $0xb8;
	[tilespmem:$0x1E800] =	vst v63  }
0x161: {  	_ =	swait.ge [sflag:s5], $0x2000  }
0x162: {  	[sflag:s5] =	ssyncset.done $0x0  }
0x163: {  	[sflag:s5] =	ssyncadd.s32 $0xFFFFE000  }
0x164: {  	_ =	swait.ge [sflag:s6], $0x2000  }
0x165: {  	[sflag:s6] =	ssyncset.done $0x0  }
0x166: {  	s16 =	simm.s32 $0x0;
	[sflag:s6] =	ssyncadd.s32 $0xFFFFE000  }
0x167: {  	v8 =	vld [tilespmem:s16+$0xC000]  }
0x168: {  	v13 =	vld [tilespmem:s16+$0xC010]  }
0x169: {  	v7 =	vld [tilespmem:s16+$0xC020]  }
0x16a: {  	v6 =	vld [tilespmem:s16+$0xC030]  }
0x16b: {  	v5 =	vld [tilespmem:s16+$0xC040]  }
0x16c: {  	v4 =	vld [tilespmem:s16+$0xC050]  }
0x16d: {  	v3 =	vld [tilespmem:s16+$0xC060]  }
0x16e: {  	v2 =	vld [tilespmem:s16+$0xC070]  }
0x16f: {  	v14 =	vld [tilespmem:s16+$0x8000]  }
0x170: {  	v15 =	vld [tilespmem:s16+$0x8010]  }
0x171: {  	v12 =	vld [tilespmem:s16+$0x8020]  }
0x172: {  	v11 =	vld [tilespmem:s16+$0x8030]  }
0x173: {  	v10 =	vld [tilespmem:s16+$0x8040]  }
0x174: {  	v9 =	vld [tilespmem:s16+$0x8050];
	v14 =	vadd.f32 v8, v14  }
0x175: {  	s8 =	simm.s32 $0x200;
	v13 =	vadd.f32 v13, v15;
	v8 =	vld [tilespmem:s16+$0x8060]  }
.LBB2_11:
0x176: {  	s17 =	sshra.s32 s8, $0x2;
	p1 =	sne.s32 s8, $0x7E00;
	v14 =	vmax.f32 v14, $0.0e+00;
	v7 =	vadd.f32 v7, v12;
	v12 =	vld [tilespmem:s16+$0x8070]  }
0x177: {  	v15 =	vld [tilespmem:s17+$0xC000];
	[tilespmem:s16+$0x8000] =	vst v14;
	v13 =	vmax.f32 v13, $0.0e+00;
	v6 =	vadd.f32 v6, v11  }
0x178: {  	v16 =	vld [tilespmem:s17+$0xC010];
	[tilespmem:s16+$0x8010] =	vst v13;
	v11 =	vmax.f32 v7, $0.0e+00;
	v5 =	vadd.f32 v5, v10  }
0x179: {  	v7 =	vld [tilespmem:s17+$0xC020];
	[tilespmem:s16+$0x8020] =	vst v11;
	v10 =	vmax.f32 v6, $0.0e+00;
	v4 =	vadd.f32 v4, v9  }
0x17a: {  	v6 =	vld [tilespmem:s17+$0xC030];
	[tilespmem:s16+$0x8030] =	vst v10;
	v9 =	vmax.f32 v5, $0.0e+00;
	v3 =	vadd.f32 v3, v8  }
0x17b: {  	v5 =	vld [tilespmem:s17+$0xC040];
	[tilespmem:s16+$0x8040] =	vst v9;
	v8 =	vmax.f32 v4, $0.0e+00;
	v2 =	vadd.f32 v2, v12  }
0x17c: {  	v4 =	vld [tilespmem:s17+$0xC050];
	[tilespmem:s16+$0x8050] =	vst v8;
	v8 =	vmax.f32 v3, $0.0e+00  }
0x17d: {  	v3 =	vld [tilespmem:s17+$0xC060];
	[tilespmem:s16+$0x8060] =	vst v8;
	v8 =	vmax.f32 v2, $0.0e+00  }
0x17e: {  	v2 =	vld [tilespmem:s17+$0xC070];
	[tilespmem:s16+$0x8070] =	vst v8;
	s16 =	smov.u32 s17  }
0x17f: {  	v8 =	vld [tilespmem:s16+$0x8000]  }
0x180: {  	v13 =	vld [tilespmem:s16+$0x8010]  }
.Ltmp4:
0x181: {  	v12 =	vld [tilespmem:s16+$0x8020];
	(pc) =	sbr.rel @p1 .LBB2_11-.Ltmp4, $4  }
0x182: {  	v11 =	vld [tilespmem:s16+$0x8030]  }
0x183: {  	v10 =	vld [tilespmem:s16+$0x8040]  }
0x184: {  	v14 =	vadd.f32 v15, v8;
	v9 =	vld [tilespmem:s16+$0x8050]  }
0x185: {  	s8 =	sadd.s32 $0x200, s8;
	v13 =	vadd.f32 v16, v13;
	v8 =	vld [tilespmem:s16+$0x8060]  }
0x186: {  	v14 =	vmax.f32 v14, $0.0e+00;
	v7 =	vadd.f32 v7, v12;
	v63 =	vld [tilespmem:s16+$0x8070]  }
0x187: {  	[tilespmem:s16+$0x8000] =	vst v14;
	v13 =	vmax.f32 v13, $0.0e+00;
	v6 =	vadd.f32 v6, v11  }
0x188: {  	[tilespmem:s16+$0x8010] =	vst v13;
	v7 =	vmax.f32 v7, $0.0e+00;
	v5 =	vadd.f32 v5, v10  }
0x189: {  	s15 =	sadd.s32 $0x1, s15;
	[tilespmem:s16+$0x8020] =	vst v7;
	v6 =	vmax.f32 v6, $0.0e+00;
	v4 =	vadd.f32 v4, v9  }
0x18a: {  	p1 =	sne.s32 s15, $0x20;
	[tilespmem:s16+$0x8030] =	vst v6;
	v5 =	vmax.f32 v5, $0.0e+00;
	v3 =	vadd.f32 v3, v8  }
.Ltmp5:
0x18b: {  	[tilespmem:s16+$0x8040] =	vst v5;
	v4 =	vmax.f32 v4, $0.0e+00;
	v2 =	vadd.f32 v2, v63;
	(pc) =	sbr.rel @p1 .LBB2_4-.Ltmp5, $4  }
0x18c: {  	[tilespmem:s16+$0x8050] =	vst v4;
	v3 =	vmax.f32 v3, $0.0e+00  }
0x18d: {  	[tilespmem:s16+$0x8060] =	vst v3;
	v2 =	vmax.f32 v2, $0.0e+00  }
0x18e: {  	[tilespmem:s16+$0x8070] =	vst v2  }
0x18f: {  	[spmem:s2] =	stream.indirect.scatter.add.f32 [tilespmem:s10], [sflag:$0x8], $0x80, s14, s21, $0xb8;
	[tilespmem:$0x1E800] =	vst v63  }
0x190: {  	s8 =	simm.s32 $0x6  }
0x191: {  	_ =	swait.ge [sflag:s8], $0x2000  }
0x192: {  	[sflag:s8] =	ssyncset.done $0x0  }
0x193: {  	s19 =	simm.s32 $0x7;
	[sflag:s8] =	ssyncadd.s32 $0xFFFFE000  }
0x194: {  	_ =	swait.ge [sflag:s19], $0x2000  }
0x195: {  	[sflag:s19] =	ssyncset.done $0x0  }
0x196: {  	s15 =	simm.s32 $0x8;
	[sflag:s19] =	ssyncadd.s32 $0xFFFFE000  }
0x197: {  	_ =	swait.ge [sflag:s15], $0x2000  }
0x198: {  	[sflag:s15] =	ssyncset.done $0x0  }
0x199: {  	[sflag:s15] =	ssyncadd.s32 $0xFFFFE000  }
0x19a: {  	s16 =	stileid.u32;
	[bflag:$0x0] =	sbarrier.arrive $0xFFFF  }
0x19b: {  	s8 =	sshll.u32 s16, $0x6;
	s16 =	rddreg [dreg:$0x7]  }
0x19c: {  	s8 =	sor.u32 $0x1C09, s8;
	s17 =	rddreg [dreg:$0xf];
	s15 =	sshrl.u32 s16, $0x3  }
0x19d: {  	[hbm:s17], [sflag:s8] =	dma.local [spmem:s15], $0x2000  }
0x19e: {  	_ =	swait.ge [sflag:s18], $0x2000  }
0x19f: {  	s17 =	rddreg [dreg:$0x12]  }
0x1a0: {  	s19 =	rddreg [dreg:$0x10];
	s15 =	sadd.s32 $0x1, s17  }
0x1a1: {  	p1 =	sne.s32 s15, s19  }
.Ltmp6:
0x1a2: {  	_ = 	snop;
	(pc) =	sbr.rel @p1 .LBB2_1-.Ltmp6, $3  }
0x1a3: {  	_ =	sdelay $0x1  }
0x1a4: {  	[sflag:s18] =	ssyncset.done $0x0  }
0x1a5: {  	[sflag:s18] =	ssyncadd.s32 $0xFFFFE000  }
0x1a6: {  	_ =	sfence.sel $0x180000  }
0x1a7: {  	[bflag:$0x0] =	sbarrier.arrive $0xFFFF  }
0x1a8: {  	_ =	strace $0x90000047  }
0x1a9: {  	[bflag:$0x2] =	sbarrier.arrive $0xFFFF  }
0x1aa: {  	s0 =	rddreg [dreg:$0x4]  }
0x1ab: {  	s0 =	sadd.s32 @!p0 $0x100000, s0  }
0x1ac: {  	[sflag:s0] =	ssyncadd.tile.s32 @!p0 $0x1;
	_ =	shalt  }
.Lfunc_end2:
_tile_overlayer_lowered:
.L_overlay_start_2:
0x1ad: {  	(tag) =	ssettag $0x2  }
0x1ae: {  	s0 =	rddreg [dreg:$0x0];
	s2 =	stileid.u32  }
0x1af: {  	s1 =	rddreg [dreg:$0x1];
	p0 =	sne.s32 s2, $0x0  }
0x1b0: {  	s3 =	rddreg [dreg:$0x2];
	[bflag:$0x3] =	sbarrier.arrive $0xFFFF;
	s2 =	simm.s32 @!p0 $0x1C09  }
0x1b1: {  	[timem:s3], [sflag:s2] =	dma.local @!p0 [hbm:s0], s1  }
0x1b2: {  	s0 =	simm.s32 @!p0 $0x9  }
0x1b3: {  	_ =	swait.ge @!p0 [sflag:s0], s1  }
0x1b4: {  	s1 =	ssub.s32 @!p0 $0x0, s1;
	[sflag:s0] =	ssyncset.done @!p0 $0x0  }
0x1b5: {  	[sflag:s0] =	ssyncadd.s32 @!p0 s1  }
0x1b6: {  	[bflag:$0x3] =	sbarrier.arrive $0xFFFF  }
0x1b7: {  	_ =	shalt  }

// kernel: kernel.15.cloned.1.call-start
scs
__scs_entry_jumppad:
0x0: {  	(pc) =	sbr.rel $0x88, $3  }
0x1: {  	(tag) =	ssettag $0x0;
	lr =	simm.s32 $0x1  }
0x2: {  	[smem:$0x3F81] =	sst lr;
	_ =	strace $0xD0000000  }
0x3: {  	_ = 	snop  }
0x4: {  	_ = 	snop  }
0x5: {  	_ = 	snop  }
0x6: {  	_ = 	snop  }
0x7: {  	_ = 	snop  }
__scs_overlays_trampoline_lowered:
0x8: {  	[smem:$0x3F90] =	sst s0  }
0x9: {  	[smem:$0x3F91] =	sst s1  }
0xa: {  	[smem:$0x3F92] =	sst s2  }
0xb: {  	[smem:$0x3F93] =	sst s3  }
0xc: {  	[smem:$0x3F94] =	sst s4  }
0xd: {  	[smem:$0x3F95] =	sst s5  }
0xe: {  	[smem:$0x3F96] =	sst s6  }
0xf: {  	[smem:$0x3F97] =	sst s7  }
0x10: {  	[smem:$0x3F98] =	sst s8  }
0x11: {  	[smem:$0x3F99] =	sst s9;
	s0 =	simm.s32 @!p0 $0x0  }
0x12: {  	s1 =	sld [smem:$0x3F7F];
	s0 =	simm.s32 @p0 $0x1  }
0x13: {  	[smem:$0x3F9A] =	sst s0;
	s0 =	simm.s32 @!p1 $0x0  }
0x14: {  	s2 =	sld [smem:$0x3F7E];
	s0 =	simm.s32 @p1 $0x1  }
0x15: {  	[smem:$0x3F9B] =	sst s0;
	s0 =	simm.s32 @!p2 $0x0  }
0x16: {  	s3 =	sld [smem:$0x3FDB];
	s0 =	simm.s32 @p2 $0x1  }
0x17: {  	s4 =	simm.s32 $0x1BF5;
	[smem:$0x3F9D] =	sst s0  }
0x18: {  	s0 =	sld [smem:$0x3F80];
	_ =	swait.ge [sflag:s4], $0x0  }
0x19: {  	s7 =	sld [smem:$0x3F81]  }
0x1a: {  	s8 =	sadd.s32 $0xFFFFE003, lr  }
0x1b: {  	s9 =	sadd.s32 $0xFFFFFEF7, lr;
	s5 =	simm.s32 $0xFFFFFFFF;
	p2 =	slt.u32 s8, $0xFFFFF086  }
0x1c: {  	p1 =	slt.u32 s9, $0xF7A;
	s5 =	simm.s32 @!p2 $0x0  }
0x1d: {  	s5 =	simm.s32 @p1 $0x1;
	p0 =	seq.s32 s7, s2  }
0x1e: {  	s7 =	smul.u32 @!p0 $0xF7A, s2;
	p2 =	seq.s32 @!p0 s5, $0x0  }
0x1f: {  	s9 =	smul.u32 $0xF7A, s1;
	s8 =	simm.s32 @!p0 $0x1BF5;
	p2 =	por !p2, p0  }
0x20: {  	[sflag:s8] =	ssyncset.s32 @!p0 $0xFFFFF086;
	s6 =	sadd.s32 @!p0 s3, s7;
	s7 =	simm.s32 @!p0 $0x108  }
0x21: {  	s3 =	sadd.s32 s3, s9;
	s6 =	sadd.s32 @!p0 $0x88, s6;
	s7 =	simm.s32 @p2 $0x1082  }
0x22: {  	[simem:s7], [sflag:s8] =	dma.local @!p0 [hbm:s6], $0xF7A  }
0x23: {  	s9 =	sor.u32 $0xD0000000, s2;
	s6 =	simm.s32 $0x108;
	_ =	swait.ge @!p0 [sflag:s8], $0x0  }
0x24: {  	s3 =	sadd.s32 $0x88, s3;
	s6 =	simm.s32 @!p1 $0x1082;
	[sflag:s4] =	ssyncset.s32 $0xFFFFF086  }
0x25: {  	[simem:s6], [sflag:s4] =	dma.local [hbm:s3], $0xF7A  }
0x26: {  	[smem:$0x3F81] =	sst s1;
	(tag) =	ssettag s2;
	_ =	strace s9  }
0x27: {  	s1 =	sld [smem:$0x3F91]  }
0x28: {  	s2 =	sld [smem:$0x3F92]  }
0x29: {  	s4 =	sld [smem:$0x3F94]  }
0x2a: {  	p0 =	seq.s32 s5, $0x0;
	s5 =	sld [smem:$0x3F95]  }
0x2b: {  	s6 =	sld [smem:$0x3F96]  }
0x2c: {  	s7 =	sld [smem:$0x3F97]  }
0x2d: {  	s3 =	simm.s32 $0x108;
	s8 =	sld [smem:$0x3F98]  }
0x2e: {  	s3 =	simm.s32 @!p0 $0x1082;
	s9 =	sld [smem:$0x3F99]  }
0x2f: {  	lr =	sadd.s32 s0, s3;
	s0 =	sld [smem:$0x3F90]  }
0x30: {  	s3 =	sld [smem:$0x3F93]  }
0x31: {  	[smem:$0x3F9C] =	sst s10  }
0x32: {  	s10 =	sld [smem:$0x3F9A];
	_ =	sdelay $0x3  }
0x33: {  	p0 =	seq.s32 s10, $0x1;
	s10 =	sld [smem:$0x3F9C];
	_ =	sdelay $0x3  }
0x34: {  	[smem:$0x3F9C] =	sst s10  }
0x35: {  	s10 =	sld [smem:$0x3F9B];
	_ =	sdelay $0x3  }
0x36: {  	p1 =	seq.s32 s10, $0x1;
	s10 =	sld [smem:$0x3F9C];
	_ =	sdelay $0x3  }
0x37: {  	[smem:$0x3F9C] =	sst s10  }
0x38: {  	s10 =	sld [smem:$0x3F9D]  }
0x39: {  	_ = 	snop;
	(pc) =	sbr.ind lr, $3  }
0x3a: {  	_ = 	snop  }
0x3b: {  	_ = 	snop  }
0x3c: {  	p2 =	seq.s32 s10, $0x1;
	s10 =	sld [smem:$0x3F9C]  }
0x3d: {  	_ =	shalt  }
0x3e: {  	_ =	shalt  }
0x3f: {  	_ =	shalt  }
0x40: {  	_ =	shalt  }
0x41: {  	_ =	shalt  }
0x42: {  	_ =	shalt  }
0x43: {  	_ =	shalt  }
0x44: {  	_ =	shalt  }
0x45: {  	_ =	shalt  }
0x46: {  	_ =	shalt  }
0x47: {  	_ =	shalt  }
0x48: {  	_ =	shalt  }
0x49: {  	_ =	shalt  }
0x4a: {  	_ =	shalt  }
0x4b: {  	_ =	shalt  }
0x4c: {  	_ =	shalt  }
0x4d: {  	_ =	shalt  }
0x4e: {  	_ =	shalt  }
0x4f: {  	_ =	shalt  }
0x50: {  	_ =	shalt  }
0x51: {  	_ =	shalt  }
0x52: {  	_ =	shalt  }
0x53: {  	_ =	shalt  }
0x54: {  	_ =	shalt  }
0x55: {  	_ =	shalt  }
0x56: {  	_ =	shalt  }
0x57: {  	_ =	shalt  }
0x58: {  	_ =	shalt  }
0x59: {  	_ =	shalt  }
0x5a: {  	_ =	shalt  }
0x5b: {  	_ =	shalt  }
0x5c: {  	_ =	shalt  }
0x5d: {  	_ =	shalt  }
0x5e: {  	_ =	shalt  }
0x5f: {  	_ =	shalt  }
0x60: {  	_ =	shalt  }
0x61: {  	_ =	shalt  }
0x62: {  	_ =	shalt  }
0x63: {  	_ =	shalt  }
0x64: {  	_ =	shalt  }
0x65: {  	_ =	shalt  }
0x66: {  	_ =	shalt  }
0x67: {  	_ =	shalt  }
0x68: {  	_ =	shalt  }
0x69: {  	_ =	shalt  }
0x6a: {  	_ =	shalt  }
0x6b: {  	_ =	shalt  }
0x6c: {  	_ =	shalt  }
0x6d: {  	_ =	shalt  }
0x6e: {  	_ =	shalt  }
0x6f: {  	_ =	shalt  }
0x70: {  	_ =	shalt  }
0x71: {  	_ =	shalt  }
0x72: {  	_ =	shalt  }
0x73: {  	_ =	shalt  }
0x74: {  	_ =	shalt  }
0x75: {  	_ =	shalt  }
0x76: {  	_ =	shalt  }
0x77: {  	_ =	shalt  }
0x78: {  	_ =	shalt  }
0x79: {  	_ =	shalt  }
0x7a: {  	_ =	shalt  }
0x7b: {  	_ =	shalt  }
0x7c: {  	_ =	shalt  }
0x7d: {  	_ =	shalt  }
0x7e: {  	_ =	shalt  }
0x7f: {  	_ =	shalt  }
0x80: {  	_ =	shalt  }
0x81: {  	_ =	shalt  }
0x82: {  	_ =	shalt  }
0x83: {  	_ =	shalt  }
0x84: {  	_ =	shalt  }
0x85: {  	_ =	shalt  }
0x86: {  	_ =	shalt  }
0x87: {  	_ =	shalt  }
.Lfunc_end0:
.L_simem_size_0:
called_computation.1_lowered:
.L_overlay_start_0:
0x88: {  	s2 =	sld [smem:$0x3FD9]  }
0x89: {  	s3 =	sld [smem:$0x3FFE];
	_ =	sdelay $0x1  }
0x8a: {  	s1 =	srdreg.scid  }
0x8b: {  	s0 =	sand.u32 $0x1, s1  }
0x8c: {  	s17 =	sshll.u32 s0, $0xA;
	s2 =	sadd.s32 s3, s2  }
0x8d: {  	s2 =	sadd.s32 s2, s17  }
0x8e: {  	[smem:$0x3FA8] =	sst s2  }
0x8f: {  	_ = 	snop  }
0x90: {  	s2 =	sld [smem:$0x3FD0];
	(tm) =	ssettm $0x1  }
0x91: {  	s18 =	sld [smem:$0x3FFB];
	_ =	sdelay $0x3  }
0x92: {  	_ =	strace s18  }
0x93: {  	s3 =	sld [smem:$0x3FFC];
	_ =	sdelay $0x3  }
0x94: {  	_ =	strace s3  }
0x95: {  	s3 =	sld [smem:$0x3FFD];
	_ =	sdelay $0x3  }
0x96: {  	_ =	strace s3  }
0x97: {  	_ =	strace $0x8FFFFFFF  }
0x98: {  	s19 =	sld [smem:$0x3FDB];
	_ =	sdelay $0x1  }
0x99: {  	s4 =	simm.s32 $_scs_section_size  }
0x9a: {  	s5 =	simm.s32 $_size__tile_overlayer_lowered;
	s6 =	simm.s32 $_tile_overlayer_lowered  }
0x9b: {  	s22 =	simm.s32 $0x1BFF;
	s21 =	sshll.u32 s6, $0x1;
	s3 =	sadd.s32 s4, s19  }
0x9c: {  	s7 =	simm.s32 $0x0;
	s20 =	sshll.u32 s5, $0x1;
	s5 =	sadd.s32 s21, s3  }
0x9d: {  	[timem:s7], [sflag:s22] =	dma.local [hbm:s5], s20  }
0x9e: {  	_ =	swait.ge [sflag:s22], s20  }
0x9f: {  	s4 =	ssub.s32 $0x0, s20;
	[sflag:s22] =	ssyncset.done $0x0  }
0xa0: {  	[sflag:s22] =	ssyncadd.s32 s4;
	_ =	sdelay $0x1  }
0xa1: {  	s23 =	simm.s32 $0x1B8B  }
0xa2: {  	_ =	swait.ge [sflag:s23], $0x1  }
0xa3: {  	[sflag:s23] =	ssyncset.done $0x0  }
0xa4: {  	s25 =	simm.s32 $0x1B8E;
	s24 =	sld [smem:$0x3FFE];
	[sflag:s23] =	ssyncadd.s32 $0xFFFFFFFF  }
0xa5: {  	s26 =	simm.s32 $execute0_lowered;
	[smem:$0x3FD2] =	sst s25  }
0xa6: {  	s5 =	sshll.u32 s26, $0x1;
	_ =	strace $0x80000049;
	[dreg:$0x1] =	wrdreg $0xFFFFFFFF  }
0xa7: {  	s28 =	simm.s32 $_size_execute0_lowered;
	s3 =	sadd.s32 s3, s5;
	[dreg:$0x0] =	wrdreg $0x0  }
0xa8: {  	s5 =	sshll.u32 s28, $0x1;
	[dreg:$0x2] =	wrdreg s3  }
0xa9: {  	[dreg:$0x3] =	wrdreg s5  }
0xaa: {  	[dreg:$0x4] =	wrdreg $0xC0  }
0xab: {  	_ =	task [dreg:s7], $0x5FFFF  }
0xac: {  	[dreg:$0x1] =	wrdreg $0xFFFFFFFF  }
0xad: {  	[dreg:$0x0] =	wrdreg $0x60  }
0xae: {  	[dreg:$0x2] =	wrdreg s2  }
0xaf: {  	[dreg:$0x3] =	wrdreg s24  }
0xb0: {  	[dreg:$0x4] =	wrdreg $0xE6000  }
0xb1: {  	[dreg:$0x5] =	wrdreg $0x1E6000  }
0xb2: {  	[dreg:$0x6] =	wrdreg $0x9  }
0xb3: {  	_ =	task.clear_ibuf [dreg:s7], $0x7FFFF;
	_ =	strace $0x90000049  }
0xb4: {  	s29 =	simm.s32 $0x9;
	_ =	strace $0x8000004B  }
0xb5: {  	_ =	swait.ge [sflag:s29], $0x1  }
0xb6: {  	[sflag:s29] =	ssyncadd.s32 $0xFFFFFFFF  }
0xb7: {  	_ =	strace $0x9000004B  }
0xb8: {  	_ =	sfence  }
0xb9: {  	s30 =	sld [smem:$0x0];
	_ =	sdelay $0x2  }
0xba: {  	s31 =	sshll.u32 s1, $0xD;
	s1 =	sshrl.u32 s1, $0x2  }
0xbb: {  	s3 =	sand.u32 $0x4000, s31;
	s1 =	sadd.s32 s1, s30  }
0xbc: {  	s0 =	sor.u32 s3, s0;
	s1 =	sshll.u32 s1, $0x11  }
0xbd: {  	s0 =	sor.u32 s1, s0  }
0xbe: {  	s0 =	sadd.s32 $0x8F2B, s0  }
0xbf: {  	[sflag:s0] =	ssyncadd.remote.s32 $0x1  }
0xc0: {  	_ =	sfence.sel $0xFFFF  }
0xc1: {  	[dreg:$0x0] =	wrdreg $0xFFFFFFFF;
	(pc) =	sbr.abs _section_cstart, $3  }
0xc2: {  	[dreg:$0x1] =	wrdreg $0xFFFFFFFF  }
0xc3: {  	_ =	task.clear_ibuf [dreg:s7], $0x2FFFF;
	_ =	strace $0x9FFFFFFF  }
0xc4: {  	(tm) =	ssettm $0x7FFFFFFF  }
0xc5: {  	_ =	shalt  }
tec
execute0_lowered:
.L_overlay_start_1:
0x0: {  	(tag) =	ssettag $0x1  }
0x1: {  	s1 =	rddreg [dreg:$0x0]  }
0x2: {  	s0 =	rddreg [dreg:$0x1]  }
0x3: {  	s2 =	rddreg [dreg:$0x2]  }
0x4: {  	s3 =	rddreg [dreg:$0x3];
	s4 =	srdreg.scid  }
0x5: {  	s5 =	simm.s32 $0x0;
	s9 =	stileid.u32;
	s28 =	simm.s32 $0xE280  }
0x6: {  	s29 =	simm.s32 $0xC000;
	s30 =	simm.s32 $0x1;
	s31 =	simm.s32 $0x3  }
0x7: {  	s10 =	simm.s32 $0x8000;
	s11 =	simm.s32 $0xE380;
	s12 =	simm.s32 $0xE500  }
0x8: {  	s13 =	simm.s32 $0x5;
	s14 =	simm.s32 $0xE580;
	s4 =	sand.u32 $0x1, s4  }
0x9: {  	[smem:$0x7FF] =	sst s5;
	s6 =	sshll.u32 s9, $0xA;
	s18 =	sshll.u32 s9, $0x10  }
0xa: {  	s23 =	sshll.u32 s9, $0xD;
	s15 =	sshll.u32 s4, $0xA;
	_ =	strace $0x8000004A  }
0xb: {  	s7 =	sshll.u32 s4, $0x11;
	s8 =	ssub.s32 $0x2, s4;
	s6 =	sadd.s32 s6, s0  }
0xc: {  	s5 =	sadd.s32 s15, s0;
	s0 =	sadd.s32 s7, s0;
	s6 =	sadd.s32 $0x6000, s6  }
0xd: {  	s16 =	sshrl.u32 s8, $0x1;
	[dreg:$0x5] =	wrdreg s6;
	s5 =	sadd.s32 $0xA800, s5  }
0xe: {  	s7 =	ssub.s32 s8, s16;
	s16 =	sadd.s32 s18, s2;
	[dreg:$0x6] =	wrdreg s5  }
0xf: {  	s17 =	sshll.u32 s4, $0xD;
	s4 =	sadd.s32 $0x2000, s16;
	[dreg:$0x7] =	wrdreg s16  }
0x10: {  	p0 =	sne.s32 s9, $0x0;
	s19 =	sadd.s32 $0x4000, s16;
	[dreg:$0x8] =	wrdreg s4  }
0x11: {  	s9 =	simm.s32 $0xE180;
	s20 =	sadd.s32 $0x6000, s16;
	[dreg:$0x9] =	wrdreg s19  }
0x12: {  	s15 =	simm.s32 $0x0;
	s21 =	sadd.s32 $0x8000, s16;
	[dreg:$0xa] =	wrdreg s20  }
0x13: {  	s0 =	sadd.s32 s23, s0;
	s22 =	sadd.s32 $0xA000, s16;
	[dreg:$0xb] =	wrdreg s21  }
0x14: {  	s18 =	simm.s32 $0x9;
	s24 =	sadd.s32 $0xC000, s16;
	[dreg:$0xc] =	wrdreg s22  }
0x15: {  	s23 =	simm.s32 $0xE300;
	s25 =	sadd.s32 $0xE000, s16;
	[dreg:$0xd] =	wrdreg s24  }
0x16: {  	s6 =	simm.s32 $0x4;
	s0 =	sadd.s32 $0xB000, s0;
	[dreg:$0xe] =	wrdreg s25  }
0x17: {  	s26 =	smax.u32 s7, $0x1;
	s5 =	simm.s32 $0x2;
	[dreg:$0xf] =	wrdreg s0  }
0x18: {  	s7 =	simm.s32 $0xE480;
	[dreg:$0x10] =	wrdreg s26;
	s0 =	sshrl.u32 @!p0 s3, $0x3  }
0x19: {  	s20 =	simm.s32 $0x2000;
	s21 =	simm.s32 $0x40;
	s24 =	simm.s32 $0xA000  }
0x1a: {  	s25 =	simm.s32 $0xE080;
	s26 =	simm.s32 $0x4000;
	s4 =	simm.s32 $0xE100  }
0x1b: {  	v1 =	vimm.f32 $0.0e+00;
	v0 =	vmov s17;
	s22 =	simm.s32 $0x6000;
	[dreg:$0x11] =	wrdreg s0;
	s0 =	simm.s32 $0xE400  }
.LBB2_1:
0x1c: {  	[dreg:$0x12] =	wrdreg s15  }
0x1d: {  	s8 =	simm.s32 $0x0;
	s19 =	rddreg [dreg:$0x5]  }
0x1e: {  	[tilespmem:s8], [sflag:$0x9] =	stream.linear.gather [hbm4b:s19+s8], $0x2000, $0x38;
	[tilespmem:$0x1E800] =	vst v63  }
0x1f: {  	_ =	swait.ge [sflag:s18], $0x2000  }
0x20: {  	[sflag:s18] =	ssyncset.done $0x0;
	s15 =	rddreg [dreg:$0x6]  }
0x21: {  	s8 =	simm.s32 @!p0 $0x1C09;
	s17 =	rddreg [dreg:$0x11];
	[sflag:s18] =	ssyncadd.s32 $0xFFFFE000  }
0x22: {  	[spmem:s17], [sflag:s8] =	dma.local @!p0 [hbm:s15], $0x400  }
0x23: {  	s8 =	simm.s32 @!p0 $0x9  }
0x24: {  	_ =	swait.ge @!p0 [sflag:s8], $0x400  }
0x25: {  	[sflag:s8] =	ssyncset.done @!p0 $0x0  }
0x26: {  	s15 =	simm.s32 $0x200;
	[sflag:s8] =	ssyncadd.s32 @!p0 $0xFFFFFC00;
	s8 =	simm.s32 $0x0  }
.LBB2_2:
0x27: {  	p1 =	sne.s32 s15, $0x7E00;
	[tilespmem:s8+$0x2070] =	vst v1  }
0x28: {  	[tilespmem:s8+$0x2000] =	vst v1  }
0x29: {  	[tilespmem:s8+$0x2010] =	vst v1  }
.Ltmp0:
0x2a: {  	[tilespmem:s8+$0x2020] =	vst v1;
	(pc) =	sbr.rel @p1 .LBB2_2-.Ltmp0, $4  }
0x2b: {  	[tilespmem:s8+$0x2030] =	vst v1  }
0x2c: {  	[tilespmem:s8+$0x2040] =	vst v1  }
0x2d: {  	[tilespmem:s8+$0x2050] =	vst v1  }
0x2e: {  	[tilespmem:s8+$0x2060] =	vst v1;
	s8 =	sshra.s32 s15, $0x2;
	s15 =	sadd.s32 $0x200, s15  }
0x2f: {  	[tilespmem:s8+$0x2070] =	vst v1  }
0x30: {  	[tilespmem:s8+$0x2000] =	vst v1  }
0x31: {  	[tilespmem:s8+$0x2010] =	vst v1  }
0x32: {  	[tilespmem:s8+$0x2020] =	vst v1  }
0x33: {  	[tilespmem:s8+$0x2030] =	vst v1  }
0x34: {  	[tilespmem:s8+$0x2040] =	vst v1  }
0x35: {  	[tilespmem:s8+$0x2050] =	vst v1  }
0x36: {  	[tilespmem:s8+$0x2060] =	vst v1  }
0x37: {  	[spmem:s16] =	stream.linear.scatter [tilespmem:s20], [sflag:$0x9], $0x2000, $0x38;
	[tilespmem:$0x1E800] =	vst v63  }
0x38: {  	_ =	swait.ge [sflag:s18], $0x2000  }
0x39: {  	[sflag:s18] =	ssyncset.done $0x0  }
0x3a: {  	s19 =	rddreg [dreg:$0x8];
	[sflag:s18] =	ssyncadd.s32 $0xFFFFE000  }
0x3b: {  	[spmem:s19] =	stream.linear.scatter [tilespmem:s20], [sflag:$0x9], $0x2000, $0x38;
	[tilespmem:$0x1E800] =	vst v63  }
0x3c: {  	_ =	swait.ge [sflag:s18], $0x2000  }
0x3d: {  	[sflag:s18] =	ssyncset.done $0x0  }
0x3e: {  	s15 =	rddreg [dreg:$0x9];
	[sflag:s18] =	ssyncadd.s32 $0xFFFFE000  }
0x3f: {  	[spmem:s15] =	stream.linear.scatter [tilespmem:s20], [sflag:$0x9], $0x2000, $0x38;
	[tilespmem:$0x1E800] =	vst v63  }
0x40: {  	_ =	swait.ge [sflag:s18], $0x2000  }
0x41: {  	[sflag:s18] =	ssyncset.done $0x0  }
0x42: {  	s16 =	rddreg [dreg:$0xa];
	[sflag:s18] =	ssyncadd.s32 $0xFFFFE000  }
0x43: {  	[spmem:s16] =	stream.linear.scatter [tilespmem:s20], [sflag:$0x9], $0x2000, $0x38;
	[tilespmem:$0x1E800] =	vst v63  }
0x44: {  	_ =	swait.ge [sflag:s18], $0x2000  }
0x45: {  	[sflag:s18] =	ssyncset.done $0x0  }
0x46: {  	s17 =	rddreg [dreg:$0xb];
	[sflag:s18] =	ssyncadd.s32 $0xFFFFE000  }
0x47: {  	[spmem:s17] =	stream.linear.scatter [tilespmem:s20], [sflag:$0x9], $0x2000, $0x38;
	[tilespmem:$0x1E800] =	vst v63  }
0x48: {  	_ =	swait.ge [sflag:s18], $0x2000  }
0x49: {  	[sflag:s18] =	ssyncset.done $0x0  }
0x4a: {  	s19 =	rddreg [dreg:$0xc];
	[sflag:s18] =	ssyncadd.s32 $0xFFFFE000  }
0x4b: {  	[spmem:s19] =	stream.linear.scatter [tilespmem:s20], [sflag:$0x9], $0x2000, $0x38;
	[tilespmem:$0x1E800] =	vst v63  }
0x4c: {  	_ =	swait.ge [sflag:s18], $0x2000  }
0x4d: {  	[sflag:s18] =	ssyncset.done $0x0  }
0x4e: {  	s15 =	rddreg [dreg:$0xd];
	[sflag:s18] =	ssyncadd.s32 $0xFFFFE000  }
0x4f: {  	[spmem:s15] =	stream.linear.scatter [tilespmem:s20], [sflag:$0x9], $0x2000, $0x38;
	[tilespmem:$0x1E800] =	vst v63  }
0x50: {  	_ =	swait.ge [sflag:s18], $0x2000  }
0x51: {  	[sflag:s18] =	ssyncset.done $0x0  }
0x52: {  	s16 =	rddreg [dreg:$0xe];
	[sflag:s18] =	ssyncadd.s32 $0xFFFFE000  }
0x53: {  	[spmem:s16] =	stream.linear.scatter [tilespmem:s20], [sflag:$0x9], $0x2000, $0x38;
	[tilespmem:$0x1E800] =	vst v63  }
0x54: {  	_ =	swait.ge [sflag:s18], $0x2000  }
0x55: {  	[sflag:s18] =	ssyncset.done $0x0  }
0x56: {  	[sflag:s18] =	ssyncadd.s32 $0xFFFFE000  }
0x57: {  	[bflag:$0x0] =	sbarrier.arrive $0xFFFF  }
0x58: {  	v2 =	vld [tilespmem:$0x0];
	_ =	sdelay $0x1  }
0x59: {  	v3 =	vld [tilespmem:$0x10];
	_ =	sdelay $0x2  }
0x5a: {  	v6 =	vld [tilespmem:$0x20];
	v4 =	vand.u32 $0x1FFF, v2;
	v5 =	vshrl.u32 v2, $0xD;
	v2 =	vshrl.u32 v2, $0x13  }
0x5b: {  	v4 =	vor.u32 v0, v4;
	[tilespmem:$0xE400] =	vst v2  }
0x5c: {  	v61 =	vand.u32 $0x1FFF, v3;
	v60 =	vand.u32 $0x3F, v5;
	[tilespmem:$0xE000] =	vst v4  }
0x5d: {  	v63 =	vld [tilespmem:$0x30];
	v62 =	vshrl.u32 v3, $0xD;
	v2 =	vor.u32 v0, v61;
	[tilespmem:$0xE200] =	vst v60  }
0x5e: {  	[tilespmem:$0xE010] =	vst v2;
	v2 =	vand.u32 $0x3F, v62  }
0x5f: {  	[tilespmem:$0xE210] =	vst v2;
	v2 =	vshrl.u32 v3, $0x13;
	v3 =	vand.u32 $0x1FFF, v6  }
0x60: {  	[tilespmem:$0xE410] =	vst v2;
	v2 =	vor.u32 v0, v3;
	v3 =	vshrl.u32 v6, $0xD  }
0x61: {  	[tilespmem:$0xE020] =	vst v2;
	v2 =	vand.u32 $0x3F, v3  }
0x62: {  	v3 =	vand.u32 $0x1FFF, v63;
	[tilespmem:$0xE220] =	vst v2;
	v2 =	vshrl.u32 v6, $0x13  }
0x63: {  	[tilespmem:$0xE420] =	vst v2;
	v2 =	vor.u32 v0, v3;
	v3 =	vshrl.u32 v63, $0xD  }
0x64: {  	[tilespmem:$0xE030] =	vst v2;
	v2 =	vand.u32 $0x3F, v3  }
0x65: {  	[tilespmem:$0xE230] =	vst v2;
	v2 =	vshrl.u32 v63, $0x13  }
0x66: {  	s17 =	simm.s32 $0xE000;
	[tilespmem:$0xE430] =	vst v2  }
0x67: {  	[tilespmem:s20], [sflag:$0x1] =	stream.indirect.gather [hbm4b:s1+s21], $0x80, s17, s21, $0xb8;
	[tilespmem:$0x1E800] =	vst v63  }
0x68: {  	s19 =	simm.s32 $0xE200;
	s15 =	simm.s32 $0x0  }
0x69: {  	[tilespmem:s24], [sflag:$0x3] =	stream.indirect.gather [spmem:s3], $0x80, s19, s21, $0xb8;
	[tilespmem:$0x1E800] =	vst v63  }
.LBB2_4:
0x6a: {  	p1 =	seq.s32 s15, $0x0  }
0x6b: {  	s8 =	simm.s32 @!p1 $0x6  }
0x6c: {  	_ =	swait.ge @!p1 [sflag:s8], $0x2000  }
0x6d: {  	s16 =	sshll.u32 s15, $0xA;
	[sflag:s8] =	ssyncset.done @!p1 $0x0  }
0x6e: {  	s16 =	sshra.s32 s16, $0x2;
	[sflag:s8] =	ssyncadd.s32 @!p1 $0xFFFFE000  }
0x6f: {  	v2 =	vld [tilespmem:s16+$0x40];
	_ =	sdelay $0x4  }
0x70: {  	v3 =	vand.u32 $0x1FFF, v2;
	v4 =	vshrl.u32 v2, $0xD;
	v2 =	vshrl.u32 v2, $0x13  }
0x71: {  	v3 =	vor.u32 v0, v3;
	[tilespmem:$0xE480] =	vst v2  }
0x72: {  	[tilespmem:$0xE080] =	vst v3;
	v3 =	vand.u32 $0x3F, v4  }
0x73: {  	[tilespmem:$0xE280] =	vst v3  }
0x74: {  	v2 =	vld [tilespmem:s16+$0x50];
	_ =	sdelay $0x4  }
0x75: {  	v3 =	vand.u32 $0x1FFF, v2;
	v4 =	vshrl.u32 v2, $0xD;
	v2 =	vshrl.u32 v2, $0x13  }
0x76: {  	v3 =	vor.u32 v0, v3;
	[tilespmem:$0xE490] =	vst v2  }
0x77: {  	[tilespmem:$0xE090] =	vst v3;
	v3 =	vand.u32 $0x3F, v4  }
0x78: {  	[tilespmem:$0xE290] =	vst v3  }
0x79: {  	v2 =	vld [tilespmem:s16+$0x60];
	_ =	sdelay $0x4  }
0x7a: {  	v3 =	vand.u32 $0x1FFF, v2;
	v4 =	vshrl.u32 v2, $0xD;
	v2 =	vshrl.u32 v2, $0x13  }
0x7b: {  	v3 =	vor.u32 v0, v3;
	[tilespmem:$0xE4A0] =	vst v2  }
0x7c: {  	[tilespmem:$0xE0A0] =	vst v3;
	v3 =	vand.u32 $0x3F, v4  }
0x7d: {  	[tilespmem:$0xE2A0] =	vst v3  }
0x7e: {  	v2 =	vld [tilespmem:s16+$0x70];
	_ =	sdelay $0x4  }
0x7f: {  	v3 =	vand.u32 $0x1FFF, v2;
	v4 =	vshrl.u32 v2, $0xD;
	v2 =	vshrl.u32 v2, $0x13  }
0x80: {  	v3 =	vor.u32 v0, v3;
	[tilespmem:$0xE4B0] =	vst v2  }
0x81: {  	[tilespmem:$0xE0B0] =	vst v3;
	v3 =	vand.u32 $0x3F, v4  }
0x82: {  	[tilespmem:$0xE2B0] =	vst v3  }
0x83: {  	[tilespmem:s26], [sflag:$0x2] =	stream.indirect.gather [hbm4b:s1+s21], $0x80, s25, s21, $0xb8;
	[tilespmem:$0x1E800] =	vst v63  }
0x84: {  	_ = 	snop  }
0x85: {  	[tilespmem:s29], [sflag:$0x4] =	stream.indirect.gather [spmem:s3], $0x80, s28, s21, $0xb8;
	[tilespmem:$0x1E800] =	vst v63  }
0x86: {  	_ =	swait.ge [sflag:s30], $0x2000  }
0x87: {  	[sflag:s30] =	ssyncset.done $0x0  }
0x88: {  	[sflag:s30] =	ssyncadd.s32 $0xFFFFE000  }
0x89: {  	_ =	swait.ge [sflag:s31], $0x2000  }
0x8a: {  	[sflag:s31] =	ssyncset.done $0x0  }
0x8b: {  	s17 =	simm.s32 $0x0;
	[sflag:s31] =	ssyncadd.s32 $0xFFFFE000  }
0x8c: {  	v8 =	vld [tilespmem:s17+$0xA000]  }
0x8d: {  	v13 =	vld [tilespmem:s17+$0xA010]  }
0x8e: {  	v7 =	vld [tilespmem:s17+$0xA020]  }
0x8f: {  	v6 =	vld [tilespmem:s17+$0xA030]  }
0x90: {  	v5 =	vld [tilespmem:s17+$0xA040]  }
0x91: {  	v4 =	vld [tilespmem:s17+$0xA050]  }
0x92: {  	v3 =	vld [tilespmem:s17+$0xA060]  }
0x93: {  	v2 =	vld [tilespmem:s17+$0xA070]  }
0x94: {  	v14 =	vld [tilespmem:s17+$0x2000]  }
0x95: {  	v15 =	vld [tilespmem:s17+$0x2010]  }
0x96: {  	v12 =	vld [tilespmem:s17+$0x2020]  }
0x97: {  	v11 =	vld [tilespmem:s17+$0x2030]  }
0x98: {  	v10 =	vld [tilespmem:s17+$0x2040]  }
0x99: {  	v9 =	vld [tilespmem:s17+$0x2050];
	v14 =	vadd.f32 v8, v14  }
0x9a: {  	s8 =	simm.s32 $0x200;
	v13 =	vadd.f32 v13, v15;
	v8 =	vld [tilespmem:s17+$0x2060]  }
.LBB2_5:
0x9b: {  	s19 =	sshra.s32 s8, $0x2;
	p2 =	sne.s32 s8, $0x7E00;
	v14 =	vmax.f32 v14, $0.0e+00;
	v7 =	vadd.f32 v7, v12;
	v12 =	vld [tilespmem:s17+$0x2070]  }
0x9c: {  	v15 =	vld [tilespmem:s19+$0xA000];
	[tilespmem:s17+$0x2000] =	vst v14;
	v13 =	vmax.f32 v13, $0.0e+00;
	v6 =	vadd.f32 v6, v11  }
0x9d: {  	v16 =	vld [tilespmem:s19+$0xA010];
	[tilespmem:s17+$0x2010] =	vst v13;
	v11 =	vmax.f32 v7, $0.0e+00;
	v5 =	vadd.f32 v5, v10  }
0x9e: {  	v7 =	vld [tilespmem:s19+$0xA020];
	[tilespmem:s17+$0x2020] =	vst v11;
	v10 =	vmax.f32 v6, $0.0e+00;
	v4 =	vadd.f32 v4, v9  }
0x9f: {  	v6 =	vld [tilespmem:s19+$0xA030];
	[tilespmem:s17+$0x2030] =	vst v10;
	v9 =	vmax.f32 v5, $0.0e+00;
	v3 =	vadd.f32 v3, v8  }
0xa0: {  	v5 =	vld [tilespmem:s19+$0xA040];
	[tilespmem:s17+$0x2040] =	vst v9;
	v8 =	vmax.f32 v4, $0.0e+00;
	v2 =	vadd.f32 v2, v12  }
0xa1: {  	v4 =	vld [tilespmem:s19+$0xA050];
	[tilespmem:s17+$0x2050] =	vst v8;
	v8 =	vmax.f32 v3, $0.0e+00  }
0xa2: {  	v3 =	vld [tilespmem:s19+$0xA060];
	[tilespmem:s17+$0x2060] =	vst v8;
	v8 =	vmax.f32 v2, $0.0e+00  }
0xa3: {  	v2 =	vld [tilespmem:s19+$0xA070];
	[tilespmem:s17+$0x2070] =	vst v8;
	s17 =	smov.u32 s19  }
0xa4: {  	v8 =	vld [tilespmem:s17+$0x2000]  }
0xa5: {  	v13 =	vld [tilespmem:s17+$0x2010]  }
.Ltmp1:
0xa6: {  	v12 =	vld [tilespmem:s17+$0x2020];
	(pc) =	sbr.rel @p2 .LBB2_5-.Ltmp1, $4  }
0xa7: {  	v11 =	vld [tilespmem:s17+$0x2030]  }
0xa8: {  	v10 =	vld [tilespmem:s17+$0x2040]  }
0xa9: {  	v14 =	vadd.f32 v15, v8;
	v9 =	vld [tilespmem:s17+$0x2050]  }
0xaa: {  	s8 =	sadd.s32 $0x200, s8;
	v13 =	vadd.f32 v16, v13;
	v8 =	vld [tilespmem:s17+$0x2060]  }
0xab: {  	v14 =	vmax.f32 v14, $0.0e+00;
	v7 =	vadd.f32 v7, v12;
	v12 =	vld [tilespmem:s17+$0x2070]  }
0xac: {  	[tilespmem:s17+$0x2000] =	vst v14;
	v13 =	vmax.f32 v13, $0.0e+00;
	v6 =	vadd.f32 v6, v11  }
0xad: {  	[tilespmem:s17+$0x2010] =	vst v13;
	v7 =	vmax.f32 v7, $0.0e+00;
	v5 =	vadd.f32 v5, v10  }
0xae: {  	[tilespmem:s17+$0x2020] =	vst v7;
	v6 =	vmax.f32 v6, $0.0e+00;
	v4 =	vadd.f32 v4, v9  }
0xaf: {  	[tilespmem:s17+$0x2030] =	vst v6;
	v5 =	vmax.f32 v5, $0.0e+00;
	v3 =	vadd.f32 v3, v8  }
0xb0: {  	[tilespmem:s17+$0x2040] =	vst v5;
	v4 =	vmax.f32 v4, $0.0e+00;
	v2 =	vadd.f32 v2, v12  }
0xb1: {  	[tilespmem:s17+$0x2050] =	vst v4;
	v3 =	vmax.f32 v3, $0.0e+00  }
0xb2: {  	[tilespmem:s17+$0x2060] =	vst v3;
	v2 =	vmax.f32 v2, $0.0e+00  }
0xb3: {  	s8 =	simm.s32 @!p1 $0x7;
	[tilespmem:s17+$0x2070] =	vst v2  }
0xb4: {  	[spmem:s2] =	stream.indirect.scatter.add.f32 [tilespmem:s20], [sflag:$0x5], $0x80, s0, s21, $0xb8;
	[tilespmem:$0x1E800] =	vst v63  }
0xb5: {  	_ =	swait.ge @!p1 [sflag:s8], $0x2000  }
0xb6: {  	[sflag:s8] =	ssyncset.done @!p1 $0x0  }
0xb7: {  	[sflag:s8] =	ssyncadd.s32 @!p1 $0xFFFFE000  }
0xb8: {  	v2 =	vld [tilespmem:s16+$0x80];
	_ =	sdelay $0x4  }
0xb9: {  	v3 =	vand.u32 $0x1FFF, v2;
	v4 =	vshrl.u32 v2, $0xD;
	v2 =	vshrl.u32 v2, $0x13  }
0xba: {  	v3 =	vor.u32 v0, v3;
	[tilespmem:$0xE500] =	vst v2  }
0xbb: {  	[tilespmem:$0xE100] =	vst v3;
	v3 =	vand.u32 $0x3F, v4  }
0xbc: {  	[tilespmem:$0xE300] =	vst v3  }
0xbd: {  	v2 =	vld [tilespmem:s16+$0x90];
	_ =	sdelay $0x4  }
0xbe: {  	v3 =	vand.u32 $0x1FFF, v2;
	v4 =	vshrl.u32 v2, $0xD;
	v2 =	vshrl.u32 v2, $0x13  }
0xbf: {  	v3 =	vor.u32 v0, v3;
	[tilespmem:$0xE510] =	vst v2  }
0xc0: {  	[tilespmem:$0xE110] =	vst v3;
	v3 =	vand.u32 $0x3F, v4  }
0xc1: {  	[tilespmem:$0xE310] =	vst v3  }
0xc2: {  	v2 =	vld [tilespmem:s16+$0xA0];
	_ =	sdelay $0x4  }
0xc3: {  	v3 =	vand.u32 $0x1FFF, v2;
	v4 =	vshrl.u32 v2, $0xD;
	v2 =	vshrl.u32 v2, $0x13  }
0xc4: {  	v3 =	vor.u32 v0, v3;
	[tilespmem:$0xE520] =	vst v2  }
0xc5: {  	[tilespmem:$0xE120] =	vst v3;
	v3 =	vand.u32 $0x3F, v4  }
0xc6: {  	[tilespmem:$0xE320] =	vst v3  }
0xc7: {  	v2 =	vld [tilespmem:s16+$0xB0];
	_ =	sdelay $0x4  }
0xc8: {  	v3 =	vand.u32 $0x1FFF, v2;
	v4 =	vshrl.u32 v2, $0xD;
	v2 =	vshrl.u32 v2, $0x13  }
0xc9: {  	v3 =	vor.u32 v0, v3;
	[tilespmem:$0xE530] =	vst v2  }
0xca: {  	[tilespmem:$0xE130] =	vst v3;
	v3 =	vand.u32 $0x3F, v4  }
0xcb: {  	[tilespmem:$0xE330] =	vst v3  }
0xcc: {  	[tilespmem:s22], [sflag:$0x1] =	stream.indirect.gather [hbm4b:s1+s21], $0x80, s4, s21, $0xb8;
	[tilespmem:$0x1E800] =	vst v63  }
0xcd: {  	_ = 	snop  }
0xce: {  	[tilespmem:s24], [sflag:$0x3] =	stream.indirect.gather [spmem:s3], $0x80, s23, s21, $0xb8;
	[tilespmem:$0x1E800] =	vst v63  }
0xcf: {  	_ =	swait.ge [sflag:s5], $0x2000  }
0xd0: {  	[sflag:s5] =	ssyncset.done $0x0  }
0xd1: {  	[sflag:s5] =	ssyncadd.s32 $0xFFFFE000  }
0xd2: {  	_ =	swait.ge [sflag:s6], $0x2000  }
0xd3: {  	[sflag:s6] =	ssyncset.done $0x0  }
0xd4: {  	s17 =	simm.s32 $0x0;
	[sflag:s6] =	ssyncadd.s32 $0xFFFFE000  }
0xd5: {  	v8 =	vld [tilespmem:s17+$0xC000]  }
0xd6: {  	v13 =	vld [tilespmem:s17+$0xC010]  }
0xd7: {  	v7 =	vld [tilespmem:s17+$0xC020]  }
0xd8: {  	v6 =	vld [tilespmem:s17+$0xC030]  }
0xd9: {  	v5 =	vld [tilespmem:s17+$0xC040]  }
0xda: {  	v4 =	vld [tilespmem:s17+$0xC050]  }
0xdb: {  	v3 =	vld [tilespmem:s17+$0xC060]  }
0xdc: {  	v2 =	vld [tilespmem:s17+$0xC070]  }
0xdd: {  	v14 =	vld [tilespmem:s17+$0x4000]  }
0xde: {  	v15 =	vld [tilespmem:s17+$0x4010]  }
0xdf: {  	v12 =	vld [tilespmem:s17+$0x4020]  }
0xe0: {  	v11 =	vld [tilespmem:s17+$0x4030]  }
0xe1: {  	v10 =	vld [tilespmem:s17+$0x4040]  }
0xe2: {  	v9 =	vld [tilespmem:s17+$0x4050];
	v14 =	vadd.f32 v8, v14  }
0xe3: {  	s8 =	simm.s32 $0x200;
	v13 =	vadd.f32 v13, v15;
	v8 =	vld [tilespmem:s17+$0x4060]  }
.LBB2_7:
0xe4: {  	s19 =	sshra.s32 s8, $0x2;
	p2 =	sne.s32 s8, $0x7E00;
	v14 =	vmax.f32 v14, $0.0e+00;
	v7 =	vadd.f32 v7, v12;
	v12 =	vld [tilespmem:s17+$0x4070]  }
0xe5: {  	v15 =	vld [tilespmem:s19+$0xC000];
	[tilespmem:s17+$0x4000] =	vst v14;
	v13 =	vmax.f32 v13, $0.0e+00;
	v6 =	vadd.f32 v6, v11  }
0xe6: {  	v16 =	vld [tilespmem:s19+$0xC010];
	[tilespmem:s17+$0x4010] =	vst v13;
	v11 =	vmax.f32 v7, $0.0e+00;
	v5 =	vadd.f32 v5, v10  }
0xe7: {  	v7 =	vld [tilespmem:s19+$0xC020];
	[tilespmem:s17+$0x4020] =	vst v11;
	v10 =	vmax.f32 v6, $0.0e+00;
	v4 =	vadd.f32 v4, v9  }
0xe8: {  	v6 =	vld [tilespmem:s19+$0xC030];
	[tilespmem:s17+$0x4030] =	vst v10;
	v9 =	vmax.f32 v5, $0.0e+00;
	v3 =	vadd.f32 v3, v8  }
0xe9: {  	v5 =	vld [tilespmem:s19+$0xC040];
	[tilespmem:s17+$0x4040] =	vst v9;
	v8 =	vmax.f32 v4, $0.0e+00;
	v2 =	vadd.f32 v2, v12  }
0xea: {  	v4 =	vld [tilespmem:s19+$0xC050];
	[tilespmem:s17+$0x4050] =	vst v8;
	v8 =	vmax.f32 v3, $0.0e+00  }
0xeb: {  	v3 =	vld [tilespmem:s19+$0xC060];
	[tilespmem:s17+$0x4060] =	vst v8;
	v8 =	vmax.f32 v2, $0.0e+00  }
0xec: {  	v2 =	vld [tilespmem:s19+$0xC070];
	[tilespmem:s17+$0x4070] =	vst v8;
	s17 =	smov.u32 s19  }
0xed: {  	v8 =	vld [tilespmem:s17+$0x4000]  }
0xee: {  	v13 =	vld [tilespmem:s17+$0x4010]  }
.Ltmp2:
0xef: {  	v12 =	vld [tilespmem:s17+$0x4020];
	(pc) =	sbr.rel @p2 .LBB2_7-.Ltmp2, $4  }
0xf0: {  	v11 =	vld [tilespmem:s17+$0x4030]  }
0xf1: {  	v10 =	vld [tilespmem:s17+$0x4040]  }
0xf2: {  	v14 =	vadd.f32 v15, v8;
	v9 =	vld [tilespmem:s17+$0x4050]  }
0xf3: {  	s8 =	sadd.s32 $0x200, s8;
	v13 =	vadd.f32 v16, v13;
	v8 =	vld [tilespmem:s17+$0x4060]  }
0xf4: {  	v14 =	vmax.f32 v14, $0.0e+00;
	v7 =	vadd.f32 v7, v12;
	v12 =	vld [tilespmem:s17+$0x4070]  }
0xf5: {  	[tilespmem:s17+$0x4000] =	vst v14;
	v13 =	vmax.f32 v13, $0.0e+00;
	v6 =	vadd.f32 v6, v11  }
0xf6: {  	[tilespmem:s17+$0x4010] =	vst v13;
	v7 =	vmax.f32 v7, $0.0e+00;
	v5 =	vadd.f32 v5, v10  }
0xf7: {  	[tilespmem:s17+$0x4020] =	vst v7;
	v6 =	vmax.f32 v6, $0.0e+00;
	v4 =	vadd.f32 v4, v9  }
0xf8: {  	[tilespmem:s17+$0x4030] =	vst v6;
	v5 =	vmax.f32 v5, $0.0e+00;
	v3 =	vadd.f32 v3, v8  }
0xf9: {  	[tilespmem:s17+$0x4040] =	vst v5;
	v4 =	vmax.f32 v4, $0.0e+00;
	v2 =	vadd.f32 v2, v12  }
0xfa: {  	[tilespmem:s17+$0x4050] =	vst v4;
	v3 =	vmax.f32 v3, $0.0e+00  }
0xfb: {  	[tilespmem:s17+$0x4060] =	vst v3;
	v2 =	vmax.f32 v2, $0.0e+00  }
0xfc: {  	s8 =	simm.s32 @!p1 $0x8;
	[tilespmem:s17+$0x4070] =	vst v2  }
0xfd: {  	[spmem:s2] =	stream.indirect.scatter.add.f32 [tilespmem:s26], [sflag:$0x6], $0x80, s7, s21, $0xb8;
	[tilespmem:$0x1E800] =	vst v63  }
0xfe: {  	_ =	swait.ge @!p1 [sflag:s8], $0x2000  }
0xff: {  	[sflag:s8] =	ssyncset.done @!p1 $0x0  }
0x100: {  	[sflag:s8] =	ssyncadd.s32 @!p1 $0xFFFFE000  }
0x101: {  	v2 =	vld [tilespmem:s16+$0xC0];
	_ =	sdelay $0x4  }
0x102: {  	v3 =	vand.u32 $0x1FFF, v2;
	v4 =	vshrl.u32 v2, $0xD;
	v2 =	vshrl.u32 v2, $0x13  }
0x103: {  	v3 =	vor.u32 v0, v3;
	[tilespmem:$0xE580] =	vst v2  }
0x104: {  	[tilespmem:$0xE180] =	vst v3;
	v3 =	vand.u32 $0x3F, v4  }
0x105: {  	[tilespmem:$0xE380] =	vst v3  }
0x106: {  	v2 =	vld [tilespmem:s16+$0xD0];
	_ =	sdelay $0x4  }
0x107: {  	v3 =	vand.u32 $0x1FFF, v2;
	v4 =	vshrl.u32 v2, $0xD;
	v2 =	vshrl.u32 v2, $0x13  }
0x108: {  	v3 =	vor.u32 v0, v3;
	[tilespmem:$0xE590] =	vst v2  }
0x109: {  	[tilespmem:$0xE190] =	vst v3;
	v3 =	vand.u32 $0x3F, v4  }
0x10a: {  	[tilespmem:$0xE390] =	vst v3  }
0x10b: {  	v2 =	vld [tilespmem:s16+$0xE0];
	_ =	sdelay $0x4  }
0x10c: {  	v3 =	vand.u32 $0x1FFF, v2;
	v4 =	vshrl.u32 v2, $0xD;
	v2 =	vshrl.u32 v2, $0x13  }
0x10d: {  	v3 =	vor.u32 v0, v3;
	[tilespmem:$0xE5A0] =	vst v2  }
0x10e: {  	[tilespmem:$0xE1A0] =	vst v3;
	v3 =	vand.u32 $0x3F, v4  }
0x10f: {  	[tilespmem:$0xE3A0] =	vst v3  }
0x110: {  	v2 =	vld [tilespmem:s16+$0xF0];
	_ =	sdelay $0x4  }
0x111: {  	v3 =	vand.u32 $0x1FFF, v2;
	v4 =	vshrl.u32 v2, $0xD;
	v2 =	vshrl.u32 v2, $0x13  }
0x112: {  	v3 =	vor.u32 v0, v3;
	[tilespmem:$0xE5B0] =	vst v2  }
0x113: {  	[tilespmem:$0xE1B0] =	vst v3;
	v3 =	vand.u32 $0x3F, v4  }
0x114: {  	[tilespmem:$0xE3B0] =	vst v3  }
0x115: {  	[tilespmem:s10], [sflag:$0x2] =	stream.indirect.gather [hbm4b:s1+s21], $0x80, s9, s21, $0xb8;
	[tilespmem:$0x1E800] =	vst v63  }
0x116: {  	_ = 	snop  }
0x117: {  	[tilespmem:s29], [sflag:$0x4] =	stream.indirect.gather [spmem:s3], $0x80, s11, s21, $0xb8;
	[tilespmem:$0x1E800] =	vst v63  }
0x118: {  	_ =	swait.ge [sflag:s30], $0x2000  }
0x119: {  	[sflag:s30] =	ssyncset.done $0x0  }
0x11a: {  	[sflag:s30] =	ssyncadd.s32 $0xFFFFE000  }
0x11b: {  	_ =	swait.ge [sflag:s31], $0x2000  }
0x11c: {  	[sflag:s31] =	ssyncset.done $0x0  }
0x11d: {  	s17 =	simm.s32 $0x0;
	[sflag:s31] =	ssyncadd.s32 $0xFFFFE000  }
0x11e: {  	v8 =	vld [tilespmem:s17+$0xA000]  }
0x11f: {  	v13 =	vld [tilespmem:s17+$0xA010]  }
0x120: {  	v7 =	vld [tilespmem:s17+$0xA020]  }
0x121: {  	v6 =	vld [tilespmem:s17+$0xA030]  }
0x122: {  	v5 =	vld [tilespmem:s17+$0xA040]  }
0x123: {  	v4 =	vld [tilespmem:s17+$0xA050]  }
0x124: {  	v3 =	vld [tilespmem:s17+$0xA060]  }
0x125: {  	v2 =	vld [tilespmem:s17+$0xA070]  }
0x126: {  	v14 =	vld [tilespmem:s17+$0x6000]  }
0x127: {  	v15 =	vld [tilespmem:s17+$0x6010]  }
0x128: {  	v12 =	vld [tilespmem:s17+$0x6020]  }
0x129: {  	v11 =	vld [tilespmem:s17+$0x6030]  }
0x12a: {  	v10 =	vld [tilespmem:s17+$0x6040]  }
0x12b: {  	v9 =	vld [tilespmem:s17+$0x6050];
	v14 =	vadd.f32 v8, v14  }
0x12c: {  	s8 =	simm.s32 $0x200;
	v13 =	vadd.f32 v13, v15;
	v8 =	vld [tilespmem:s17+$0x6060]  }
.LBB2_9:
0x12d: {  	s19 =	sshra.s32 s8, $0x2;
	p1 =	sne.s32 s8, $0x7E00;
	v14 =	vmax.f32 v14, $0.0e+00;
	v7 =	vadd.f32 v7, v12;
	v12 =	vld [tilespmem:s17+$0x6070]  }
0x12e: {  	v15 =	vld [tilespmem:s19+$0xA000];
	[tilespmem:s17+$0x6000] =	vst v14;
	v13 =	vmax.f32 v13, $0.0e+00;
	v6 =	vadd.f32 v6, v11  }
0x12f: {  	v16 =	vld [tilespmem:s19+$0xA010];
	[tilespmem:s17+$0x6010] =	vst v13;
	v11 =	vmax.f32 v7, $0.0e+00;
	v5 =	vadd.f32 v5, v10  }
0x130: {  	v7 =	vld [tilespmem:s19+$0xA020];
	[tilespmem:s17+$0x6020] =	vst v11;
	v10 =	vmax.f32 v6, $0.0e+00;
	v4 =	vadd.f32 v4, v9  }
0x131: {  	v6 =	vld [tilespmem:s19+$0xA030];
	[tilespmem:s17+$0x6030] =	vst v10;
	v9 =	vmax.f32 v5, $0.0e+00;
	v3 =	vadd.f32 v3, v8  }
0x132: {  	v5 =	vld [tilespmem:s19+$0xA040];
	[tilespmem:s17+$0x6040] =	vst v9;
	v8 =	vmax.f32 v4, $0.0e+00;
	v2 =	vadd.f32 v2, v12  }
0x133: {  	v4 =	vld [tilespmem:s19+$0xA050];
	[tilespmem:s17+$0x6050] =	vst v8;
	v8 =	vmax.f32 v3, $0.0e+00  }
0x134: {  	v3 =	vld [tilespmem:s19+$0xA060];
	[tilespmem:s17+$0x6060] =	vst v8;
	v8 =	vmax.f32 v2, $0.0e+00  }
0x135: {  	v2 =	vld [tilespmem:s19+$0xA070];
	[tilespmem:s17+$0x6070] =	vst v8;
	s17 =	smov.u32 s19  }
0x136: {  	v8 =	vld [tilespmem:s17+$0x6000]  }
0x137: {  	v13 =	vld [tilespmem:s17+$0x6010]  }
.Ltmp3:
0x138: {  	v12 =	vld [tilespmem:s17+$0x6020];
	(pc) =	sbr.rel @p1 .LBB2_9-.Ltmp3, $4  }
0x139: {  	v11 =	vld [tilespmem:s17+$0x6030]  }
0x13a: {  	v10 =	vld [tilespmem:s17+$0x6040]  }
0x13b: {  	v14 =	vadd.f32 v15, v8;
	v9 =	vld [tilespmem:s17+$0x6050]  }
0x13c: {  	s8 =	sadd.s32 $0x200, s8;
	v13 =	vadd.f32 v16, v13;
	v8 =	vld [tilespmem:s17+$0x6060]  }
0x13d: {  	v14 =	vmax.f32 v14, $0.0e+00;
	v7 =	vadd.f32 v7, v12;
	v12 =	vld [tilespmem:s17+$0x6070]  }
0x13e: {  	[tilespmem:s17+$0x6000] =	vst v14;
	v13 =	vmax.f32 v13, $0.0e+00;
	v6 =	vadd.f32 v6, v11  }
0x13f: {  	[tilespmem:s17+$0x6010] =	vst v13;
	v7 =	vmax.f32 v7, $0.0e+00;
	v5 =	vadd.f32 v5, v10  }
0x140: {  	[tilespmem:s17+$0x6020] =	vst v7;
	v6 =	vmax.f32 v6, $0.0e+00;
	v4 =	vadd.f32 v4, v9  }
0x141: {  	[tilespmem:s17+$0x6030] =	vst v6;
	v5 =	vmax.f32 v5, $0.0e+00;
	v3 =	vadd.f32 v3, v8  }
0x142: {  	[tilespmem:s17+$0x6040] =	vst v5;
	v4 =	vmax.f32 v4, $0.0e+00;
	v2 =	vadd.f32 v2, v12  }
0x143: {  	[tilespmem:s17+$0x6050] =	vst v4;
	v3 =	vmax.f32 v3, $0.0e+00  }
0x144: {  	[tilespmem:s17+$0x6060] =	vst v3;
	v2 =	vmax.f32 v2, $0.0e+00  }
0x145: {  	[tilespmem:s17+$0x6070] =	vst v2  }
0x146: {  	[spmem:s2] =	stream.indirect.scatter.add.f32 [tilespmem:s22], [sflag:$0x7], $0x80, s12, s21, $0xb8;
	[tilespmem:$0x1E800] =	vst v63  }
0x147: {  	_ =	swait.ge [sflag:s13], $0x2000  }
0x148: {  	[sflag:s13] =	ssyncset.done $0x0  }
0x149: {  	p1 =	seq.s32 s15, $0x1F;
	[sflag:s13] =	ssyncadd.s32 $0xFFFFE000  }
0x14a: {  	v2 =	vld @!p1 [tilespmem:s16+$0x100];
	_ =	sdelay $0x4  }
0x14b: {  	v3 =	vand.u32 @!p1 $0x1FFF, v2;
	v4 =	vshrl.u32 @!p1 v2, $0xD;
	v2 =	vshrl.u32 @!p1 v2, $0x13  }
0x14c: {  	v3 =	vor.u32 @!p1 v0, v3;
	[tilespmem:$0xE400] =	vst @!p1 v2  }
0x14d: {  	[tilespmem:$0xE000] =	vst @!p1 v3;
	v3 =	vand.u32 @!p1 $0x3F, v4  }
0x14e: {  	[tilespmem:$0xE200] =	vst @!p1 v3  }
0x14f: {  	v2 =	vld @!p1 [tilespmem:s16+$0x110];
	_ =	sdelay $0x4  }
0x150: {  	v3 =	vand.u32 @!p1 $0x1FFF, v2;
	v4 =	vshrl.u32 @!p1 v2, $0xD;
	v2 =	vshrl.u32 @!p1 v2, $0x13  }
0x151: {  	v3 =	vor.u32 @!p1 v0, v3;
	[tilespmem:$0xE410] =	vst @!p1 v2  }
0x152: {  	[tilespmem:$0xE010] =	vst @!p1 v3;
	v3 =	vand.u32 @!p1 $0x3F, v4  }
0x153: {  	[tilespmem:$0xE210] =	vst @!p1 v3  }
0x154: {  	v2 =	vld @!p1 [tilespmem:s16+$0x120];
	_ =	sdelay $0x4  }
0x155: {  	v3 =	vand.u32 @!p1 $0x1FFF, v2;
	v4 =	vshrl.u32 @!p1 v2, $0xD;
	v2 =	vshrl.u32 @!p1 v2, $0x13  }
0x156: {  	v3 =	vor.u32 @!p1 v0, v3;
	[tilespmem:$0xE420] =	vst @!p1 v2  }
0x157: {  	[tilespmem:$0xE020] =	vst @!p1 v3;
	v3 =	vand.u32 @!p1 $0x3F, v4  }
0x158: {  	[tilespmem:$0xE220] =	vst @!p1 v3  }
0x159: {  	v2 =	vld @!p1 [tilespmem:s16+$0x130];
	_ =	sdelay $0x4  }
0x15a: {  	v3 =	vand.u32 @!p1 $0x1FFF, v2;
	v4 =	vshrl.u32 @!p1 v2, $0xD;
	v2 =	vshrl.u32 @!p1 v2, $0x13  }
0x15b: {  	v3 =	vor.u32 @!p1 v0, v3;
	[tilespmem:$0xE430] =	vst @!p1 v2  }
0x15c: {  	[tilespmem:$0xE030] =	vst @!p1 v3;
	v3 =	vand.u32 @!p1 $0x3F, v4  }
0x15d: {  	s8 =	simm.s32 @!p1 $0x40;
	s17 =	simm.s32 @!p1 $0x2000;
	s16 =	simm.s32 @!p1 $0xE000;
	[tilespmem:$0xE230] =	vst @!p1 v3  }
0x15e: {  	[tilespmem:s17], [sflag:$0x1] =	stream.indirect.gather @!p1 [hbm4b:s1+s8], $0x80, s16, s8, $0xb8;
	[tilespmem:$0x1E800] =	vst v63  }
0x15f: {  	s16 =	simm.s32 @!p1 $0xE200;
	s17 =	simm.s32 @!p1 $0xA000  }
0x160: {  	[tilespmem:s17], [sflag:$0x3] =	stream.indirect.gather @!p1 [spmem:s3], $0x80, s16, s8, $0xb8;
	[tilespmem:$0x1E800] =	vst v63  }
0x161: {  	_ =	swait.ge [sflag:s5], $0x2000  }
0x162: {  	[sflag:s5] =	ssyncset.done $0x0  }
0x163: {  	[sflag:s5] =	ssyncadd.s32 $0xFFFFE000  }
0x164: {  	_ =	swait.ge [sflag:s6], $0x2000  }
0x165: {  	[sflag:s6] =	ssyncset.done $0x0  }
0x166: {  	s16 =	simm.s32 $0x0;
	[sflag:s6] =	ssyncadd.s32 $0xFFFFE000  }
0x167: {  	v8 =	vld [tilespmem:s16+$0xC000]  }
0x168: {  	v13 =	vld [tilespmem:s16+$0xC010]  }
0x169: {  	v7 =	vld [tilespmem:s16+$0xC020]  }
0x16a: {  	v6 =	vld [tilespmem:s16+$0xC030]  }
0x16b: {  	v5 =	vld [tilespmem:s16+$0xC040]  }
0x16c: {  	v4 =	vld [tilespmem:s16+$0xC050]  }
0x16d: {  	v3 =	vld [tilespmem:s16+$0xC060]  }
0x16e: {  	v2 =	vld [tilespmem:s16+$0xC070]  }
0x16f: {  	v14 =	vld [tilespmem:s16+$0x8000]  }
0x170: {  	v15 =	vld [tilespmem:s16+$0x8010]  }
0x171: {  	v12 =	vld [tilespmem:s16+$0x8020]  }
0x172: {  	v11 =	vld [tilespmem:s16+$0x8030]  }
0x173: {  	v10 =	vld [tilespmem:s16+$0x8040]  }
0x174: {  	v9 =	vld [tilespmem:s16+$0x8050];
	v14 =	vadd.f32 v8, v14  }
0x175: {  	s8 =	simm.s32 $0x200;
	v13 =	vadd.f32 v13, v15;
	v8 =	vld [tilespmem:s16+$0x8060]  }
.LBB2_11:
0x176: {  	s17 =	sshra.s32 s8, $0x2;
	p1 =	sne.s32 s8, $0x7E00;
	v14 =	vmax.f32 v14, $0.0e+00;
	v7 =	vadd.f32 v7, v12;
	v12 =	vld [tilespmem:s16+$0x8070]  }
0x177: {  	v15 =	vld [tilespmem:s17+$0xC000];
	[tilespmem:s16+$0x8000] =	vst v14;
	v13 =	vmax.f32 v13, $0.0e+00;
	v6 =	vadd.f32 v6, v11  }
0x178: {  	v16 =	vld [tilespmem:s17+$0xC010];
	[tilespmem:s16+$0x8010] =	vst v13;
	v11 =	vmax.f32 v7, $0.0e+00;
	v5 =	vadd.f32 v5, v10  }
0x179: {  	v7 =	vld [tilespmem:s17+$0xC020];
	[tilespmem:s16+$0x8020] =	vst v11;
	v10 =	vmax.f32 v6, $0.0e+00;
	v4 =	vadd.f32 v4, v9  }
0x17a: {  	v6 =	vld [tilespmem:s17+$0xC030];
	[tilespmem:s16+$0x8030] =	vst v10;
	v9 =	vmax.f32 v5, $0.0e+00;
	v3 =	vadd.f32 v3, v8  }
0x17b: {  	v5 =	vld [tilespmem:s17+$0xC040];
	[tilespmem:s16+$0x8040] =	vst v9;
	v8 =	vmax.f32 v4, $0.0e+00;
	v2 =	vadd.f32 v2, v12  }
0x17c: {  	v4 =	vld [tilespmem:s17+$0xC050];
	[tilespmem:s16+$0x8050] =	vst v8;
	v8 =	vmax.f32 v3, $0.0e+00  }
0x17d: {  	v3 =	vld [tilespmem:s17+$0xC060];
	[tilespmem:s16+$0x8060] =	vst v8;
	v8 =	vmax.f32 v2, $0.0e+00  }
0x17e: {  	v2 =	vld [tilespmem:s17+$0xC070];
	[tilespmem:s16+$0x8070] =	vst v8;
	s16 =	smov.u32 s17  }
0x17f: {  	v8 =	vld [tilespmem:s16+$0x8000]  }
0x180: {  	v13 =	vld [tilespmem:s16+$0x8010]  }
.Ltmp4:
0x181: {  	v12 =	vld [tilespmem:s16+$0x8020];
	(pc) =	sbr.rel @p1 .LBB2_11-.Ltmp4, $4  }
0x182: {  	v11 =	vld [tilespmem:s16+$0x8030]  }
0x183: {  	v10 =	vld [tilespmem:s16+$0x8040]  }
0x184: {  	v14 =	vadd.f32 v15, v8;
	v9 =	vld [tilespmem:s16+$0x8050]  }
0x185: {  	s8 =	sadd.s32 $0x200, s8;
	v13 =	vadd.f32 v16, v13;
	v8 =	vld [tilespmem:s16+$0x8060]  }
0x186: {  	v14 =	vmax.f32 v14, $0.0e+00;
	v7 =	vadd.f32 v7, v12;
	v63 =	vld [tilespmem:s16+$0x8070]  }
0x187: {  	[tilespmem:s16+$0x8000] =	vst v14;
	v13 =	vmax.f32 v13, $0.0e+00;
	v6 =	vadd.f32 v6, v11  }
0x188: {  	[tilespmem:s16+$0x8010] =	vst v13;
	v7 =	vmax.f32 v7, $0.0e+00;
	v5 =	vadd.f32 v5, v10  }
0x189: {  	s15 =	sadd.s32 $0x1, s15;
	[tilespmem:s16+$0x8020] =	vst v7;
	v6 =	vmax.f32 v6, $0.0e+00;
	v4 =	vadd.f32 v4, v9  }
0x18a: {  	p1 =	sne.s32 s15, $0x20;
	[tilespmem:s16+$0x8030] =	vst v6;
	v5 =	vmax.f32 v5, $0.0e+00;
	v3 =	vadd.f32 v3, v8  }
.Ltmp5:
0x18b: {  	[tilespmem:s16+$0x8040] =	vst v5;
	v4 =	vmax.f32 v4, $0.0e+00;
	v2 =	vadd.f32 v2, v63;
	(pc) =	sbr.rel @p1 .LBB2_4-.Ltmp5, $4  }
0x18c: {  	[tilespmem:s16+$0x8050] =	vst v4;
	v3 =	vmax.f32 v3, $0.0e+00  }
0x18d: {  	[tilespmem:s16+$0x8060] =	vst v3;
	v2 =	vmax.f32 v2, $0.0e+00  }
0x18e: {  	[tilespmem:s16+$0x8070] =	vst v2  }
0x18f: {  	[spmem:s2] =	stream.indirect.scatter.add.f32 [tilespmem:s10], [sflag:$0x8], $0x80, s14, s21, $0xb8;
	[tilespmem:$0x1E800] =	vst v63  }
0x190: {  	s8 =	simm.s32 $0x6  }
0x191: {  	_ =	swait.ge [sflag:s8], $0x2000  }
0x192: {  	[sflag:s8] =	ssyncset.done $0x0  }
0x193: {  	s19 =	simm.s32 $0x7;
	[sflag:s8] =	ssyncadd.s32 $0xFFFFE000  }
0x194: {  	_ =	swait.ge [sflag:s19], $0x2000  }
0x195: {  	[sflag:s19] =	ssyncset.done $0x0  }
0x196: {  	s15 =	simm.s32 $0x8;
	[sflag:s19] =	ssyncadd.s32 $0xFFFFE000  }
0x197: {  	_ =	swait.ge [sflag:s15], $0x2000  }
0x198: {  	[sflag:s15] =	ssyncset.done $0x0  }
0x199: {  	[sflag:s15] =	ssyncadd.s32 $0xFFFFE000  }
0x19a: {  	s16 =	stileid.u32;
	[bflag:$0x0] =	sbarrier.arrive $0xFFFF  }
0x19b: {  	s8 =	sshll.u32 s16, $0x6;
	s16 =	rddreg [dreg:$0x7]  }
0x19c: {  	s8 =	sor.u32 $0x1C09, s8;
	s17 =	rddreg [dreg:$0xf];
	s15 =	sshrl.u32 s16, $0x3  }
0x19d: {  	[hbm:s17], [sflag:s8] =	dma.local [spmem:s15], $0x2000  }
0x19e: {  	_ =	swait.ge [sflag:s18], $0x2000  }
0x19f: {  	s17 =	rddreg [dreg:$0x12]  }
0x1a0: {  	s19 =	rddreg [dreg:$0x10];
	s15 =	sadd.s32 $0x1, s17  }
0x1a1: {  	p1 =	sne.s32 s15, s19  }
.Ltmp6:
0x1a2: {  	_ = 	snop;
	(pc) =	sbr.rel @p1 .LBB2_1-.Ltmp6, $3  }
0x1a3: {  	_ =	sdelay $0x1  }
0x1a4: {  	[sflag:s18] =	ssyncset.done $0x0  }
0x1a5: {  	[sflag:s18] =	ssyncadd.s32 $0xFFFFE000  }
0x1a6: {  	_ =	sfence.sel $0x180000  }
0x1a7: {  	[bflag:$0x0] =	sbarrier.arrive $0xFFFF  }
0x1a8: {  	_ =	strace $0x9000004A  }
0x1a9: {  	[bflag:$0x2] =	sbarrier.arrive $0xFFFF  }
0x1aa: {  	s0 =	rddreg [dreg:$0x4]  }
0x1ab: {  	s0 =	sadd.s32 @!p0 $0x100000, s0  }
0x1ac: {  	[sflag:s0] =	ssyncadd.tile.s32 @!p0 $0x1;
	_ =	shalt  }
.Lfunc_end2:
_tile_overlayer_lowered:
.L_overlay_start_2:
0x1ad: {  	(tag) =	ssettag $0x2  }
0x1ae: {  	s0 =	rddreg [dreg:$0x0];
	s2 =	stileid.u32  }
0x1af: {  	s1 =	rddreg [dreg:$0x1];
	p0 =	sne.s32 s2, $0x0  }
0x1b0: {  	s3 =	rddreg [dreg:$0x2];
	[bflag:$0x3] =	sbarrier.arrive $0xFFFF;
	s2 =	simm.s32 @!p0 $0x1C09  }
0x1b1: {  	[timem:s3], [sflag:s2] =	dma.local @!p0 [hbm:s0], s1  }
0x1b2: {  	s0 =	simm.s32 @!p0 $0x9  }
0x1b3: {  	_ =	swait.ge @!p0 [sflag:s0], s1  }
0x1b4: {  	s1 =	ssub.s32 @!p0 $0x0, s1;
	[sflag:s0] =	ssyncset.done @!p0 $0x0  }
0x1b5: {  	[sflag:s0] =	ssyncadd.s32 @!p0 s1  }
0x1b6: {  	[bflag:$0x3] =	sbarrier.arrive $0xFFFF  }
0x1b7: {  	_ =	shalt  }

</sc_bundles>
